<compile_context>
chip_gen: v7x
topology: tpu7x:2x2x1
jax: 0.10.2.dev20260603
libtpu: 0.0.44.dev20260713+nightly
codegen_flags: <defaults>
</compile_context>

<pallas_src>
import functools

import jax
import jax.numpy as jnp
from jax import lax
from jax.experimental import pallas as pl
from jax.experimental.pallas import tpu as pltpu
from jax.experimental.pallas import tpu_sc as plsc

OUT_H = 7
OUT_W = 7
NBINS = OUT_H * OUT_W
SPATIAL_SCALE = 0.125
SN = 2
NTERMS = SN * SN * 4


def _coeff_kernel(roisT_ref, idx_ref, w_ref, *, B, H, W):
    f32 = jnp.float32
    npad = roisT_ref.shape[1]
    b = roisT_ref[0:1, :].astype(jnp.int32)
    cx = roisT_ref[1:2, :] * SPATIAL_SCALE
    cy = roisT_ref[2:3, :] * SPATIAL_SCALE
    rw = jnp.maximum(roisT_ref[3:4, :] * SPATIAL_SCALE, 1.0)
    rh = jnp.maximum(roisT_ref[4:5, :] * SPATIAL_SCALE, 1.0)
    theta = roisT_ref[5:6, :]
    cos_t = jnp.cos(theta)
    sin_t = jnp.sin(theta)
    bin_h = rh / OUT_H
    bin_w = rw / OUT_W
    bin_i = lax.broadcasted_iota(jnp.int32, (NBINS, npad), 0)
    oh = (bin_i // OUT_W).astype(f32)
    ow = (bin_i % OUT_W).astype(f32)
    for iy in range(SN):
        for ix in range(SN):
            yy = -rh * 0.5 + (oh + (iy + 0.5) / SN) * bin_h
            xx = -rw * 0.5 + (ow + (ix + 0.5) / SN) * bin_w
            x = xx * cos_t - yy * sin_t + cx
            y = xx * sin_t + yy * cos_t + cy
            valid = (y > -1.0) & (y < float(H)) & (x > -1.0) & (x < float(W))
            yc = jnp.clip(y, 0.0, float(H - 1))
            xc = jnp.clip(x, 0.0, float(W - 1))
            y0 = jnp.minimum(jnp.floor(yc).astype(jnp.int32), H - 2)
            x0 = jnp.minimum(jnp.floor(xc).astype(jnp.int32), W - 2)
            ly = yc - y0.astype(f32)
            lx = xc - x0.astype(f32)
            hy = 1.0 - ly
            hx = 1.0 - lx
            vf = valid.astype(f32) * (1.0 / (SN * SN))
            base = b * (H * W) + y0 * W + x0
            s = (iy * SN + ix) * 4
            idx_ref[s + 0] = base
            w_ref[s + 0] = hy * hx * vf
            idx_ref[s + 1] = base + 1
            w_ref[s + 1] = hy * lx * vf
            idx_ref[s + 2] = base + W
            w_ref[s + 2] = ly * hx * vf
            idx_ref[s + 3] = base + W + 1
            w_ref[s + 3] = ly * lx * vf


def _coeffs(rois, B, H, W):
    N = rois.shape[0]
    npad = ((N + 127) // 128) * 128
    roisT = jnp.zeros((8, npad), jnp.float32).at[:6, :N].set(rois.T)
    return pl.pallas_call(
        functools.partial(_coeff_kernel, B=B, H=H, W=W),
        out_shape=(
            jax.ShapeDtypeStruct((NTERMS, NBINS, npad), jnp.int32),
            jax.ShapeDtypeStruct((NTERMS, NBINS, npad), jnp.float32),
        ),
    )(roisT)


def _pack_words_kernel(x_ref, o_ref):
    xb = lax.bitcast_convert_type(x_ref[...], jnp.uint32)
    half = xb.shape[1] // 2
    lo = xb[:, :half]
    hi = xb[:, half:]
    lo_b = (lo + ((lo >> 16) & 1) + 0x7FFF) >> 16
    hi_b = ((hi + ((hi >> 16) & 1) + 0x7FFF) >> 16) << 16
    o_ref[...] = lax.bitcast_convert_type(lo_b | hi_b, jnp.int32)


def _pack_words(feat_rows):
    nrows, C_ = feat_rows.shape
    blk = 2048
    return pl.pallas_call(
        _pack_words_kernel,
        grid=(nrows // blk,),
        in_specs=[pl.BlockSpec((blk, C_), lambda k: (k, 0))],
        out_specs=pl.BlockSpec((blk, C_ // 2), lambda k: (k, 0)),
        out_shape=jax.ShapeDtypeStruct((nrows, C_ // 2), jnp.int32),
    )(feat_rows)


def _make_sc_gather(R_pad, C, rpt, n_chunks, chunk):
    mesh = plsc.VectorSubcoreMesh(core_axis_name="c", subcore_axis_name="s")
    info = plsc.get_sparse_core_info()
    nc = info.num_cores
    idxc = chunk * NTERMS

    @functools.partial(
        pl.kernel,
        mesh=mesh,
        compiler_params=pltpu.CompilerParams(needs_layout_passes=False),
        out_type=jax.ShapeDtypeStruct((R_pad, C), jnp.float32),
        scratch_types=[
            pltpu.VMEM((2, idxc), jnp.int32),
            pltpu.VMEM((2, idxc), jnp.float32),
            pltpu.VMEM((2, idxc, C // 2), jnp.int32),
            pltpu.VMEM((2, chunk, C), jnp.float32),
            pltpu.SemaphoreType.DMA,
            pltpu.SemaphoreType.DMA,
            pltpu.SemaphoreType.DMA,
            pltpu.SemaphoreType.DMA,
            pltpu.SemaphoreType.DMA,
            pltpu.SemaphoreType.DMA,
            pltpu.SemaphoreType.DMA,
            pltpu.SemaphoreType.DMA,
        ],
    )
    def sc_gather(feat_hbm, idx_hbm, w_hbm, out_hbm, idx_v, w_v, gath_v, ost_v,
                  s_i0, s_i1, s_w0, s_w1, s_g0, s_g1, s_o0, s_o1):
        s_i = (s_i0, s_i1)
        s_w = (s_w0, s_w1)
        s_g = (s_g0, s_g1)
        s_o = (s_o0, s_o1)
        wid = lax.axis_index("s") * nc + lax.axis_index("c")
        gbase = wid * n_chunks
        row0 = wid * rpt

        pltpu.async_copy(idx_hbm.at[gbase], idx_v.at[0], s_i[0]).wait()
        pltpu.async_copy(w_hbm.at[gbase], w_v.at[0], s_w[0]).wait()
        pltpu.async_copy(idx_hbm.at[gbase + 1], idx_v.at[1], s_i[1])
        pltpu.async_copy(w_hbm.at[gbase + 1], w_v.at[1], s_w[1])
        pltpu.async_copy(feat_hbm.at[idx_v.at[0]], gath_v.at[0], s_g[0])

        def pair_body(j, carry):
            for b in (0, 1):
                g = 2 * j + b
                @pl.when(g + 1 < n_chunks)
                def _():
                    pltpu.make_async_copy(
                        idx_hbm.at[gbase], idx_v.at[1 - b], s_i[1 - b]).wait()
                    pltpu.make_async_copy(
                        w_hbm.at[gbase], w_v.at[1 - b], s_w[1 - b]).wait()
                    pltpu.async_copy(
                        feat_hbm.at[idx_v.at[1 - b]], gath_v.at[1 - b], s_g[1 - b])
                pltpu.make_async_copy(
                    feat_hbm.at[idx_v.at[b]], gath_v.at[b], s_g[b]).wait()
                @pl.when(g >= 2)
                def _():
                    pltpu.make_async_copy(
                        ost_v.at[b], out_hbm.at[pl.ds(row0, chunk)], s_o[b]).wait()

                @plsc.parallel_loop(0, chunk, step=1, unroll=2)
                def row_body(r):
                    w16 = w_v[b, pl.ds(r * NTERMS, NTERMS)]
                    wpk = []
                    for i in range(NTERMS):
                        sv = jnp.full((16,), w16[i], jnp.float32)
                        wpk.append(plsc.pack(sv, sv,
                                             format=plsc.PackFormat.INTERLEAVED))
                    for cc in range(C // 32):
                        ps = [
                            wpk[i] * plsc.bitcast(
                                gath_v[b, r * NTERMS + i, pl.ds(cc * 16, 16)],
                                jnp.bfloat16)
                            for i in range(NTERMS)
                        ]
                        while len(ps) > 1:
                            ps = [ps[2 * k] + ps[2 * k + 1] for k in range(len(ps) // 2)]
                        te, to = plsc.unpack(ps[0], format=plsc.PackFormat.INTERLEAVED)
                        ost_v[b, r, pl.ds(cc * 16, 16)] = te
                        ost_v[b, r, pl.ds(C // 2 + cc * 16, 16)] = to
                pltpu.async_copy(
                    ost_v.at[b], out_hbm.at[pl.ds(row0 + g * chunk, chunk)], s_o[b])
                @pl.when(g + 2 < n_chunks)
                def _():
                    pltpu.async_copy(idx_hbm.at[gbase + g + 2], idx_v.at[b], s_i[b])
                    pltpu.async_copy(w_hbm.at[gbase + g + 2], w_v.at[b], s_w[b])
            return carry

        lax.fori_loop(0, n_chunks // 2, pair_body, 0)
        for b in (0, 1):
            pltpu.make_async_copy(
                ost_v.at[b], out_hbm.at[pl.ds(row0, chunk)], s_o[b]).wait()

    return sc_gather


def kernel(features, rois):
    B, C, H, W = features.shape
    N = rois.shape[0]
    R = N * NBINS
    tiles = 32
    chunk = 8
    rpt = ((R + tiles * chunk - 1) // (tiles * chunk)) * chunk
    R_pad = tiles * rpt
    n_chunks = rpt // chunk

    idx3, w3 = _coeffs(rois, B, H, W)
    idx_rt = jnp.transpose(idx3[:, :, :N], (2, 1, 0)).reshape(R * NTERMS)
    w_rt = jnp.transpose(w3[:, :, :N], (2, 1, 0)).reshape(R * NTERMS)
    idxf = jnp.zeros((R_pad * NTERMS,), jnp.int32).at[: R * NTERMS].set(idx_rt)
    wf = jnp.zeros((R_pad * NTERMS,), jnp.float32).at[: R * NTERMS].set(w_rt)
    idxc = chunk * NTERMS
    feat_rows = features.transpose(0, 2, 3, 1).reshape(B * H * W, C)
    feat_words = _pack_words(feat_rows)

    sc = _make_sc_gather(R_pad, C, rpt, n_chunks, chunk)
    out_rows = sc(feat_words, idxf.reshape(-1, idxc), wf.reshape(-1, idxc))
    return out_rows[:R].reshape(N, NBINS, C).transpose(0, 2, 1).reshape(N, C, OUT_H, OUT_W)

# --- scband reference (transcript-rebuilt; emitter-appended) ---
"""Pipeline reference for scband-rroialign-69544110457142 (READ-ONLY COPY).

The authoritative reference and input builder live on the scoring server;
editing this copy changes nothing except your own understanding.
"""

import jax, jax.numpy as jnp
import numpy as np

OUT_H = 7
OUT_W = 7
SPATIAL_SCALE = 0.125
SAMPLE_NUM = 2


def setup_inputs(seed: int = 0) -> dict:
    key = jax.random.key(seed)
    k1, k2, k3, k4, k5, k6 = jax.random.split(key, 6)
    B, C, H, W = 2, 256, 160, 160
    N = 1000
    features = jax.random.normal(k1, (B, C, H, W), dtype=jnp.float32)
    # rois: (batch_idx, cx, cy, w, h, theta[rad]) in input-image coordinates
    batch_idx = jax.random.randint(k2, (N,), 0, B).astype(jnp.float32)
    cx = jax.random.uniform(k3, (N,), minval=0.0, maxval=W / SPATIAL_SCALE, dtype=jnp.float32)
    cy = jax.random.uniform(k4, (N,), minval=0.0, maxval=H / SPATIAL_SCALE, dtype=jnp.float32)
    wh = jax.random.uniform(k5, (N, 2), minval=32.0, maxval=512.0, dtype=jnp.float32)
    theta = jax.random.uniform(k6, (N,), minval=-np.pi / 2, maxval=np.pi / 2, dtype=jnp.float32)
    rois = jnp.concatenate([batch_idx[:, None], cx[:, None], cy[:, None], wh, theta[:, None]], axis=1)
    return {"features": features, "rois": rois}


def _bilinear_gather(feat_bhwc, b, y, x):
    # feat_bhwc: [B,H,W,C]; b: [N] int; y,x: [N,oh,ow] float sample coords
    B, H, W, C = feat_bhwc.shape
    valid = (y > -1.0) & (y < float(H)) & (x > -1.0) & (x < float(W))
    y = jnp.clip(y, 0.0, float(H - 1))
    x = jnp.clip(x, 0.0, float(W - 1))
    y0 = jnp.clip(jnp.floor(y).astype(jnp.int32), 0, H - 2)
    x0 = jnp.clip(jnp.floor(x).astype(jnp.int32), 0, W - 2)
    y1 = y0 + 1
    x1 = x0 + 1
    ly = y - y0.astype(jnp.float32)
    lx = x - x0.astype(jnp.float32)
    hy = 1.0 - ly
    hx = 1.0 - lx
    bb = b[:, None, None]
    v00 = feat_bhwc[bb, y0, x0]
    v01 = feat_bhwc[bb, y0, x1]
    v10 = feat_bhwc[bb, y1, x0]
    v11 = feat_bhwc[bb, y1, x1]
    val = ((hy * hx)[..., None] * v00 + (hy * lx)[..., None] * v01 +
           (ly * hx)[..., None] * v10 + (ly * lx)[..., None] * v11)
    return val * valid[..., None].astype(val.dtype)


def reference(features, rois):
    # Rotated RoI Align (RRPN / Caffe2 RoIAlignRotated semantics, theta in radians)
    B, C, H, W = features.shape
    feat = jnp.transpose(features, (0, 2, 3, 1))  # [B,H,W,C]
    N = rois.shape[0]
    batch_idx = rois[:, 0].astype(jnp.int32)
    cx = rois[:, 1] * SPATIAL_SCALE
    cy = rois[:, 2] * SPATIAL_SCALE
    rw = jnp.maximum(rois[:, 3] * SPATIAL_SCALE, 1.0)
    rh = jnp.maximum(rois[:, 4] * SPATIAL_SCALE, 1.0)
    theta = rois[:, 5]
    bin_h = rh / OUT_H
    bin_w = rw / OUT_W
    cos_t = jnp.cos(theta)[:, None, None]
    sin_t = jnp.sin(theta)[:, None, None]
    ph = jnp.arange(OUT_H, dtype=jnp.float32)
    pw = jnp.arange(OUT_W, dtype=jnp.float32)
    sn = SAMPLE_NUM
    acc = jnp.zeros((N, OUT_H, OUT_W, C), dtype=jnp.float32)
    for iy in range(sn):
        for ix in range(sn):
            # offsets in roi-local frame (origin at roi center)
            yy = (-rh / 2.0)[:, None, None] + (ph[None, :, None] + (iy + 0.5) / sn) * bin_h[:, None, None]  # [N,oh,1]
            xx = (-rw / 2.0)[:, None, None] + (pw[None, None, :] + (ix + 0.5) / sn) * bin_w[:, None, None]  # [N,1,ow]
            x = xx * cos_t - yy * sin_t + cx[:, None, None]  # [N,oh,ow]
            y = xx * sin_t + yy * cos_t + cy[:, None, None]  # [N,oh,ow]
            acc = acc + _bilinear_gather(feat, batch_idx, y, x)
    out = acc / float(sn * sn)
    return jnp.transpose(out, (0, 3, 1, 2))  # [N, C, out_h, out_w]

if __name__ == "__main__":
    import jax
    _d = setup_inputs()
    print(jax.jit(kernel)(*tuple(_d.values())))

</pallas_src>

<mosaic_0001>
#map = affine_map<(d0, d1) -> (0, 0)>
module attributes {stable_mosaic.version = 14 : i64} {
  func.func @sc_gather(%arg0: i32, %arg1: i32, %arg2: memref<51200x128xi32, #tpu.memory_space<hbm>>, %arg3: memref<6144x128xi32, #tpu.memory_space<hbm>>, %arg4: memref<6144x128xf32, #tpu.memory_space<hbm>>, %arg5: memref<49152x256xf32, #tpu.memory_space<hbm>>, %arg6: memref<2x128xi32, #tpu.memory_space<vmem>>, %arg7: memref<2x128xf32, #tpu.memory_space<vmem>>, %arg8: memref<2x128x128xi32, #tpu.memory_space<vmem>>, %arg9: memref<2x8x256xf32, #tpu.memory_space<vmem>>, %arg10: memref<!tpu.dma_semaphore, #tpu.memory_space<semaphore_mem>>, %arg11: memref<!tpu.dma_semaphore, #tpu.memory_space<semaphore_mem>>, %arg12: memref<!tpu.dma_semaphore, #tpu.memory_space<semaphore_mem>>, %arg13: memref<!tpu.dma_semaphore, #tpu.memory_space<semaphore_mem>>, %arg14: memref<!tpu.dma_semaphore, #tpu.memory_space<semaphore_mem>>, %arg15: memref<!tpu.dma_semaphore, #tpu.memory_space<semaphore_mem>>, %arg16: memref<!tpu.dma_semaphore, #tpu.memory_space<semaphore_mem>>, %arg17: memref<!tpu.dma_semaphore, #tpu.memory_space<semaphore_mem>>) attributes {dimension_semantics = [#tpu.dimension_semantics<core_parallel>, #tpu.dimension_semantics<subcore_parallel>], iteration_bounds = array<i64: 2, 16>, scalar_prefetch = 0 : i64, scratch_operands = 12 : i64, tpu.core_type = #tpu.core_type<sc_vector_subcore>, window_params = [{transform_indices = #map}, {transform_indices = #map}, {transform_indices = #map}, {transform_indices = #map}]} {
    %mul3A = arith.constant 2 : i32
    %mul3A_0 = arith.muli %arg1, %mul3A : i32
    %add3A = arith.addi %mul3A_0, %arg0 : i32
    %mul3A_1 = arith.constant 192 : i32
    %mul3A_2 = arith.muli %add3A, %mul3A_1 : i32
    %mul3A_3 = arith.constant 1536 : i32
    %mul3A_4 = arith.muli %add3A, %mul3A_3 : i32
    %dma_start3A = arith.constant 0 : i32
    %dma_start3A_5 = arith.constant 0 : i32
    %dma_start3A_6 = tpu.memref_slice %arg6[%dma_start3A, %dma_start3A_5] : memref<2x128xi32, #tpu.memory_space<vmem>> -> memref<1x128xi32, #tpu.memory_space<vmem>>
    %dma_start3A_7 = tpu.memref_squeeze %dma_start3A_6 : memref<1x128xi32, #tpu.memory_space<vmem>> -> memref<128xi32, #tpu.memory_space<vmem>>
    %dma_start3A_8 = arith.constant 0 : i32
    %dma_start3A_9 = tpu.memref_slice %arg3[%mul3A_2, %dma_start3A_8] : memref<6144x128xi32, #tpu.memory_space<hbm>> -> memref<1x128xi32, #tpu.memory_space<hbm>>
    %dma_start3A_10 = tpu.memref_squeeze %dma_start3A_9 : memref<1x128xi32, #tpu.memory_space<hbm>> -> memref<128xi32, #tpu.memory_space<hbm>>
    %dma_start3A_11 = arith.constant 0 : i32
    %dma_start3A_12 = tpu.memref_slice %arg6[%dma_start3A, %dma_start3A_11] : memref<2x128xi32, #tpu.memory_space<vmem>> -> memref<1x128xi32, #tpu.memory_space<vmem>>
    %dma_start3A_13 = tpu.memref_squeeze %dma_start3A_12 : memref<1x128xi32, #tpu.memory_space<vmem>> -> memref<128xi32, #tpu.memory_space<vmem>>
    %dma_start3A_14 = arith.constant 0 : i32
    %dma_start3A_15 = tpu.memref_slice %arg3[%mul3A_2, %dma_start3A_14] : memref<6144x128xi32, #tpu.memory_space<hbm>> -> memref<1x128xi32, #tpu.memory_space<hbm>>
    %dma_start3A_16 = tpu.memref_squeeze %dma_start3A_15 : memref<1x128xi32, #tpu.memory_space<hbm>> -> memref<128xi32, #tpu.memory_space<hbm>>
    tpu.enqueue_dma source(%dma_start3A_16 : memref<128xi32, #tpu.memory_space<hbm>>) target(%dma_start3A_13 : memref<128xi32, #tpu.memory_space<vmem>>) target_semaphore(%arg10 : memref<!tpu.dma_semaphore, #tpu.memory_space<semaphore_mem>>)
    %dma_wait3A = arith.constant 0 : i32
    %dma_wait3A_17 = arith.constant 0 : i32
    %dma_wait3A_18 = tpu.memref_slice %arg6[%dma_wait3A, %dma_wait3A_17] : memref<2x128xi32, #tpu.memory_space<vmem>> -> memref<1x128xi32, #tpu.memory_space<vmem>>
    %dma_wait3A_19 = tpu.memref_squeeze %dma_wait3A_18 : memref<1x128xi32, #tpu.memory_space<vmem>> -> memref<128xi32, #tpu.memory_space<vmem>>
    %dma_wait3A_20 = arith.constant 0 : i32
    %dma_wait3A_21 = tpu.memref_slice %arg3[%mul3A_2, %dma_wait3A_20] : memref<6144x128xi32, #tpu.memory_space<hbm>> -> memref<1x128xi32, #tpu.memory_space<hbm>>
    %dma_wait3A_22 = tpu.memref_squeeze %dma_wait3A_21 : memref<1x128xi32, #tpu.memory_space<hbm>> -> memref<128xi32, #tpu.memory_space<hbm>>
    %dma_wait3A_23 = arith.constant 0 : i32
    %dma_wait3A_24 = tpu.memref_slice %arg6[%dma_wait3A, %dma_wait3A_23] : memref<2x128xi32, #tpu.memory_space<vmem>> -> memref<1x128xi32, #tpu.memory_space<vmem>>
    %dma_wait3A_25 = tpu.memref_squeeze %dma_wait3A_24 : memref<1x128xi32, #tpu.memory_space<vmem>> -> memref<128xi32, #tpu.memory_space<vmem>>
    %dma_wait3A_26 = arith.constant 0 : i32
    %dma_wait3A_27 = tpu.memref_slice %arg3[%mul3A_2, %dma_wait3A_26] : memref<6144x128xi32, #tpu.memory_space<hbm>> -> memref<1x128xi32, #tpu.memory_space<hbm>>
    %dma_wait3A_28 = tpu.memref_squeeze %dma_wait3A_27 : memref<1x128xi32, #tpu.memory_space<hbm>> -> memref<128xi32, #tpu.memory_space<hbm>>
    tpu.wait_dma2 semaphore(%arg10 : memref<!tpu.dma_semaphore, #tpu.memory_space<semaphore_mem>>) src(%dma_wait3A_28 : memref<128xi32, #tpu.memory_space<hbm>>) dst(%dma_wait3A_25 : memref<128xi32, #tpu.memory_space<vmem>>)
    %dma_start3A_29 = arith.constant 0 : i32
    %dma_start3A_30 = arith.constant 0 : i32
    %dma_start3A_31 = tpu.memref_slice %arg7[%dma_start3A_29, %dma_start3A_30] : memref<2x128xf32, #tpu.memory_space<vmem>> -> memref<1x128xf32, #tpu.memory_space<vmem>>
    %dma_start3A_32 = tpu.memref_squeeze %dma_start3A_31 : memref<1x128xf32, #tpu.memory_space<vmem>> -> memref<128xf32, #tpu.memory_space<vmem>>
    %dma_start3A_33 = arith.constant 0 : i32
    %dma_start3A_34 = tpu.memref_slice %arg4[%mul3A_2, %dma_start3A_33] : memref<6144x128xf32, #tpu.memory_space<hbm>> -> memref<1x128xf32, #tpu.memory_space<hbm>>
    %dma_start3A_35 = tpu.memref_squeeze %dma_start3A_34 : memref<1x128xf32, #tpu.memory_space<hbm>> -> memref<128xf32, #tpu.memory_space<hbm>>
    %dma_start3A_36 = arith.constant 0 : i32
    %dma_start3A_37 = tpu.memref_slice %arg7[%dma_start3A_29, %dma_start3A_36] : memref<2x128xf32, #tpu.memory_space<vmem>> -> memref<1x128xf32, #tpu.memory_space<vmem>>
    %dma_start3A_38 = tpu.memref_squeeze %dma_start3A_37 : memref<1x128xf32, #tpu.memory_space<vmem>> -> memref<128xf32, #tpu.memory_space<vmem>>
    %dma_start3A_39 = arith.constant 0 : i32
    %dma_start3A_40 = tpu.memref_slice %arg4[%mul3A_2, %dma_start3A_39] : memref<6144x128xf32, #tpu.memory_space<hbm>> -> memref<1x128xf32, #tpu.memory_space<hbm>>
    %dma_start3A_41 = tpu.memref_squeeze %dma_start3A_40 : memref<1x128xf32, #tpu.memory_space<hbm>> -> memref<128xf32, #tpu.memory_space<hbm>>
    tpu.enqueue_dma source(%dma_start3A_41 : memref<128xf32, #tpu.memory_space<hbm>>) target(%dma_start3A_38 : memref<128xf32, #tpu.memory_space<vmem>>) target_semaphore(%arg12 : memref<!tpu.dma_semaphore, #tpu.memory_space<semaphore_mem>>)
    %dma_wait3A_42 = arith.constant 0 : i32
    %dma_wait3A_43 = arith.constant 0 : i32
    %dma_wait3A_44 = tpu.memref_slice %arg7[%dma_wait3A_42, %dma_wait3A_43] : memref<2x128xf32, #tpu.memory_space<vmem>> -> memref<1x128xf32, #tpu.memory_space<vmem>>
    %dma_wait3A_45 = tpu.memref_squeeze %dma_wait3A_44 : memref<1x128xf32, #tpu.memory_space<vmem>> -> memref<128xf32, #tpu.memory_space<vmem>>
    %dma_wait3A_46 = arith.constant 0 : i32
    %dma_wait3A_47 = tpu.memref_slice %arg4[%mul3A_2, %dma_wait3A_46] : memref<6144x128xf32, #tpu.memory_space<hbm>> -> memref<1x128xf32, #tpu.memory_space<hbm>>
    %dma_wait3A_48 = tpu.memref_squeeze %dma_wait3A_47 : memref<1x128xf32, #tpu.memory_space<hbm>> -> memref<128xf32, #tpu.memory_space<hbm>>
    %dma_wait3A_49 = arith.constant 0 : i32
    %dma_wait3A_50 = tpu.memref_slice %arg7[%dma_wait3A_42, %dma_wait3A_49] : memref<2x128xf32, #tpu.memory_space<vmem>> -> memref<1x128xf32, #tpu.memory_space<vmem>>
    %dma_wait3A_51 = tpu.memref_squeeze %dma_wait3A_50 : memref<1x128xf32, #tpu.memory_space<vmem>> -> memref<128xf32, #tpu.memory_space<vmem>>
    %dma_wait3A_52 = arith.constant 0 : i32
    %dma_wait3A_53 = tpu.memref_slice %arg4[%mul3A_2, %dma_wait3A_52] : memref<6144x128xf32, #tpu.memory_space<hbm>> -> memref<1x128xf32, #tpu.memory_space<hbm>>
    %dma_wait3A_54 = tpu.memref_squeeze %dma_wait3A_53 : memref<1x128xf32, #tpu.memory_space<hbm>> -> memref<128xf32, #tpu.memory_space<hbm>>
    tpu.wait_dma2 semaphore(%arg12 : memref<!tpu.dma_semaphore, #tpu.memory_space<semaphore_mem>>) src(%dma_wait3A_54 : memref<128xf32, #tpu.memory_space<hbm>>) dst(%dma_wait3A_51 : memref<128xf32, #tpu.memory_space<vmem>>)
    %add3A_55 = arith.constant 1 : i32
    %add3A_56 = arith.addi %mul3A_2, %add3A_55 : i32
    %dma_start3A_57 = arith.constant 1 : i32
    %dma_start3A_58 = arith.constant 0 : i32
    %dma_start3A_59 = tpu.memref_slice %arg6[%dma_start3A_57, %dma_start3A_58] : memref<2x128xi32, #tpu.memory_space<vmem>> -> memref<1x128xi32, #tpu.memory_space<vmem>>
    %dma_start3A_60 = tpu.memref_squeeze %dma_start3A_59 : memref<1x128xi32, #tpu.memory_space<vmem>> -> memref<128xi32, #tpu.memory_space<vmem>>
    %dma_start3A_61 = arith.constant 0 : i32
    %dma_start3A_62 = tpu.memref_slice %arg3[%add3A_56, %dma_start3A_61] : memref<6144x128xi32, #tpu.memory_space<hbm>> -> memref<1x128xi32, #tpu.memory_space<hbm>>
    %dma_start3A_63 = tpu.memref_squeeze %dma_start3A_62 : memref<1x128xi32, #tpu.memory_space<hbm>> -> memref<128xi32, #tpu.memory_space<hbm>>
    %dma_start3A_64 = arith.constant 0 : i32
    %dma_start3A_65 = tpu.memref_slice %arg6[%dma_start3A_57, %dma_start3A_64] : memref<2x128xi32, #tpu.memory_space<vmem>> -> memref<1x128xi32, #tpu.memory_space<vmem>>
    %dma_start3A_66 = tpu.memref_squeeze %dma_start3A_65 : memref<1x128xi32, #tpu.memory_space<vmem>> -> memref<128xi32, #tpu.memory_space<vmem>>
    %dma_start3A_67 = arith.constant 0 : i32
    %dma_start3A_68 = tpu.memref_slice %arg3[%add3A_56, %dma_start3A_67] : memref<6144x128xi32, #tpu.memory_space<hbm>> -> memref<1x128xi32, #tpu.memory_space<hbm>>
    %dma_start3A_69 = tpu.memref_squeeze %dma_start3A_68 : memref<1x128xi32, #tpu.memory_space<hbm>> -> memref<128xi32, #tpu.memory_space<hbm>>
    tpu.enqueue_dma source(%dma_start3A_69 : memref<128xi32, #tpu.memory_space<hbm>>) target(%dma_start3A_66 : memref<128xi32, #tpu.memory_space<vmem>>) target_semaphore(%arg11 : memref<!tpu.dma_semaphore, #tpu.memory_space<semaphore_mem>>)
    %add3A_70 = arith.constant 1 : i32
    %add3A_71 = arith.addi %mul3A_2, %add3A_70 : i32
    %dma_start3A_72 = arith.constant 1 : i32
    %dma_start3A_73 = arith.constant 0 : i32
    %dma_start3A_74 = tpu.memref_slice %arg7[%dma_start3A_72, %dma_start3A_73] : memref<2x128xf32, #tpu.memory_space<vmem>> -> memref<1x128xf32, #tpu.memory_space<vmem>>
    %dma_start3A_75 = tpu.memref_squeeze %dma_start3A_74 : memref<1x128xf32, #tpu.memory_space<vmem>> -> memref<128xf32, #tpu.memory_space<vmem>>
    %dma_start3A_76 = arith.constant 0 : i32
    %dma_start3A_77 = tpu.memref_slice %arg4[%add3A_71, %dma_start3A_76] : memref<6144x128xf32, #tpu.memory_space<hbm>> -> memref<1x128xf32, #tpu.memory_space<hbm>>
    %dma_start3A_78 = tpu.memref_squeeze %dma_start3A_77 : memref<1x128xf32, #tpu.memory_space<hbm>> -> memref<128xf32, #tpu.memory_space<hbm>>
    %dma_start3A_79 = arith.constant 0 : i32
    %dma_start3A_80 = tpu.memref_slice %arg7[%dma_start3A_72, %dma_start3A_79] : memref<2x128xf32, #tpu.memory_space<vmem>> -> memref<1x128xf32, #tpu.memory_space<vmem>>
    %dma_start3A_81 = tpu.memref_squeeze %dma_start3A_80 : memref<1x128xf32, #tpu.memory_space<vmem>> -> memref<128xf32, #tpu.memory_space<vmem>>
    %dma_start3A_82 = arith.constant 0 : i32
    %dma_start3A_83 = tpu.memref_slice %arg4[%add3A_71, %dma_start3A_82] : memref<6144x128xf32, #tpu.memory_space<hbm>> -> memref<1x128xf32, #tpu.memory_space<hbm>>
    %dma_start3A_84 = tpu.memref_squeeze %dma_start3A_83 : memref<1x128xf32, #tpu.memory_space<hbm>> -> memref<128xf32, #tpu.memory_space<hbm>>
    tpu.enqueue_dma source(%dma_start3A_84 : memref<128xf32, #tpu.memory_space<hbm>>) target(%dma_start3A_81 : memref<128xf32, #tpu.memory_space<vmem>>) target_semaphore(%arg13 : memref<!tpu.dma_semaphore, #tpu.memory_space<semaphore_mem>>)
    %dma_start3A_85 = arith.constant 0 : i32
    %dma_start3A_86 = arith.constant 0 : i32
    %dma_start3A_87 = arith.constant 0 : i32
    %dma_start3A_88 = arith.constant 0 : i32
    %dma_start3A_89 = tpu.memref_slice %arg8[%dma_start3A_86, %dma_start3A_87, %dma_start3A_88] : memref<2x128x128xi32, #tpu.memory_space<vmem>> -> memref<1x128x128xi32, #tpu.memory_space<vmem>>
    %dma_start3A_90 = tpu.memref_squeeze %dma_start3A_89 : memref<1x128x128xi32, #tpu.memory_space<vmem>> -> memref<128x128xi32, #tpu.memory_space<vmem>>
    %dma_start3A_91 = arith.constant 0 : i32
    %dma_start3A_92 = tpu.memref_slice %arg6[%dma_start3A_85, %dma_start3A_91] : memref<2x128xi32, #tpu.memory_space<vmem>> -> memref<1x128xi32, #tpu.memory_space<vmem>>
    %dma_start3A_93 = tpu.memref_squeeze %dma_start3A_92 : memref<1x128xi32, #tpu.memory_space<vmem>> -> memref<128xi32, #tpu.memory_space<vmem>>
    %dma_start3A_94 = arith.constant 0 : i32
    %dma_start3A_95 = arith.constant 0 : i32
    %dma_start3A_96 = tpu.memref_slice %arg2[%dma_start3A_94, %dma_start3A_95] : memref<51200x128xi32, #tpu.memory_space<hbm>> -> memref<51200x128xi32, #tpu.memory_space<hbm>>
    tpu.enqueue_indirect_dma source(%dma_start3A_96 : memref<51200x128xi32, #tpu.memory_space<hbm>>) target(%dma_start3A_90 : memref<128x128xi32, #tpu.memory_space<vmem>>) offsets(%dma_start3A_93 : memref<128xi32, #tpu.memory_space<vmem>>) semaphore(%arg14 : memref<!tpu.dma_semaphore, #tpu.memory_space<semaphore_mem>>)
    %scan3A = arith.constant 0 : i32
    %scan3A_97 = arith.constant 0 : i32
    %scan3A_98 = arith.constant 96 : i32
    %scan3A_99 = arith.addi %scan3A_97, %scan3A_98 : i32
    %scan3A_100 = arith.constant 1 : i32
    scf.for %scan3A_128 = %scan3A_97 to %scan3A_99 step %scan3A_100  : i32 {
      %mul3A_129 = arith.constant 2 : i32
      %mul3A_130 = arith.muli %mul3A_129, %scan3A_128 : i32
      %add3A_131 = arith.constant 0 : i32
      %add3A_132 = arith.addi %mul3A_130, %add3A_131 : i32
      %add3A_133 = arith.constant 1 : i32
      %add3A_134 = arith.addi %add3A_132, %add3A_133 : i32
      %lt3A = arith.constant 192 : i32
      %lt3A_135 = arith.cmpi slt, %add3A_134, %lt3A : i32
      %convert_element_type3A = arith.extui %lt3A_135 : i1 to i32
      %cond3A = arith.constant 0 : i32
      %cond3A_136 = arith.cmpi ne, %convert_element_type3A, %cond3A : i32
      scf.if %cond3A_136 {
        %dma_wait3A_232 = arith.constant 1 : i32
        %dma_wait3A_233 = arith.constant 0 : i32
        %dma_wait3A_234 = tpu.memref_slice %arg6[%dma_wait3A_232, %dma_wait3A_233] : memref<2x128xi32, #tpu.memory_space<vmem>> -> memref<1x128xi32, #tpu.memory_space<vmem>>
        %dma_wait3A_235 = tpu.memref_squeeze %dma_wait3A_234 : memref<1x128xi32, #tpu.memory_space<vmem>> -> memref<128xi32, #tpu.memory_space<vmem>>
        %dma_wait3A_236 = arith.constant 0 : i32
        %dma_wait3A_237 = tpu.memref_slice %arg3[%mul3A_2, %dma_wait3A_236] : memref<6144x128xi32, #tpu.memory_space<hbm>> -> memref<1x128xi32, #tpu.memory_space<hbm>>
        %dma_wait3A_238 = tpu.memref_squeeze %dma_wait3A_237 : memref<1x128xi32, #tpu.memory_space<hbm>> -> memref<128xi32, #tpu.memory_space<hbm>>
        %dma_wait3A_239 = arith.constant 0 : i32
        %dma_wait3A_240 = tpu.memref_slice %arg6[%dma_wait3A_232, %dma_wait3A_239] : memref<2x128xi32, #tpu.memory_space<vmem>> -> memref<1x128xi32, #tpu.memory_space<vmem>>
        %dma_wait3A_241 = tpu.memref_squeeze %dma_wait3A_240 : memref<1x128xi32, #tpu.memory_space<vmem>> -> memref<128xi32, #tpu.memory_space<vmem>>
        %dma_wait3A_242 = arith.constant 0 : i32
        %dma_wait3A_243 = tpu.memref_slice %arg3[%mul3A_2, %dma_wait3A_242] : memref<6144x128xi32, #tpu.memory_space<hbm>> -> memref<1x128xi32, #tpu.memory_space<hbm>>
        %dma_wait3A_244 = tpu.memref_squeeze %dma_wait3A_243 : memref<1x128xi32, #tpu.memory_space<hbm>> -> memref<128xi32, #tpu.memory_space<hbm>>
        tpu.wait_dma2 semaphore(%arg11 : memref<!tpu.dma_semaphore, #tpu.memory_space<semaphore_mem>>) src(%dma_wait3A_244 : memref<128xi32, #tpu.memory_space<hbm>>) dst(%dma_wait3A_241 : memref<128xi32, #tpu.memory_space<vmem>>)
        %dma_wait3A_245 = arith.constant 1 : i32
        %dma_wait3A_246 = arith.constant 0 : i32
        %dma_wait3A_247 = tpu.memref_slice %arg7[%dma_wait3A_245, %dma_wait3A_246] : memref<2x128xf32, #tpu.memory_space<vmem>> -> memref<1x128xf32, #tpu.memory_space<vmem>>
        %dma_wait3A_248 = tpu.memref_squeeze %dma_wait3A_247 : memref<1x128xf32, #tpu.memory_space<vmem>> -> memref<128xf32, #tpu.memory_space<vmem>>
        %dma_wait3A_249 = arith.constant 0 : i32
        %dma_wait3A_250 = tpu.memref_slice %arg4[%mul3A_2, %dma_wait3A_249] : memref<6144x128xf32, #tpu.memory_space<hbm>> -> memref<1x128xf32, #tpu.memory_space<hbm>>
        %dma_wait3A_251 = tpu.memref_squeeze %dma_wait3A_250 : memref<1x128xf32, #tpu.memory_space<hbm>> -> memref<128xf32, #tpu.memory_space<hbm>>
        %dma_wait3A_252 = arith.constant 0 : i32
        %dma_wait3A_253 = tpu.memref_slice %arg7[%dma_wait3A_245, %dma_wait3A_252] : memref<2x128xf32, #tpu.memory_space<vmem>> -> memref<1x128xf32, #tpu.memory_space<vmem>>
        %dma_wait3A_254 = tpu.memref_squeeze %dma_wait3A_253 : memref<1x128xf32, #tpu.memory_space<vmem>> -> memref<128xf32, #tpu.memory_space<vmem>>
        %dma_wait3A_255 = arith.constant 0 : i32
        %dma_wait3A_256 = tpu.memref_slice %arg4[%mul3A_2, %dma_wait3A_255] : memref<6144x128xf32, #tpu.memory_space<hbm>> -> memref<1x128xf32, #tpu.memory_space<hbm>>
        %dma_wait3A_257 = tpu.memref_squeeze %dma_wait3A_256 : memref<1x128xf32, #tpu.memory_space<hbm>> -> memref<128xf32, #tpu.memory_space<hbm>>
        tpu.wait_dma2 semaphore(%arg13 : memref<!tpu.dma_semaphore, #tpu.memory_space<semaphore_mem>>) src(%dma_wait3A_257 : memref<128xf32, #tpu.memory_space<hbm>>) dst(%dma_wait3A_254 : memref<128xf32, #tpu.memory_space<vmem>>)
        %dma_start3A_258 = arith.constant 1 : i32
        %dma_start3A_259 = arith.constant 1 : i32
        %dma_start3A_260 = arith.constant 0 : i32
        %dma_start3A_261 = arith.constant 0 : i32
        %dma_start3A_262 = tpu.memref_slice %arg8[%dma_start3A_259, %dma_start3A_260, %dma_start3A_261] : memref<2x128x128xi32, #tpu.memory_space<vmem>> -> memref<1x128x128xi32, #tpu.memory_space<vmem>>
        %dma_start3A_263 = tpu.memref_squeeze %dma_start3A_262 : memref<1x128x128xi32, #tpu.memory_space<vmem>> -> memref<128x128xi32, #tpu.memory_space<vmem>>
        %dma_start3A_264 = arith.constant 0 : i32
        %dma_start3A_265 = tpu.memref_slice %arg6[%dma_start3A_258, %dma_start3A_264] : memref<2x128xi32, #tpu.memory_space<vmem>> -> memref<1x128xi32, #tpu.memory_space<vmem>>
        %dma_start3A_266 = tpu.memref_squeeze %dma_start3A_265 : memref<1x128xi32, #tpu.memory_space<vmem>> -> memref<128xi32, #tpu.memory_space<vmem>>
        %dma_start3A_267 = arith.constant 0 : i32
        %dma_start3A_268 = arith.constant 0 : i32
        %dma_start3A_269 = tpu.memref_slice %arg2[%dma_start3A_267, %dma_start3A_268] : memref<51200x128xi32, #tpu.memory_space<hbm>> -> memref<51200x128xi32, #tpu.memory_space<hbm>>
        tpu.enqueue_indirect_dma source(%dma_start3A_269 : memref<51200x128xi32, #tpu.memory_space<hbm>>) target(%dma_start3A_263 : memref<128x128xi32, #tpu.memory_space<vmem>>) offsets(%dma_start3A_266 : memref<128xi32, #tpu.memory_space<vmem>>) semaphore(%arg15 : memref<!tpu.dma_semaphore, #tpu.memory_space<semaphore_mem>>)
      } else {
      }
      %dma_wait3A_137 = arith.constant 0 : i32
      %dma_wait3A_138 = arith.constant 0 : i32
      %dma_wait3A_139 = arith.constant 0 : i32
      %dma_wait3A_140 = arith.constant 0 : i32
      %dma_wait3A_141 = tpu.memref_slice %arg8[%dma_wait3A_138, %dma_wait3A_139, %dma_wait3A_140] : memref<2x128x128xi32, #tpu.memory_space<vmem>> -> memref<1x128x128xi32, #tpu.memory_space<vmem>>
      %dma_wait3A_142 = tpu.memref_squeeze %dma_wait3A_141 : memref<1x128x128xi32, #tpu.memory_space<vmem>> -> memref<128x128xi32, #tpu.memory_space<vmem>>
      %dma_wait3A_143 = arith.constant 0 : i32
      %dma_wait3A_144 = tpu.memref_slice %arg6[%dma_wait3A_137, %dma_wait3A_143] : memref<2x128xi32, #tpu.memory_space<vmem>> -> memref<1x128xi32, #tpu.memory_space<vmem>>
      %dma_wait3A_145 = tpu.memref_squeeze %dma_wait3A_144 : memref<1x128xi32, #tpu.memory_space<vmem>> -> memref<128xi32, #tpu.memory_space<vmem>>
      %dma_wait3A_146 = arith.constant 0 : i32
      %dma_wait3A_147 = arith.constant 0 : i32
      %dma_wait3A_148 = tpu.memref_slice %arg2[%dma_wait3A_146, %dma_wait3A_147] : memref<51200x128xi32, #tpu.memory_space<hbm>> -> memref<51200x128xi32, #tpu.memory_space<hbm>>
      tpu.wait_indirect_dma semaphore(%arg14 : memref<!tpu.dma_semaphore, #tpu.memory_space<semaphore_mem>>) src(%dma_wait3A_148 : memref<51200x128xi32, #tpu.memory_space<hbm>>) dst(%dma_wait3A_142 : memref<128x128xi32, #tpu.memory_space<vmem>>)
      %ge3A = arith.constant 2 : i32
      %ge3A_149 = arith.cmpi sge, %add3A_132, %ge3A : i32
      %convert_element_type3A_150 = arith.extui %ge3A_149 : i1 to i32
      %cond3A_151 = arith.constant 0 : i32
      %cond3A_152 = arith.cmpi ne, %convert_element_type3A_150, %cond3A_151 : i32
      scf.if %cond3A_152 {
        %dma_wait3A_232 = arith.constant 0 : i32
        %dma_wait3A_233 = arith.constant 0 : i32
        %dma_wait3A_234 = arith.constant 0 : i32
        %dma_wait3A_235 = tpu.memref_slice %arg9[%dma_wait3A_232, %dma_wait3A_233, %dma_wait3A_234] : memref<2x8x256xf32, #tpu.memory_space<vmem>> -> memref<1x8x256xf32, #tpu.memory_space<vmem>>
        %dma_wait3A_236 = tpu.memref_squeeze %dma_wait3A_235 : memref<1x8x256xf32, #tpu.memory_space<vmem>> -> memref<8x256xf32, #tpu.memory_space<vmem>>
        %dma_wait3A_237 = arith.constant 0 : i32
        %dma_wait3A_238 = tpu.memref_slice %arg5[%mul3A_4, %dma_wait3A_237] : memref<49152x256xf32, #tpu.memory_space<hbm>> -> memref<8x256xf32, #tpu.memory_space<hbm>>
        %dma_wait3A_239 = arith.constant 0 : i32
        %dma_wait3A_240 = tpu.memref_slice %arg5[%mul3A_4, %dma_wait3A_239] : memref<49152x256xf32, #tpu.memory_space<hbm>> -> memref<8x256xf32, #tpu.memory_space<hbm>>
        %dma_wait3A_241 = arith.constant 0 : i32
        %dma_wait3A_242 = arith.constant 0 : i32
        %dma_wait3A_243 = tpu.memref_slice %arg9[%dma_wait3A_232, %dma_wait3A_241, %dma_wait3A_242] : memref<2x8x256xf32, #tpu.memory_space<vmem>> -> memref<1x8x256xf32, #tpu.memory_space<vmem>>
        %dma_wait3A_244 = tpu.memref_squeeze %dma_wait3A_243 : memref<1x8x256xf32, #tpu.memory_space<vmem>> -> memref<8x256xf32, #tpu.memory_space<vmem>>
        tpu.wait_dma2 semaphore(%arg16 : memref<!tpu.dma_semaphore, #tpu.memory_space<semaphore_mem>>) src(%dma_wait3A_244 : memref<8x256xf32, #tpu.memory_space<vmem>>) dst(%dma_wait3A_240 : memref<8x256xf32, #tpu.memory_space<hbm>>)
      } else {
      }
      %parallel_loop3A = arith.constant 0 : i32
      %parallel_loop3A_153 = arith.constant 8 : i32
      %parallel_loop3A_154 = arith.constant 1 : i32
      scf.for %parallel_loop3A_232 = %parallel_loop3A to %parallel_loop3A_153 step %parallel_loop3A_154  : i32 {
        %parallel_loop3A_233 = arith.constant 16 : i32
        %parallel_loop3A_234 = arith.muli %parallel_loop3A_232, %parallel_loop3A_233 : i32
        %parallel_loop3A_235 = arith.constant 0 : i32
        %parallel_loop3A_236 = arith.index_cast %parallel_loop3A_235 : i32 to index
        %parallel_loop3A_237 = arith.index_cast %parallel_loop3A_234 : i32 to index
        %parallel_loop3A_238 = tpu.vector_load %arg7[%parallel_loop3A_236, %parallel_loop3A_237] {strides = array<i32>} : memref<2x128xf32, #tpu.memory_space<vmem>>, vector<16xf32>,
        %parallel_loop3A_239 = vector.extract_strided_slice %parallel_loop3A_238 {offsets = [0], sizes = [1], strides = [1]} : vector<16xf32> to vector<1xf32>
        %parallel_loop3A_240 = vector.extract %parallel_loop3A_239[0] : f32 from vector<1xf32>
        %parallel_loop3A_241 = vector.broadcast %parallel_loop3A_240 : f32 to vector<16xf32>
        %parallel_loop3A_242 = tpu.pack_subelements %parallel_loop3A_241, %parallel_loop3A_241 {pack_format = #tpu.pack_format<interleaved>, positions = array<i32: 0, 1>} : vector<16xf32>, vector<16xf32> -> vector<32xbf16>
        %parallel_loop3A_243 = vector.extract_strided_slice %parallel_loop3A_238 {offsets = [1], sizes = [1], strides = [1]} : vector<16xf32> to vector<1xf32>
        %parallel_loop3A_244 = vector.extract %parallel_loop3A_243[0] : f32 from vector<1xf32>
        %parallel_loop3A_245 = vector.broadcast %parallel_loop3A_244 : f32 to vector<16xf32>
        %parallel_loop3A_246 = tpu.pack_subelements %parallel_loop3A_245, %parallel_loop3A_245 {pack_format = #tpu.pack_format<interleaved>, positions = array<i32: 0, 1>} : vector<16xf32>, vector<16xf32> -> vector<32xbf16>
        %parallel_loop3A_247 = vector.extract_strided_slice %parallel_loop3A_238 {offsets = [2], sizes = [1], strides = [1]} : vector<16xf32> to vector<1xf32>
        %parallel_loop3A_248 = vector.extract %parallel_loop3A_247[0] : f32 from vector<1xf32>
        %parallel_loop3A_249 = vector.broadcast %parallel_loop3A_248 : f32 to vector<16xf32>
        %parallel_loop3A_250 = tpu.pack_subelements %parallel_loop3A_249, %parallel_loop3A_249 {pack_format = #tpu.pack_format<interleaved>, positions = array<i32: 0, 1>} : vector<16xf32>, vector<16xf32> -> vector<32xbf16>
        %parallel_loop3A_251 = vector.extract_strided_slice %parallel_loop3A_238 {offsets = [3], sizes = [1], strides = [1]} : vector<16xf32> to vector<1xf32>
        %parallel_loop3A_252 = vector.extract %parallel_loop3A_251[0] : f32 from vector<1xf32>
        %parallel_loop3A_253 = vector.broadcast %parallel_loop3A_252 : f32 to vector<16xf32>
        %parallel_loop3A_254 = tpu.pack_subelements %parallel_loop3A_253, %parallel_loop3A_253 {pack_format = #tpu.pack_format<interleaved>, positions = array<i32: 0, 1>} : vector<16xf32>, vector<16xf32> -> vector<32xbf16>
        %parallel_loop3A_255 = vector.extract_strided_slice %parallel_loop3A_238 {offsets = [4], sizes = [1], strides = [1]} : vector<16xf32> to vector<1xf32>
        %parallel_loop3A_256 = vector.extract %parallel_loop3A_255[0] : f32 from vector<1xf32>
        %parallel_loop3A_257 = vector.broadcast %parallel_loop3A_256 : f32 to vector<16xf32>
        %parallel_loop3A_258 = tpu.pack_subelements %parallel_loop3A_257, %parallel_loop3A_257 {pack_format = #tpu.pack_format<interleaved>, positions = array<i32: 0, 1>} : vector<16xf32>, vector<16xf32> -> vector<32xbf16>
        %parallel_loop3A_259 = vector.extract_strided_slice %parallel_loop3A_238 {offsets = [5], sizes = [1], strides = [1]} : vector<16xf32> to vector<1xf32>
        %parallel_loop3A_260 = vector.extract %parallel_loop3A_259[0] : f32 from vector<1xf32>
        %parallel_loop3A_261 = vector.broadcast %parallel_loop3A_260 : f32 to vector<16xf32>
        %parallel_loop3A_262 = tpu.pack_subelements %parallel_loop3A_261, %parallel_loop3A_261 {pack_format = #tpu.pack_format<interleaved>, positions = array<i32: 0, 1>} : vector<16xf32>, vector<16xf32> -> vector<32xbf16>
        %parallel_loop3A_263 = vector.extract_strided_slice %parallel_loop3A_238 {offsets = [6], sizes = [1], strides = [1]} : vector<16xf32> to vector<1xf32>
        %parallel_loop3A_264 = vector.extract %parallel_loop3A_263[0] : f32 from vector<1xf32>
        %parallel_loop3A_265 = vector.broadcast %parallel_loop3A_264 : f32 to vector<16xf32>
        %parallel_loop3A_266 = tpu.pack_subelements %parallel_loop3A_265, %parallel_loop3A_265 {pack_format = #tpu.pack_format<interleaved>, positions = array<i32: 0, 1>} : vector<16xf32>, vector<16xf32> -> vector<32xbf16>
        %parallel_loop3A_267 = vector.extract_strided_slice %parallel_loop3A_238 {offsets = [7], sizes = [1], strides = [1]} : vector<16xf32> to vector<1xf32>
        %parallel_loop3A_268 = vector.extract %parallel_loop3A_267[0] : f32 from vector<1xf32>
        %parallel_loop3A_269 = vector.broadcast %parallel_loop3A_268 : f32 to vector<16xf32>
        %parallel_loop3A_270 = tpu.pack_subelements %parallel_loop3A_269, %parallel_loop3A_269 {pack_format = #tpu.pack_format<interleaved>, positions = array<i32: 0, 1>} : vector<16xf32>, vector<16xf32> -> vector<32xbf16>
        %parallel_loop3A_271 = vector.extract_strided_slice %parallel_loop3A_238 {offsets = [8], sizes = [1], strides = [1]} : vector<16xf32> to vector<1xf32>
        %parallel_loop3A_272 = vector.extract %parallel_loop3A_271[0] : f32 from vector<1xf32>
        %parallel_loop3A_273 = vector.broadcast %parallel_loop3A_272 : f32 to vector<16xf32>
        %parallel_loop3A_274 = tpu.pack_subelements %parallel_loop3A_273, %parallel_loop3A_273 {pack_format = #tpu.pack_format<interleaved>, positions = array<i32: 0, 1>} : vector<16xf32>, vector<16xf32> -> vector<32xbf16>
        %parallel_loop3A_275 = vector.extract_strided_slice %parallel_loop3A_238 {offsets = [9], sizes = [1], strides = [1]} : vector<16xf32> to vector<1xf32>
        %parallel_loop3A_276 = vector.extract %parallel_loop3A_275[0] : f32 from vector<1xf32>
        %parallel_loop3A_277 = vector.broadcast %parallel_loop3A_276 : f32 to vector<16xf32>
        %parallel_loop3A_278 = tpu.pack_subelements %parallel_loop3A_277, %parallel_loop3A_277 {pack_format = #tpu.pack_format<interleaved>, positions = array<i32: 0, 1>} : vector<16xf32>, vector<16xf32> -> vector<32xbf16>
        %parallel_loop3A_279 = vector.extract_strided_slice %parallel_loop3A_238 {offsets = [10], sizes = [1], strides = [1]} : vector<16xf32> to vector<1xf32>
        %parallel_loop3A_280 = vector.extract %parallel_loop3A_279[0] : f32 from vector<1xf32>
        %parallel_loop3A_281 = vector.broadcast %parallel_loop3A_280 : f32 to vector<16xf32>
        %parallel_loop3A_282 = tpu.pack_subelements %parallel_loop3A_281, %parallel_loop3A_281 {pack_format = #tpu.pack_format<interleaved>, positions = array<i32: 0, 1>} : vector<16xf32>, vector<16xf32> -> vector<32xbf16>
        %parallel_loop3A_283 = vector.extract_strided_slice %parallel_loop3A_238 {offsets = [11], sizes = [1], strides = [1]} : vector<16xf32> to vector<1xf32>
        %parallel_loop3A_284 = vector.extract %parallel_loop3A_283[0] : f32 from vector<1xf32>
        %parallel_loop3A_285 = vector.broadcast %parallel_loop3A_284 : f32 to vector<16xf32>
        %parallel_loop3A_286 = tpu.pack_subelements %parallel_loop3A_285, %parallel_loop3A_285 {pack_format = #tpu.pack_format<interleaved>, positions = array<i32: 0, 1>} : vector<16xf32>, vector<16xf32> -> vector<32xbf16>
        %parallel_loop3A_287 = vector.extract_strided_slice %parallel_loop3A_238 {offsets = [12], sizes = [1], strides = [1]} : vector<16xf32> to vector<1xf32>
        %parallel_loop3A_288 = vector.extract %parallel_loop3A_287[0] : f32 from vector<1xf32>
        %parallel_loop3A_289 = vector.broadcast %parallel_loop3A_288 : f32 to vector<16xf32>
        %parallel_loop3A_290 = tpu.pack_subelements %parallel_loop3A_289, %parallel_loop3A_289 {pack_format = #tpu.pack_format<interleaved>, positions = array<i32: 0, 1>} : vector<16xf32>, vector<16xf32> -> vector<32xbf16>
        %parallel_loop3A_291 = vector.extract_strided_slice %parallel_loop3A_238 {offsets = [13], sizes = [1], strides = [1]} : vector<16xf32> to vector<1xf32>
        %parallel_loop3A_292 = vector.extract %parallel_loop3A_291[0] : f32 from vector<1xf32>
        %parallel_loop3A_293 = vector.broadcast %parallel_loop3A_292 : f32 to vector<16xf32>
        %parallel_loop3A_294 = tpu.pack_subelements %parallel_loop3A_293, %parallel_loop3A_293 {pack_format = #tpu.pack_format<interleaved>, positions = array<i32: 0, 1>} : vector<16xf32>, vector<16xf32> -> vector<32xbf16>
        %parallel_loop3A_295 = vector.extract_strided_slice %parallel_loop3A_238 {offsets = [14], sizes = [1], strides = [1]} : vector<16xf32> to vector<1xf32>
        %parallel_loop3A_296 = vector.extract %parallel_loop3A_295[0] : f32 from vector<1xf32>
        %parallel_loop3A_297 = vector.broadcast %parallel_loop3A_296 : f32 to vector<16xf32>
        %parallel_loop3A_298 = tpu.pack_subelements %parallel_loop3A_297, %parallel_loop3A_297 {pack_format = #tpu.pack_format<interleaved>, positions = array<i32: 0, 1>} : vector<16xf32>, vector<16xf32> -> vector<32xbf16>
        %parallel_loop3A_299 = vector.extract_strided_slice %parallel_loop3A_238 {offsets = [15], sizes = [1], strides = [1]} : vector<16xf32> to vector<1xf32>
        %parallel_loop3A_300 = vector.extract %parallel_loop3A_299[0] : f32 from vector<1xf32>
        %parallel_loop3A_301 = vector.broadcast %parallel_loop3A_300 : f32 to vector<16xf32>
        %parallel_loop3A_302 = tpu.pack_subelements %parallel_loop3A_301, %parallel_loop3A_301 {pack_format = #tpu.pack_format<interleaved>, positions = array<i32: 0, 1>} : vector<16xf32>, vector<16xf32> -> vector<32xbf16>
        %parallel_loop3A_303 = arith.constant 16 : i32
        %parallel_loop3A_304 = arith.muli %parallel_loop3A_232, %parallel_loop3A_303 : i32
        %parallel_loop3A_305 = arith.constant 0 : i32
        %parallel_loop3A_306 = arith.addi %parallel_loop3A_304, %parallel_loop3A_305 : i32
        %parallel_loop3A_307 = arith.constant 0 : i32
        %parallel_loop3A_308 = arith.index_cast %parallel_loop3A_307 : i32 to index
        %parallel_loop3A_309 = arith.index_cast %parallel_loop3A_306 : i32 to index
        %parallel_loop3A_310 = arith.constant 0 : index
        %parallel_loop3A_311 = tpu.vector_load %arg8[%parallel_loop3A_308, %parallel_loop3A_309, %parallel_loop3A_310] {strides = array<i32>} : memref<2x128x128xi32, #tpu.memory_space<vmem>>, vector<16xi32>,
        %parallel_loop3A_312 = vector.bitcast %parallel_loop3A_311 : vector<16xi32> to vector<32xbf16>
        %parallel_loop3A_313 = arith.mulf %parallel_loop3A_242, %parallel_loop3A_312 : vector<32xbf16>
        %parallel_loop3A_314 = arith.constant 16 : i32
        %parallel_loop3A_315 = arith.muli %parallel_loop3A_232, %parallel_loop3A_314 : i32
        %parallel_loop3A_316 = arith.constant 1 : i32
        %parallel_loop3A_317 = arith.addi %parallel_loop3A_315, %parallel_loop3A_316 : i32
        %parallel_loop3A_318 = arith.constant 0 : i32
        %parallel_loop3A_319 = arith.index_cast %parallel_loop3A_318 : i32 to index
        %parallel_loop3A_320 = arith.index_cast %parallel_loop3A_317 : i32 to index
        %parallel_loop3A_321 = arith.constant 0 : index
        %parallel_loop3A_322 = tpu.vector_load %arg8[%parallel_loop3A_319, %parallel_loop3A_320, %parallel_loop3A_321] {strides = array<i32>} : memref<2x128x128xi32, #tpu.memory_space<vmem>>, vector<16xi32>,
        %parallel_loop3A_323 = vector.bitcast %parallel_loop3A_322 : vector<16xi32> to vector<32xbf16>
        %parallel_loop3A_324 = arith.mulf %parallel_loop3A_246, %parallel_loop3A_323 : vector<32xbf16>
        %parallel_loop3A_325 = arith.constant 16 : i32
        %parallel_loop3A_326 = arith.muli %parallel_loop3A_232, %parallel_loop3A_325 : i32
        %parallel_loop3A_327 = arith.constant 2 : i32
        %parallel_loop3A_328 = arith.addi %parallel_loop3A_326, %parallel_loop3A_327 : i32
        %parallel_loop3A_329 = arith.constant 0 : i32
        %parallel_loop3A_330 = arith.index_cast %parallel_loop3A_329 : i32 to index
        %parallel_loop3A_331 = arith.index_cast %parallel_loop3A_328 : i32 to index
        %parallel_loop3A_332 = arith.constant 0 : index
        %parallel_loop3A_333 = tpu.vector_load %arg8[%parallel_loop3A_330, %parallel_loop3A_331, %parallel_loop3A_332] {strides = array<i32>} : memref<2x128x128xi32, #tpu.memory_space<vmem>>, vector<16xi32>,
        %parallel_loop3A_334 = vector.bitcast %parallel_loop3A_333 : vector<16xi32> to vector<32xbf16>
        %parallel_loop3A_335 = arith.mulf %parallel_loop3A_250, %parallel_loop3A_334 : vector<32xbf16>
        %parallel_loop3A_336 = arith.constant 16 : i32
        %parallel_loop3A_337 = arith.muli %parallel_loop3A_232, %parallel_loop3A_336 : i32
        %parallel_loop3A_338 = arith.constant 3 : i32
        %parallel_loop3A_339 = arith.addi %parallel_loop3A_337, %parallel_loop3A_338 : i32
        %parallel_loop3A_340 = arith.constant 0 : i32
        %parallel_loop3A_341 = arith.index_cast %parallel_loop3A_340 : i32 to index
        %parallel_loop3A_342 = arith.index_cast %parallel_loop3A_339 : i32 to index
        %parallel_loop3A_343 = arith.constant 0 : index
        %parallel_loop3A_344 = tpu.vector_load %arg8[%parallel_loop3A_341, %parallel_loop3A_342, %parallel_loop3A_343] {strides = array<i32>} : memref<2x128x128xi32, #tpu.memory_space<vmem>>, vector<16xi32>,
        %parallel_loop3A_345 = vector.bitcast %parallel_loop3A_344 : vector<16xi32> to vector<32xbf16>
        %parallel_loop3A_346 = arith.mulf %parallel_loop3A_254, %parallel_loop3A_345 : vector<32xbf16>
        %parallel_loop3A_347 = arith.constant 16 : i32
        %parallel_loop3A_348 = arith.muli %parallel_loop3A_232, %parallel_loop3A_347 : i32
        %parallel_loop3A_349 = arith.constant 4 : i32
        %parallel_loop3A_350 = arith.addi %parallel_loop3A_348, %parallel_loop3A_349 : i32
        %parallel_loop3A_351 = arith.constant 0 : i32
        %parallel_loop3A_352 = arith.index_cast %parallel_loop3A_351 : i32 to index
        %parallel_loop3A_353 = arith.index_cast %parallel_loop3A_350 : i32 to index
        %parallel_loop3A_354 = arith.constant 0 : index
        %parallel_loop3A_355 = tpu.vector_load %arg8[%parallel_loop3A_352, %parallel_loop3A_353, %parallel_loop3A_354] {strides = array<i32>} : memref<2x128x128xi32, #tpu.memory_space<vmem>>, vector<16xi32>,
        %parallel_loop3A_356 = vector.bitcast %parallel_loop3A_355 : vector<16xi32> to vector<32xbf16>
        %parallel_loop3A_357 = arith.mulf %parallel_loop3A_258, %parallel_loop3A_356 : vector<32xbf16>
        %parallel_loop3A_358 = arith.constant 16 : i32
        %parallel_loop3A_359 = arith.muli %parallel_loop3A_232, %parallel_loop3A_358 : i32
        %parallel_loop3A_360 = arith.constant 5 : i32
        %parallel_loop3A_361 = arith.addi %parallel_loop3A_359, %parallel_loop3A_360 : i32
        %parallel_loop3A_362 = arith.constant 0 : i32
        %parallel_loop3A_363 = arith.index_cast %parallel_loop3A_362 : i32 to index
        %parallel_loop3A_364 = arith.index_cast %parallel_loop3A_361 : i32 to index
        %parallel_loop3A_365 = arith.constant 0 : index
        %parallel_loop3A_366 = tpu.vector_load %arg8[%parallel_loop3A_363, %parallel_loop3A_364, %parallel_loop3A_365] {strides = array<i32>} : memref<2x128x128xi32, #tpu.memory_space<vmem>>, vector<16xi32>,
        %parallel_loop3A_367 = vector.bitcast %parallel_loop3A_366 : vector<16xi32> to vector<32xbf16>
        %parallel_loop3A_368 = arith.mulf %parallel_loop3A_262, %parallel_loop3A_367 : vector<32xbf16>
        %parallel_loop3A_369 = arith.constant 16 : i32
        %parallel_loop3A_370 = arith.muli %parallel_loop3A_232, %parallel_loop3A_369 : i32
        %parallel_loop3A_371 = arith.constant 6 : i32
        %parallel_loop3A_372 = arith.addi %parallel_loop3A_370, %parallel_loop3A_371 : i32
        %parallel_loop3A_373 = arith.constant 0 : i32
        %parallel_loop3A_374 = arith.index_cast %parallel_loop3A_373 : i32 to index
        %parallel_loop3A_375 = arith.index_cast %parallel_loop3A_372 : i32 to index
        %parallel_loop3A_376 = arith.constant 0 : index
        %parallel_loop3A_377 = tpu.vector_load %arg8[%parallel_loop3A_374, %parallel_loop3A_375, %parallel_loop3A_376] {strides = array<i32>} : memref<2x128x128xi32, #tpu.memory_space<vmem>>, vector<16xi32>,
        %parallel_loop3A_378 = vector.bitcast %parallel_loop3A_377 : vector<16xi32> to vector<32xbf16>
        %parallel_loop3A_379 = arith.mulf %parallel_loop3A_266, %parallel_loop3A_378 : vector<32xbf16>
        %parallel_loop3A_380 = arith.constant 16 : i32
        %parallel_loop3A_381 = arith.muli %parallel_loop3A_232, %parallel_loop3A_380 : i32
        %parallel_loop3A_382 = arith.constant 7 : i32
        %parallel_loop3A_383 = arith.addi %parallel_loop3A_381, %parallel_loop3A_382 : i32
        %parallel_loop3A_384 = arith.constant 0 : i32
        %parallel_loop3A_385 = arith.index_cast %parallel_loop3A_384 : i32 to index
        %parallel_loop3A_386 = arith.index_cast %parallel_loop3A_383 : i32 to index
        %parallel_loop3A_387 = arith.constant 0 : index
        %parallel_loop3A_388 = tpu.vector_load %arg8[%parallel_loop3A_385, %parallel_loop3A_386, %parallel_loop3A_387] {strides = array<i32>} : memref<2x128x128xi32, #tpu.memory_space<vmem>>, vector<16xi32>,
        %parallel_loop3A_389 = vector.bitcast %parallel_loop3A_388 : vector<16xi32> to vector<32xbf16>
        %parallel_loop3A_390 = arith.mulf %parallel_loop3A_270, %parallel_loop3A_389 : vector<32xbf16>
        %parallel_loop3A_391 = arith.constant 16 : i32
        %parallel_loop3A_392 = arith.muli %parallel_loop3A_232, %parallel_loop3A_391 : i32
        %parallel_loop3A_393 = arith.constant 8 : i32
        %parallel_loop3A_394 = arith.addi %parallel_loop3A_392, %parallel_loop3A_393 : i32
        %parallel_loop3A_395 = arith.constant 0 : i32
        %parallel_loop3A_396 = arith.index_cast %parallel_loop3A_395 : i32 to index
        %parallel_loop3A_397 = arith.index_cast %parallel_loop3A_394 : i32 to index
        %parallel_loop3A_398 = arith.constant 0 : index
        %parallel_loop3A_399 = tpu.vector_load %arg8[%parallel_loop3A_396, %parallel_loop3A_397, %parallel_loop3A_398] {strides = array<i32>} : memref<2x128x128xi32, #tpu.memory_space<vmem>>, vector<16xi32>,
        %parallel_loop3A_400 = vector.bitcast %parallel_loop3A_399 : vector<16xi32> to vector<32xbf16>
        %parallel_loop3A_401 = arith.mulf %parallel_loop3A_274, %parallel_loop3A_400 : vector<32xbf16>
        %parallel_loop3A_402 = arith.constant 16 : i32
        %parallel_loop3A_403 = arith.muli %parallel_loop3A_232, %parallel_loop3A_402 : i32
        %parallel_loop3A_404 = arith.constant 9 : i32
        %parallel_loop3A_405 = arith.addi %parallel_loop3A_403, %parallel_loop3A_404 : i32
        %parallel_loop3A_406 = arith.constant 0 : i32
        %parallel_loop3A_407 = arith.index_cast %parallel_loop3A_406 : i32 to index
        %parallel_loop3A_408 = arith.index_cast %parallel_loop3A_405 : i32 to index
        %parallel_loop3A_409 = arith.constant 0 : index
        %parallel_loop3A_410 = tpu.vector_load %arg8[%parallel_loop3A_407, %parallel_loop3A_408, %parallel_loop3A_409] {strides = array<i32>} : memref<2x128x128xi32, #tpu.memory_space<vmem>>, vector<16xi32>,
        %parallel_loop3A_411 = vector.bitcast %parallel_loop3A_410 : vector<16xi32> to vector<32xbf16>
        %parallel_loop3A_412 = arith.mulf %parallel_loop3A_278, %parallel_loop3A_411 : vector<32xbf16>
        %parallel_loop3A_413 = arith.constant 16 : i32
        %parallel_loop3A_414 = arith.muli %parallel_loop3A_232, %parallel_loop3A_413 : i32
        %parallel_loop3A_415 = arith.constant 10 : i32
        %parallel_loop3A_416 = arith.addi %parallel_loop3A_414, %parallel_loop3A_415 : i32
        %parallel_loop3A_417 = arith.constant 0 : i32
        %parallel_loop3A_418 = arith.index_cast %parallel_loop3A_417 : i32 to index
        %parallel_loop3A_419 = arith.index_cast %parallel_loop3A_416 : i32 to index
        %parallel_loop3A_420 = arith.constant 0 : index
        %parallel_loop3A_421 = tpu.vector_load %arg8[%parallel_loop3A_418, %parallel_loop3A_419, %parallel_loop3A_420] {strides = array<i32>} : memref<2x128x128xi32, #tpu.memory_space<vmem>>, vector<16xi32>,
        %parallel_loop3A_422 = vector.bitcast %parallel_loop3A_421 : vector<16xi32> to vector<32xbf16>
        %parallel_loop3A_423 = arith.mulf %parallel_loop3A_282, %parallel_loop3A_422 : vector<32xbf16>
        %parallel_loop3A_424 = arith.constant 16 : i32
        %parallel_loop3A_425 = arith.muli %parallel_loop3A_232, %parallel_loop3A_424 : i32
        %parallel_loop3A_426 = arith.constant 11 : i32
        %parallel_loop3A_427 = arith.addi %parallel_loop3A_425, %parallel_loop3A_426 : i32
        %parallel_loop3A_428 = arith.constant 0 : i32
        %parallel_loop3A_429 = arith.index_cast %parallel_loop3A_428 : i32 to index
        %parallel_loop3A_430 = arith.index_cast %parallel_loop3A_427 : i32 to index
        %parallel_loop3A_431 = arith.constant 0 : index
        %parallel_loop3A_432 = tpu.vector_load %arg8[%parallel_loop3A_429, %parallel_loop3A_430, %parallel_loop3A_431] {strides = array<i32>} : memref<2x128x128xi32, #tpu.memory_space<vmem>>, vector<16xi32>,
        %parallel_loop3A_433 = vector.bitcast %parallel_loop3A_432 : vector<16xi32> to vector<32xbf16>
        %parallel_loop3A_434 = arith.mulf %parallel_loop3A_286, %parallel_loop3A_433 : vector<32xbf16>
        %parallel_loop3A_435 = arith.constant 16 : i32
        %parallel_loop3A_436 = arith.muli %parallel_loop3A_232, %parallel_loop3A_435 : i32
        %parallel_loop3A_437 = arith.constant 12 : i32
        %parallel_loop3A_438 = arith.addi %parallel_loop3A_436, %parallel_loop3A_437 : i32
        %parallel_loop3A_439 = arith.constant 0 : i32
        %parallel_loop3A_440 = arith.index_cast %parallel_loop3A_439 : i32 to index
        %parallel_loop3A_441 = arith.index_cast %parallel_loop3A_438 : i32 to index
        %parallel_loop3A_442 = arith.constant 0 : index
        %parallel_loop3A_443 = tpu.vector_load %arg8[%parallel_loop3A_440, %parallel_loop3A_441, %parallel_loop3A_442] {strides = array<i32>} : memref<2x128x128xi32, #tpu.memory_space<vmem>>, vector<16xi32>,
        %parallel_loop3A_444 = vector.bitcast %parallel_loop3A_443 : vector<16xi32> to vector<32xbf16>
        %parallel_loop3A_445 = arith.mulf %parallel_loop3A_290, %parallel_loop3A_444 : vector<32xbf16>
        %parallel_loop3A_446 = arith.constant 16 : i32
        %parallel_loop3A_447 = arith.muli %parallel_loop3A_232, %parallel_loop3A_446 : i32
        %parallel_loop3A_448 = arith.constant 13 : i32
        %parallel_loop3A_449 = arith.addi %parallel_loop3A_447, %parallel_loop3A_448 : i32
        %parallel_loop3A_450 = arith.constant 0 : i32
        %parallel_loop3A_451 = arith.index_cast %parallel_loop3A_450 : i32 to index
        %parallel_loop3A_452 = arith.index_cast %parallel_loop3A_449 : i32 to index
        %parallel_loop3A_453 = arith.constant 0 : index
        %parallel_loop3A_454 = tpu.vector_load %arg8[%parallel_loop3A_451, %parallel_loop3A_452, %parallel_loop3A_453] {strides = array<i32>} : memref<2x128x128xi32, #tpu.memory_space<vmem>>, vector<16xi32>,
        %parallel_loop3A_455 = vector.bitcast %parallel_loop3A_454 : vector<16xi32> to vector<32xbf16>
        %parallel_loop3A_456 = arith.mulf %parallel_loop3A_294, %parallel_loop3A_455 : vector<32xbf16>
        %parallel_loop3A_457 = arith.constant 16 : i32
        %parallel_loop3A_458 = arith.muli %parallel_loop3A_232, %parallel_loop3A_457 : i32
        %parallel_loop3A_459 = arith.constant 14 : i32
        %parallel_loop3A_460 = arith.addi %parallel_loop3A_458, %parallel_loop3A_459 : i32
        %parallel_loop3A_461 = arith.constant 0 : i32
        %parallel_loop3A_462 = arith.index_cast %parallel_loop3A_461 : i32 to index
        %parallel_loop3A_463 = arith.index_cast %parallel_loop3A_460 : i32 to index
        %parallel_loop3A_464 = arith.constant 0 : index
        %parallel_loop3A_465 = tpu.vector_load %arg8[%parallel_loop3A_462, %parallel_loop3A_463, %parallel_loop3A_464] {strides = array<i32>} : memref<2x128x128xi32, #tpu.memory_space<vmem>>, vector<16xi32>,
        %parallel_loop3A_466 = vector.bitcast %parallel_loop3A_465 : vector<16xi32> to vector<32xbf16>
        %parallel_loop3A_467 = arith.mulf %parallel_loop3A_298, %parallel_loop3A_466 : vector<32xbf16>
        %parallel_loop3A_468 = arith.constant 16 : i32
        %parallel_loop3A_469 = arith.muli %parallel_loop3A_232, %parallel_loop3A_468 : i32
        %parallel_loop3A_470 = arith.constant 15 : i32
        %parallel_loop3A_471 = arith.addi %parallel_loop3A_469, %parallel_loop3A_470 : i32
        %parallel_loop3A_472 = arith.constant 0 : i32
        %parallel_loop3A_473 = arith.index_cast %parallel_loop3A_472 : i32 to index
        %parallel_loop3A_474 = arith.index_cast %parallel_loop3A_471 : i32 to index
        %parallel_loop3A_475 = arith.constant 0 : index
        %parallel_loop3A_476 = tpu.vector_load %arg8[%parallel_loop3A_473, %parallel_loop3A_474, %parallel_loop3A_475] {strides = array<i32>} : memref<2x128x128xi32, #tpu.memory_space<vmem>>, vector<16xi32>,
        %parallel_loop3A_477 = vector.bitcast %parallel_loop3A_476 : vector<16xi32> to vector<32xbf16>
        %parallel_loop3A_478 = arith.mulf %parallel_loop3A_302, %parallel_loop3A_477 : vector<32xbf16>
        %parallel_loop3A_479 = arith.addf %parallel_loop3A_313, %parallel_loop3A_324 : vector<32xbf16>
        %parallel_loop3A_480 = arith.addf %parallel_loop3A_335, %parallel_loop3A_346 : vector<32xbf16>
        %parallel_loop3A_481 = arith.addf %parallel_loop3A_357, %parallel_loop3A_368 : vector<32xbf16>
        %parallel_loop3A_482 = arith.addf %parallel_loop3A_379, %parallel_loop3A_390 : vector<32xbf16>
        %parallel_loop3A_483 = arith.addf %parallel_loop3A_401, %parallel_loop3A_412 : vector<32xbf16>
        %parallel_loop3A_484 = arith.addf %parallel_loop3A_423, %parallel_loop3A_434 : vector<32xbf16>
        %parallel_loop3A_485 = arith.addf %parallel_loop3A_445, %parallel_loop3A_456 : vector<32xbf16>
        %parallel_loop3A_486 = arith.addf %parallel_loop3A_467, %parallel_loop3A_478 : vector<32xbf16>
        %parallel_loop3A_487 = arith.addf %parallel_loop3A_479, %parallel_loop3A_480 : vector<32xbf16>
        %parallel_loop3A_488 = arith.addf %parallel_loop3A_481, %parallel_loop3A_482 : vector<32xbf16>
        %parallel_loop3A_489 = arith.addf %parallel_loop3A_483, %parallel_loop3A_484 : vector<32xbf16>
        %parallel_loop3A_490 = arith.addf %parallel_loop3A_485, %parallel_loop3A_486 : vector<32xbf16>
        %parallel_loop3A_491 = arith.addf %parallel_loop3A_487, %parallel_loop3A_488 : vector<32xbf16>
        %parallel_loop3A_492 = arith.addf %parallel_loop3A_489, %parallel_loop3A_490 : vector<32xbf16>
        %parallel_loop3A_493 = arith.addf %parallel_loop3A_491, %parallel_loop3A_492 : vector<32xbf16>
        %parallel_loop3A_494 = tpu.unpack_subelements %parallel_loop3A_493, 0 {pack_format = #tpu.pack_format<interleaved>} : vector<32xbf16> -> vector<16xf32>
        %parallel_loop3A_495 = tpu.unpack_subelements %parallel_loop3A_493, 1 {pack_format = #tpu.pack_format<interleaved>} : vector<32xbf16> -> vector<16xf32>
        %parallel_loop3A_496 = arith.constant 0 : i32
        %parallel_loop3A_497 = arith.index_cast %parallel_loop3A_496 : i32 to index
        %parallel_loop3A_498 = arith.index_cast %parallel_loop3A_232 : i32 to index
        %parallel_loop3A_499 = arith.constant 0 : index
        %parallel_loop3A_500 = tpu.vector_load %arg9[%parallel_loop3A_497, %parallel_loop3A_498, %parallel_loop3A_499] {strides = array<i32>} : memref<2x8x256xf32, #tpu.memory_space<vmem>>, vector<16xf32>,
        tpu.vector_store %arg9[%parallel_loop3A_497, %parallel_loop3A_498, %parallel_loop3A_499], %parallel_loop3A_494 {strides = array<i32>} : memref<2x8x256xf32, #tpu.memory_space<vmem>>, vector<16xf32>,
        %parallel_loop3A_501 = arith.constant 0 : i32
        %parallel_loop3A_502 = arith.index_cast %parallel_loop3A_501 : i32 to index
        %parallel_loop3A_503 = arith.index_cast %parallel_loop3A_232 : i32 to index
        %parallel_loop3A_504 = arith.constant 128 : index
        %parallel_loop3A_505 = tpu.vector_load %arg9[%parallel_loop3A_502, %parallel_loop3A_503, %parallel_loop3A_504] {strides = array<i32>} : memref<2x8x256xf32, #tpu.memory_space<vmem>>, vector<16xf32>,
        tpu.vector_store %arg9[%parallel_loop3A_502, %parallel_loop3A_503, %parallel_loop3A_504], %parallel_loop3A_495 {strides = array<i32>} : memref<2x8x256xf32, #tpu.memory_space<vmem>>, vector<16xf32>,
        %parallel_loop3A_506 = arith.constant 16 : i32
        %parallel_loop3A_507 = arith.muli %parallel_loop3A_232, %parallel_loop3A_506 : i32
        %parallel_loop3A_508 = arith.constant 0 : i32
        %parallel_loop3A_509 = arith.addi %parallel_loop3A_507, %parallel_loop3A_508 : i32
        %parallel_loop3A_510 = arith.constant 0 : i32
        %parallel_loop3A_511 = arith.index_cast %parallel_loop3A_510 : i32 to index
        %parallel_loop3A_512 = arith.index_cast %parallel_loop3A_509 : i32 to index
        %parallel_loop3A_513 = arith.constant 16 : index
        %parallel_loop3A_514 = tpu.vector_load %arg8[%parallel_loop3A_511, %parallel_loop3A_512, %parallel_loop3A_513] {strides = array<i32>} : memref<2x128x128xi32, #tpu.memory_space<vmem>>, vector<16xi32>,
        %parallel_loop3A_515 = vector.bitcast %parallel_loop3A_514 : vector<16xi32> to vector<32xbf16>
        %parallel_loop3A_516 = arith.mulf %parallel_loop3A_242, %parallel_loop3A_515 : vector<32xbf16>
        %parallel_loop3A_517 = arith.constant 16 : i32
        %parallel_loop3A_518 = arith.muli %parallel_loop3A_232, %parallel_loop3A_517 : i32
        %parallel_loop3A_519 = arith.constant 1 : i32
        %parallel_loop3A_520 = arith.addi %parallel_loop3A_518, %parallel_loop3A_519 : i32
        %parallel_loop3A_521 = arith.constant 0 : i32
        %parallel_loop3A_522 = arith.index_cast %parallel_loop3A_521 : i32 to index
        %parallel_loop3A_523 = arith.index_cast %parallel_loop3A_520 : i32 to index
        %parallel_loop3A_524 = arith.constant 16 : index
        %parallel_loop3A_525 = tpu.vector_load %arg8[%parallel_loop3A_522, %parallel_loop3A_523, %parallel_loop3A_524] {strides = array<i32>} : memref<2x128x128xi32, #tpu.memory_space<vmem>>, vector<16xi32>,
        %parallel_loop3A_526 = vector.bitcast %parallel_loop3A_525 : vector<16xi32> to vector<32xbf16>
        %parallel_loop3A_527 = arith.mulf %parallel_loop3A_246, %parallel_loop3A_526 : vector<32xbf16>
        %parallel_loop3A_528 = arith.constant 16 : i32
        %parallel_loop3A_529 = arith.muli %parallel_loop3A_232, %parallel_loop3A_528 : i32
        %parallel_loop3A_530 = arith.constant 2 : i32
        %parallel_loop3A_531 = arith.addi %parallel_loop3A_529, %parallel_loop3A_530 : i32
        %parallel_loop3A_532 = arith.constant 0 : i32
        %parallel_loop3A_533 = arith.index_cast %parallel_loop3A_532 : i32 to index
        %parallel_loop3A_534 = arith.index_cast %parallel_loop3A_531 : i32 to index
        %parallel_loop3A_535 = arith.constant 16 : index
        %parallel_loop3A_536 = tpu.vector_load %arg8[%parallel_loop3A_533, %parallel_loop3A_534, %parallel_loop3A_535] {strides = array<i32>} : memref<2x128x128xi32, #tpu.memory_space<vmem>>, vector<16xi32>,
        %parallel_loop3A_537 = vector.bitcast %parallel_loop3A_536 : vector<16xi32> to vector<32xbf16>
        %parallel_loop3A_538 = arith.mulf %parallel_loop3A_250, %parallel_loop3A_537 : vector<32xbf16>
        %parallel_loop3A_539 = arith.constant 16 : i32
        %parallel_loop3A_540 = arith.muli %parallel_loop3A_232, %parallel_loop3A_539 : i32
        %parallel_loop3A_541 = arith.constant 3 : i32
        %parallel_loop3A_542 = arith.addi %parallel_loop3A_540, %parallel_loop3A_541 : i32
        %parallel_loop3A_543 = arith.constant 0 : i32
        %parallel_loop3A_544 = arith.index_cast %parallel_loop3A_543 : i32 to index
        %parallel_loop3A_545 = arith.index_cast %parallel_loop3A_542 : i32 to index
        %parallel_loop3A_546 = arith.constant 16 : index
        %parallel_loop3A_547 = tpu.vector_load %arg8[%parallel_loop3A_544, %parallel_loop3A_545, %parallel_loop3A_546] {strides = array<i32>} : memref<2x128x128xi32, #tpu.memory_space<vmem>>, vector<16xi32>,
        %parallel_loop3A_548 = vector.bitcast %parallel_loop3A_547 : vector<16xi32> to vector<32xbf16>
        %parallel_loop3A_549 = arith.mulf %parallel_loop3A_254, %parallel_loop3A_548 : vector<32xbf16>
        %parallel_loop3A_550 = arith.constant 16 : i32
        %parallel_loop3A_551 = arith.muli %parallel_loop3A_232, %parallel_loop3A_550 : i32
        %parallel_loop3A_552 = arith.constant 4 : i32
        %parallel_loop3A_553 = arith.addi %parallel_loop3A_551, %parallel_loop3A_552 : i32
        %parallel_loop3A_554 = arith.constant 0 : i32
        %parallel_loop3A_555 = arith.index_cast %parallel_loop3A_554 : i32 to index
        %parallel_loop3A_556 = arith.index_cast %parallel_loop3A_553 : i32 to index
        %parallel_loop3A_557 = arith.constant 16 : index
        %parallel_loop3A_558 = tpu.vector_load %arg8[%parallel_loop3A_555, %parallel_loop3A_556, %parallel_loop3A_557] {strides = array<i32>} : memref<2x128x128xi32, #tpu.memory_space<vmem>>, vector<16xi32>,
        %parallel_loop3A_559 = vector.bitcast %parallel_loop3A_558 : vector<16xi32> to vector<32xbf16>
        %parallel_loop3A_560 = arith.mulf %parallel_loop3A_258, %parallel_loop3A_559 : vector<32xbf16>
        %parallel_loop3A_561 = arith.constant 16 : i32
        %parallel_loop3A_562 = arith.muli %parallel_loop3A_232, %parallel_loop3A_561 : i32
        %parallel_loop3A_563 = arith.constant 5 : i32
        %parallel_loop3A_564 = arith.addi %parallel_loop3A_562, %parallel_loop3A_563 : i32
        %parallel_loop3A_565 = arith.constant 0 : i32
        %parallel_loop3A_566 = arith.index_cast %parallel_loop3A_565 : i32 to index
        %parallel_loop3A_567 = arith.index_cast %parallel_loop3A_564 : i32 to index
        %parallel_loop3A_568 = arith.constant 16 : index
        %parallel_loop3A_569 = tpu.vector_load %arg8[%parallel_loop3A_566, %parallel_loop3A_567, %parallel_loop3A_568] {strides = array<i32>} : memref<2x128x128xi32, #tpu.memory_space<vmem>>, vector<16xi32>,
        %parallel_loop3A_570 = vector.bitcast %parallel_loop3A_569 : vector<16xi32> to vector<32xbf16>
        %parallel_loop3A_571 = arith.mulf %parallel_loop3A_262, %parallel_loop3A_570 : vector<32xbf16>
        %parallel_loop3A_572 = arith.constant 16 : i32
        %parallel_loop3A_573 = arith.muli %parallel_loop3A_232, %parallel_loop3A_572 : i32
        %parallel_loop3A_574 = arith.constant 6 : i32
        %parallel_loop3A_575 = arith.addi %parallel_loop3A_573, %parallel_loop3A_574 : i32
        %parallel_loop3A_576 = arith.constant 0 : i32
        %parallel_loop3A_577 = arith.index_cast %parallel_loop3A_576 : i32 to index
        %parallel_loop3A_578 = arith.index_cast %parallel_loop3A_575 : i32 to index
        %parallel_loop3A_579 = arith.constant 16 : index
        %parallel_loop3A_580 = tpu.vector_load %arg8[%parallel_loop3A_577, %parallel_loop3A_578, %parallel_loop3A_579] {strides = array<i32>} : memref<2x128x128xi32, #tpu.memory_space<vmem>>, vector<16xi32>,
        %parallel_loop3A_581 = vector.bitcast %parallel_loop3A_580 : vector<16xi32> to vector<32xbf16>
        %parallel_loop3A_582 = arith.mulf %parallel_loop3A_266, %parallel_loop3A_581 : vector<32xbf16>
        %parallel_loop3A_583 = arith.constant 16 : i32
        %parallel_loop3A_584 = arith.muli %parallel_loop3A_232, %parallel_loop3A_583 : i32
        %parallel_loop3A_585 = arith.constant 7 : i32
        %parallel_loop3A_586 = arith.addi %parallel_loop3A_584, %parallel_loop3A_585 : i32
        %parallel_loop3A_587 = arith.constant 0 : i32
        %parallel_loop3A_588 = arith.index_cast %parallel_loop3A_587 : i32 to index
        %parallel_loop3A_589 = arith.index_cast %parallel_loop3A_586 : i32 to index
        %parallel_loop3A_590 = arith.constant 16 : index
        %parallel_loop3A_591 = tpu.vector_load %arg8[%parallel_loop3A_588, %parallel_loop3A_589, %parallel_loop3A_590] {strides = array<i32>} : memref<2x128x128xi32, #tpu.memory_space<vmem>>, vector<16xi32>,
        %parallel_loop3A_592 = vector.bitcast %parallel_loop3A_591 : vector<16xi32> to vector<32xbf16>
        %parallel_loop3A_593 = arith.mulf %parallel_loop3A_270, %parallel_loop3A_592 : vector<32xbf16>
        %parallel_loop3A_594 = arith.constant 16 : i32
        %parallel_loop3A_595 = arith.muli %parallel_loop3A_232, %parallel_loop3A_594 : i32
        %parallel_loop3A_596 = arith.constant 8 : i32
        %parallel_loop3A_597 = arith.addi %parallel_loop3A_595, %parallel_loop3A_596 : i32
        %parallel_loop3A_598 = arith.constant 0 : i32
        %parallel_loop3A_599 = arith.index_cast %parallel_loop3A_598 : i32 to index
        %parallel_loop3A_600 = arith.index_cast %parallel_loop3A_597 : i32 to index
        %parallel_loop3A_601 = arith.constant 16 : index
        %parallel_loop3A_602 = tpu.vector_load %arg8[%parallel_loop3A_599, %parallel_loop3A_600, %parallel_loop3A_601] {strides = array<i32>} : memref<2x128x128xi32, #tpu.memory_space<vmem>>, vector<16xi32>,
        %parallel_loop3A_603 = vector.bitcast %parallel_loop3A_602 : vector<16xi32> to vector<32xbf16>
        %parallel_loop3A_604 = arith.mulf %parallel_loop3A_274, %parallel_loop3A_603 : vector<32xbf16>
        %parallel_loop3A_605 = arith.constant 16 : i32
        %parallel_loop3A_606 = arith.muli %parallel_loop3A_232, %parallel_loop3A_605 : i32
        %parallel_loop3A_607 = arith.constant 9 : i32
        %parallel_loop3A_608 = arith.addi %parallel_loop3A_606, %parallel_loop3A_607 : i32
        %parallel_loop3A_609 = arith.constant 0 : i32
        %parallel_loop3A_610 = arith.index_cast %parallel_loop3A_609 : i32 to index
        %parallel_loop3A_611 = arith.index_cast %parallel_loop3A_608 : i32 to index
        %parallel_loop3A_612 = arith.constant 16 : index
        %parallel_loop3A_613 = tpu.vector_load %arg8[%parallel_loop3A_610, %parallel_loop3A_611, %parallel_loop3A_612] {strides = array<i32>} : memref<2x128x128xi32, #tpu.memory_space<vmem>>, vector<16xi32>,
        %parallel_loop3A_614 = vector.bitcast %parallel_loop3A_613 : vector<16xi32> to vector<32xbf16>
        %parallel_loop3A_615 = arith.mulf %parallel_loop3A_278, %parallel_loop3A_614 : vector<32xbf16>
        %parallel_loop3A_616 = arith.constant 16 : i32
        %parallel_loop3A_617 = arith.muli %parallel_loop3A_232, %parallel_loop3A_616 : i32
        %parallel_loop3A_618 = arith.constant 10 : i32
        %parallel_loop3A_619 = arith.addi %parallel_loop3A_617, %parallel_loop3A_618 : i32
        %parallel_loop3A_620 = arith.constant 0 : i32
        %parallel_loop3A_621 = arith.index_cast %parallel_loop3A_620 : i32 to index
        %parallel_loop3A_622 = arith.index_cast %parallel_loop3A_619 : i32 to index
        %parallel_loop3A_623 = arith.constant 16 : index
        %parallel_loop3A_624 = tpu.vector_load %arg8[%parallel_loop3A_621, %parallel_loop3A_622, %parallel_loop3A_623] {strides = array<i32>} : memref<2x128x128xi32, #tpu.memory_space<vmem>>, vector<16xi32>,
        %parallel_loop3A_625 = vector.bitcast %parallel_loop3A_624 : vector<16xi32> to vector<32xbf16>
        %parallel_loop3A_626 = arith.mulf %parallel_loop3A_282, %parallel_loop3A_625 : vector<32xbf16>
        %parallel_loop3A_627 = arith.constant 16 : i32
        %parallel_loop3A_628 = arith.muli %parallel_loop3A_232, %parallel_loop3A_627 : i32
        %parallel_loop3A_629 = arith.constant 11 : i32
        %parallel_loop3A_630 = arith.addi %parallel_loop3A_628, %parallel_loop3A_629 : i32
        %parallel_loop3A_631 = arith.constant 0 : i32
        %parallel_loop3A_632 = arith.index_cast %parallel_loop3A_631 : i32 to index
        %parallel_loop3A_633 = arith.index_cast %parallel_loop3A_630 : i32 to index
        %parallel_loop3A_634 = arith.constant 16 : index
        %parallel_loop3A_635 = tpu.vector_load %arg8[%parallel_loop3A_632, %parallel_loop3A_633, %parallel_loop3A_634] {strides = array<i32>} : memref<2x128x128xi32, #tpu.memory_space<vmem>>, vector<16xi32>,
        %parallel_loop3A_636 = vector.bitcast %parallel_loop3A_635 : vector<16xi32> to vector<32xbf16>
        %parallel_loop3A_637 = arith.mulf %parallel_loop3A_286, %parallel_loop3A_636 : vector<32xbf16>
        %parallel_loop3A_638 = arith.constant 16 : i32
        %parallel_loop3A_639 = arith.muli %parallel_loop3A_232, %parallel_loop3A_638 : i32
        %parallel_loop3A_640 = arith.constant 12 : i32
        %parallel_loop3A_641 = arith.addi %parallel_loop3A_639, %parallel_loop3A_640 : i32
        %parallel_loop3A_642 = arith.constant 0 : i32
        %parallel_loop3A_643 = arith.index_cast %parallel_loop3A_642 : i32 to index
        %parallel_loop3A_644 = arith.index_cast %parallel_loop3A_641 : i32 to index
        %parallel_loop3A_645 = arith.constant 16 : index
        %parallel_loop3A_646 = tpu.vector_load %arg8[%parallel_loop3A_643, %parallel_loop3A_644, %parallel_loop3A_645] {strides = array<i32>} : memref<2x128x128xi32, #tpu.memory_space<vmem>>, vector<16xi32>,
        %parallel_loop3A_647 = vector.bitcast %parallel_loop3A_646 : vector<16xi32> to vector<32xbf16>
        %parallel_loop3A_648 = arith.mulf %parallel_loop3A_290, %parallel_loop3A_647 : vector<32xbf16>
        %parallel_loop3A_649 = arith.constant 16 : i32
        %parallel_loop3A_650 = arith.muli %parallel_loop3A_232, %parallel_loop3A_649 : i32
        %parallel_loop3A_651 = arith.constant 13 : i32
        %parallel_loop3A_652 = arith.addi %parallel_loop3A_650, %parallel_loop3A_651 : i32
        %parallel_loop3A_653 = arith.constant 0 : i32
        %parallel_loop3A_654 = arith.index_cast %parallel_loop3A_653 : i32 to index
        %parallel_loop3A_655 = arith.index_cast %parallel_loop3A_652 : i32 to index
        %parallel_loop3A_656 = arith.constant 16 : index
        %parallel_loop3A_657 = tpu.vector_load %arg8[%parallel_loop3A_654, %parallel_loop3A_655, %parallel_loop3A_656] {strides = array<i32>} : memref<2x128x128xi32, #tpu.memory_space<vmem>>, vector<16xi32>,
        %parallel_loop3A_658 = vector.bitcast %parallel_loop3A_657 : vector<16xi32> to vector<32xbf16>
        %parallel_loop3A_659 = arith.mulf %parallel_loop3A_294, %parallel_loop3A_658 : vector<32xbf16>
        %parallel_loop3A_660 = arith.constant 16 : i32
        %parallel_loop3A_661 = arith.muli %parallel_loop3A_232, %parallel_loop3A_660 : i32
        %parallel_loop3A_662 = arith.constant 14 : i32
        %parallel_loop3A_663 = arith.addi %parallel_loop3A_661, %parallel_loop3A_662 : i32
        %parallel_loop3A_664 = arith.constant 0 : i32
        %parallel_loop3A_665 = arith.index_cast %parallel_loop3A_664 : i32 to index
        %parallel_loop3A_666 = arith.index_cast %parallel_loop3A_663 : i32 to index
        %parallel_loop3A_667 = arith.constant 16 : index
        %parallel_loop3A_668 = tpu.vector_load %arg8[%parallel_loop3A_665, %parallel_loop3A_666, %parallel_loop3A_667] {strides = array<i32>} : memref<2x128x128xi32, #tpu.memory_space<vmem>>, vector<16xi32>,
        %parallel_loop3A_669 = vector.bitcast %parallel_loop3A_668 : vector<16xi32> to vector<32xbf16>
        %parallel_loop3A_670 = arith.mulf %parallel_loop3A_298, %parallel_loop3A_669 : vector<32xbf16>
        %parallel_loop3A_671 = arith.constant 16 : i32
        %parallel_loop3A_672 = arith.muli %parallel_loop3A_232, %parallel_loop3A_671 : i32
        %parallel_loop3A_673 = arith.constant 15 : i32
        %parallel_loop3A_674 = arith.addi %parallel_loop3A_672, %parallel_loop3A_673 : i32
        %parallel_loop3A_675 = arith.constant 0 : i32
        %parallel_loop3A_676 = arith.index_cast %parallel_loop3A_675 : i32 to index
        %parallel_loop3A_677 = arith.index_cast %parallel_loop3A_674 : i32 to index
        %parallel_loop3A_678 = arith.constant 16 : index
        %parallel_loop3A_679 = tpu.vector_load %arg8[%parallel_loop3A_676, %parallel_loop3A_677, %parallel_loop3A_678] {strides = array<i32>} : memref<2x128x128xi32, #tpu.memory_space<vmem>>, vector<16xi32>,
        %parallel_loop3A_680 = vector.bitcast %parallel_loop3A_679 : vector<16xi32> to vector<32xbf16>
        %parallel_loop3A_681 = arith.mulf %parallel_loop3A_302, %parallel_loop3A_680 : vector<32xbf16>
        %parallel_loop3A_682 = arith.addf %parallel_loop3A_516, %parallel_loop3A_527 : vector<32xbf16>
        %parallel_loop3A_683 = arith.addf %parallel_loop3A_538, %parallel_loop3A_549 : vector<32xbf16>
        %parallel_loop3A_684 = arith.addf %parallel_loop3A_560, %parallel_loop3A_571 : vector<32xbf16>
        %parallel_loop3A_685 = arith.addf %parallel_loop3A_582, %parallel_loop3A_593 : vector<32xbf16>
        %parallel_loop3A_686 = arith.addf %parallel_loop3A_604, %parallel_loop3A_615 : vector<32xbf16>
        %parallel_loop3A_687 = arith.addf %parallel_loop3A_626, %parallel_loop3A_637 : vector<32xbf16>
        %parallel_loop3A_688 = arith.addf %parallel_loop3A_648, %parallel_loop3A_659 : vector<32xbf16>
        %parallel_loop3A_689 = arith.addf %parallel_loop3A_670, %parallel_loop3A_681 : vector<32xbf16>
        %parallel_loop3A_690 = arith.addf %parallel_loop3A_682, %parallel_loop3A_683 : vector<32xbf16>
        %parallel_loop3A_691 = arith.addf %parallel_loop3A_684, %parallel_loop3A_685 : vector<32xbf16>
        %parallel_loop3A_692 = arith.addf %parallel_loop3A_686, %parallel_loop3A_687 : vector<32xbf16>
        %parallel_loop3A_693 = arith.addf %parallel_loop3A_688, %parallel_loop3A_689 : vector<32xbf16>
        %parallel_loop3A_694 = arith.addf %parallel_loop3A_690, %parallel_loop3A_691 : vector<32xbf16>
        %parallel_loop3A_695 = arith.addf %parallel_loop3A_692, %parallel_loop3A_693 : vector<32xbf16>
        %parallel_loop3A_696 = arith.addf %parallel_loop3A_694, %parallel_loop3A_695 : vector<32xbf16>
        %parallel_loop3A_697 = tpu.unpack_subelements %parallel_loop3A_696, 0 {pack_format = #tpu.pack_format<interleaved>} : vector<32xbf16> -> vector<16xf32>
        %parallel_loop3A_698 = tpu.unpack_subelements %parallel_loop3A_696, 1 {pack_format = #tpu.pack_format<interleaved>} : vector<32xbf16> -> vector<16xf32>
        %parallel_loop3A_699 = arith.constant 0 : i32
        %parallel_loop3A_700 = arith.index_cast %parallel_loop3A_699 : i32 to index
        %parallel_loop3A_701 = arith.index_cast %parallel_loop3A_232 : i32 to index
        %parallel_loop3A_702 = arith.constant 16 : index
        %parallel_loop3A_703 = tpu.vector_load %arg9[%parallel_loop3A_700, %parallel_loop3A_701, %parallel_loop3A_702] {strides = array<i32>} : memref<2x8x256xf32, #tpu.memory_space<vmem>>, vector<16xf32>,
        tpu.vector_store %arg9[%parallel_loop3A_700, %parallel_loop3A_701, %parallel_loop3A_702], %parallel_loop3A_697 {strides = array<i32>} : memref<2x8x256xf32, #tpu.memory_space<vmem>>, vector<16xf32>,
        %parallel_loop3A_704 = arith.constant 0 : i32
        %parallel_loop3A_705 = arith.index_cast %parallel_loop3A_704 : i32 to index
        %parallel_loop3A_706 = arith.index_cast %parallel_loop3A_232 : i32 to index
        %parallel_loop3A_707 = arith.constant 144 : index
        %parallel_loop3A_708 = tpu.vector_load %arg9[%parallel_loop3A_705, %parallel_loop3A_706, %parallel_loop3A_707] {strides = array<i32>} : memref<2x8x256xf32, #tpu.memory_space<vmem>>, vector<16xf32>,
        tpu.vector_store %arg9[%parallel_loop3A_705, %parallel_loop3A_706, %parallel_loop3A_707], %parallel_loop3A_698 {strides = array<i32>} : memref<2x8x256xf32, #tpu.memory_space<vmem>>, vector<16xf32>,
        %parallel_loop3A_709 = arith.constant 16 : i32
        %parallel_loop3A_710 = arith.muli %parallel_loop3A_232, %parallel_loop3A_709 : i32
        %parallel_loop3A_711 = arith.constant 0 : i32
        %parallel_loop3A_712 = arith.addi %parallel_loop3A_710, %parallel_loop3A_711 : i32
        %parallel_loop3A_713 = arith.constant 0 : i32
        %parallel_loop3A_714 = arith.index_cast %parallel_loop3A_713 : i32 to index
        %parallel_loop3A_715 = arith.index_cast %parallel_loop3A_712 : i32 to index
        %parallel_loop3A_716 = arith.constant 32 : index
        %parallel_loop3A_717 = tpu.vector_load %arg8[%parallel_loop3A_714, %parallel_loop3A_715, %parallel_loop3A_716] {strides = array<i32>} : memref<2x128x128xi32, #tpu.memory_space<vmem>>, vector<16xi32>,
        %parallel_loop3A_718 = vector.bitcast %parallel_loop3A_717 : vector<16xi32> to vector<32xbf16>
        %parallel_loop3A_719 = arith.mulf %parallel_loop3A_242, %parallel_loop3A_718 : vector<32xbf16>
        %parallel_loop3A_720 = arith.constant 16 : i32
        %parallel_loop3A_721 = arith.muli %parallel_loop3A_232, %parallel_loop3A_720 : i32
        %parallel_loop3A_722 = arith.constant 1 : i32
        %parallel_loop3A_723 = arith.addi %parallel_loop3A_721, %parallel_loop3A_722 : i32
        %parallel_loop3A_724 = arith.constant 0 : i32
        %parallel_loop3A_725 = arith.index_cast %parallel_loop3A_724 : i32 to index
        %parallel_loop3A_726 = arith.index_cast %parallel_loop3A_723 : i32 to index
        %parallel_loop3A_727 = arith.constant 32 : index
        %parallel_loop3A_728 = tpu.vector_load %arg8[%parallel_loop3A_725, %parallel_loop3A_726, %parallel_loop3A_727] {strides = array<i32>} : memref<2x128x128xi32, #tpu.memory_space<vmem>>, vector<16xi32>,
        %parallel_loop3A_729 = vector.bitcast %parallel_loop3A_728 : vector<16xi32> to vector<32xbf16>
        %parallel_loop3A_730 = arith.mulf %parallel_loop3A_246, %parallel_loop3A_729 : vector<32xbf16>
        %parallel_loop3A_731 = arith.constant 16 : i32
        %parallel_loop3A_732 = arith.muli %parallel_loop3A_232, %parallel_loop3A_731 : i32
        %parallel_loop3A_733 = arith.constant 2 : i32
        %parallel_loop3A_734 = arith.addi %parallel_loop3A_732, %parallel_loop3A_733 : i32
        %parallel_loop3A_735 = arith.constant 0 : i32
        %parallel_loop3A_736 = arith.index_cast %parallel_loop3A_735 : i32 to index
        %parallel_loop3A_737 = arith.index_cast %parallel_loop3A_734 : i32 to index
        %parallel_loop3A_738 = arith.constant 32 : index
        %parallel_loop3A_739 = tpu.vector_load %arg8[%parallel_loop3A_736, %parallel_loop3A_737, %parallel_loop3A_738] {strides = array<i32>} : memref<2x128x128xi32, #tpu.memory_space<vmem>>, vector<16xi32>,
        %parallel_loop3A_740 = vector.bitcast %parallel_loop3A_739 : vector<16xi32> to vector<32xbf16>
        %parallel_loop3A_741 = arith.mulf %parallel_loop3A_250, %parallel_loop3A_740 : vector<32xbf16>
        %parallel_loop3A_742 = arith.constant 16 : i32
        %parallel_loop3A_743 = arith.muli %parallel_loop3A_232, %parallel_loop3A_742 : i32
        %parallel_loop3A_744 = arith.constant 3 : i32
        %parallel_loop3A_745 = arith.addi %parallel_loop3A_743, %parallel_loop3A_744 : i32
        %parallel_loop3A_746 = arith.constant 0 : i32
        %parallel_loop3A_747 = arith.index_cast %parallel_loop3A_746 : i32 to index
        %parallel_loop3A_748 = arith.index_cast %parallel_loop3A_745 : i32 to index
        %parallel_loop3A_749 = arith.constant 32 : index
        %parallel_loop3A_750 = tpu.vector_load %arg8[%parallel_loop3A_747, %parallel_loop3A_748, %parallel_loop3A_749] {strides = array<i32>} : memref<2x128x128xi32, #tpu.memory_space<vmem>>, vector<16xi32>,
        %parallel_loop3A_751 = vector.bitcast %parallel_loop3A_750 : vector<16xi32> to vector<32xbf16>
        %parallel_loop3A_752 = arith.mulf %parallel_loop3A_254, %parallel_loop3A_751 : vector<32xbf16>
        %parallel_loop3A_753 = arith.constant 16 : i32
        %parallel_loop3A_754 = arith.muli %parallel_loop3A_232, %parallel_loop3A_753 : i32
        %parallel_loop3A_755 = arith.constant 4 : i32
        %parallel_loop3A_756 = arith.addi %parallel_loop3A_754, %parallel_loop3A_755 : i32
        %parallel_loop3A_757 = arith.constant 0 : i32
        %parallel_loop3A_758 = arith.index_cast %parallel_loop3A_757 : i32 to index
        %parallel_loop3A_759 = arith.index_cast %parallel_loop3A_756 : i32 to index
        %parallel_loop3A_760 = arith.constant 32 : index
        %parallel_loop3A_761 = tpu.vector_load %arg8[%parallel_loop3A_758, %parallel_loop3A_759, %parallel_loop3A_760] {strides = array<i32>} : memref<2x128x128xi32, #tpu.memory_space<vmem>>, vector<16xi32>,
        %parallel_loop3A_762 = vector.bitcast %parallel_loop3A_761 : vector<16xi32> to vector<32xbf16>
        %parallel_loop3A_763 = arith.mulf %parallel_loop3A_258, %parallel_loop3A_762 : vector<32xbf16>
        %parallel_loop3A_764 = arith.constant 16 : i32
        %parallel_loop3A_765 = arith.muli %parallel_loop3A_232, %parallel_loop3A_764 : i32
        %parallel_loop3A_766 = arith.constant 5 : i32
        %parallel_loop3A_767 = arith.addi %parallel_loop3A_765, %parallel_loop3A_766 : i32
        %parallel_loop3A_768 = arith.constant 0 : i32
        %parallel_loop3A_769 = arith.index_cast %parallel_loop3A_768 : i32 to index
        %parallel_loop3A_770 = arith.index_cast %parallel_loop3A_767 : i32 to index
        %parallel_loop3A_771 = arith.constant 32 : index
        %parallel_loop3A_772 = tpu.vector_load %arg8[%parallel_loop3A_769, %parallel_loop3A_770, %parallel_loop3A_771] {strides = array<i32>} : memref<2x128x128xi32, #tpu.memory_space<vmem>>, vector<16xi32>,
        %parallel_loop3A_773 = vector.bitcast %parallel_loop3A_772 : vector<16xi32> to vector<32xbf16>
        %parallel_loop3A_774 = arith.mulf %parallel_loop3A_262, %parallel_loop3A_773 : vector<32xbf16>
        %parallel_loop3A_775 = arith.constant 16 : i32
        %parallel_loop3A_776 = arith.muli %parallel_loop3A_232, %parallel_loop3A_775 : i32
        %parallel_loop3A_777 = arith.constant 6 : i32
        %parallel_loop3A_778 = arith.addi %parallel_loop3A_776, %parallel_loop3A_777 : i32
        %parallel_loop3A_779 = arith.constant 0 : i32
        %parallel_loop3A_780 = arith.index_cast %parallel_loop3A_779 : i32 to index
        %parallel_loop3A_781 = arith.index_cast %parallel_loop3A_778 : i32 to index
        %parallel_loop3A_782 = arith.constant 32 : index
        %parallel_loop3A_783 = tpu.vector_load %arg8[%parallel_loop3A_780, %parallel_loop3A_781, %parallel_loop3A_782] {strides = array<i32>} : memref<2x128x128xi32, #tpu.memory_space<vmem>>, vector<16xi32>,
        %parallel_loop3A_784 = vector.bitcast %parallel_loop3A_783 : vector<16xi32> to vector<32xbf16>
        %parallel_loop3A_785 = arith.mulf %parallel_loop3A_266, %parallel_loop3A_784 : vector<32xbf16>
        %parallel_loop3A_786 = arith.constant 16 : i32
        %parallel_loop3A_787 = arith.muli %parallel_loop3A_232, %parallel_loop3A_786 : i32
        %parallel_loop3A_788 = arith.constant 7 : i32
        %parallel_loop3A_789 = arith.addi %parallel_loop3A_787, %parallel_loop3A_788 : i32
        %parallel_loop3A_790 = arith.constant 0 : i32
        %parallel_loop3A_791 = arith.index_cast %parallel_loop3A_790 : i32 to index
        %parallel_loop3A_792 = arith.index_cast %parallel_loop3A_789 : i32 to index
        %parallel_loop3A_793 = arith.constant 32 : index
        %parallel_loop3A_794 = tpu.vector_load %arg8[%parallel_loop3A_791, %parallel_loop3A_792, %parallel_loop3A_793] {strides = array<i32>} : memref<2x128x128xi32, #tpu.memory_space<vmem>>, vector<16xi32>,
        %parallel_loop3A_795 = vector.bitcast %parallel_loop3A_794 : vector<16xi32> to vector<32xbf16>
        %parallel_loop3A_796 = arith.mulf %parallel_loop3A_270, %parallel_loop3A_795 : vector<32xbf16>
        %parallel_loop3A_797 = arith.constant 16 : i32
        %parallel_loop3A_798 = arith.muli %parallel_loop3A_232, %parallel_loop3A_797 : i32
        %parallel_loop3A_799 = arith.constant 8 : i32
        %parallel_loop3A_800 = arith.addi %parallel_loop3A_798, %parallel_loop3A_799 : i32
        %parallel_loop3A_801 = arith.constant 0 : i32
        %parallel_loop3A_802 = arith.index_cast %parallel_loop3A_801 : i32 to index
        %parallel_loop3A_803 = arith.index_cast %parallel_loop3A_800 : i32 to index
        %parallel_loop3A_804 = arith.constant 32 : index
        %parallel_loop3A_805 = tpu.vector_load %arg8[%parallel_loop3A_802, %parallel_loop3A_803, %parallel_loop3A_804] {strides = array<i32>} : memref<2x128x128xi32, #tpu.memory_space<vmem>>, vector<16xi32>,
        %parallel_loop3A_806 = vector.bitcast %parallel_loop3A_805 : vector<16xi32> to vector<32xbf16>
        %parallel_loop3A_807 = arith.mulf %parallel_loop3A_274, %parallel_loop3A_806 : vector<32xbf16>
        %parallel_loop3A_808 = arith.constant 16 : i32
        %parallel_loop3A_809 = arith.muli %parallel_loop3A_232, %parallel_loop3A_808 : i32
        %parallel_loop3A_810 = arith.constant 9 : i32
        %parallel_loop3A_811 = arith.addi %parallel_loop3A_809, %parallel_loop3A_810 : i32
        %parallel_loop3A_812 = arith.constant 0 : i32
        %parallel_loop3A_813 = arith.index_cast %parallel_loop3A_812 : i32 to index
        %parallel_loop3A_814 = arith.index_cast %parallel_loop3A_811 : i32 to index
        %parallel_loop3A_815 = arith.constant 32 : index
        %parallel_loop3A_816 = tpu.vector_load %arg8[%parallel_loop3A_813, %parallel_loop3A_814, %parallel_loop3A_815] {strides = array<i32>} : memref<2x128x128xi32, #tpu.memory_space<vmem>>, vector<16xi32>,
        %parallel_loop3A_817 = vector.bitcast %parallel_loop3A_816 : vector<16xi32> to vector<32xbf16>
        %parallel_loop3A_818 = arith.mulf %parallel_loop3A_278, %parallel_loop3A_817 : vector<32xbf16>
        %parallel_loop3A_819 = arith.constant 16 : i32
        %parallel_loop3A_820 = arith.muli %parallel_loop3A_232, %parallel_loop3A_819 : i32
        %parallel_loop3A_821 = arith.constant 10 : i32
        %parallel_loop3A_822 = arith.addi %parallel_loop3A_820, %parallel_loop3A_821 : i32
        %parallel_loop3A_823 = arith.constant 0 : i32
        %parallel_loop3A_824 = arith.index_cast %parallel_loop3A_823 : i32 to index
        %parallel_loop3A_825 = arith.index_cast %parallel_loop3A_822 : i32 to index
        %parallel_loop3A_826 = arith.constant 32 : index
        %parallel_loop3A_827 = tpu.vector_load %arg8[%parallel_loop3A_824, %parallel_loop3A_825, %parallel_loop3A_826] {strides = array<i32>} : memref<2x128x128xi32, #tpu.memory_space<vmem>>, vector<16xi32>,
        %parallel_loop3A_828 = vector.bitcast %parallel_loop3A_827 : vector<16xi32> to vector<32xbf16>
        %parallel_loop3A_829 = arith.mulf %parallel_loop3A_282, %parallel_loop3A_828 : vector<32xbf16>
        %parallel_loop3A_830 = arith.constant 16 : i32
        %parallel_loop3A_831 = arith.muli %parallel_loop3A_232, %parallel_loop3A_830 : i32
        %parallel_loop3A_832 = arith.constant 11 : i32
        %parallel_loop3A_833 = arith.addi %parallel_loop3A_831, %parallel_loop3A_832 : i32
        %parallel_loop3A_834 = arith.constant 0 : i32
        %parallel_loop3A_835 = arith.index_cast %parallel_loop3A_834 : i32 to index
        %parallel_loop3A_836 = arith.index_cast %parallel_loop3A_833 : i32 to index
        %parallel_loop3A_837 = arith.constant 32 : index
        %parallel_loop3A_838 = tpu.vector_load %arg8[%parallel_loop3A_835, %parallel_loop3A_836, %parallel_loop3A_837] {strides = array<i32>} : memref<2x128x128xi32, #tpu.memory_space<vmem>>, vector<16xi32>,
        %parallel_loop3A_839 = vector.bitcast %parallel_loop3A_838 : vector<16xi32> to vector<32xbf16>
        %parallel_loop3A_840 = arith.mulf %parallel_loop3A_286, %parallel_loop3A_839 : vector<32xbf16>
        %parallel_loop3A_841 = arith.constant 16 : i32
        %parallel_loop3A_842 = arith.muli %parallel_loop3A_232, %parallel_loop3A_841 : i32
        %parallel_loop3A_843 = arith.constant 12 : i32
        %parallel_loop3A_844 = arith.addi %parallel_loop3A_842, %parallel_loop3A_843 : i32
        %parallel_loop3A_845 = arith.constant 0 : i32
        %parallel_loop3A_846 = arith.index_cast %parallel_loop3A_845 : i32 to index
        %parallel_loop3A_847 = arith.index_cast %parallel_loop3A_844 : i32 to index
        %parallel_loop3A_848 = arith.constant 32 : index
        %parallel_loop3A_849 = tpu.vector_load %arg8[%parallel_loop3A_846, %parallel_loop3A_847, %parallel_loop3A_848] {strides = array<i32>} : memref<2x128x128xi32, #tpu.memory_space<vmem>>, vector<16xi32>,
        %parallel_loop3A_850 = vector.bitcast %parallel_loop3A_849 : vector<16xi32> to vector<32xbf16>
        %parallel_loop3A_851 = arith.mulf %parallel_loop3A_290, %parallel_loop3A_850 : vector<32xbf16>
        %parallel_loop3A_852 = arith.constant 16 : i32
        %parallel_loop3A_853 = arith.muli %parallel_loop3A_232, %parallel_loop3A_852 : i32
        %parallel_loop3A_854 = arith.constant 13 : i32
        %parallel_loop3A_855 = arith.addi %parallel_loop3A_853, %parallel_loop3A_854 : i32
        %parallel_loop3A_856 = arith.constant 0 : i32
        %parallel_loop3A_857 = arith.index_cast %parallel_loop3A_856 : i32 to index
        %parallel_loop3A_858 = arith.index_cast %parallel_loop3A_855 : i32 to index
        %parallel_loop3A_859 = arith.constant 32 : index
        %parallel_loop3A_860 = tpu.vector_load %arg8[%parallel_loop3A_857, %parallel_loop3A_858, %parallel_loop3A_859] {strides = array<i32>} : memref<2x128x128xi32, #tpu.memory_space<vmem>>, vector<16xi32>,
        %parallel_loop3A_861 = vector.bitcast %parallel_loop3A_860 : vector<16xi32> to vector<32xbf16>
        %parallel_loop3A_862 = arith.mulf %parallel_loop3A_294, %parallel_loop3A_861 : vector<32xbf16>
        %parallel_loop3A_863 = arith.constant 16 : i32
        %parallel_loop3A_864 = arith.muli %parallel_loop3A_232, %parallel_loop3A_863 : i32
        %parallel_loop3A_865 = arith.constant 14 : i32
        %parallel_loop3A_866 = arith.addi %parallel_loop3A_864, %parallel_loop3A_865 : i32
        %parallel_loop3A_867 = arith.constant 0 : i32
        %parallel_loop3A_868 = arith.index_cast %parallel_loop3A_867 : i32 to index
        %parallel_loop3A_869 = arith.index_cast %parallel_loop3A_866 : i32 to index
        %parallel_loop3A_870 = arith.constant 32 : index
        %parallel_loop3A_871 = tpu.vector_load %arg8[%parallel_loop3A_868, %parallel_loop3A_869, %parallel_loop3A_870] {strides = array<i32>} : memref<2x128x128xi32, #tpu.memory_space<vmem>>, vector<16xi32>,
        %parallel_loop3A_872 = vector.bitcast %parallel_loop3A_871 : vector<16xi32> to vector<32xbf16>
        %parallel_loop3A_873 = arith.mulf %parallel_loop3A_298, %parallel_loop3A_872 : vector<32xbf16>
        %parallel_loop3A_874 = arith.constant 16 : i32
        %parallel_loop3A_875 = arith.muli %parallel_loop3A_232, %parallel_loop3A_874 : i32
        %parallel_loop3A_876 = arith.constant 15 : i32
        %parallel_loop3A_877 = arith.addi %parallel_loop3A_875, %parallel_loop3A_876 : i32
        %parallel_loop3A_878 = arith.constant 0 : i32
        %parallel_loop3A_879 = arith.index_cast %parallel_loop3A_878 : i32 to index
        %parallel_loop3A_880 = arith.index_cast %parallel_loop3A_877 : i32 to index
        %parallel_loop3A_881 = arith.constant 32 : index
        %parallel_loop3A_882 = tpu.vector_load %arg8[%parallel_loop3A_879, %parallel_loop3A_880, %parallel_loop3A_881] {strides = array<i32>} : memref<2x128x128xi32, #tpu.memory_space<vmem>>, vector<16xi32>,
        %parallel_loop3A_883 = vector.bitcast %parallel_loop3A_882 : vector<16xi32> to vector<32xbf16>
        %parallel_loop3A_884 = arith.mulf %parallel_loop3A_302, %parallel_loop3A_883 : vector<32xbf16>
        %parallel_loop3A_885 = arith.addf %parallel_loop3A_719, %parallel_loop3A_730 : vector<32xbf16>
        %parallel_loop3A_886 = arith.addf %parallel_loop3A_741, %parallel_loop3A_752 : vector<32xbf16>
        %parallel_loop3A_887 = arith.addf %parallel_loop3A_763, %parallel_loop3A_774 : vector<32xbf16>
        %parallel_loop3A_888 = arith.addf %parallel_loop3A_785, %parallel_loop3A_796 : vector<32xbf16>
        %parallel_loop3A_889 = arith.addf %parallel_loop3A_807, %parallel_loop3A_818 : vector<32xbf16>
        %parallel_loop3A_890 = arith.addf %parallel_loop3A_829, %parallel_loop3A_840 : vector<32xbf16>
        %parallel_loop3A_891 = arith.addf %parallel_loop3A_851, %parallel_loop3A_862 : vector<32xbf16>
        %parallel_loop3A_892 = arith.addf %parallel_loop3A_873, %parallel_loop3A_884 : vector<32xbf16>
        %parallel_loop3A_893 = arith.addf %parallel_loop3A_885, %parallel_loop3A_886 : vector<32xbf16>
        %parallel_loop3A_894 = arith.addf %parallel_loop3A_887, %parallel_loop3A_888 : vector<32xbf16>
        %parallel_loop3A_895 = arith.addf %parallel_loop3A_889, %parallel_loop3A_890 : vector<32xbf16>
        %parallel_loop3A_896 = arith.addf %parallel_loop3A_891, %parallel_loop3A_892 : vector<32xbf16>
        %parallel_loop3A_897 = arith.addf %parallel_loop3A_893, %parallel_loop3A_894 : vector<32xbf16>
        %parallel_loop3A_898 = arith.addf %parallel_loop3A_895, %parallel_loop3A_896 : vector<32xbf16>
        %parallel_loop3A_899 = arith.addf %parallel_loop3A_897, %parallel_loop3A_898 : vector<32xbf16>
        %parallel_loop3A_900 = tpu.unpack_subelements %parallel_loop3A_899, 0 {pack_format = #tpu.pack_format<interleaved>} : vector<32xbf16> -> vector<16xf32>
        %parallel_loop3A_901 = tpu.unpack_subelements %parallel_loop3A_899, 1 {pack_format = #tpu.pack_format<interleaved>} : vector<32xbf16> -> vector<16xf32>
        %parallel_loop3A_902 = arith.constant 0 : i32
        %parallel_loop3A_903 = arith.index_cast %parallel_loop3A_902 : i32 to index
        %parallel_loop3A_904 = arith.index_cast %parallel_loop3A_232 : i32 to index
        %parallel_loop3A_905 = arith.constant 32 : index
        %parallel_loop3A_906 = tpu.vector_load %arg9[%parallel_loop3A_903, %parallel_loop3A_904, %parallel_loop3A_905] {strides = array<i32>} : memref<2x8x256xf32, #tpu.memory_space<vmem>>, vector<16xf32>,
        tpu.vector_store %arg9[%parallel_loop3A_903, %parallel_loop3A_904, %parallel_loop3A_905], %parallel_loop3A_900 {strides = array<i32>} : memref<2x8x256xf32, #tpu.memory_space<vmem>>, vector<16xf32>,
        %parallel_loop3A_907 = arith.constant 0 : i32
        %parallel_loop3A_908 = arith.index_cast %parallel_loop3A_907 : i32 to index
        %parallel_loop3A_909 = arith.index_cast %parallel_loop3A_232 : i32 to index
        %parallel_loop3A_910 = arith.constant 160 : index
        %parallel_loop3A_911 = tpu.vector_load %arg9[%parallel_loop3A_908, %parallel_loop3A_909, %parallel_loop3A_910] {strides = array<i32>} : memref<2x8x256xf32, #tpu.memory_space<vmem>>, vector<16xf32>,
        tpu.vector_store %arg9[%parallel_loop3A_908, %parallel_loop3A_909, %parallel_loop3A_910], %parallel_loop3A_901 {strides = array<i32>} : memref<2x8x256xf32, #tpu.memory_space<vmem>>, vector<16xf32>,
        %parallel_loop3A_912 = arith.constant 16 : i32
        %parallel_loop3A_913 = arith.muli %parallel_loop3A_232, %parallel_loop3A_912 : i32
        %parallel_loop3A_914 = arith.constant 0 : i32
        %parallel_loop3A_915 = arith.addi %parallel_loop3A_913, %parallel_loop3A_914 : i32
        %parallel_loop3A_916 = arith.constant 0 : i32
        %parallel_loop3A_917 = arith.index_cast %parallel_loop3A_916 : i32 to index
        %parallel_loop3A_918 = arith.index_cast %parallel_loop3A_915 : i32 to index
        %parallel_loop3A_919 = arith.constant 48 : index
        %parallel_loop3A_920 = tpu.vector_load %arg8[%parallel_loop3A_917, %parallel_loop3A_918, %parallel_loop3A_919] {strides = array<i32>} : memref<2x128x128xi32, #tpu.memory_space<vmem>>, vector<16xi32>,
        %parallel_loop3A_921 = vector.bitcast %parallel_loop3A_920 : vector<16xi32> to vector<32xbf16>
        %parallel_loop3A_922 = arith.mulf %parallel_loop3A_242, %parallel_loop3A_921 : vector<32xbf16>
        %parallel_loop3A_923 = arith.constant 16 : i32
        %parallel_loop3A_924 = arith.muli %parallel_loop3A_232, %parallel_loop3A_923 : i32
        %parallel_loop3A_925 = arith.constant 1 : i32
        %parallel_loop3A_926 = arith.addi %parallel_loop3A_924, %parallel_loop3A_925 : i32
        %parallel_loop3A_927 = arith.constant 0 : i32
        %parallel_loop3A_928 = arith.index_cast %parallel_loop3A_927 : i32 to index
        %parallel_loop3A_929 = arith.index_cast %parallel_loop3A_926 : i32 to index
        %parallel_loop3A_930 = arith.constant 48 : index
        %parallel_loop3A_931 = tpu.vector_load %arg8[%parallel_loop3A_928, %parallel_loop3A_929, %parallel_loop3A_930] {strides = array<i32>} : memref<2x128x128xi32, #tpu.memory_space<vmem>>, vector<16xi32>,
        %parallel_loop3A_932 = vector.bitcast %parallel_loop3A_931 : vector<16xi32> to vector<32xbf16>
        %parallel_loop3A_933 = arith.mulf %parallel_loop3A_246, %parallel_loop3A_932 : vector<32xbf16>
        %parallel_loop3A_934 = arith.constant 16 : i32
        %parallel_loop3A_935 = arith.muli %parallel_loop3A_232, %parallel_loop3A_934 : i32
        %parallel_loop3A_936 = arith.constant 2 : i32
        %parallel_loop3A_937 = arith.addi %parallel_loop3A_935, %parallel_loop3A_936 : i32
        %parallel_loop3A_938 = arith.constant 0 : i32
        %parallel_loop3A_939 = arith.index_cast %parallel_loop3A_938 : i32 to index
        %parallel_loop3A_940 = arith.index_cast %parallel_loop3A_937 : i32 to index
        %parallel_loop3A_941 = arith.constant 48 : index
        %parallel_loop3A_942 = tpu.vector_load %arg8[%parallel_loop3A_939, %parallel_loop3A_940, %parallel_loop3A_941] {strides = array<i32>} : memref<2x128x128xi32, #tpu.memory_space<vmem>>, vector<16xi32>,
        %parallel_loop3A_943 = vector.bitcast %parallel_loop3A_942 : vector<16xi32> to vector<32xbf16>
        %parallel_loop3A_944 = arith.mulf %parallel_loop3A_250, %parallel_loop3A_943 : vector<32xbf16>
        %parallel_loop3A_945 = arith.constant 16 : i32
        %parallel_loop3A_946 = arith.muli %parallel_loop3A_232, %parallel_loop3A_945 : i32
        %parallel_loop3A_947 = arith.constant 3 : i32
        %parallel_loop3A_948 = arith.addi %parallel_loop3A_946, %parallel_loop3A_947 : i32
        %parallel_loop3A_949 = arith.constant 0 : i32
        %parallel_loop3A_950 = arith.index_cast %parallel_loop3A_949 : i32 to index
        %parallel_loop3A_951 = arith.index_cast %parallel_loop3A_948 : i32 to index
        %parallel_loop3A_952 = arith.constant 48 : index
        %parallel_loop3A_953 = tpu.vector_load %arg8[%parallel_loop3A_950, %parallel_loop3A_951, %parallel_loop3A_952] {strides = array<i32>} : memref<2x128x128xi32, #tpu.memory_space<vmem>>, vector<16xi32>,
        %parallel_loop3A_954 = vector.bitcast %parallel_loop3A_953 : vector<16xi32> to vector<32xbf16>
        %parallel_loop3A_955 = arith.mulf %parallel_loop3A_254, %parallel_loop3A_954 : vector<32xbf16>
        %parallel_loop3A_956 = arith.constant 16 : i32
        %parallel_loop3A_957 = arith.muli %parallel_loop3A_232, %parallel_loop3A_956 : i32
        %parallel_loop3A_958 = arith.constant 4 : i32
        %parallel_loop3A_959 = arith.addi %parallel_loop3A_957, %parallel_loop3A_958 : i32
        %parallel_loop3A_960 = arith.constant 0 : i32
        %parallel_loop3A_961 = arith.index_cast %parallel_loop3A_960 : i32 to index
        %parallel_loop3A_962 = arith.index_cast %parallel_loop3A_959 : i32 to index
        %parallel_loop3A_963 = arith.constant 48 : index
        %parallel_loop3A_964 = tpu.vector_load %arg8[%parallel_loop3A_961, %parallel_loop3A_962, %parallel_loop3A_963] {strides = array<i32>} : memref<2x128x128xi32, #tpu.memory_space<vmem>>, vector<16xi32>,
        %parallel_loop3A_965 = vector.bitcast %parallel_loop3A_964 : vector<16xi32> to vector<32xbf16>
        %parallel_loop3A_966 = arith.mulf %parallel_loop3A_258, %parallel_loop3A_965 : vector<32xbf16>
        %parallel_loop3A_967 = arith.constant 16 : i32
        %parallel_loop3A_968 = arith.muli %parallel_loop3A_232, %parallel_loop3A_967 : i32
        %parallel_loop3A_969 = arith.constant 5 : i32
        %parallel_loop3A_970 = arith.addi %parallel_loop3A_968, %parallel_loop3A_969 : i32
        %parallel_loop3A_971 = arith.constant 0 : i32
        %parallel_loop3A_972 = arith.index_cast %parallel_loop3A_971 : i32 to index
        %parallel_loop3A_973 = arith.index_cast %parallel_loop3A_970 : i32 to index
        %parallel_loop3A_974 = arith.constant 48 : index
        %parallel_loop3A_975 = tpu.vector_load %arg8[%parallel_loop3A_972, %parallel_loop3A_973, %parallel_loop3A_974] {strides = array<i32>} : memref<2x128x128xi32, #tpu.memory_space<vmem>>, vector<16xi32>,
        %parallel_loop3A_976 = vector.bitcast %parallel_loop3A_975 : vector<16xi32> to vector<32xbf16>
        %parallel_loop3A_977 = arith.mulf %parallel_loop3A_262, %parallel_loop3A_976 : vector<32xbf16>
        %parallel_loop3A_978 = arith.constant 16 : i32
        %parallel_loop3A_979 = arith.muli %parallel_loop3A_232, %parallel_loop3A_978 : i32
        %parallel_loop3A_980 = arith.constant 6 : i32
        %parallel_loop3A_981 = arith.addi %parallel_loop3A_979, %parallel_loop3A_980 : i32
        %parallel_loop3A_982 = arith.constant 0 : i32
        %parallel_loop3A_983 = arith.index_cast %parallel_loop3A_982 : i32 to index
        %parallel_loop3A_984 = arith.index_cast %parallel_loop3A_981 : i32 to index
        %parallel_loop3A_985 = arith.constant 48 : index
        %parallel_loop3A_986 = tpu.vector_load %arg8[%parallel_loop3A_983, %parallel_loop3A_984, %parallel_loop3A_985] {strides = array<i32>} : memref<2x128x128xi32, #tpu.memory_space<vmem>>, vector<16xi32>,
        %parallel_loop3A_987 = vector.bitcast %parallel_loop3A_986 : vector<16xi32> to vector<32xbf16>
        %parallel_loop3A_988 = arith.mulf %parallel_loop3A_266, %parallel_loop3A_987 : vector<32xbf16>
        %parallel_loop3A_989 = arith.constant 16 : i32
        %parallel_loop3A_990 = arith.muli %parallel_loop3A_232, %parallel_loop3A_989 : i32
        %parallel_loop3A_991 = arith.constant 7 : i32
        %parallel_loop3A_992 = arith.addi %parallel_loop3A_990, %parallel_loop3A_991 : i32
        %parallel_loop3A_993 = arith.constant 0 : i32
        %parallel_loop3A_994 = arith.index_cast %parallel_loop3A_993 : i32 to index
        %parallel_loop3A_995 = arith.index_cast %parallel_loop3A_992 : i32 to index
        %parallel_loop3A_996 = arith.constant 48 : index
        %parallel_loop3A_997 = tpu.vector_load %arg8[%parallel_loop3A_994, %parallel_loop3A_995, %parallel_loop3A_996] {strides = array<i32>} : memref<2x128x128xi32, #tpu.memory_space<vmem>>, vector<16xi32>,
        %parallel_loop3A_998 = vector.bitcast %parallel_loop3A_997 : vector<16xi32> to vector<32xbf16>
        %parallel_loop3A_999 = arith.mulf %parallel_loop3A_270, %parallel_loop3A_998 : vector<32xbf16>
        %parallel_loop3A_1000 = arith.constant 16 : i32
        %parallel_loop3A_1001 = arith.muli %parallel_loop3A_232, %parallel_loop3A_1000 : i32
        %parallel_loop3A_1002 = arith.constant 8 : i32
        %parallel_loop3A_1003 = arith.addi %parallel_loop3A_1001, %parallel_loop3A_1002 : i32
        %parallel_loop3A_1004 = arith.constant 0 : i32
        %parallel_loop3A_1005 = arith.index_cast %parallel_loop3A_1004 : i32 to index
        %parallel_loop3A_1006 = arith.index_cast %parallel_loop3A_1003 : i32 to index
        %parallel_loop3A_1007 = arith.constant 48 : index
        %parallel_loop3A_1008 = tpu.vector_load %arg8[%parallel_loop3A_1005, %parallel_loop3A_1006, %parallel_loop3A_1007] {strides = array<i32>} : memref<2x128x128xi32, #tpu.memory_space<vmem>>, vector<16xi32>,
        %parallel_loop3A_1009 = vector.bitcast %parallel_loop3A_1008 : vector<16xi32> to vector<32xbf16>
        %parallel_loop3A_1010 = arith.mulf %parallel_loop3A_274, %parallel_loop3A_1009 : vector<32xbf16>
        %parallel_loop3A_1011 = arith.constant 16 : i32
        %parallel_loop3A_1012 = arith.muli %parallel_loop3A_232, %parallel_loop3A_1011 : i32
        %parallel_loop3A_1013 = arith.constant 9 : i32
        %parallel_loop3A_1014 = arith.addi %parallel_loop3A_1012, %parallel_loop3A_1013 : i32
        %parallel_loop3A_1015 = arith.constant 0 : i32
        %parallel_loop3A_1016 = arith.index_cast %parallel_loop3A_1015 : i32 to index
        %parallel_loop3A_1017 = arith.index_cast %parallel_loop3A_1014 : i32 to index
        %parallel_loop3A_1018 = arith.constant 48 : index
        %parallel_loop3A_1019 = tpu.vector_load %arg8[%parallel_loop3A_1016, %parallel_loop3A_1017, %parallel_loop3A_1018] {strides = array<i32>} : memref<2x128x128xi32, #tpu.memory_space<vmem>>, vector<16xi32>,
        %parallel_loop3A_1020 = vector.bitcast %parallel_loop3A_1019 : vector<16xi32> to vector<32xbf16>
        %parallel_loop3A_1021 = arith.mulf %parallel_loop3A_278, %parallel_loop3A_1020 : vector<32xbf16>
        %parallel_loop3A_1022 = arith.constant 16 : i32
        %parallel_loop3A_1023 = arith.muli %parallel_loop3A_232, %parallel_loop3A_1022 : i32
        %parallel_loop3A_1024 = arith.constant 10 : i32
        %parallel_loop3A_1025 = arith.addi %parallel_loop3A_1023, %parallel_loop3A_1024 : i32
        %parallel_loop3A_1026 = arith.constant 0 : i32
        %parallel_loop3A_1027 = arith.index_cast %parallel_loop3A_1026 : i32 to index
        %parallel_loop3A_1028 = arith.index_cast %parallel_loop3A_1025 : i32 to index
        %parallel_loop3A_1029 = arith.constant 48 : index
        %parallel_loop3A_1030 = tpu.vector_load %arg8[%parallel_loop3A_1027, %parallel_loop3A_1028, %parallel_loop3A_1029] {strides = array<i32>} : memref<2x128x128xi32, #tpu.memory_space<vmem>>, vector<16xi32>,
        %parallel_loop3A_1031 = vector.bitcast %parallel_loop3A_1030 : vector<16xi32> to vector<32xbf16>
        %parallel_loop3A_1032 = arith.mulf %parallel_loop3A_282, %parallel_loop3A_1031 : vector<32xbf16>
        %parallel_loop3A_1033 = arith.constant 16 : i32
        %parallel_loop3A_1034 = arith.muli %parallel_loop3A_232, %parallel_loop3A_1033 : i32
        %parallel_loop3A_1035 = arith.constant 11 : i32
        %parallel_loop3A_1036 = arith.addi %parallel_loop3A_1034, %parallel_loop3A_1035 : i32
        %parallel_loop3A_1037 = arith.constant 0 : i32
        %parallel_loop3A_1038 = arith.index_cast %parallel_loop3A_1037 : i32 to index
        %parallel_loop3A_1039 = arith.index_cast %parallel_loop3A_1036 : i32 to index
        %parallel_loop3A_1040 = arith.constant 48 : index
        %parallel_loop3A_1041 = tpu.vector_load %arg8[%parallel_loop3A_1038, %parallel_loop3A_1039, %parallel_loop3A_1040] {strides = array<i32>} : memref<2x128x128xi32, #tpu.memory_space<vmem>>, vector<16xi32>,
        %parallel_loop3A_1042 = vector.bitcast %parallel_loop3A_1041 : vector<16xi32> to vector<32xbf16>
        %parallel_loop3A_1043 = arith.mulf %parallel_loop3A_286, %parallel_loop3A_1042 : vector<32xbf16>
        %parallel_loop3A_1044 = arith.constant 16 : i32
        %parallel_loop3A_1045 = arith.muli %parallel_loop3A_232, %parallel_loop3A_1044 : i32
        %parallel_loop3A_1046 = arith.constant 12 : i32
        %parallel_loop3A_1047 = arith.addi %parallel_loop3A_1045, %parallel_loop3A_1046 : i32
        %parallel_loop3A_1048 = arith.constant 0 : i32
        %parallel_loop3A_1049 = arith.index_cast %parallel_loop3A_1048 : i32 to index
        %parallel_loop3A_1050 = arith.index_cast %parallel_loop3A_1047 : i32 to index
        %parallel_loop3A_1051 = arith.constant 48 : index
        %parallel_loop3A_1052 = tpu.vector_load %arg8[%parallel_loop3A_1049, %parallel_loop3A_1050, %parallel_loop3A_1051] {strides = array<i32>} : memref<2x128x128xi32, #tpu.memory_space<vmem>>, vector<16xi32>,
        %parallel_loop3A_1053 = vector.bitcast %parallel_loop3A_1052 : vector<16xi32> to vector<32xbf16>
        %parallel_loop3A_1054 = arith.mulf %parallel_loop3A_290, %parallel_loop3A_1053 : vector<32xbf16>
        %parallel_loop3A_1055 = arith.constant 16 : i32
        %parallel_loop3A_1056 = arith.muli %parallel_loop3A_232, %parallel_loop3A_1055 : i32
        %parallel_loop3A_1057 = arith.constant 13 : i32
        %parallel_loop3A_1058 = arith.addi %parallel_loop3A_1056, %parallel_loop3A_1057 : i32
        %parallel_loop3A_1059 = arith.constant 0 : i32
        %parallel_loop3A_1060 = arith.index_cast %parallel_loop3A_1059 : i32 to index
        %parallel_loop3A_1061 = arith.index_cast %parallel_loop3A_1058 : i32 to index
        %parallel_loop3A_1062 = arith.constant 48 : index
        %parallel_loop3A_1063 = tpu.vector_load %arg8[%parallel_loop3A_1060, %parallel_loop3A_1061, %parallel_loop3A_1062] {strides = array<i32>} : memref<2x128x128xi32, #tpu.memory_space<vmem>>, vector<16xi32>,
        %parallel_loop3A_1064 = vector.bitcast %parallel_loop3A_1063 : vector<16xi32> to vector<32xbf16>
        %parallel_loop3A_1065 = arith.mulf %parallel_loop3A_294, %parallel_loop3A_1064 : vector<32xbf16>
        %parallel_loop3A_1066 = arith.constant 16 : i32
        %parallel_loop3A_1067 = arith.muli %parallel_loop3A_232, %parallel_loop3A_1066 : i32
        %parallel_loop3A_1068 = arith.constant 14 : i32
        %parallel_loop3A_1069 = arith.addi %parallel_loop3A_1067, %parallel_loop3A_1068 : i32
        %parallel_loop3A_1070 = arith.constant 0 : i32
        %parallel_loop3A_1071 = arith.index_cast %parallel_loop3A_1070 : i32 to index
        %parallel_loop3A_1072 = arith.index_cast %parallel_loop3A_1069 : i32 to index
        %parallel_loop3A_1073 = arith.constant 48 : index
        %parallel_loop3A_1074 = tpu.vector_load %arg8[%parallel_loop3A_1071, %parallel_loop3A_1072, %parallel_loop3A_1073] {strides = array<i32>} : memref<2x128x128xi32, #tpu.memory_space<vmem>>, vector<16xi32>,
        %parallel_loop3A_1075 = vector.bitcast %parallel_loop3A_1074 : vector<16xi32> to vector<32xbf16>
        %parallel_loop3A_1076 = arith.mulf %parallel_loop3A_298, %parallel_loop3A_1075 : vector<32xbf16>
        %parallel_loop3A_1077 = arith.constant 16 : i32
        %parallel_loop3A_1078 = arith.muli %parallel_loop3A_232, %parallel_loop3A_1077 : i32
        %parallel_loop3A_1079 = arith.constant 15 : i32
        %parallel_loop3A_1080 = arith.addi %parallel_loop3A_1078, %parallel_loop3A_1079 : i32
        %parallel_loop3A_1081 = arith.constant 0 : i32
        %parallel_loop3A_1082 = arith.index_cast %parallel_loop3A_1081 : i32 to index
        %parallel_loop3A_1083 = arith.index_cast %parallel_loop3A_1080 : i32 to index
        %parallel_loop3A_1084 = arith.constant 48 : index
        %parallel_loop3A_1085 = tpu.vector_load %arg8[%parallel_loop3A_1082, %parallel_loop3A_1083, %parallel_loop3A_1084] {strides = array<i32>} : memref<2x128x128xi32, #tpu.memory_space<vmem>>, vector<16xi32>,
        %parallel_loop3A_1086 = vector.bitcast %parallel_loop3A_1085 : vector<16xi32> to vector<32xbf16>
        %parallel_loop3A_1087 = arith.mulf %parallel_loop3A_302, %parallel_loop3A_1086 : vector<32xbf16>
        %parallel_loop3A_1088 = arith.addf %parallel_loop3A_922, %parallel_loop3A_933 : vector<32xbf16>
        %parallel_loop3A_1089 = arith.addf %parallel_loop3A_944, %parallel_loop3A_955 : vector<32xbf16>
        %parallel_loop3A_1090 = arith.addf %parallel_loop3A_966, %parallel_loop3A_977 : vector<32xbf16>
        %parallel_loop3A_1091 = arith.addf %parallel_loop3A_988, %parallel_loop3A_999 : vector<32xbf16>
        %parallel_loop3A_1092 = arith.addf %parallel_loop3A_1010, %parallel_loop3A_1021 : vector<32xbf16>
        %parallel_loop3A_1093 = arith.addf %parallel_loop3A_1032, %parallel_loop3A_1043 : vector<32xbf16>
        %parallel_loop3A_1094 = arith.addf %parallel_loop3A_1054, %parallel_loop3A_1065 : vector<32xbf16>
        %parallel_loop3A_1095 = arith.addf %parallel_loop3A_1076, %parallel_loop3A_1087 : vector<32xbf16>
        %parallel_loop3A_1096 = arith.addf %parallel_loop3A_1088, %parallel_loop3A_1089 : vector<32xbf16>
        %parallel_loop3A_1097 = arith.addf %parallel_loop3A_1090, %parallel_loop3A_1091 : vector<32xbf16>
        %parallel_loop3A_1098 = arith.addf %parallel_loop3A_1092, %parallel_loop3A_1093 : vector<32xbf16>
        %parallel_loop3A_1099 = arith.addf %parallel_loop3A_1094, %parallel_loop3A_1095 : vector<32xbf16>
        %parallel_loop3A_1100 = arith.addf %parallel_loop3A_1096, %parallel_loop3A_1097 : vector<32xbf16>
        %parallel_loop3A_1101 = arith.addf %parallel_loop3A_1098, %parallel_loop3A_1099 : vector<32xbf16>
        %parallel_loop3A_1102 = arith.addf %parallel_loop3A_1100, %parallel_loop3A_1101 : vector<32xbf16>
        %parallel_loop3A_1103 = tpu.unpack_subelements %parallel_loop3A_1102, 0 {pack_format = #tpu.pack_format<interleaved>} : vector<32xbf16> -> vector<16xf32>
        %parallel_loop3A_1104 = tpu.unpack_subelements %parallel_loop3A_1102, 1 {pack_format = #tpu.pack_format<interleaved>} : vector<32xbf16> -> vector<16xf32>
        %parallel_loop3A_1105 = arith.constant 0 : i32
        %parallel_loop3A_1106 = arith.index_cast %parallel_loop3A_1105 : i32 to index
        %parallel_loop3A_1107 = arith.index_cast %parallel_loop3A_232 : i32 to index
        %parallel_loop3A_1108 = arith.constant 48 : index
        %parallel_loop3A_1109 = tpu.vector_load %arg9[%parallel_loop3A_1106, %parallel_loop3A_1107, %parallel_loop3A_1108] {strides = array<i32>} : memref<2x8x256xf32, #tpu.memory_space<vmem>>, vector<16xf32>,
        tpu.vector_store %arg9[%parallel_loop3A_1106, %parallel_loop3A_1107, %parallel_loop3A_1108], %parallel_loop3A_1103 {strides = array<i32>} : memref<2x8x256xf32, #tpu.memory_space<vmem>>, vector<16xf32>,
        %parallel_loop3A_1110 = arith.constant 0 : i32
        %parallel_loop3A_1111 = arith.index_cast %parallel_loop3A_1110 : i32 to index
        %parallel_loop3A_1112 = arith.index_cast %parallel_loop3A_232 : i32 to index
        %parallel_loop3A_1113 = arith.constant 176 : index
        %parallel_loop3A_1114 = tpu.vector_load %arg9[%parallel_loop3A_1111, %parallel_loop3A_1112, %parallel_loop3A_1113] {strides = array<i32>} : memref<2x8x256xf32, #tpu.memory_space<vmem>>, vector<16xf32>,
        tpu.vector_store %arg9[%parallel_loop3A_1111, %parallel_loop3A_1112, %parallel_loop3A_1113], %parallel_loop3A_1104 {strides = array<i32>} : memref<2x8x256xf32, #tpu.memory_space<vmem>>, vector<16xf32>,
        %parallel_loop3A_1115 = arith.constant 16 : i32
        %parallel_loop3A_1116 = arith.muli %parallel_loop3A_232, %parallel_loop3A_1115 : i32
        %parallel_loop3A_1117 = arith.constant 0 : i32
        %parallel_loop3A_1118 = arith.addi %parallel_loop3A_1116, %parallel_loop3A_1117 : i32
        %parallel_loop3A_1119 = arith.constant 0 : i32
        %parallel_loop3A_1120 = arith.index_cast %parallel_loop3A_1119 : i32 to index
        %parallel_loop3A_1121 = arith.index_cast %parallel_loop3A_1118 : i32 to index
        %parallel_loop3A_1122 = arith.constant 64 : index
        %parallel_loop3A_1123 = tpu.vector_load %arg8[%parallel_loop3A_1120, %parallel_loop3A_1121, %parallel_loop3A_1122] {strides = array<i32>} : memref<2x128x128xi32, #tpu.memory_space<vmem>>, vector<16xi32>,
        %parallel_loop3A_1124 = vector.bitcast %parallel_loop3A_1123 : vector<16xi32> to vector<32xbf16>
        %parallel_loop3A_1125 = arith.mulf %parallel_loop3A_242, %parallel_loop3A_1124 : vector<32xbf16>
        %parallel_loop3A_1126 = arith.constant 16 : i32
        %parallel_loop3A_1127 = arith.muli %parallel_loop3A_232, %parallel_loop3A_1126 : i32
        %parallel_loop3A_1128 = arith.constant 1 : i32
        %parallel_loop3A_1129 = arith.addi %parallel_loop3A_1127, %parallel_loop3A_1128 : i32
        %parallel_loop3A_1130 = arith.constant 0 : i32
        %parallel_loop3A_1131 = arith.index_cast %parallel_loop3A_1130 : i32 to index
        %parallel_loop3A_1132 = arith.index_cast %parallel_loop3A_1129 : i32 to index
        %parallel_loop3A_1133 = arith.constant 64 : index
        %parallel_loop3A_1134 = tpu.vector_load %arg8[%parallel_loop3A_1131, %parallel_loop3A_1132, %parallel_loop3A_1133] {strides = array<i32>} : memref<2x128x128xi32, #tpu.memory_space<vmem>>, vector<16xi32>,
        %parallel_loop3A_1135 = vector.bitcast %parallel_loop3A_1134 : vector<16xi32> to vector<32xbf16>
        %parallel_loop3A_1136 = arith.mulf %parallel_loop3A_246, %parallel_loop3A_1135 : vector<32xbf16>
        %parallel_loop3A_1137 = arith.constant 16 : i32
        %parallel_loop3A_1138 = arith.muli %parallel_loop3A_232, %parallel_loop3A_1137 : i32
        %parallel_loop3A_1139 = arith.constant 2 : i32
        %parallel_loop3A_1140 = arith.addi %parallel_loop3A_1138, %parallel_loop3A_1139 : i32
        %parallel_loop3A_1141 = arith.constant 0 : i32
        %parallel_loop3A_1142 = arith.index_cast %parallel_loop3A_1141 : i32 to index
        %parallel_loop3A_1143 = arith.index_cast %parallel_loop3A_1140 : i32 to index
        %parallel_loop3A_1144 = arith.constant 64 : index
        %parallel_loop3A_1145 = tpu.vector_load %arg8[%parallel_loop3A_1142, %parallel_loop3A_1143, %parallel_loop3A_1144] {strides = array<i32>} : memref<2x128x128xi32, #tpu.memory_space<vmem>>, vector<16xi32>,
        %parallel_loop3A_1146 = vector.bitcast %parallel_loop3A_1145 : vector<16xi32> to vector<32xbf16>
        %parallel_loop3A_1147 = arith.mulf %parallel_loop3A_250, %parallel_loop3A_1146 : vector<32xbf16>
        %parallel_loop3A_1148 = arith.constant 16 : i32
        %parallel_loop3A_1149 = arith.muli %parallel_loop3A_232, %parallel_loop3A_1148 : i32
        %parallel_loop3A_1150 = arith.constant 3 : i32
        %parallel_loop3A_1151 = arith.addi %parallel_loop3A_1149, %parallel_loop3A_1150 : i32
        %parallel_loop3A_1152 = arith.constant 0 : i32
        %parallel_loop3A_1153 = arith.index_cast %parallel_loop3A_1152 : i32 to index
        %parallel_loop3A_1154 = arith.index_cast %parallel_loop3A_1151 : i32 to index
        %parallel_loop3A_1155 = arith.constant 64 : index
        %parallel_loop3A_1156 = tpu.vector_load %arg8[%parallel_loop3A_1153, %parallel_loop3A_1154, %parallel_loop3A_1155] {strides = array<i32>} : memref<2x128x128xi32, #tpu.memory_space<vmem>>, vector<16xi32>,
        %parallel_loop3A_1157 = vector.bitcast %parallel_loop3A_1156 : vector<16xi32> to vector<32xbf16>
        %parallel_loop3A_1158 = arith.mulf %parallel_loop3A_254, %parallel_loop3A_1157 : vector<32xbf16>
        %parallel_loop3A_1159 = arith.constant 16 : i32
        %parallel_loop3A_1160 = arith.muli %parallel_loop3A_232, %parallel_loop3A_1159 : i32
        %parallel_loop3A_1161 = arith.constant 4 : i32
        %parallel_loop3A_1162 = arith.addi %parallel_loop3A_1160, %parallel_loop3A_1161 : i32
        %parallel_loop3A_1163 = arith.constant 0 : i32
        %parallel_loop3A_1164 = arith.index_cast %parallel_loop3A_1163 : i32 to index
        %parallel_loop3A_1165 = arith.index_cast %parallel_loop3A_1162 : i32 to index
        %parallel_loop3A_1166 = arith.constant 64 : index
        %parallel_loop3A_1167 = tpu.vector_load %arg8[%parallel_loop3A_1164, %parallel_loop3A_1165, %parallel_loop3A_1166] {strides = array<i32>} : memref<2x128x128xi32, #tpu.memory_space<vmem>>, vector<16xi32>,
        %parallel_loop3A_1168 = vector.bitcast %parallel_loop3A_1167 : vector<16xi32> to vector<32xbf16>
        %parallel_loop3A_1169 = arith.mulf %parallel_loop3A_258, %parallel_loop3A_1168 : vector<32xbf16>
        %parallel_loop3A_1170 = arith.constant 16 : i32
        %parallel_loop3A_1171 = arith.muli %parallel_loop3A_232, %parallel_loop3A_1170 : i32
        %parallel_loop3A_1172 = arith.constant 5 : i32
        %parallel_loop3A_1173 = arith.addi %parallel_loop3A_1171, %parallel_loop3A_1172 : i32
        %parallel_loop3A_1174 = arith.constant 0 : i32
        %parallel_loop3A_1175 = arith.index_cast %parallel_loop3A_1174 : i32 to index
        %parallel_loop3A_1176 = arith.index_cast %parallel_loop3A_1173 : i32 to index
        %parallel_loop3A_1177 = arith.constant 64 : index
        %parallel_loop3A_1178 = tpu.vector_load %arg8[%parallel_loop3A_1175, %parallel_loop3A_1176, %parallel_loop3A_1177] {strides = array<i32>} : memref<2x128x128xi32, #tpu.memory_space<vmem>>, vector<16xi32>,
        %parallel_loop3A_1179 = vector.bitcast %parallel_loop3A_1178 : vector<16xi32> to vector<32xbf16>
        %parallel_loop3A_1180 = arith.mulf %parallel_loop3A_262, %parallel_loop3A_1179 : vector<32xbf16>
        %parallel_loop3A_1181 = arith.constant 16 : i32
        %parallel_loop3A_1182 = arith.muli %parallel_loop3A_232, %parallel_loop3A_1181 : i32
        %parallel_loop3A_1183 = arith.constant 6 : i32
        %parallel_loop3A_1184 = arith.addi %parallel_loop3A_1182, %parallel_loop3A_1183 : i32
        %parallel_loop3A_1185 = arith.constant 0 : i32
        %parallel_loop3A_1186 = arith.index_cast %parallel_loop3A_1185 : i32 to index
        %parallel_loop3A_1187 = arith.index_cast %parallel_loop3A_1184 : i32 to index
        %parallel_loop3A_1188 = arith.constant 64 : index
        %parallel_loop3A_1189 = tpu.vector_load %arg8[%parallel_loop3A_1186, %parallel_loop3A_1187, %parallel_loop3A_1188] {strides = array<i32>} : memref<2x128x128xi32, #tpu.memory_space<vmem>>, vector<16xi32>,
        %parallel_loop3A_1190 = vector.bitcast %parallel_loop3A_1189 : vector<16xi32> to vector<32xbf16>
        %parallel_loop3A_1191 = arith.mulf %parallel_loop3A_266, %parallel_loop3A_1190 : vector<32xbf16>
        %parallel_loop3A_1192 = arith.constant 16 : i32
        %parallel_loop3A_1193 = arith.muli %parallel_loop3A_232, %parallel_loop3A_1192 : i32
        %parallel_loop3A_1194 = arith.constant 7 : i32
        %parallel_loop3A_1195 = arith.addi %parallel_loop3A_1193, %parallel_loop3A_1194 : i32
        %parallel_loop3A_1196 = arith.constant 0 : i32
        %parallel_loop3A_1197 = arith.index_cast %parallel_loop3A_1196 : i32 to index
        %parallel_loop3A_1198 = arith.index_cast %parallel_loop3A_1195 : i32 to index
        %parallel_loop3A_1199 = arith.constant 64 : index
        %parallel_loop3A_1200 = tpu.vector_load %arg8[%parallel_loop3A_1197, %parallel_loop3A_1198, %parallel_loop3A_1199] {strides = array<i32>} : memref<2x128x128xi32, #tpu.memory_space<vmem>>, vector<16xi32>,
        %parallel_loop3A_1201 = vector.bitcast %parallel_loop3A_1200 : vector<16xi32> to vector<32xbf16>
        %parallel_loop3A_1202 = arith.mulf %parallel_loop3A_270, %parallel_loop3A_1201 : vector<32xbf16>
        %parallel_loop3A_1203 = arith.constant 16 : i32
        %parallel_loop3A_1204 = arith.muli %parallel_loop3A_232, %parallel_loop3A_1203 : i32
        %parallel_loop3A_1205 = arith.constant 8 : i32
        %parallel_loop3A_1206 = arith.addi %parallel_loop3A_1204, %parallel_loop3A_1205 : i32
        %parallel_loop3A_1207 = arith.constant 0 : i32
        %parallel_loop3A_1208 = arith.index_cast %parallel_loop3A_1207 : i32 to index
        %parallel_loop3A_1209 = arith.index_cast %parallel_loop3A_1206 : i32 to index
        %parallel_loop3A_1210 = arith.constant 64 : index
        %parallel_loop3A_1211 = tpu.vector_load %arg8[%parallel_loop3A_1208, %parallel_loop3A_1209, %parallel_loop3A_1210] {strides = array<i32>} : memref<2x128x128xi32, #tpu.memory_space<vmem>>, vector<16xi32>,
        %parallel_loop3A_1212 = vector.bitcast %parallel_loop3A_1211 : vector<16xi32> to vector<32xbf16>
        %parallel_loop3A_1213 = arith.mulf %parallel_loop3A_274, %parallel_loop3A_1212 : vector<32xbf16>
        %parallel_loop3A_1214 = arith.constant 16 : i32
        %parallel_loop3A_1215 = arith.muli %parallel_loop3A_232, %parallel_loop3A_1214 : i32
        %parallel_loop3A_1216 = arith.constant 9 : i32
        %parallel_loop3A_1217 = arith.addi %parallel_loop3A_1215, %parallel_loop3A_1216 : i32
        %parallel_loop3A_1218 = arith.constant 0 : i32
        %parallel_loop3A_1219 = arith.index_cast %parallel_loop3A_1218 : i32 to index
        %parallel_loop3A_1220 = arith.index_cast %parallel_loop3A_1217 : i32 to index
        %parallel_loop3A_1221 = arith.constant 64 : index
        %parallel_loop3A_1222 = tpu.vector_load %arg8[%parallel_loop3A_1219, %parallel_loop3A_1220, %parallel_loop3A_1221] {strides = array<i32>} : memref<2x128x128xi32, #tpu.memory_space<vmem>>, vector<16xi32>,
        %parallel_loop3A_1223 = vector.bitcast %parallel_loop3A_1222 : vector<16xi32> to vector<32xbf16>
        %parallel_loop3A_1224 = arith.mulf %parallel_loop3A_278, %parallel_loop3A_1223 : vector<32xbf16>
        %parallel_loop3A_1225 = arith.constant 16 : i32
        %parallel_loop3A_1226 = arith.muli %parallel_loop3A_232, %parallel_loop3A_1225 : i32
        %parallel_loop3A_1227 = arith.constant 10 : i32
        %parallel_loop3A_1228 = arith.addi %parallel_loop3A_1226, %parallel_loop3A_1227 : i32
        %parallel_loop3A_1229 = arith.constant 0 : i32
        %parallel_loop3A_1230 = arith.index_cast %parallel_loop3A_1229 : i32 to index
        %parallel_loop3A_1231 = arith.index_cast %parallel_loop3A_1228 : i32 to index
        %parallel_loop3A_1232 = arith.constant 64 : index
        %parallel_loop3A_1233 = tpu.vector_load %arg8[%parallel_loop3A_1230, %parallel_loop3A_1231, %parallel_loop3A_1232] {strides = array<i32>} : memref<2x128x128xi32, #tpu.memory_space<vmem>>, vector<16xi32>,
        %parallel_loop3A_1234 = vector.bitcast %parallel_loop3A_1233 : vector<16xi32> to vector<32xbf16>
        %parallel_loop3A_1235 = arith.mulf %parallel_loop3A_282, %parallel_loop3A_1234 : vector<32xbf16>
        %parallel_loop3A_1236 = arith.constant 16 : i32
        %parallel_loop3A_1237 = arith.muli %parallel_loop3A_232, %parallel_loop3A_1236 : i32
        %parallel_loop3A_1238 = arith.constant 11 : i32
        %parallel_loop3A_1239 = arith.addi %parallel_loop3A_1237, %parallel_loop3A_1238 : i32
        %parallel_loop3A_1240 = arith.constant 0 : i32
        %parallel_loop3A_1241 = arith.index_cast %parallel_loop3A_1240 : i32 to index
        %parallel_loop3A_1242 = arith.index_cast %parallel_loop3A_1239 : i32 to index
        %parallel_loop3A_1243 = arith.constant 64 : index
        %parallel_loop3A_1244 = tpu.vector_load %arg8[%parallel_loop3A_1241, %parallel_loop3A_1242, %parallel_loop3A_1243] {strides = array<i32>} : memref<2x128x128xi32, #tpu.memory_space<vmem>>, vector<16xi32>,
        %parallel_loop3A_1245 = vector.bitcast %parallel_loop3A_1244 : vector<16xi32> to vector<32xbf16>
        %parallel_loop3A_1246 = arith.mulf %parallel_loop3A_286, %parallel_loop3A_1245 : vector<32xbf16>
        %parallel_loop3A_1247 = arith.constant 16 : i32
        %parallel_loop3A_1248 = arith.muli %parallel_loop3A_232, %parallel_loop3A_1247 : i32
        %parallel_loop3A_1249 = arith.constant 12 : i32
        %parallel_loop3A_1250 = arith.addi %parallel_loop3A_1248, %parallel_loop3A_1249 : i32
        %parallel_loop3A_1251 = arith.constant 0 : i32
        %parallel_loop3A_1252 = arith.index_cast %parallel_loop3A_1251 : i32 to index
        %parallel_loop3A_1253 = arith.index_cast %parallel_loop3A_1250 : i32 to index
        %parallel_loop3A_1254 = arith.constant 64 : index
        %parallel_loop3A_1255 = tpu.vector_load %arg8[%parallel_loop3A_1252, %parallel_loop3A_1253, %parallel_loop3A_1254] {strides = array<i32>} : memref<2x128x128xi32, #tpu.memory_space<vmem>>, vector<16xi32>,
        %parallel_loop3A_1256 = vector.bitcast %parallel_loop3A_1255 : vector<16xi32> to vector<32xbf16>
        %parallel_loop3A_1257 = arith.mulf %parallel_loop3A_290, %parallel_loop3A_1256 : vector<32xbf16>
        %parallel_loop3A_1258 = arith.constant 16 : i32
        %parallel_loop3A_1259 = arith.muli %parallel_loop3A_232, %parallel_loop3A_1258 : i32
        %parallel_loop3A_1260 = arith.constant 13 : i32
        %parallel_loop3A_1261 = arith.addi %parallel_loop3A_1259, %parallel_loop3A_1260 : i32
        %parallel_loop3A_1262 = arith.constant 0 : i32
        %parallel_loop3A_1263 = arith.index_cast %parallel_loop3A_1262 : i32 to index
        %parallel_loop3A_1264 = arith.index_cast %parallel_loop3A_1261 : i32 to index
        %parallel_loop3A_1265 = arith.constant 64 : index
        %parallel_loop3A_1266 = tpu.vector_load %arg8[%parallel_loop3A_1263, %parallel_loop3A_1264, %parallel_loop3A_1265] {strides = array<i32>} : memref<2x128x128xi32, #tpu.memory_space<vmem>>, vector<16xi32>,
        %parallel_loop3A_1267 = vector.bitcast %parallel_loop3A_1266 : vector<16xi32> to vector<32xbf16>
        %parallel_loop3A_1268 = arith.mulf %parallel_loop3A_294, %parallel_loop3A_1267 : vector<32xbf16>
        %parallel_loop3A_1269 = arith.constant 16 : i32
        %parallel_loop3A_1270 = arith.muli %parallel_loop3A_232, %parallel_loop3A_1269 : i32
        %parallel_loop3A_1271 = arith.constant 14 : i32
        %parallel_loop3A_1272 = arith.addi %parallel_loop3A_1270, %parallel_loop3A_1271 : i32
        %parallel_loop3A_1273 = arith.constant 0 : i32
        %parallel_loop3A_1274 = arith.index_cast %parallel_loop3A_1273 : i32 to index
        %parallel_loop3A_1275 = arith.index_cast %parallel_loop3A_1272 : i32 to index
        %parallel_loop3A_1276 = arith.constant 64 : index
        %parallel_loop3A_1277 = tpu.vector_load %arg8[%parallel_loop3A_1274, %parallel_loop3A_1275, %parallel_loop3A_1276] {strides = array<i32>} : memref<2x128x128xi32, #tpu.memory_space<vmem>>, vector<16xi32>,
        %parallel_loop3A_1278 = vector.bitcast %parallel_loop3A_1277 : vector<16xi32> to vector<32xbf16>
        %parallel_loop3A_1279 = arith.mulf %parallel_loop3A_298, %parallel_loop3A_1278 : vector<32xbf16>
        %parallel_loop3A_1280 = arith.constant 16 : i32
        %parallel_loop3A_1281 = arith.muli %parallel_loop3A_232, %parallel_loop3A_1280 : i32
        %parallel_loop3A_1282 = arith.constant 15 : i32
        %parallel_loop3A_1283 = arith.addi %parallel_loop3A_1281, %parallel_loop3A_1282 : i32
        %parallel_loop3A_1284 = arith.constant 0 : i32
        %parallel_loop3A_1285 = arith.index_cast %parallel_loop3A_1284 : i32 to index
        %parallel_loop3A_1286 = arith.index_cast %parallel_loop3A_1283 : i32 to index
        %parallel_loop3A_1287 = arith.constant 64 : index
        %parallel_loop3A_1288 = tpu.vector_load %arg8[%parallel_loop3A_1285, %parallel_loop3A_1286, %parallel_loop3A_1287] {strides = array<i32>} : memref<2x128x128xi32, #tpu.memory_space<vmem>>, vector<16xi32>,
        %parallel_loop3A_1289 = vector.bitcast %parallel_loop3A_1288 : vector<16xi32> to vector<32xbf16>
        %parallel_loop3A_1290 = arith.mulf %parallel_loop3A_302, %parallel_loop3A_1289 : vector<32xbf16>
        %parallel_loop3A_1291 = arith.addf %parallel_loop3A_1125, %parallel_loop3A_1136 : vector<32xbf16>
        %parallel_loop3A_1292 = arith.addf %parallel_loop3A_1147, %parallel_loop3A_1158 : vector<32xbf16>
        %parallel_loop3A_1293 = arith.addf %parallel_loop3A_1169, %parallel_loop3A_1180 : vector<32xbf16>
        %parallel_loop3A_1294 = arith.addf %parallel_loop3A_1191, %parallel_loop3A_1202 : vector<32xbf16>
        %parallel_loop3A_1295 = arith.addf %parallel_loop3A_1213, %parallel_loop3A_1224 : vector<32xbf16>
        %parallel_loop3A_1296 = arith.addf %parallel_loop3A_1235, %parallel_loop3A_1246 : vector<32xbf16>
        %parallel_loop3A_1297 = arith.addf %parallel_loop3A_1257, %parallel_loop3A_1268 : vector<32xbf16>
        %parallel_loop3A_1298 = arith.addf %parallel_loop3A_1279, %parallel_loop3A_1290 : vector<32xbf16>
        %parallel_loop3A_1299 = arith.addf %parallel_loop3A_1291, %parallel_loop3A_1292 : vector<32xbf16>
        %parallel_loop3A_1300 = arith.addf %parallel_loop3A_1293, %parallel_loop3A_1294 : vector<32xbf16>
        %parallel_loop3A_1301 = arith.addf %parallel_loop3A_1295, %parallel_loop3A_1296 : vector<32xbf16>
        %parallel_loop3A_1302 = arith.addf %parallel_loop3A_1297, %parallel_loop3A_1298 : vector<32xbf16>
        %parallel_loop3A_1303 = arith.addf %parallel_loop3A_1299, %parallel_loop3A_1300 : vector<32xbf16>
        %parallel_loop3A_1304 = arith.addf %parallel_loop3A_1301, %parallel_loop3A_1302 : vector<32xbf16>
        %parallel_loop3A_1305 = arith.addf %parallel_loop3A_1303, %parallel_loop3A_1304 : vector<32xbf16>
        %parallel_loop3A_1306 = tpu.unpack_subelements %parallel_loop3A_1305, 0 {pack_format = #tpu.pack_format<interleaved>} : vector<32xbf16> -> vector<16xf32>
        %parallel_loop3A_1307 = tpu.unpack_subelements %parallel_loop3A_1305, 1 {pack_format = #tpu.pack_format<interleaved>} : vector<32xbf16> -> vector<16xf32>
        %parallel_loop3A_1308 = arith.constant 0 : i32
        %parallel_loop3A_1309 = arith.index_cast %parallel_loop3A_1308 : i32 to index
        %parallel_loop3A_1310 = arith.index_cast %parallel_loop3A_232 : i32 to index
        %parallel_loop3A_1311 = arith.constant 64 : index
        %parallel_loop3A_1312 = tpu.vector_load %arg9[%parallel_loop3A_1309, %parallel_loop3A_1310, %parallel_loop3A_1311] {strides = array<i32>} : memref<2x8x256xf32, #tpu.memory_space<vmem>>, vector<16xf32>,
        tpu.vector_store %arg9[%parallel_loop3A_1309, %parallel_loop3A_1310, %parallel_loop3A_1311], %parallel_loop3A_1306 {strides = array<i32>} : memref<2x8x256xf32, #tpu.memory_space<vmem>>, vector<16xf32>,
        %parallel_loop3A_1313 = arith.constant 0 : i32
        %parallel_loop3A_1314 = arith.index_cast %parallel_loop3A_1313 : i32 to index
        %parallel_loop3A_1315 = arith.index_cast %parallel_loop3A_232 : i32 to index
        %parallel_loop3A_1316 = arith.constant 192 : index
        %parallel_loop3A_1317 = tpu.vector_load %arg9[%parallel_loop3A_1314, %parallel_loop3A_1315, %parallel_loop3A_1316] {strides = array<i32>} : memref<2x8x256xf32, #tpu.memory_space<vmem>>, vector<16xf32>,
        tpu.vector_store %arg9[%parallel_loop3A_1314, %parallel_loop3A_1315, %parallel_loop3A_1316], %parallel_loop3A_1307 {strides = array<i32>} : memref<2x8x256xf32, #tpu.memory_space<vmem>>, vector<16xf32>,
        %parallel_loop3A_1318 = arith.constant 16 : i32
        %parallel_loop3A_1319 = arith.muli %parallel_loop3A_232, %parallel_loop3A_1318 : i32
        %parallel_loop3A_1320 = arith.constant 0 : i32
        %parallel_loop3A_1321 = arith.addi %parallel_loop3A_1319, %parallel_loop3A_1320 : i32
        %parallel_loop3A_1322 = arith.constant 0 : i32
        %parallel_loop3A_1323 = arith.index_cast %parallel_loop3A_1322 : i32 to index
        %parallel_loop3A_1324 = arith.index_cast %parallel_loop3A_1321 : i32 to index
        %parallel_loop3A_1325 = arith.constant 80 : index
        %parallel_loop3A_1326 = tpu.vector_load %arg8[%parallel_loop3A_1323, %parallel_loop3A_1324, %parallel_loop3A_1325] {strides = array<i32>} : memref<2x128x128xi32, #tpu.memory_space<vmem>>, vector<16xi32>,
        %parallel_loop3A_1327 = vector.bitcast %parallel_loop3A_1326 : vector<16xi32> to vector<32xbf16>
        %parallel_loop3A_1328 = arith.mulf %parallel_loop3A_242, %parallel_loop3A_1327 : vector<32xbf16>
        %parallel_loop3A_1329 = arith.constant 16 : i32
        %parallel_loop3A_1330 = arith.muli %parallel_loop3A_232, %parallel_loop3A_1329 : i32
        %parallel_loop3A_1331 = arith.constant 1 : i32
        %parallel_loop3A_1332 = arith.addi %parallel_loop3A_1330, %parallel_loop3A_1331 : i32
        %parallel_loop3A_1333 = arith.constant 0 : i32
        %parallel_loop3A_1334 = arith.index_cast %parallel_loop3A_1333 : i32 to index
        %parallel_loop3A_1335 = arith.index_cast %parallel_loop3A_1332 : i32 to index
        %parallel_loop3A_1336 = arith.constant 80 : index
        %parallel_loop3A_1337 = tpu.vector_load %arg8[%parallel_loop3A_1334, %parallel_loop3A_1335, %parallel_loop3A_1336] {strides = array<i32>} : memref<2x128x128xi32, #tpu.memory_space<vmem>>, vector<16xi32>,
        %parallel_loop3A_1338 = vector.bitcast %parallel_loop3A_1337 : vector<16xi32> to vector<32xbf16>
        %parallel_loop3A_1339 = arith.mulf %parallel_loop3A_246, %parallel_loop3A_1338 : vector<32xbf16>
        %parallel_loop3A_1340 = arith.constant 16 : i32
        %parallel_loop3A_1341 = arith.muli %parallel_loop3A_232, %parallel_loop3A_1340 : i32
        %parallel_loop3A_1342 = arith.constant 2 : i32
        %parallel_loop3A_1343 = arith.addi %parallel_loop3A_1341, %parallel_loop3A_1342 : i32
        %parallel_loop3A_1344 = arith.constant 0 : i32
        %parallel_loop3A_1345 = arith.index_cast %parallel_loop3A_1344 : i32 to index
        %parallel_loop3A_1346 = arith.index_cast %parallel_loop3A_1343 : i32 to index
        %parallel_loop3A_1347 = arith.constant 80 : index
        %parallel_loop3A_1348 = tpu.vector_load %arg8[%parallel_loop3A_1345, %parallel_loop3A_1346, %parallel_loop3A_1347] {strides = array<i32>} : memref<2x128x128xi32, #tpu.memory_space<vmem>>, vector<16xi32>,
        %parallel_loop3A_1349 = vector.bitcast %parallel_loop3A_1348 : vector<16xi32> to vector<32xbf16>
        %parallel_loop3A_1350 = arith.mulf %parallel_loop3A_250, %parallel_loop3A_1349 : vector<32xbf16>
        %parallel_loop3A_1351 = arith.constant 16 : i32
        %parallel_loop3A_1352 = arith.muli %parallel_loop3A_232, %parallel_loop3A_1351 : i32
        %parallel_loop3A_1353 = arith.constant 3 : i32
        %parallel_loop3A_1354 = arith.addi %parallel_loop3A_1352, %parallel_loop3A_1353 : i32
        %parallel_loop3A_1355 = arith.constant 0 : i32
        %parallel_loop3A_1356 = arith.index_cast %parallel_loop3A_1355 : i32 to index
        %parallel_loop3A_1357 = arith.index_cast %parallel_loop3A_1354 : i32 to index
        %parallel_loop3A_1358 = arith.constant 80 : index
        %parallel_loop3A_1359 = tpu.vector_load %arg8[%parallel_loop3A_1356, %parallel_loop3A_1357, %parallel_loop3A_1358] {strides = array<i32>} : memref<2x128x128xi32, #tpu.memory_space<vmem>>, vector<16xi32>,
        %parallel_loop3A_1360 = vector.bitcast %parallel_loop3A_1359 : vector<16xi32> to vector<32xbf16>
        %parallel_loop3A_1361 = arith.mulf %parallel_loop3A_254, %parallel_loop3A_1360 : vector<32xbf16>
        %parallel_loop3A_1362 = arith.constant 16 : i32
        %parallel_loop3A_1363 = arith.muli %parallel_loop3A_232, %parallel_loop3A_1362 : i32
        %parallel_loop3A_1364 = arith.constant 4 : i32
        %parallel_loop3A_1365 = arith.addi %parallel_loop3A_1363, %parallel_loop3A_1364 : i32
        %parallel_loop3A_1366 = arith.constant 0 : i32
        %parallel_loop3A_1367 = arith.index_cast %parallel_loop3A_1366 : i32 to index
        %parallel_loop3A_1368 = arith.index_cast %parallel_loop3A_1365 : i32 to index
        %parallel_loop3A_1369 = arith.constant 80 : index
        %parallel_loop3A_1370 = tpu.vector_load %arg8[%parallel_loop3A_1367, %parallel_loop3A_1368, %parallel_loop3A_1369] {strides = array<i32>} : memref<2x128x128xi32, #tpu.memory_space<vmem>>, vector<16xi32>,
        %parallel_loop3A_1371 = vector.bitcast %parallel_loop3A_1370 : vector<16xi32> to vector<32xbf16>
        %parallel_loop3A_1372 = arith.mulf %parallel_loop3A_258, %parallel_loop3A_1371 : vector<32xbf16>
        %parallel_loop3A_1373 = arith.constant 16 : i32
        %parallel_loop3A_1374 = arith.muli %parallel_loop3A_232, %parallel_loop3A_1373 : i32
        %parallel_loop3A_1375 = arith.constant 5 : i32
        %parallel_loop3A_1376 = arith.addi %parallel_loop3A_1374, %parallel_loop3A_1375 : i32
        %parallel_loop3A_1377 = arith.constant 0 : i32
        %parallel_loop3A_1378 = arith.index_cast %parallel_loop3A_1377 : i32 to index
        %parallel_loop3A_1379 = arith.index_cast %parallel_loop3A_1376 : i32 to index
        %parallel_loop3A_1380 = arith.constant 80 : index
        %parallel_loop3A_1381 = tpu.vector_load %arg8[%parallel_loop3A_1378, %parallel_loop3A_1379, %parallel_loop3A_1380] {strides = array<i32>} : memref<2x128x128xi32, #tpu.memory_space<vmem>>, vector<16xi32>,
        %parallel_loop3A_1382 = vector.bitcast %parallel_loop3A_1381 : vector<16xi32> to vector<32xbf16>
        %parallel_loop3A_1383 = arith.mulf %parallel_loop3A_262, %parallel_loop3A_1382 : vector<32xbf16>
        %parallel_loop3A_1384 = arith.constant 16 : i32
        %parallel_loop3A_1385 = arith.muli %parallel_loop3A_232, %parallel_loop3A_1384 : i32
        %parallel_loop3A_1386 = arith.constant 6 : i32
        %parallel_loop3A_1387 = arith.addi %parallel_loop3A_1385, %parallel_loop3A_1386 : i32
        %parallel_loop3A_1388 = arith.constant 0 : i32
        %parallel_loop3A_1389 = arith.index_cast %parallel_loop3A_1388 : i32 to index
        %parallel_loop3A_1390 = arith.index_cast %parallel_loop3A_1387 : i32 to index
        %parallel_loop3A_1391 = arith.constant 80 : index
        %parallel_loop3A_1392 = tpu.vector_load %arg8[%parallel_loop3A_1389, %parallel_loop3A_1390, %parallel_loop3A_1391] {strides = array<i32>} : memref<2x128x128xi32, #tpu.memory_space<vmem>>, vector<16xi32>,
        %parallel_loop3A_1393 = vector.bitcast %parallel_loop3A_1392 : vector<16xi32> to vector<32xbf16>
        %parallel_loop3A_1394 = arith.mulf %parallel_loop3A_266, %parallel_loop3A_1393 : vector<32xbf16>
        %parallel_loop3A_1395 = arith.constant 16 : i32
        %parallel_loop3A_1396 = arith.muli %parallel_loop3A_232, %parallel_loop3A_1395 : i32
        %parallel_loop3A_1397 = arith.constant 7 : i32
        %parallel_loop3A_1398 = arith.addi %parallel_loop3A_1396, %parallel_loop3A_1397 : i32
        %parallel_loop3A_1399 = arith.constant 0 : i32
        %parallel_loop3A_1400 = arith.index_cast %parallel_loop3A_1399 : i32 to index
        %parallel_loop3A_1401 = arith.index_cast %parallel_loop3A_1398 : i32 to index
        %parallel_loop3A_1402 = arith.constant 80 : index
        %parallel_loop3A_1403 = tpu.vector_load %arg8[%parallel_loop3A_1400, %parallel_loop3A_1401, %parallel_loop3A_1402] {strides = array<i32>} : memref<2x128x128xi32, #tpu.memory_space<vmem>>, vector<16xi32>,
        %parallel_loop3A_1404 = vector.bitcast %parallel_loop3A_1403 : vector<16xi32> to vector<32xbf16>
        %parallel_loop3A_1405 = arith.mulf %parallel_loop3A_270, %parallel_loop3A_1404 : vector<32xbf16>
        %parallel_loop3A_1406 = arith.constant 16 : i32
        %parallel_loop3A_1407 = arith.muli %parallel_loop3A_232, %parallel_loop3A_1406 : i32
        %parallel_loop3A_1408 = arith.constant 8 : i32
        %parallel_loop3A_1409 = arith.addi %parallel_loop3A_1407, %parallel_loop3A_1408 : i32
        %parallel_loop3A_1410 = arith.constant 0 : i32
        %parallel_loop3A_1411 = arith.index_cast %parallel_loop3A_1410 : i32 to index
        %parallel_loop3A_1412 = arith.index_cast %parallel_loop3A_1409 : i32 to index
        %parallel_loop3A_1413 = arith.constant 80 : index
        %parallel_loop3A_1414 = tpu.vector_load %arg8[%parallel_loop3A_1411, %parallel_loop3A_1412, %parallel_loop3A_1413] {strides = array<i32>} : memref<2x128x128xi32, #tpu.memory_space<vmem>>, vector<16xi32>,
        %parallel_loop3A_1415 = vector.bitcast %parallel_loop3A_1414 : vector<16xi32> to vector<32xbf16>
        %parallel_loop3A_1416 = arith.mulf %parallel_loop3A_274, %parallel_loop3A_1415 : vector<32xbf16>
        %parallel_loop3A_1417 = arith.constant 16 : i32
        %parallel_loop3A_1418 = arith.muli %parallel_loop3A_232, %parallel_loop3A_1417 : i32
        %parallel_loop3A_1419 = arith.constant 9 : i32
        %parallel_loop3A_1420 = arith.addi %parallel_loop3A_1418, %parallel_loop3A_1419 : i32
        %parallel_loop3A_1421 = arith.constant 0 : i32
        %parallel_loop3A_1422 = arith.index_cast %parallel_loop3A_1421 : i32 to index
        %parallel_loop3A_1423 = arith.index_cast %parallel_loop3A_1420 : i32 to index
        %parallel_loop3A_1424 = arith.constant 80 : index
        %parallel_loop3A_1425 = tpu.vector_load %arg8[%parallel_loop3A_1422, %parallel_loop3A_1423, %parallel_loop3A_1424] {strides = array<i32>} : memref<2x128x128xi32, #tpu.memory_space<vmem>>, vector<16xi32>,
        %parallel_loop3A_1426 = vector.bitcast %parallel_loop3A_1425 : vector<16xi32> to vector<32xbf16>
        %parallel_loop3A_1427 = arith.mulf %parallel_loop3A_278, %parallel_loop3A_1426 : vector<32xbf16>
        %parallel_loop3A_1428 = arith.constant 16 : i32
        %parallel_loop3A_1429 = arith.muli %parallel_loop3A_232, %parallel_loop3A_1428 : i32
        %parallel_loop3A_1430 = arith.constant 10 : i32
        %parallel_loop3A_1431 = arith.addi %parallel_loop3A_1429, %parallel_loop3A_1430 : i32
        %parallel_loop3A_1432 = arith.constant 0 : i32
        %parallel_loop3A_1433 = arith.index_cast %parallel_loop3A_1432 : i32 to index
        %parallel_loop3A_1434 = arith.index_cast %parallel_loop3A_1431 : i32 to index
        %parallel_loop3A_1435 = arith.constant 80 : index
        %parallel_loop3A_1436 = tpu.vector_load %arg8[%parallel_loop3A_1433, %parallel_loop3A_1434, %parallel_loop3A_1435] {strides = array<i32>} : memref<2x128x128xi32, #tpu.memory_space<vmem>>, vector<16xi32>,
        %parallel_loop3A_1437 = vector.bitcast %parallel_loop3A_1436 : vector<16xi32> to vector<32xbf16>
        %parallel_loop3A_1438 = arith.mulf %parallel_loop3A_282, %parallel_loop3A_1437 : vector<32xbf16>
        %parallel_loop3A_1439 = arith.constant 16 : i32
        %parallel_loop3A_1440 = arith.muli %parallel_loop3A_232, %parallel_loop3A_1439 : i32
        %parallel_loop3A_1441 = arith.constant 11 : i32
        %parallel_loop3A_1442 = arith.addi %parallel_loop3A_1440, %parallel_loop3A_1441 : i32
        %parallel_loop3A_1443 = arith.constant 0 : i32
        %parallel_loop3A_1444 = arith.index_cast %parallel_loop3A_1443 : i32 to index
        %parallel_loop3A_1445 = arith.index_cast %parallel_loop3A_1442 : i32 to index
        %parallel_loop3A_1446 = arith.constant 80 : index
        %parallel_loop3A_1447 = tpu.vector_load %arg8[%parallel_loop3A_1444, %parallel_loop3A_1445, %parallel_loop3A_1446] {strides = array<i32>} : memref<2x128x128xi32, #tpu.memory_space<vmem>>, vector<16xi32>,
        %parallel_loop3A_1448 = vector.bitcast %parallel_loop3A_1447 : vector<16xi32> to vector<32xbf16>
        %parallel_loop3A_1449 = arith.mulf %parallel_loop3A_286, %parallel_loop3A_1448 : vector<32xbf16>
        %parallel_loop3A_1450 = arith.constant 16 : i32
        %parallel_loop3A_1451 = arith.muli %parallel_loop3A_232, %parallel_loop3A_1450 : i32
        %parallel_loop3A_1452 = arith.constant 12 : i32
        %parallel_loop3A_1453 = arith.addi %parallel_loop3A_1451, %parallel_loop3A_1452 : i32
        %parallel_loop3A_1454 = arith.constant 0 : i32
        %parallel_loop3A_1455 = arith.index_cast %parallel_loop3A_1454 : i32 to index
        %parallel_loop3A_1456 = arith.index_cast %parallel_loop3A_1453 : i32 to index
        %parallel_loop3A_1457 = arith.constant 80 : index
        %parallel_loop3A_1458 = tpu.vector_load %arg8[%parallel_loop3A_1455, %parallel_loop3A_1456, %parallel_loop3A_1457] {strides = array<i32>} : memref<2x128x128xi32, #tpu.memory_space<vmem>>, vector<16xi32>,
        %parallel_loop3A_1459 = vector.bitcast %parallel_loop3A_1458 : vector<16xi32> to vector<32xbf16>
        %parallel_loop3A_1460 = arith.mulf %parallel_loop3A_290, %parallel_loop3A_1459 : vector<32xbf16>
        %parallel_loop3A_1461 = arith.constant 16 : i32
        %parallel_loop3A_1462 = arith.muli %parallel_loop3A_232, %parallel_loop3A_1461 : i32
        %parallel_loop3A_1463 = arith.constant 13 : i32
        %parallel_loop3A_1464 = arith.addi %parallel_loop3A_1462, %parallel_loop3A_1463 : i32
        %parallel_loop3A_1465 = arith.constant 0 : i32
        %parallel_loop3A_1466 = arith.index_cast %parallel_loop3A_1465 : i32 to index
        %parallel_loop3A_1467 = arith.index_cast %parallel_loop3A_1464 : i32 to index
        %parallel_loop3A_1468 = arith.constant 80 : index
        %parallel_loop3A_1469 = tpu.vector_load %arg8[%parallel_loop3A_1466, %parallel_loop3A_1467, %parallel_loop3A_1468] {strides = array<i32>} : memref<2x128x128xi32, #tpu.memory_space<vmem>>, vector<16xi32>,
        %parallel_loop3A_1470 = vector.bitcast %parallel_loop3A_1469 : vector<16xi32> to vector<32xbf16>
        %parallel_loop3A_1471 = arith.mulf %parallel_loop3A_294, %parallel_loop3A_1470 : vector<32xbf16>
        %parallel_loop3A_1472 = arith.constant 16 : i32
        %parallel_loop3A_1473 = arith.muli %parallel_loop3A_232, %parallel_loop3A_1472 : i32
        %parallel_loop3A_1474 = arith.constant 14 : i32
        %parallel_loop3A_1475 = arith.addi %parallel_loop3A_1473, %parallel_loop3A_1474 : i32
        %parallel_loop3A_1476 = arith.constant 0 : i32
        %parallel_loop3A_1477 = arith.index_cast %parallel_loop3A_1476 : i32 to index
        %parallel_loop3A_1478 = arith.index_cast %parallel_loop3A_1475 : i32 to index
        %parallel_loop3A_1479 = arith.constant 80 : index
        %parallel_loop3A_1480 = tpu.vector_load %arg8[%parallel_loop3A_1477, %parallel_loop3A_1478, %parallel_loop3A_1479] {strides = array<i32>} : memref<2x128x128xi32, #tpu.memory_space<vmem>>, vector<16xi32>,
        %parallel_loop3A_1481 = vector.bitcast %parallel_loop3A_1480 : vector<16xi32> to vector<32xbf16>
        %parallel_loop3A_1482 = arith.mulf %parallel_loop3A_298, %parallel_loop3A_1481 : vector<32xbf16>
        %parallel_loop3A_1483 = arith.constant 16 : i32
        %parallel_loop3A_1484 = arith.muli %parallel_loop3A_232, %parallel_loop3A_1483 : i32
        %parallel_loop3A_1485 = arith.constant 15 : i32
        %parallel_loop3A_1486 = arith.addi %parallel_loop3A_1484, %parallel_loop3A_1485 : i32
        %parallel_loop3A_1487 = arith.constant 0 : i32
        %parallel_loop3A_1488 = arith.index_cast %parallel_loop3A_1487 : i32 to index
        %parallel_loop3A_1489 = arith.index_cast %parallel_loop3A_1486 : i32 to index
        %parallel_loop3A_1490 = arith.constant 80 : index
        %parallel_loop3A_1491 = tpu.vector_load %arg8[%parallel_loop3A_1488, %parallel_loop3A_1489, %parallel_loop3A_1490] {strides = array<i32>} : memref<2x128x128xi32, #tpu.memory_space<vmem>>, vector<16xi32>,
        %parallel_loop3A_1492 = vector.bitcast %parallel_loop3A_1491 : vector<16xi32> to vector<32xbf16>
        %parallel_loop3A_1493 = arith.mulf %parallel_loop3A_302, %parallel_loop3A_1492 : vector<32xbf16>
        %parallel_loop3A_1494 = arith.addf %parallel_loop3A_1328, %parallel_loop3A_1339 : vector<32xbf16>
        %parallel_loop3A_1495 = arith.addf %parallel_loop3A_1350, %parallel_loop3A_1361 : vector<32xbf16>
        %parallel_loop3A_1496 = arith.addf %parallel_loop3A_1372, %parallel_loop3A_1383 : vector<32xbf16>
        %parallel_loop3A_1497 = arith.addf %parallel_loop3A_1394, %parallel_loop3A_1405 : vector<32xbf16>
        %parallel_loop3A_1498 = arith.addf %parallel_loop3A_1416, %parallel_loop3A_1427 : vector<32xbf16>
        %parallel_loop3A_1499 = arith.addf %parallel_loop3A_1438, %parallel_loop3A_1449 : vector<32xbf16>
        %parallel_loop3A_1500 = arith.addf %parallel_loop3A_1460, %parallel_loop3A_1471 : vector<32xbf16>
        %parallel_loop3A_1501 = arith.addf %parallel_loop3A_1482, %parallel_loop3A_1493 : vector<32xbf16>
        %parallel_loop3A_1502 = arith.addf %parallel_loop3A_1494, %parallel_loop3A_1495 : vector<32xbf16>
        %parallel_loop3A_1503 = arith.addf %parallel_loop3A_1496, %parallel_loop3A_1497 : vector<32xbf16>
        %parallel_loop3A_1504 = arith.addf %parallel_loop3A_1498, %parallel_loop3A_1499 : vector<32xbf16>
        %parallel_loop3A_1505 = arith.addf %parallel_loop3A_1500, %parallel_loop3A_1501 : vector<32xbf16>
        %parallel_loop3A_1506 = arith.addf %parallel_loop3A_1502, %parallel_loop3A_1503 : vector<32xbf16>
        %parallel_loop3A_1507 = arith.addf %parallel_loop3A_1504, %parallel_loop3A_1505 : vector<32xbf16>
        %parallel_loop3A_1508 = arith.addf %parallel_loop3A_1506, %parallel_loop3A_1507 : vector<32xbf16>
        %parallel_loop3A_1509 = tpu.unpack_subelements %parallel_loop3A_1508, 0 {pack_format = #tpu.pack_format<interleaved>} : vector<32xbf16> -> vector<16xf32>
        %parallel_loop3A_1510 = tpu.unpack_subelements %parallel_loop3A_1508, 1 {pack_format = #tpu.pack_format<interleaved>} : vector<32xbf16> -> vector<16xf32>
        %parallel_loop3A_1511 = arith.constant 0 : i32
        %parallel_loop3A_1512 = arith.index_cast %parallel_loop3A_1511 : i32 to index
        %parallel_loop3A_1513 = arith.index_cast %parallel_loop3A_232 : i32 to index
        %parallel_loop3A_1514 = arith.constant 80 : index
        %parallel_loop3A_1515 = tpu.vector_load %arg9[%parallel_loop3A_1512, %parallel_loop3A_1513, %parallel_loop3A_1514] {strides = array<i32>} : memref<2x8x256xf32, #tpu.memory_space<vmem>>, vector<16xf32>,
        tpu.vector_store %arg9[%parallel_loop3A_1512, %parallel_loop3A_1513, %parallel_loop3A_1514], %parallel_loop3A_1509 {strides = array<i32>} : memref<2x8x256xf32, #tpu.memory_space<vmem>>, vector<16xf32>,
        %parallel_loop3A_1516 = arith.constant 0 : i32
        %parallel_loop3A_1517 = arith.index_cast %parallel_loop3A_1516 : i32 to index
        %parallel_loop3A_1518 = arith.index_cast %parallel_loop3A_232 : i32 to index
        %parallel_loop3A_1519 = arith.constant 208 : index
        %parallel_loop3A_1520 = tpu.vector_load %arg9[%parallel_loop3A_1517, %parallel_loop3A_1518, %parallel_loop3A_1519] {strides = array<i32>} : memref<2x8x256xf32, #tpu.memory_space<vmem>>, vector<16xf32>,
        tpu.vector_store %arg9[%parallel_loop3A_1517, %parallel_loop3A_1518, %parallel_loop3A_1519], %parallel_loop3A_1510 {strides = array<i32>} : memref<2x8x256xf32, #tpu.memory_space<vmem>>, vector<16xf32>,
        %parallel_loop3A_1521 = arith.constant 16 : i32
        %parallel_loop3A_1522 = arith.muli %parallel_loop3A_232, %parallel_loop3A_1521 : i32
        %parallel_loop3A_1523 = arith.constant 0 : i32
        %parallel_loop3A_1524 = arith.addi %parallel_loop3A_1522, %parallel_loop3A_1523 : i32
        %parallel_loop3A_1525 = arith.constant 0 : i32
        %parallel_loop3A_1526 = arith.index_cast %parallel_loop3A_1525 : i32 to index
        %parallel_loop3A_1527 = arith.index_cast %parallel_loop3A_1524 : i32 to index
        %parallel_loop3A_1528 = arith.constant 96 : index
        %parallel_loop3A_1529 = tpu.vector_load %arg8[%parallel_loop3A_1526, %parallel_loop3A_1527, %parallel_loop3A_1528] {strides = array<i32>} : memref<2x128x128xi32, #tpu.memory_space<vmem>>, vector<16xi32>,
        %parallel_loop3A_1530 = vector.bitcast %parallel_loop3A_1529 : vector<16xi32> to vector<32xbf16>
        %parallel_loop3A_1531 = arith.mulf %parallel_loop3A_242, %parallel_loop3A_1530 : vector<32xbf16>
        %parallel_loop3A_1532 = arith.constant 16 : i32
        %parallel_loop3A_1533 = arith.muli %parallel_loop3A_232, %parallel_loop3A_1532 : i32
        %parallel_loop3A_1534 = arith.constant 1 : i32
        %parallel_loop3A_1535 = arith.addi %parallel_loop3A_1533, %parallel_loop3A_1534 : i32
        %parallel_loop3A_1536 = arith.constant 0 : i32
        %parallel_loop3A_1537 = arith.index_cast %parallel_loop3A_1536 : i32 to index
        %parallel_loop3A_1538 = arith.index_cast %parallel_loop3A_1535 : i32 to index
        %parallel_loop3A_1539 = arith.constant 96 : index
        %parallel_loop3A_1540 = tpu.vector_load %arg8[%parallel_loop3A_1537, %parallel_loop3A_1538, %parallel_loop3A_1539] {strides = array<i32>} : memref<2x128x128xi32, #tpu.memory_space<vmem>>, vector<16xi32>,
        %parallel_loop3A_1541 = vector.bitcast %parallel_loop3A_1540 : vector<16xi32> to vector<32xbf16>
        %parallel_loop3A_1542 = arith.mulf %parallel_loop3A_246, %parallel_loop3A_1541 : vector<32xbf16>
        %parallel_loop3A_1543 = arith.constant 16 : i32
        %parallel_loop3A_1544 = arith.muli %parallel_loop3A_232, %parallel_loop3A_1543 : i32
        %parallel_loop3A_1545 = arith.constant 2 : i32
        %parallel_loop3A_1546 = arith.addi %parallel_loop3A_1544, %parallel_loop3A_1545 : i32
        %parallel_loop3A_1547 = arith.constant 0 : i32
        %parallel_loop3A_1548 = arith.index_cast %parallel_loop3A_1547 : i32 to index
        %parallel_loop3A_1549 = arith.index_cast %parallel_loop3A_1546 : i32 to index
        %parallel_loop3A_1550 = arith.constant 96 : index
        %parallel_loop3A_1551 = tpu.vector_load %arg8[%parallel_loop3A_1548, %parallel_loop3A_1549, %parallel_loop3A_1550] {strides = array<i32>} : memref<2x128x128xi32, #tpu.memory_space<vmem>>, vector<16xi32>,
        %parallel_loop3A_1552 = vector.bitcast %parallel_loop3A_1551 : vector<16xi32> to vector<32xbf16>
        %parallel_loop3A_1553 = arith.mulf %parallel_loop3A_250, %parallel_loop3A_1552 : vector<32xbf16>
        %parallel_loop3A_1554 = arith.constant 16 : i32
        %parallel_loop3A_1555 = arith.muli %parallel_loop3A_232, %parallel_loop3A_1554 : i32
        %parallel_loop3A_1556 = arith.constant 3 : i32
        %parallel_loop3A_1557 = arith.addi %parallel_loop3A_1555, %parallel_loop3A_1556 : i32
        %parallel_loop3A_1558 = arith.constant 0 : i32
        %parallel_loop3A_1559 = arith.index_cast %parallel_loop3A_1558 : i32 to index
        %parallel_loop3A_1560 = arith.index_cast %parallel_loop3A_1557 : i32 to index
        %parallel_loop3A_1561 = arith.constant 96 : index
        %parallel_loop3A_1562 = tpu.vector_load %arg8[%parallel_loop3A_1559, %parallel_loop3A_1560, %parallel_loop3A_1561] {strides = array<i32>} : memref<2x128x128xi32, #tpu.memory_space<vmem>>, vector<16xi32>,
        %parallel_loop3A_1563 = vector.bitcast %parallel_loop3A_1562 : vector<16xi32> to vector<32xbf16>
        %parallel_loop3A_1564 = arith.mulf %parallel_loop3A_254, %parallel_loop3A_1563 : vector<32xbf16>
        %parallel_loop3A_1565 = arith.constant 16 : i32
        %parallel_loop3A_1566 = arith.muli %parallel_loop3A_232, %parallel_loop3A_1565 : i32
        %parallel_loop3A_1567 = arith.constant 4 : i32
        %parallel_loop3A_1568 = arith.addi %parallel_loop3A_1566, %parallel_loop3A_1567 : i32
        %parallel_loop3A_1569 = arith.constant 0 : i32
        %parallel_loop3A_1570 = arith.index_cast %parallel_loop3A_1569 : i32 to index
        %parallel_loop3A_1571 = arith.index_cast %parallel_loop3A_1568 : i32 to index
        %parallel_loop3A_1572 = arith.constant 96 : index
        %parallel_loop3A_1573 = tpu.vector_load %arg8[%parallel_loop3A_1570, %parallel_loop3A_1571, %parallel_loop3A_1572] {strides = array<i32>} : memref<2x128x128xi32, #tpu.memory_space<vmem>>, vector<16xi32>,
        %parallel_loop3A_1574 = vector.bitcast %parallel_loop3A_1573 : vector<16xi32> to vector<32xbf16>
        %parallel_loop3A_1575 = arith.mulf %parallel_loop3A_258, %parallel_loop3A_1574 : vector<32xbf16>
        %parallel_loop3A_1576 = arith.constant 16 : i32
        %parallel_loop3A_1577 = arith.muli %parallel_loop3A_232, %parallel_loop3A_1576 : i32
        %parallel_loop3A_1578 = arith.constant 5 : i32
        %parallel_loop3A_1579 = arith.addi %parallel_loop3A_1577, %parallel_loop3A_1578 : i32
        %parallel_loop3A_1580 = arith.constant 0 : i32
        %parallel_loop3A_1581 = arith.index_cast %parallel_loop3A_1580 : i32 to index
        %parallel_loop3A_1582 = arith.index_cast %parallel_loop3A_1579 : i32 to index
        %parallel_loop3A_1583 = arith.constant 96 : index
        %parallel_loop3A_1584 = tpu.vector_load %arg8[%parallel_loop3A_1581, %parallel_loop3A_1582, %parallel_loop3A_1583] {strides = array<i32>} : memref<2x128x128xi32, #tpu.memory_space<vmem>>, vector<16xi32>,
        %parallel_loop3A_1585 = vector.bitcast %parallel_loop3A_1584 : vector<16xi32> to vector<32xbf16>
        %parallel_loop3A_1586 = arith.mulf %parallel_loop3A_262, %parallel_loop3A_1585 : vector<32xbf16>
        %parallel_loop3A_1587 = arith.constant 16 : i32
        %parallel_loop3A_1588 = arith.muli %parallel_loop3A_232, %parallel_loop3A_1587 : i32
        %parallel_loop3A_1589 = arith.constant 6 : i32
        %parallel_loop3A_1590 = arith.addi %parallel_loop3A_1588, %parallel_loop3A_1589 : i32
        %parallel_loop3A_1591 = arith.constant 0 : i32
        %parallel_loop3A_1592 = arith.index_cast %parallel_loop3A_1591 : i32 to index
        %parallel_loop3A_1593 = arith.index_cast %parallel_loop3A_1590 : i32 to index
        %parallel_loop3A_1594 = arith.constant 96 : index
        %parallel_loop3A_1595 = tpu.vector_load %arg8[%parallel_loop3A_1592, %parallel_loop3A_1593, %parallel_loop3A_1594] {strides = array<i32>} : memref<2x128x128xi32, #tpu.memory_space<vmem>>, vector<16xi32>,
        %parallel_loop3A_1596 = vector.bitcast %parallel_loop3A_1595 : vector<16xi32> to vector<32xbf16>
        %parallel_loop3A_1597 = arith.mulf %parallel_loop3A_266, %parallel_loop3A_1596 : vector<32xbf16>
        %parallel_loop3A_1598 = arith.constant 16 : i32
        %parallel_loop3A_1599 = arith.muli %parallel_loop3A_232, %parallel_loop3A_1598 : i32
        %parallel_loop3A_1600 = arith.constant 7 : i32
        %parallel_loop3A_1601 = arith.addi %parallel_loop3A_1599, %parallel_loop3A_1600 : i32
        %parallel_loop3A_1602 = arith.constant 0 : i32
        %parallel_loop3A_1603 = arith.index_cast %parallel_loop3A_1602 : i32 to index
        %parallel_loop3A_1604 = arith.index_cast %parallel_loop3A_1601 : i32 to index
        %parallel_loop3A_1605 = arith.constant 96 : index
        %parallel_loop3A_1606 = tpu.vector_load %arg8[%parallel_loop3A_1603, %parallel_loop3A_1604, %parallel_loop3A_1605] {strides = array<i32>} : memref<2x128x128xi32, #tpu.memory_space<vmem>>, vector<16xi32>,
        %parallel_loop3A_1607 = vector.bitcast %parallel_loop3A_1606 : vector<16xi32> to vector<32xbf16>
        %parallel_loop3A_1608 = arith.mulf %parallel_loop3A_270, %parallel_loop3A_1607 : vector<32xbf16>
        %parallel_loop3A_1609 = arith.constant 16 : i32
        %parallel_loop3A_1610 = arith.muli %parallel_loop3A_232, %parallel_loop3A_1609 : i32
        %parallel_loop3A_1611 = arith.constant 8 : i32
        %parallel_loop3A_1612 = arith.addi %parallel_loop3A_1610, %parallel_loop3A_1611 : i32
        %parallel_loop3A_1613 = arith.constant 0 : i32
        %parallel_loop3A_1614 = arith.index_cast %parallel_loop3A_1613 : i32 to index
        %parallel_loop3A_1615 = arith.index_cast %parallel_loop3A_1612 : i32 to index
        %parallel_loop3A_1616 = arith.constant 96 : index
        %parallel_loop3A_1617 = tpu.vector_load %arg8[%parallel_loop3A_1614, %parallel_loop3A_1615, %parallel_loop3A_1616] {strides = array<i32>} : memref<2x128x128xi32, #tpu.memory_space<vmem>>, vector<16xi32>,
        %parallel_loop3A_1618 = vector.bitcast %parallel_loop3A_1617 : vector<16xi32> to vector<32xbf16>
        %parallel_loop3A_1619 = arith.mulf %parallel_loop3A_274, %parallel_loop3A_1618 : vector<32xbf16>
        %parallel_loop3A_1620 = arith.constant 16 : i32
        %parallel_loop3A_1621 = arith.muli %parallel_loop3A_232, %parallel_loop3A_1620 : i32
        %parallel_loop3A_1622 = arith.constant 9 : i32
        %parallel_loop3A_1623 = arith.addi %parallel_loop3A_1621, %parallel_loop3A_1622 : i32
        %parallel_loop3A_1624 = arith.constant 0 : i32
        %parallel_loop3A_1625 = arith.index_cast %parallel_loop3A_1624 : i32 to index
        %parallel_loop3A_1626 = arith.index_cast %parallel_loop3A_1623 : i32 to index
        %parallel_loop3A_1627 = arith.constant 96 : index
        %parallel_loop3A_1628 = tpu.vector_load %arg8[%parallel_loop3A_1625, %parallel_loop3A_1626, %parallel_loop3A_1627] {strides = array<i32>} : memref<2x128x128xi32, #tpu.memory_space<vmem>>, vector<16xi32>,
        %parallel_loop3A_1629 = vector.bitcast %parallel_loop3A_1628 : vector<16xi32> to vector<32xbf16>
        %parallel_loop3A_1630 = arith.mulf %parallel_loop3A_278, %parallel_loop3A_1629 : vector<32xbf16>
        %parallel_loop3A_1631 = arith.constant 16 : i32
        %parallel_loop3A_1632 = arith.muli %parallel_loop3A_232, %parallel_loop3A_1631 : i32
        %parallel_loop3A_1633 = arith.constant 10 : i32
        %parallel_loop3A_1634 = arith.addi %parallel_loop3A_1632, %parallel_loop3A_1633 : i32
        %parallel_loop3A_1635 = arith.constant 0 : i32
        %parallel_loop3A_1636 = arith.index_cast %parallel_loop3A_1635 : i32 to index
        %parallel_loop3A_1637 = arith.index_cast %parallel_loop3A_1634 : i32 to index
        %parallel_loop3A_1638 = arith.constant 96 : index
        %parallel_loop3A_1639 = tpu.vector_load %arg8[%parallel_loop3A_1636, %parallel_loop3A_1637, %parallel_loop3A_1638] {strides = array<i32>} : memref<2x128x128xi32, #tpu.memory_space<vmem>>, vector<16xi32>,
        %parallel_loop3A_1640 = vector.bitcast %parallel_loop3A_1639 : vector<16xi32> to vector<32xbf16>
        %parallel_loop3A_1641 = arith.mulf %parallel_loop3A_282, %parallel_loop3A_1640 : vector<32xbf16>
        %parallel_loop3A_1642 = arith.constant 16 : i32
        %parallel_loop3A_1643 = arith.muli %parallel_loop3A_232, %parallel_loop3A_1642 : i32
        %parallel_loop3A_1644 = arith.constant 11 : i32
        %parallel_loop3A_1645 = arith.addi %parallel_loop3A_1643, %parallel_loop3A_1644 : i32
        %parallel_loop3A_1646 = arith.constant 0 : i32
        %parallel_loop3A_1647 = arith.index_cast %parallel_loop3A_1646 : i32 to index
        %parallel_loop3A_1648 = arith.index_cast %parallel_loop3A_1645 : i32 to index
        %parallel_loop3A_1649 = arith.constant 96 : index
        %parallel_loop3A_1650 = tpu.vector_load %arg8[%parallel_loop3A_1647, %parallel_loop3A_1648, %parallel_loop3A_1649] {strides = array<i32>} : memref<2x128x128xi32, #tpu.memory_space<vmem>>, vector<16xi32>,
        %parallel_loop3A_1651 = vector.bitcast %parallel_loop3A_1650 : vector<16xi32> to vector<32xbf16>
        %parallel_loop3A_1652 = arith.mulf %parallel_loop3A_286, %parallel_loop3A_1651 : vector<32xbf16>
        %parallel_loop3A_1653 = arith.constant 16 : i32
        %parallel_loop3A_1654 = arith.muli %parallel_loop3A_232, %parallel_loop3A_1653 : i32
        %parallel_loop3A_1655 = arith.constant 12 : i32
        %parallel_loop3A_1656 = arith.addi %parallel_loop3A_1654, %parallel_loop3A_1655 : i32
        %parallel_loop3A_1657 = arith.constant 0 : i32
        %parallel_loop3A_1658 = arith.index_cast %parallel_loop3A_1657 : i32 to index
        %parallel_loop3A_1659 = arith.index_cast %parallel_loop3A_1656 : i32 to index
        %parallel_loop3A_1660 = arith.constant 96 : index
        %parallel_loop3A_1661 = tpu.vector_load %arg8[%parallel_loop3A_1658, %parallel_loop3A_1659, %parallel_loop3A_1660] {strides = array<i32>} : memref<2x128x128xi32, #tpu.memory_space<vmem>>, vector<16xi32>,
        %parallel_loop3A_1662 = vector.bitcast %parallel_loop3A_1661 : vector<16xi32> to vector<32xbf16>
        %parallel_loop3A_1663 = arith.mulf %parallel_loop3A_290, %parallel_loop3A_1662 : vector<32xbf16>
        %parallel_loop3A_1664 = arith.constant 16 : i32
        %parallel_loop3A_1665 = arith.muli %parallel_loop3A_232, %parallel_loop3A_1664 : i32
        %parallel_loop3A_1666 = arith.constant 13 : i32
        %parallel_loop3A_1667 = arith.addi %parallel_loop3A_1665, %parallel_loop3A_1666 : i32
        %parallel_loop3A_1668 = arith.constant 0 : i32
        %parallel_loop3A_1669 = arith.index_cast %parallel_loop3A_1668 : i32 to index
        %parallel_loop3A_1670 = arith.index_cast %parallel_loop3A_1667 : i32 to index
        %parallel_loop3A_1671 = arith.constant 96 : index
        %parallel_loop3A_1672 = tpu.vector_load %arg8[%parallel_loop3A_1669, %parallel_loop3A_1670, %parallel_loop3A_1671] {strides = array<i32>} : memref<2x128x128xi32, #tpu.memory_space<vmem>>, vector<16xi32>,
        %parallel_loop3A_1673 = vector.bitcast %parallel_loop3A_1672 : vector<16xi32> to vector<32xbf16>
        %parallel_loop3A_1674 = arith.mulf %parallel_loop3A_294, %parallel_loop3A_1673 : vector<32xbf16>
        %parallel_loop3A_1675 = arith.constant 16 : i32
        %parallel_loop3A_1676 = arith.muli %parallel_loop3A_232, %parallel_loop3A_1675 : i32
        %parallel_loop3A_1677 = arith.constant 14 : i32
        %parallel_loop3A_1678 = arith.addi %parallel_loop3A_1676, %parallel_loop3A_1677 : i32
        %parallel_loop3A_1679 = arith.constant 0 : i32
        %parallel_loop3A_1680 = arith.index_cast %parallel_loop3A_1679 : i32 to index
        %parallel_loop3A_1681 = arith.index_cast %parallel_loop3A_1678 : i32 to index
        %parallel_loop3A_1682 = arith.constant 96 : index
        %parallel_loop3A_1683 = tpu.vector_load %arg8[%parallel_loop3A_1680, %parallel_loop3A_1681, %parallel_loop3A_1682] {strides = array<i32>} : memref<2x128x128xi32, #tpu.memory_space<vmem>>, vector<16xi32>,
        %parallel_loop3A_1684 = vector.bitcast %parallel_loop3A_1683 : vector<16xi32> to vector<32xbf16>
        %parallel_loop3A_1685 = arith.mulf %parallel_loop3A_298, %parallel_loop3A_1684 : vector<32xbf16>
        %parallel_loop3A_1686 = arith.constant 16 : i32
        %parallel_loop3A_1687 = arith.muli %parallel_loop3A_232, %parallel_loop3A_1686 : i32
        %parallel_loop3A_1688 = arith.constant 15 : i32
        %parallel_loop3A_1689 = arith.addi %parallel_loop3A_1687, %parallel_loop3A_1688 : i32
        %parallel_loop3A_1690 = arith.constant 0 : i32
        %parallel_loop3A_1691 = arith.index_cast %parallel_loop3A_1690 : i32 to index
        %parallel_loop3A_1692 = arith.index_cast %parallel_loop3A_1689 : i32 to index
        %parallel_loop3A_1693 = arith.constant 96 : index
        %parallel_loop3A_1694 = tpu.vector_load %arg8[%parallel_loop3A_1691, %parallel_loop3A_1692, %parallel_loop3A_1693] {strides = array<i32>} : memref<2x128x128xi32, #tpu.memory_space<vmem>>, vector<16xi32>,
        %parallel_loop3A_1695 = vector.bitcast %parallel_loop3A_1694 : vector<16xi32> to vector<32xbf16>
        %parallel_loop3A_1696 = arith.mulf %parallel_loop3A_302, %parallel_loop3A_1695 : vector<32xbf16>
        %parallel_loop3A_1697 = arith.addf %parallel_loop3A_1531, %parallel_loop3A_1542 : vector<32xbf16>
        %parallel_loop3A_1698 = arith.addf %parallel_loop3A_1553, %parallel_loop3A_1564 : vector<32xbf16>
        %parallel_loop3A_1699 = arith.addf %parallel_loop3A_1575, %parallel_loop3A_1586 : vector<32xbf16>
        %parallel_loop3A_1700 = arith.addf %parallel_loop3A_1597, %parallel_loop3A_1608 : vector<32xbf16>
        %parallel_loop3A_1701 = arith.addf %parallel_loop3A_1619, %parallel_loop3A_1630 : vector<32xbf16>
        %parallel_loop3A_1702 = arith.addf %parallel_loop3A_1641, %parallel_loop3A_1652 : vector<32xbf16>
        %parallel_loop3A_1703 = arith.addf %parallel_loop3A_1663, %parallel_loop3A_1674 : vector<32xbf16>
        %parallel_loop3A_1704 = arith.addf %parallel_loop3A_1685, %parallel_loop3A_1696 : vector<32xbf16>
        %parallel_loop3A_1705 = arith.addf %parallel_loop3A_1697, %parallel_loop3A_1698 : vector<32xbf16>
        %parallel_loop3A_1706 = arith.addf %parallel_loop3A_1699, %parallel_loop3A_1700 : vector<32xbf16>
        %parallel_loop3A_1707 = arith.addf %parallel_loop3A_1701, %parallel_loop3A_1702 : vector<32xbf16>
        %parallel_loop3A_1708 = arith.addf %parallel_loop3A_1703, %parallel_loop3A_1704 : vector<32xbf16>
        %parallel_loop3A_1709 = arith.addf %parallel_loop3A_1705, %parallel_loop3A_1706 : vector<32xbf16>
        %parallel_loop3A_1710 = arith.addf %parallel_loop3A_1707, %parallel_loop3A_1708 : vector<32xbf16>
        %parallel_loop3A_1711 = arith.addf %parallel_loop3A_1709, %parallel_loop3A_1710 : vector<32xbf16>
        %parallel_loop3A_1712 = tpu.unpack_subelements %parallel_loop3A_1711, 0 {pack_format = #tpu.pack_format<interleaved>} : vector<32xbf16> -> vector<16xf32>
        %parallel_loop3A_1713 = tpu.unpack_subelements %parallel_loop3A_1711, 1 {pack_format = #tpu.pack_format<interleaved>} : vector<32xbf16> -> vector<16xf32>
        %parallel_loop3A_1714 = arith.constant 0 : i32
        %parallel_loop3A_1715 = arith.index_cast %parallel_loop3A_1714 : i32 to index
        %parallel_loop3A_1716 = arith.index_cast %parallel_loop3A_232 : i32 to index
        %parallel_loop3A_1717 = arith.constant 96 : index
        %parallel_loop3A_1718 = tpu.vector_load %arg9[%parallel_loop3A_1715, %parallel_loop3A_1716, %parallel_loop3A_1717] {strides = array<i32>} : memref<2x8x256xf32, #tpu.memory_space<vmem>>, vector<16xf32>,
        tpu.vector_store %arg9[%parallel_loop3A_1715, %parallel_loop3A_1716, %parallel_loop3A_1717], %parallel_loop3A_1712 {strides = array<i32>} : memref<2x8x256xf32, #tpu.memory_space<vmem>>, vector<16xf32>,
        %parallel_loop3A_1719 = arith.constant 0 : i32
        %parallel_loop3A_1720 = arith.index_cast %parallel_loop3A_1719 : i32 to index
        %parallel_loop3A_1721 = arith.index_cast %parallel_loop3A_232 : i32 to index
        %parallel_loop3A_1722 = arith.constant 224 : index
        %parallel_loop3A_1723 = tpu.vector_load %arg9[%parallel_loop3A_1720, %parallel_loop3A_1721, %parallel_loop3A_1722] {strides = array<i32>} : memref<2x8x256xf32, #tpu.memory_space<vmem>>, vector<16xf32>,
        tpu.vector_store %arg9[%parallel_loop3A_1720, %parallel_loop3A_1721, %parallel_loop3A_1722], %parallel_loop3A_1713 {strides = array<i32>} : memref<2x8x256xf32, #tpu.memory_space<vmem>>, vector<16xf32>,
        %parallel_loop3A_1724 = arith.constant 16 : i32
        %parallel_loop3A_1725 = arith.muli %parallel_loop3A_232, %parallel_loop3A_1724 : i32
        %parallel_loop3A_1726 = arith.constant 0 : i32
        %parallel_loop3A_1727 = arith.addi %parallel_loop3A_1725, %parallel_loop3A_1726 : i32
        %parallel_loop3A_1728 = arith.constant 0 : i32
        %parallel_loop3A_1729 = arith.index_cast %parallel_loop3A_1728 : i32 to index
        %parallel_loop3A_1730 = arith.index_cast %parallel_loop3A_1727 : i32 to index
        %parallel_loop3A_1731 = arith.constant 112 : index
        %parallel_loop3A_1732 = tpu.vector_load %arg8[%parallel_loop3A_1729, %parallel_loop3A_1730, %parallel_loop3A_1731] {strides = array<i32>} : memref<2x128x128xi32, #tpu.memory_space<vmem>>, vector<16xi32>,
        %parallel_loop3A_1733 = vector.bitcast %parallel_loop3A_1732 : vector<16xi32> to vector<32xbf16>
        %parallel_loop3A_1734 = arith.mulf %parallel_loop3A_242, %parallel_loop3A_1733 : vector<32xbf16>
        %parallel_loop3A_1735 = arith.constant 16 : i32
        %parallel_loop3A_1736 = arith.muli %parallel_loop3A_232, %parallel_loop3A_1735 : i32
        %parallel_loop3A_1737 = arith.constant 1 : i32
        %parallel_loop3A_1738 = arith.addi %parallel_loop3A_1736, %parallel_loop3A_1737 : i32
        %parallel_loop3A_1739 = arith.constant 0 : i32
        %parallel_loop3A_1740 = arith.index_cast %parallel_loop3A_1739 : i32 to index
        %parallel_loop3A_1741 = arith.index_cast %parallel_loop3A_1738 : i32 to index
        %parallel_loop3A_1742 = arith.constant 112 : index
        %parallel_loop3A_1743 = tpu.vector_load %arg8[%parallel_loop3A_1740, %parallel_loop3A_1741, %parallel_loop3A_1742] {strides = array<i32>} : memref<2x128x128xi32, #tpu.memory_space<vmem>>, vector<16xi32>,
        %parallel_loop3A_1744 = vector.bitcast %parallel_loop3A_1743 : vector<16xi32> to vector<32xbf16>
        %parallel_loop3A_1745 = arith.mulf %parallel_loop3A_246, %parallel_loop3A_1744 : vector<32xbf16>
        %parallel_loop3A_1746 = arith.constant 16 : i32
        %parallel_loop3A_1747 = arith.muli %parallel_loop3A_232, %parallel_loop3A_1746 : i32
        %parallel_loop3A_1748 = arith.constant 2 : i32
        %parallel_loop3A_1749 = arith.addi %parallel_loop3A_1747, %parallel_loop3A_1748 : i32
        %parallel_loop3A_1750 = arith.constant 0 : i32
        %parallel_loop3A_1751 = arith.index_cast %parallel_loop3A_1750 : i32 to index
        %parallel_loop3A_1752 = arith.index_cast %parallel_loop3A_1749 : i32 to index
        %parallel_loop3A_1753 = arith.constant 112 : index
        %parallel_loop3A_1754 = tpu.vector_load %arg8[%parallel_loop3A_1751, %parallel_loop3A_1752, %parallel_loop3A_1753] {strides = array<i32>} : memref<2x128x128xi32, #tpu.memory_space<vmem>>, vector<16xi32>,
        %parallel_loop3A_1755 = vector.bitcast %parallel_loop3A_1754 : vector<16xi32> to vector<32xbf16>
        %parallel_loop3A_1756 = arith.mulf %parallel_loop3A_250, %parallel_loop3A_1755 : vector<32xbf16>
        %parallel_loop3A_1757 = arith.constant 16 : i32
        %parallel_loop3A_1758 = arith.muli %parallel_loop3A_232, %parallel_loop3A_1757 : i32
        %parallel_loop3A_1759 = arith.constant 3 : i32
        %parallel_loop3A_1760 = arith.addi %parallel_loop3A_1758, %parallel_loop3A_1759 : i32
        %parallel_loop3A_1761 = arith.constant 0 : i32
        %parallel_loop3A_1762 = arith.index_cast %parallel_loop3A_1761 : i32 to index
        %parallel_loop3A_1763 = arith.index_cast %parallel_loop3A_1760 : i32 to index
        %parallel_loop3A_1764 = arith.constant 112 : index
        %parallel_loop3A_1765 = tpu.vector_load %arg8[%parallel_loop3A_1762, %parallel_loop3A_1763, %parallel_loop3A_1764] {strides = array<i32>} : memref<2x128x128xi32, #tpu.memory_space<vmem>>, vector<16xi32>,
        %parallel_loop3A_1766 = vector.bitcast %parallel_loop3A_1765 : vector<16xi32> to vector<32xbf16>
        %parallel_loop3A_1767 = arith.mulf %parallel_loop3A_254, %parallel_loop3A_1766 : vector<32xbf16>
        %parallel_loop3A_1768 = arith.constant 16 : i32
        %parallel_loop3A_1769 = arith.muli %parallel_loop3A_232, %parallel_loop3A_1768 : i32
        %parallel_loop3A_1770 = arith.constant 4 : i32
        %parallel_loop3A_1771 = arith.addi %parallel_loop3A_1769, %parallel_loop3A_1770 : i32
        %parallel_loop3A_1772 = arith.constant 0 : i32
        %parallel_loop3A_1773 = arith.index_cast %parallel_loop3A_1772 : i32 to index
        %parallel_loop3A_1774 = arith.index_cast %parallel_loop3A_1771 : i32 to index
        %parallel_loop3A_1775 = arith.constant 112 : index
        %parallel_loop3A_1776 = tpu.vector_load %arg8[%parallel_loop3A_1773, %parallel_loop3A_1774, %parallel_loop3A_1775] {strides = array<i32>} : memref<2x128x128xi32, #tpu.memory_space<vmem>>, vector<16xi32>,
        %parallel_loop3A_1777 = vector.bitcast %parallel_loop3A_1776 : vector<16xi32> to vector<32xbf16>
        %parallel_loop3A_1778 = arith.mulf %parallel_loop3A_258, %parallel_loop3A_1777 : vector<32xbf16>
        %parallel_loop3A_1779 = arith.constant 16 : i32
        %parallel_loop3A_1780 = arith.muli %parallel_loop3A_232, %parallel_loop3A_1779 : i32
        %parallel_loop3A_1781 = arith.constant 5 : i32
        %parallel_loop3A_1782 = arith.addi %parallel_loop3A_1780, %parallel_loop3A_1781 : i32
        %parallel_loop3A_1783 = arith.constant 0 : i32
        %parallel_loop3A_1784 = arith.index_cast %parallel_loop3A_1783 : i32 to index
        %parallel_loop3A_1785 = arith.index_cast %parallel_loop3A_1782 : i32 to index
        %parallel_loop3A_1786 = arith.constant 112 : index
        %parallel_loop3A_1787 = tpu.vector_load %arg8[%parallel_loop3A_1784, %parallel_loop3A_1785, %parallel_loop3A_1786] {strides = array<i32>} : memref<2x128x128xi32, #tpu.memory_space<vmem>>, vector<16xi32>,
        %parallel_loop3A_1788 = vector.bitcast %parallel_loop3A_1787 : vector<16xi32> to vector<32xbf16>
        %parallel_loop3A_1789 = arith.mulf %parallel_loop3A_262, %parallel_loop3A_1788 : vector<32xbf16>
        %parallel_loop3A_1790 = arith.constant 16 : i32
        %parallel_loop3A_1791 = arith.muli %parallel_loop3A_232, %parallel_loop3A_1790 : i32
        %parallel_loop3A_1792 = arith.constant 6 : i32
        %parallel_loop3A_1793 = arith.addi %parallel_loop3A_1791, %parallel_loop3A_1792 : i32
        %parallel_loop3A_1794 = arith.constant 0 : i32
        %parallel_loop3A_1795 = arith.index_cast %parallel_loop3A_1794 : i32 to index
        %parallel_loop3A_1796 = arith.index_cast %parallel_loop3A_1793 : i32 to index
        %parallel_loop3A_1797 = arith.constant 112 : index
        %parallel_loop3A_1798 = tpu.vector_load %arg8[%parallel_loop3A_1795, %parallel_loop3A_1796, %parallel_loop3A_1797] {strides = array<i32>} : memref<2x128x128xi32, #tpu.memory_space<vmem>>, vector<16xi32>,
        %parallel_loop3A_1799 = vector.bitcast %parallel_loop3A_1798 : vector<16xi32> to vector<32xbf16>
        %parallel_loop3A_1800 = arith.mulf %parallel_loop3A_266, %parallel_loop3A_1799 : vector<32xbf16>
        %parallel_loop3A_1801 = arith.constant 16 : i32
        %parallel_loop3A_1802 = arith.muli %parallel_loop3A_232, %parallel_loop3A_1801 : i32
        %parallel_loop3A_1803 = arith.constant 7 : i32
        %parallel_loop3A_1804 = arith.addi %parallel_loop3A_1802, %parallel_loop3A_1803 : i32
        %parallel_loop3A_1805 = arith.constant 0 : i32
        %parallel_loop3A_1806 = arith.index_cast %parallel_loop3A_1805 : i32 to index
        %parallel_loop3A_1807 = arith.index_cast %parallel_loop3A_1804 : i32 to index
        %parallel_loop3A_1808 = arith.constant 112 : index
        %parallel_loop3A_1809 = tpu.vector_load %arg8[%parallel_loop3A_1806, %parallel_loop3A_1807, %parallel_loop3A_1808] {strides = array<i32>} : memref<2x128x128xi32, #tpu.memory_space<vmem>>, vector<16xi32>,
        %parallel_loop3A_1810 = vector.bitcast %parallel_loop3A_1809 : vector<16xi32> to vector<32xbf16>
        %parallel_loop3A_1811 = arith.mulf %parallel_loop3A_270, %parallel_loop3A_1810 : vector<32xbf16>
        %parallel_loop3A_1812 = arith.constant 16 : i32
        %parallel_loop3A_1813 = arith.muli %parallel_loop3A_232, %parallel_loop3A_1812 : i32
        %parallel_loop3A_1814 = arith.constant 8 : i32
        %parallel_loop3A_1815 = arith.addi %parallel_loop3A_1813, %parallel_loop3A_1814 : i32
        %parallel_loop3A_1816 = arith.constant 0 : i32
        %parallel_loop3A_1817 = arith.index_cast %parallel_loop3A_1816 : i32 to index
        %parallel_loop3A_1818 = arith.index_cast %parallel_loop3A_1815 : i32 to index
        %parallel_loop3A_1819 = arith.constant 112 : index
        %parallel_loop3A_1820 = tpu.vector_load %arg8[%parallel_loop3A_1817, %parallel_loop3A_1818, %parallel_loop3A_1819] {strides = array<i32>} : memref<2x128x128xi32, #tpu.memory_space<vmem>>, vector<16xi32>,
        %parallel_loop3A_1821 = vector.bitcast %parallel_loop3A_1820 : vector<16xi32> to vector<32xbf16>
        %parallel_loop3A_1822 = arith.mulf %parallel_loop3A_274, %parallel_loop3A_1821 : vector<32xbf16>
        %parallel_loop3A_1823 = arith.constant 16 : i32
        %parallel_loop3A_1824 = arith.muli %parallel_loop3A_232, %parallel_loop3A_1823 : i32
        %parallel_loop3A_1825 = arith.constant 9 : i32
        %parallel_loop3A_1826 = arith.addi %parallel_loop3A_1824, %parallel_loop3A_1825 : i32
        %parallel_loop3A_1827 = arith.constant 0 : i32
        %parallel_loop3A_1828 = arith.index_cast %parallel_loop3A_1827 : i32 to index
        %parallel_loop3A_1829 = arith.index_cast %parallel_loop3A_1826 : i32 to index
        %parallel_loop3A_1830 = arith.constant 112 : index
        %parallel_loop3A_1831 = tpu.vector_load %arg8[%parallel_loop3A_1828, %parallel_loop3A_1829, %parallel_loop3A_1830] {strides = array<i32>} : memref<2x128x128xi32, #tpu.memory_space<vmem>>, vector<16xi32>,
        %parallel_loop3A_1832 = vector.bitcast %parallel_loop3A_1831 : vector<16xi32> to vector<32xbf16>
        %parallel_loop3A_1833 = arith.mulf %parallel_loop3A_278, %parallel_loop3A_1832 : vector<32xbf16>
        %parallel_loop3A_1834 = arith.constant 16 : i32
        %parallel_loop3A_1835 = arith.muli %parallel_loop3A_232, %parallel_loop3A_1834 : i32
        %parallel_loop3A_1836 = arith.constant 10 : i32
        %parallel_loop3A_1837 = arith.addi %parallel_loop3A_1835, %parallel_loop3A_1836 : i32
        %parallel_loop3A_1838 = arith.constant 0 : i32
        %parallel_loop3A_1839 = arith.index_cast %parallel_loop3A_1838 : i32 to index
        %parallel_loop3A_1840 = arith.index_cast %parallel_loop3A_1837 : i32 to index
        %parallel_loop3A_1841 = arith.constant 112 : index
        %parallel_loop3A_1842 = tpu.vector_load %arg8[%parallel_loop3A_1839, %parallel_loop3A_1840, %parallel_loop3A_1841] {strides = array<i32>} : memref<2x128x128xi32, #tpu.memory_space<vmem>>, vector<16xi32>,
        %parallel_loop3A_1843 = vector.bitcast %parallel_loop3A_1842 : vector<16xi32> to vector<32xbf16>
        %parallel_loop3A_1844 = arith.mulf %parallel_loop3A_282, %parallel_loop3A_1843 : vector<32xbf16>
        %parallel_loop3A_1845 = arith.constant 16 : i32
        %parallel_loop3A_1846 = arith.muli %parallel_loop3A_232, %parallel_loop3A_1845 : i32
        %parallel_loop3A_1847 = arith.constant 11 : i32
        %parallel_loop3A_1848 = arith.addi %parallel_loop3A_1846, %parallel_loop3A_1847 : i32
        %parallel_loop3A_1849 = arith.constant 0 : i32
        %parallel_loop3A_1850 = arith.index_cast %parallel_loop3A_1849 : i32 to index
        %parallel_loop3A_1851 = arith.index_cast %parallel_loop3A_1848 : i32 to index
        %parallel_loop3A_1852 = arith.constant 112 : index
        %parallel_loop3A_1853 = tpu.vector_load %arg8[%parallel_loop3A_1850, %parallel_loop3A_1851, %parallel_loop3A_1852] {strides = array<i32>} : memref<2x128x128xi32, #tpu.memory_space<vmem>>, vector<16xi32>,
        %parallel_loop3A_1854 = vector.bitcast %parallel_loop3A_1853 : vector<16xi32> to vector<32xbf16>
        %parallel_loop3A_1855 = arith.mulf %parallel_loop3A_286, %parallel_loop3A_1854 : vector<32xbf16>
        %parallel_loop3A_1856 = arith.constant 16 : i32
        %parallel_loop3A_1857 = arith.muli %parallel_loop3A_232, %parallel_loop3A_1856 : i32
        %parallel_loop3A_1858 = arith.constant 12 : i32
        %parallel_loop3A_1859 = arith.addi %parallel_loop3A_1857, %parallel_loop3A_1858 : i32
        %parallel_loop3A_1860 = arith.constant 0 : i32
        %parallel_loop3A_1861 = arith.index_cast %parallel_loop3A_1860 : i32 to index
        %parallel_loop3A_1862 = arith.index_cast %parallel_loop3A_1859 : i32 to index
        %parallel_loop3A_1863 = arith.constant 112 : index
        %parallel_loop3A_1864 = tpu.vector_load %arg8[%parallel_loop3A_1861, %parallel_loop3A_1862, %parallel_loop3A_1863] {strides = array<i32>} : memref<2x128x128xi32, #tpu.memory_space<vmem>>, vector<16xi32>,
        %parallel_loop3A_1865 = vector.bitcast %parallel_loop3A_1864 : vector<16xi32> to vector<32xbf16>
        %parallel_loop3A_1866 = arith.mulf %parallel_loop3A_290, %parallel_loop3A_1865 : vector<32xbf16>
        %parallel_loop3A_1867 = arith.constant 16 : i32
        %parallel_loop3A_1868 = arith.muli %parallel_loop3A_232, %parallel_loop3A_1867 : i32
        %parallel_loop3A_1869 = arith.constant 13 : i32
        %parallel_loop3A_1870 = arith.addi %parallel_loop3A_1868, %parallel_loop3A_1869 : i32
        %parallel_loop3A_1871 = arith.constant 0 : i32
        %parallel_loop3A_1872 = arith.index_cast %parallel_loop3A_1871 : i32 to index
        %parallel_loop3A_1873 = arith.index_cast %parallel_loop3A_1870 : i32 to index
        %parallel_loop3A_1874 = arith.constant 112 : index
        %parallel_loop3A_1875 = tpu.vector_load %arg8[%parallel_loop3A_1872, %parallel_loop3A_1873, %parallel_loop3A_1874] {strides = array<i32>} : memref<2x128x128xi32, #tpu.memory_space<vmem>>, vector<16xi32>,
        %parallel_loop3A_1876 = vector.bitcast %parallel_loop3A_1875 : vector<16xi32> to vector<32xbf16>
        %parallel_loop3A_1877 = arith.mulf %parallel_loop3A_294, %parallel_loop3A_1876 : vector<32xbf16>
        %parallel_loop3A_1878 = arith.constant 16 : i32
        %parallel_loop3A_1879 = arith.muli %parallel_loop3A_232, %parallel_loop3A_1878 : i32
        %parallel_loop3A_1880 = arith.constant 14 : i32
        %parallel_loop3A_1881 = arith.addi %parallel_loop3A_1879, %parallel_loop3A_1880 : i32
        %parallel_loop3A_1882 = arith.constant 0 : i32
        %parallel_loop3A_1883 = arith.index_cast %parallel_loop3A_1882 : i32 to index
        %parallel_loop3A_1884 = arith.index_cast %parallel_loop3A_1881 : i32 to index
        %parallel_loop3A_1885 = arith.constant 112 : index
        %parallel_loop3A_1886 = tpu.vector_load %arg8[%parallel_loop3A_1883, %parallel_loop3A_1884, %parallel_loop3A_1885] {strides = array<i32>} : memref<2x128x128xi32, #tpu.memory_space<vmem>>, vector<16xi32>,
        %parallel_loop3A_1887 = vector.bitcast %parallel_loop3A_1886 : vector<16xi32> to vector<32xbf16>
        %parallel_loop3A_1888 = arith.mulf %parallel_loop3A_298, %parallel_loop3A_1887 : vector<32xbf16>
        %parallel_loop3A_1889 = arith.constant 16 : i32
        %parallel_loop3A_1890 = arith.muli %parallel_loop3A_232, %parallel_loop3A_1889 : i32
        %parallel_loop3A_1891 = arith.constant 15 : i32
        %parallel_loop3A_1892 = arith.addi %parallel_loop3A_1890, %parallel_loop3A_1891 : i32
        %parallel_loop3A_1893 = arith.constant 0 : i32
        %parallel_loop3A_1894 = arith.index_cast %parallel_loop3A_1893 : i32 to index
        %parallel_loop3A_1895 = arith.index_cast %parallel_loop3A_1892 : i32 to index
        %parallel_loop3A_1896 = arith.constant 112 : index
        %parallel_loop3A_1897 = tpu.vector_load %arg8[%parallel_loop3A_1894, %parallel_loop3A_1895, %parallel_loop3A_1896] {strides = array<i32>} : memref<2x128x128xi32, #tpu.memory_space<vmem>>, vector<16xi32>,
        %parallel_loop3A_1898 = vector.bitcast %parallel_loop3A_1897 : vector<16xi32> to vector<32xbf16>
        %parallel_loop3A_1899 = arith.mulf %parallel_loop3A_302, %parallel_loop3A_1898 : vector<32xbf16>
        %parallel_loop3A_1900 = arith.addf %parallel_loop3A_1734, %parallel_loop3A_1745 : vector<32xbf16>
        %parallel_loop3A_1901 = arith.addf %parallel_loop3A_1756, %parallel_loop3A_1767 : vector<32xbf16>
        %parallel_loop3A_1902 = arith.addf %parallel_loop3A_1778, %parallel_loop3A_1789 : vector<32xbf16>
        %parallel_loop3A_1903 = arith.addf %parallel_loop3A_1800, %parallel_loop3A_1811 : vector<32xbf16>
        %parallel_loop3A_1904 = arith.addf %parallel_loop3A_1822, %parallel_loop3A_1833 : vector<32xbf16>
        %parallel_loop3A_1905 = arith.addf %parallel_loop3A_1844, %parallel_loop3A_1855 : vector<32xbf16>
        %parallel_loop3A_1906 = arith.addf %parallel_loop3A_1866, %parallel_loop3A_1877 : vector<32xbf16>
        %parallel_loop3A_1907 = arith.addf %parallel_loop3A_1888, %parallel_loop3A_1899 : vector<32xbf16>
        %parallel_loop3A_1908 = arith.addf %parallel_loop3A_1900, %parallel_loop3A_1901 : vector<32xbf16>
        %parallel_loop3A_1909 = arith.addf %parallel_loop3A_1902, %parallel_loop3A_1903 : vector<32xbf16>
        %parallel_loop3A_1910 = arith.addf %parallel_loop3A_1904, %parallel_loop3A_1905 : vector<32xbf16>
        %parallel_loop3A_1911 = arith.addf %parallel_loop3A_1906, %parallel_loop3A_1907 : vector<32xbf16>
        %parallel_loop3A_1912 = arith.addf %parallel_loop3A_1908, %parallel_loop3A_1909 : vector<32xbf16>
        %parallel_loop3A_1913 = arith.addf %parallel_loop3A_1910, %parallel_loop3A_1911 : vector<32xbf16>
        %parallel_loop3A_1914 = arith.addf %parallel_loop3A_1912, %parallel_loop3A_1913 : vector<32xbf16>
        %parallel_loop3A_1915 = tpu.unpack_subelements %parallel_loop3A_1914, 0 {pack_format = #tpu.pack_format<interleaved>} : vector<32xbf16> -> vector<16xf32>
        %parallel_loop3A_1916 = tpu.unpack_subelements %parallel_loop3A_1914, 1 {pack_format = #tpu.pack_format<interleaved>} : vector<32xbf16> -> vector<16xf32>
        %parallel_loop3A_1917 = arith.constant 0 : i32
        %parallel_loop3A_1918 = arith.index_cast %parallel_loop3A_1917 : i32 to index
        %parallel_loop3A_1919 = arith.index_cast %parallel_loop3A_232 : i32 to index
        %parallel_loop3A_1920 = arith.constant 112 : index
        %parallel_loop3A_1921 = tpu.vector_load %arg9[%parallel_loop3A_1918, %parallel_loop3A_1919, %parallel_loop3A_1920] {strides = array<i32>} : memref<2x8x256xf32, #tpu.memory_space<vmem>>, vector<16xf32>,
        tpu.vector_store %arg9[%parallel_loop3A_1918, %parallel_loop3A_1919, %parallel_loop3A_1920], %parallel_loop3A_1915 {strides = array<i32>} : memref<2x8x256xf32, #tpu.memory_space<vmem>>, vector<16xf32>,
        %parallel_loop3A_1922 = arith.constant 0 : i32
        %parallel_loop3A_1923 = arith.index_cast %parallel_loop3A_1922 : i32 to index
        %parallel_loop3A_1924 = arith.index_cast %parallel_loop3A_232 : i32 to index
        %parallel_loop3A_1925 = arith.constant 240 : index
        %parallel_loop3A_1926 = tpu.vector_load %arg9[%parallel_loop3A_1923, %parallel_loop3A_1924, %parallel_loop3A_1925] {strides = array<i32>} : memref<2x8x256xf32, #tpu.memory_space<vmem>>, vector<16xf32>,
        tpu.vector_store %arg9[%parallel_loop3A_1923, %parallel_loop3A_1924, %parallel_loop3A_1925], %parallel_loop3A_1916 {strides = array<i32>} : memref<2x8x256xf32, #tpu.memory_space<vmem>>, vector<16xf32>,
      } {sc.loop_unroll_factor = 2 : i64, sc.parallel_access}
      %mul3A_155 = arith.constant 8 : i32
      %mul3A_156 = arith.muli %add3A_132, %mul3A_155 : i32
      %add3A_157 = arith.addi %mul3A_4, %mul3A_156 : i32
      %dma_start3A_158 = arith.constant 0 : i32
      %dma_start3A_159 = arith.constant 0 : i32
      %dma_start3A_160 = arith.constant 0 : i32
      %dma_start3A_161 = tpu.memref_slice %arg9[%dma_start3A_158, %dma_start3A_159, %dma_start3A_160] : memref<2x8x256xf32, #tpu.memory_space<vmem>> -> memref<1x8x256xf32, #tpu.memory_space<vmem>>
      %dma_start3A_162 = tpu.memref_squeeze %dma_start3A_161 : memref<1x8x256xf32, #tpu.memory_space<vmem>> -> memref<8x256xf32, #tpu.memory_space<vmem>>
      %dma_start3A_163 = arith.constant 0 : i32
      %dma_start3A_164 = tpu.memref_slice %arg5[%add3A_157, %dma_start3A_163] : memref<49152x256xf32, #tpu.memory_space<hbm>> -> memref<8x256xf32, #tpu.memory_space<hbm>>
      %dma_start3A_165 = arith.constant 0 : i32
      %dma_start3A_166 = tpu.memref_slice %arg5[%add3A_157, %dma_start3A_165] : memref<49152x256xf32, #tpu.memory_space<hbm>> -> memref<8x256xf32, #tpu.memory_space<hbm>>
      %dma_start3A_167 = arith.constant 0 : i32
      %dma_start3A_168 = arith.constant 0 : i32
      %dma_start3A_169 = tpu.memref_slice %arg9[%dma_start3A_158, %dma_start3A_167, %dma_start3A_168] : memref<2x8x256xf32, #tpu.memory_space<vmem>> -> memref<1x8x256xf32, #tpu.memory_space<vmem>>
      %dma_start3A_170 = tpu.memref_squeeze %dma_start3A_169 : memref<1x8x256xf32, #tpu.memory_space<vmem>> -> memref<8x256xf32, #tpu.memory_space<vmem>>
      tpu.enqueue_dma source(%dma_start3A_170 : memref<8x256xf32, #tpu.memory_space<vmem>>) target(%dma_start3A_166 : memref<8x256xf32, #tpu.memory_space<hbm>>) target_semaphore(%arg16 : memref<!tpu.dma_semaphore, #tpu.memory_space<semaphore_mem>>)
      %add3A_171 = arith.constant 2 : i32
      %add3A_172 = arith.addi %add3A_132, %add3A_171 : i32
      %lt3A_173 = arith.constant 192 : i32
      %lt3A_174 = arith.cmpi slt, %add3A_172, %lt3A_173 : i32
      %convert_element_type3A_175 = arith.extui %lt3A_174 : i1 to i32
      %cond3A_176 = arith.constant 0 : i32
      %cond3A_177 = arith.cmpi ne, %convert_element_type3A_175, %cond3A_176 : i32
      scf.if %cond3A_177 {
        %add3A_232 = arith.addi %mul3A_2, %add3A_132 : i32
        %add3A_233 = arith.constant 2 : i32
        %add3A_234 = arith.addi %add3A_232, %add3A_233 : i32
        %dma_start3A_235 = arith.constant 0 : i32
        %dma_start3A_236 = arith.constant 0 : i32
        %dma_start3A_237 = tpu.memref_slice %arg6[%dma_start3A_235, %dma_start3A_236] : memref<2x128xi32, #tpu.memory_space<vmem>> -> memref<1x128xi32, #tpu.memory_space<vmem>>
        %dma_start3A_238 = tpu.memref_squeeze %dma_start3A_237 : memref<1x128xi32, #tpu.memory_space<vmem>> -> memref<128xi32, #tpu.memory_space<vmem>>
        %dma_start3A_239 = arith.constant 0 : i32
        %dma_start3A_240 = tpu.memref_slice %arg3[%add3A_234, %dma_start3A_239] : memref<6144x128xi32, #tpu.memory_space<hbm>> -> memref<1x128xi32, #tpu.memory_space<hbm>>
        %dma_start3A_241 = tpu.memref_squeeze %dma_start3A_240 : memref<1x128xi32, #tpu.memory_space<hbm>> -> memref<128xi32, #tpu.memory_space<hbm>>
        %dma_start3A_242 = arith.constant 0 : i32
        %dma_start3A_243 = tpu.memref_slice %arg6[%dma_start3A_235, %dma_start3A_242] : memref<2x128xi32, #tpu.memory_space<vmem>> -> memref<1x128xi32, #tpu.memory_space<vmem>>
        %dma_start3A_244 = tpu.memref_squeeze %dma_start3A_243 : memref<1x128xi32, #tpu.memory_space<vmem>> -> memref<128xi32, #tpu.memory_space<vmem>>
        %dma_start3A_245 = arith.constant 0 : i32
        %dma_start3A_246 = tpu.memref_slice %arg3[%add3A_234, %dma_start3A_245] : memref<6144x128xi32, #tpu.memory_space<hbm>> -> memref<1x128xi32, #tpu.memory_space<hbm>>
        %dma_start3A_247 = tpu.memref_squeeze %dma_start3A_246 : memref<1x128xi32, #tpu.memory_space<hbm>> -> memref<128xi32, #tpu.memory_space<hbm>>
        tpu.enqueue_dma source(%dma_start3A_247 : memref<128xi32, #tpu.memory_space<hbm>>) target(%dma_start3A_244 : memref<128xi32, #tpu.memory_space<vmem>>) target_semaphore(%arg10 : memref<!tpu.dma_semaphore, #tpu.memory_space<semaphore_mem>>)
        %add3A_248 = arith.addi %mul3A_2, %add3A_132 : i32
        %add3A_249 = arith.constant 2 : i32
        %add3A_250 = arith.addi %add3A_248, %add3A_249 : i32
        %dma_start3A_251 = arith.constant 0 : i32
        %dma_start3A_252 = arith.constant 0 : i32
        %dma_start3A_253 = tpu.memref_slice %arg7[%dma_start3A_251, %dma_start3A_252] : memref<2x128xf32, #tpu.memory_space<vmem>> -> memref<1x128xf32, #tpu.memory_space<vmem>>
        %dma_start3A_254 = tpu.memref_squeeze %dma_start3A_253 : memref<1x128xf32, #tpu.memory_space<vmem>> -> memref<128xf32, #tpu.memory_space<vmem>>
        %dma_start3A_255 = arith.constant 0 : i32
        %dma_start3A_256 = tpu.memref_slice %arg4[%add3A_250, %dma_start3A_255] : memref<6144x128xf32, #tpu.memory_space<hbm>> -> memref<1x128xf32, #tpu.memory_space<hbm>>
        %dma_start3A_257 = tpu.memref_squeeze %dma_start3A_256 : memref<1x128xf32, #tpu.memory_space<hbm>> -> memref<128xf32, #tpu.memory_space<hbm>>
        %dma_start3A_258 = arith.constant 0 : i32
        %dma_start3A_259 = tpu.memref_slice %arg7[%dma_start3A_251, %dma_start3A_258] : memref<2x128xf32, #tpu.memory_space<vmem>> -> memref<1x128xf32, #tpu.memory_space<vmem>>
        %dma_start3A_260 = tpu.memref_squeeze %dma_start3A_259 : memref<1x128xf32, #tpu.memory_space<vmem>> -> memref<128xf32, #tpu.memory_space<vmem>>
        %dma_start3A_261 = arith.constant 0 : i32
        %dma_start3A_262 = tpu.memref_slice %arg4[%add3A_250, %dma_start3A_261] : memref<6144x128xf32, #tpu.memory_space<hbm>> -> memref<1x128xf32, #tpu.memory_space<hbm>>
        %dma_start3A_263 = tpu.memref_squeeze %dma_start3A_262 : memref<1x128xf32, #tpu.memory_space<hbm>> -> memref<128xf32, #tpu.memory_space<hbm>>
        tpu.enqueue_dma source(%dma_start3A_263 : memref<128xf32, #tpu.memory_space<hbm>>) target(%dma_start3A_260 : memref<128xf32, #tpu.memory_space<vmem>>) target_semaphore(%arg12 : memref<!tpu.dma_semaphore, #tpu.memory_space<semaphore_mem>>)
      } else {
      }
      %mul3A_178 = arith.constant 2 : i32
      %mul3A_179 = arith.muli %mul3A_178, %scan3A_128 : i32
      %add3A_180 = arith.constant 1 : i32
      %add3A_181 = arith.addi %mul3A_179, %add3A_180 : i32
      %add3A_182 = arith.constant 1 : i32
      %add3A_183 = arith.addi %add3A_181, %add3A_182 : i32
      %lt3A_184 = arith.constant 192 : i32
      %lt3A_185 = arith.cmpi slt, %add3A_183, %lt3A_184 : i32
      %convert_element_type3A_186 = arith.extui %lt3A_185 : i1 to i32
      %cond3A_187 = arith.constant 0 : i32
      %cond3A_188 = arith.cmpi ne, %convert_element_type3A_186, %cond3A_187 : i32
      scf.if %cond3A_188 {
        %dma_wait3A_232 = arith.constant 0 : i32
        %dma_wait3A_233 = arith.constant 0 : i32
        %dma_wait3A_234 = tpu.memref_slice %arg6[%dma_wait3A_232, %dma_wait3A_233] : memref<2x128xi32, #tpu.memory_space<vmem>> -> memref<1x128xi32, #tpu.memory_space<vmem>>
        %dma_wait3A_235 = tpu.memref_squeeze %dma_wait3A_234 : memref<1x128xi32, #tpu.memory_space<vmem>> -> memref<128xi32, #tpu.memory_space<vmem>>
        %dma_wait3A_236 = arith.constant 0 : i32
        %dma_wait3A_237 = tpu.memref_slice %arg3[%mul3A_2, %dma_wait3A_236] : memref<6144x128xi32, #tpu.memory_space<hbm>> -> memref<1x128xi32, #tpu.memory_space<hbm>>
        %dma_wait3A_238 = tpu.memref_squeeze %dma_wait3A_237 : memref<1x128xi32, #tpu.memory_space<hbm>> -> memref<128xi32, #tpu.memory_space<hbm>>
        %dma_wait3A_239 = arith.constant 0 : i32
        %dma_wait3A_240 = tpu.memref_slice %arg6[%dma_wait3A_232, %dma_wait3A_239] : memref<2x128xi32, #tpu.memory_space<vmem>> -> memref<1x128xi32, #tpu.memory_space<vmem>>
        %dma_wait3A_241 = tpu.memref_squeeze %dma_wait3A_240 : memref<1x128xi32, #tpu.memory_space<vmem>> -> memref<128xi32, #tpu.memory_space<vmem>>
        %dma_wait3A_242 = arith.constant 0 : i32
        %dma_wait3A_243 = tpu.memref_slice %arg3[%mul3A_2, %dma_wait3A_242] : memref<6144x128xi32, #tpu.memory_space<hbm>> -> memref<1x128xi32, #tpu.memory_space<hbm>>
        %dma_wait3A_244 = tpu.memref_squeeze %dma_wait3A_243 : memref<1x128xi32, #tpu.memory_space<hbm>> -> memref<128xi32, #tpu.memory_space<hbm>>
        tpu.wait_dma2 semaphore(%arg10 : memref<!tpu.dma_semaphore, #tpu.memory_space<semaphore_mem>>) src(%dma_wait3A_244 : memref<128xi32, #tpu.memory_space<hbm>>) dst(%dma_wait3A_241 : memref<128xi32, #tpu.memory_space<vmem>>)
        %dma_wait3A_245 = arith.constant 0 : i32
        %dma_wait3A_246 = arith.constant 0 : i32
        %dma_wait3A_247 = tpu.memref_slice %arg7[%dma_wait3A_245, %dma_wait3A_246] : memref<2x128xf32, #tpu.memory_space<vmem>> -> memref<1x128xf32, #tpu.memory_space<vmem>>
        %dma_wait3A_248 = tpu.memref_squeeze %dma_wait3A_247 : memref<1x128xf32, #tpu.memory_space<vmem>> -> memref<128xf32, #tpu.memory_space<vmem>>
        %dma_wait3A_249 = arith.constant 0 : i32
        %dma_wait3A_250 = tpu.memref_slice %arg4[%mul3A_2, %dma_wait3A_249] : memref<6144x128xf32, #tpu.memory_space<hbm>> -> memref<1x128xf32, #tpu.memory_space<hbm>>
        %dma_wait3A_251 = tpu.memref_squeeze %dma_wait3A_250 : memref<1x128xf32, #tpu.memory_space<hbm>> -> memref<128xf32, #tpu.memory_space<hbm>>
        %dma_wait3A_252 = arith.constant 0 : i32
        %dma_wait3A_253 = tpu.memref_slice %arg7[%dma_wait3A_245, %dma_wait3A_252] : memref<2x128xf32, #tpu.memory_space<vmem>> -> memref<1x128xf32, #tpu.memory_space<vmem>>
        %dma_wait3A_254 = tpu.memref_squeeze %dma_wait3A_253 : memref<1x128xf32, #tpu.memory_space<vmem>> -> memref<128xf32, #tpu.memory_space<vmem>>
        %dma_wait3A_255 = arith.constant 0 : i32
        %dma_wait3A_256 = tpu.memref_slice %arg4[%mul3A_2, %dma_wait3A_255] : memref<6144x128xf32, #tpu.memory_space<hbm>> -> memref<1x128xf32, #tpu.memory_space<hbm>>
        %dma_wait3A_257 = tpu.memref_squeeze %dma_wait3A_256 : memref<1x128xf32, #tpu.memory_space<hbm>> -> memref<128xf32, #tpu.memory_space<hbm>>
        tpu.wait_dma2 semaphore(%arg12 : memref<!tpu.dma_semaphore, #tpu.memory_space<semaphore_mem>>) src(%dma_wait3A_257 : memref<128xf32, #tpu.memory_space<hbm>>) dst(%dma_wait3A_254 : memref<128xf32, #tpu.memory_space<vmem>>)
        %dma_start3A_258 = arith.constant 0 : i32
        %dma_start3A_259 = arith.constant 0 : i32
        %dma_start3A_260 = arith.constant 0 : i32
        %dma_start3A_261 = arith.constant 0 : i32
        %dma_start3A_262 = tpu.memref_slice %arg8[%dma_start3A_259, %dma_start3A_260, %dma_start3A_261] : memref<2x128x128xi32, #tpu.memory_space<vmem>> -> memref<1x128x128xi32, #tpu.memory_space<vmem>>
        %dma_start3A_263 = tpu.memref_squeeze %dma_start3A_262 : memref<1x128x128xi32, #tpu.memory_space<vmem>> -> memref<128x128xi32, #tpu.memory_space<vmem>>
        %dma_start3A_264 = arith.constant 0 : i32
        %dma_start3A_265 = tpu.memref_slice %arg6[%dma_start3A_258, %dma_start3A_264] : memref<2x128xi32, #tpu.memory_space<vmem>> -> memref<1x128xi32, #tpu.memory_space<vmem>>
        %dma_start3A_266 = tpu.memref_squeeze %dma_start3A_265 : memref<1x128xi32, #tpu.memory_space<vmem>> -> memref<128xi32, #tpu.memory_space<vmem>>
        %dma_start3A_267 = arith.constant 0 : i32
        %dma_start3A_268 = arith.constant 0 : i32
        %dma_start3A_269 = tpu.memref_slice %arg2[%dma_start3A_267, %dma_start3A_268] : memref<51200x128xi32, #tpu.memory_space<hbm>> -> memref<51200x128xi32, #tpu.memory_space<hbm>>
        tpu.enqueue_indirect_dma source(%dma_start3A_269 : memref<51200x128xi32, #tpu.memory_space<hbm>>) target(%dma_start3A_263 : memref<128x128xi32, #tpu.memory_space<vmem>>) offsets(%dma_start3A_266 : memref<128xi32, #tpu.memory_space<vmem>>) semaphore(%arg14 : memref<!tpu.dma_semaphore, #tpu.memory_space<semaphore_mem>>)
      } else {
      }
      %dma_wait3A_189 = arith.constant 1 : i32
      %dma_wait3A_190 = arith.constant 1 : i32
      %dma_wait3A_191 = arith.constant 0 : i32
      %dma_wait3A_192 = arith.constant 0 : i32
      %dma_wait3A_193 = tpu.memref_slice %arg8[%dma_wait3A_190, %dma_wait3A_191, %dma_wait3A_192] : memref<2x128x128xi32, #tpu.memory_space<vmem>> -> memref<1x128x128xi32, #tpu.memory_space<vmem>>
      %dma_wait3A_194 = tpu.memref_squeeze %dma_wait3A_193 : memref<1x128x128xi32, #tpu.memory_space<vmem>> -> memref<128x128xi32, #tpu.memory_space<vmem>>
      %dma_wait3A_195 = arith.constant 0 : i32
      %dma_wait3A_196 = tpu.memref_slice %arg6[%dma_wait3A_189, %dma_wait3A_195] : memref<2x128xi32, #tpu.memory_space<vmem>> -> memref<1x128xi32, #tpu.memory_space<vmem>>
      %dma_wait3A_197 = tpu.memref_squeeze %dma_wait3A_196 : memref<1x128xi32, #tpu.memory_space<vmem>> -> memref<128xi32, #tpu.memory_space<vmem>>
      %dma_wait3A_198 = arith.constant 0 : i32
      %dma_wait3A_199 = arith.constant 0 : i32
      %dma_wait3A_200 = tpu.memref_slice %arg2[%dma_wait3A_198, %dma_wait3A_199] : memref<51200x128xi32, #tpu.memory_space<hbm>> -> memref<51200x128xi32, #tpu.memory_space<hbm>>
      tpu.wait_indirect_dma semaphore(%arg15 : memref<!tpu.dma_semaphore, #tpu.memory_space<semaphore_mem>>) src(%dma_wait3A_200 : memref<51200x128xi32, #tpu.memory_space<hbm>>) dst(%dma_wait3A_194 : memref<128x128xi32, #tpu.memory_space<vmem>>)
      %ge3A_201 = arith.constant 2 : i32
      %ge3A_202 = arith.cmpi sge, %add3A_181, %ge3A_201 : i32
      %convert_element_type3A_203 = arith.extui %ge3A_202 : i1 to i32
      %cond3A_204 = arith.constant 0 : i32
      %cond3A_205 = arith.cmpi ne, %convert_element_type3A_203, %cond3A_204 : i32
      scf.if %cond3A_205 {
        %dma_wait3A_232 = arith.constant 1 : i32
        %dma_wait3A_233 = arith.constant 0 : i32
        %dma_wait3A_234 = arith.constant 0 : i32
        %dma_wait3A_235 = tpu.memref_slice %arg9[%dma_wait3A_232, %dma_wait3A_233, %dma_wait3A_234] : memref<2x8x256xf32, #tpu.memory_space<vmem>> -> memref<1x8x256xf32, #tpu.memory_space<vmem>>
        %dma_wait3A_236 = tpu.memref_squeeze %dma_wait3A_235 : memref<1x8x256xf32, #tpu.memory_space<vmem>> -> memref<8x256xf32, #tpu.memory_space<vmem>>
        %dma_wait3A_237 = arith.constant 0 : i32
        %dma_wait3A_238 = tpu.memref_slice %arg5[%mul3A_4, %dma_wait3A_237] : memref<49152x256xf32, #tpu.memory_space<hbm>> -> memref<8x256xf32, #tpu.memory_space<hbm>>
        %dma_wait3A_239 = arith.constant 0 : i32
        %dma_wait3A_240 = tpu.memref_slice %arg5[%mul3A_4, %dma_wait3A_239] : memref<49152x256xf32, #tpu.memory_space<hbm>> -> memref<8x256xf32, #tpu.memory_space<hbm>>
        %dma_wait3A_241 = arith.constant 0 : i32
        %dma_wait3A_242 = arith.constant 0 : i32
        %dma_wait3A_243 = tpu.memref_slice %arg9[%dma_wait3A_232, %dma_wait3A_241, %dma_wait3A_242] : memref<2x8x256xf32, #tpu.memory_space<vmem>> -> memref<1x8x256xf32, #tpu.memory_space<vmem>>
        %dma_wait3A_244 = tpu.memref_squeeze %dma_wait3A_243 : memref<1x8x256xf32, #tpu.memory_space<vmem>> -> memref<8x256xf32, #tpu.memory_space<vmem>>
        tpu.wait_dma2 semaphore(%arg17 : memref<!tpu.dma_semaphore, #tpu.memory_space<semaphore_mem>>) src(%dma_wait3A_244 : memref<8x256xf32, #tpu.memory_space<vmem>>) dst(%dma_wait3A_240 : memref<8x256xf32, #tpu.memory_space<hbm>>)
      } else {
      }
      %parallel_loop3A_206 = arith.constant 0 : i32
      %parallel_loop3A_207 = arith.constant 8 : i32
      %parallel_loop3A_208 = arith.constant 1 : i32
      scf.for %parallel_loop3A_232 = %parallel_loop3A_206 to %parallel_loop3A_207 step %parallel_loop3A_208  : i32 {
        %parallel_loop3A_233 = arith.constant 16 : i32
        %parallel_loop3A_234 = arith.muli %parallel_loop3A_232, %parallel_loop3A_233 : i32
        %parallel_loop3A_235 = arith.constant 1 : i32
        %parallel_loop3A_236 = arith.index_cast %parallel_loop3A_235 : i32 to index
        %parallel_loop3A_237 = arith.index_cast %parallel_loop3A_234 : i32 to index
        %parallel_loop3A_238 = tpu.vector_load %arg7[%parallel_loop3A_236, %parallel_loop3A_237] {strides = array<i32>} : memref<2x128xf32, #tpu.memory_space<vmem>>, vector<16xf32>,
        %parallel_loop3A_239 = vector.extract_strided_slice %parallel_loop3A_238 {offsets = [0], sizes = [1], strides = [1]} : vector<16xf32> to vector<1xf32>
        %parallel_loop3A_240 = vector.extract %parallel_loop3A_239[0] : f32 from vector<1xf32>
        %parallel_loop3A_241 = vector.broadcast %parallel_loop3A_240 : f32 to vector<16xf32>
        %parallel_loop3A_242 = tpu.pack_subelements %parallel_loop3A_241, %parallel_loop3A_241 {pack_format = #tpu.pack_format<interleaved>, positions = array<i32: 0, 1>} : vector<16xf32>, vector<16xf32> -> vector<32xbf16>
        %parallel_loop3A_243 = vector.extract_strided_slice %parallel_loop3A_238 {offsets = [1], sizes = [1], strides = [1]} : vector<16xf32> to vector<1xf32>
        %parallel_loop3A_244 = vector.extract %parallel_loop3A_243[0] : f32 from vector<1xf32>
        %parallel_loop3A_245 = vector.broadcast %parallel_loop3A_244 : f32 to vector<16xf32>
        %parallel_loop3A_246 = tpu.pack_subelements %parallel_loop3A_245, %parallel_loop3A_245 {pack_format = #tpu.pack_format<interleaved>, positions = array<i32: 0, 1>} : vector<16xf32>, vector<16xf32> -> vector<32xbf16>
        %parallel_loop3A_247 = vector.extract_strided_slice %parallel_loop3A_238 {offsets = [2], sizes = [1], strides = [1]} : vector<16xf32> to vector<1xf32>
        %parallel_loop3A_248 = vector.extract %parallel_loop3A_247[0] : f32 from vector<1xf32>
        %parallel_loop3A_249 = vector.broadcast %parallel_loop3A_248 : f32 to vector<16xf32>
        %parallel_loop3A_250 = tpu.pack_subelements %parallel_loop3A_249, %parallel_loop3A_249 {pack_format = #tpu.pack_format<interleaved>, positions = array<i32: 0, 1>} : vector<16xf32>, vector<16xf32> -> vector<32xbf16>
        %parallel_loop3A_251 = vector.extract_strided_slice %parallel_loop3A_238 {offsets = [3], sizes = [1], strides = [1]} : vector<16xf32> to vector<1xf32>
        %parallel_loop3A_252 = vector.extract %parallel_loop3A_251[0] : f32 from vector<1xf32>
        %parallel_loop3A_253 = vector.broadcast %parallel_loop3A_252 : f32 to vector<16xf32>
        %parallel_loop3A_254 = tpu.pack_subelements %parallel_loop3A_253, %parallel_loop3A_253 {pack_format = #tpu.pack_format<interleaved>, positions = array<i32: 0, 1>} : vector<16xf32>, vector<16xf32> -> vector<32xbf16>
        %parallel_loop3A_255 = vector.extract_strided_slice %parallel_loop3A_238 {offsets = [4], sizes = [1], strides = [1]} : vector<16xf32> to vector<1xf32>
        %parallel_loop3A_256 = vector.extract %parallel_loop3A_255[0] : f32 from vector<1xf32>
        %parallel_loop3A_257 = vector.broadcast %parallel_loop3A_256 : f32 to vector<16xf32>
        %parallel_loop3A_258 = tpu.pack_subelements %parallel_loop3A_257, %parallel_loop3A_257 {pack_format = #tpu.pack_format<interleaved>, positions = array<i32: 0, 1>} : vector<16xf32>, vector<16xf32> -> vector<32xbf16>
        %parallel_loop3A_259 = vector.extract_strided_slice %parallel_loop3A_238 {offsets = [5], sizes = [1], strides = [1]} : vector<16xf32> to vector<1xf32>
        %parallel_loop3A_260 = vector.extract %parallel_loop3A_259[0] : f32 from vector<1xf32>
        %parallel_loop3A_261 = vector.broadcast %parallel_loop3A_260 : f32 to vector<16xf32>
        %parallel_loop3A_262 = tpu.pack_subelements %parallel_loop3A_261, %parallel_loop3A_261 {pack_format = #tpu.pack_format<interleaved>, positions = array<i32: 0, 1>} : vector<16xf32>, vector<16xf32> -> vector<32xbf16>
        %parallel_loop3A_263 = vector.extract_strided_slice %parallel_loop3A_238 {offsets = [6], sizes = [1], strides = [1]} : vector<16xf32> to vector<1xf32>
        %parallel_loop3A_264 = vector.extract %parallel_loop3A_263[0] : f32 from vector<1xf32>
        %parallel_loop3A_265 = vector.broadcast %parallel_loop3A_264 : f32 to vector<16xf32>
        %parallel_loop3A_266 = tpu.pack_subelements %parallel_loop3A_265, %parallel_loop3A_265 {pack_format = #tpu.pack_format<interleaved>, positions = array<i32: 0, 1>} : vector<16xf32>, vector<16xf32> -> vector<32xbf16>
        %parallel_loop3A_267 = vector.extract_strided_slice %parallel_loop3A_238 {offsets = [7], sizes = [1], strides = [1]} : vector<16xf32> to vector<1xf32>
        %parallel_loop3A_268 = vector.extract %parallel_loop3A_267[0] : f32 from vector<1xf32>
        %parallel_loop3A_269 = vector.broadcast %parallel_loop3A_268 : f32 to vector<16xf32>
        %parallel_loop3A_270 = tpu.pack_subelements %parallel_loop3A_269, %parallel_loop3A_269 {pack_format = #tpu.pack_format<interleaved>, positions = array<i32: 0, 1>} : vector<16xf32>, vector<16xf32> -> vector<32xbf16>
        %parallel_loop3A_271 = vector.extract_strided_slice %parallel_loop3A_238 {offsets = [8], sizes = [1], strides = [1]} : vector<16xf32> to vector<1xf32>
        %parallel_loop3A_272 = vector.extract %parallel_loop3A_271[0] : f32 from vector<1xf32>
        %parallel_loop3A_273 = vector.broadcast %parallel_loop3A_272 : f32 to vector<16xf32>
        %parallel_loop3A_274 = tpu.pack_subelements %parallel_loop3A_273, %parallel_loop3A_273 {pack_format = #tpu.pack_format<interleaved>, positions = array<i32: 0, 1>} : vector<16xf32>, vector<16xf32> -> vector<32xbf16>
        %parallel_loop3A_275 = vector.extract_strided_slice %parallel_loop3A_238 {offsets = [9], sizes = [1], strides = [1]} : vector<16xf32> to vector<1xf32>
        %parallel_loop3A_276 = vector.extract %parallel_loop3A_275[0] : f32 from vector<1xf32>
        %parallel_loop3A_277 = vector.broadcast %parallel_loop3A_276 : f32 to vector<16xf32>
        %parallel_loop3A_278 = tpu.pack_subelements %parallel_loop3A_277, %parallel_loop3A_277 {pack_format = #tpu.pack_format<interleaved>, positions = array<i32: 0, 1>} : vector<16xf32>, vector<16xf32> -> vector<32xbf16>
        %parallel_loop3A_279 = vector.extract_strided_slice %parallel_loop3A_238 {offsets = [10], sizes = [1], strides = [1]} : vector<16xf32> to vector<1xf32>
        %parallel_loop3A_280 = vector.extract %parallel_loop3A_279[0] : f32 from vector<1xf32>
        %parallel_loop3A_281 = vector.broadcast %parallel_loop3A_280 : f32 to vector<16xf32>
        %parallel_loop3A_282 = tpu.pack_subelements %parallel_loop3A_281, %parallel_loop3A_281 {pack_format = #tpu.pack_format<interleaved>, positions = array<i32: 0, 1>} : vector<16xf32>, vector<16xf32> -> vector<32xbf16>
        %parallel_loop3A_283 = vector.extract_strided_slice %parallel_loop3A_238 {offsets = [11], sizes = [1], strides = [1]} : vector<16xf32> to vector<1xf32>
        %parallel_loop3A_284 = vector.extract %parallel_loop3A_283[0] : f32 from vector<1xf32>
        %parallel_loop3A_285 = vector.broadcast %parallel_loop3A_284 : f32 to vector<16xf32>
        %parallel_loop3A_286 = tpu.pack_subelements %parallel_loop3A_285, %parallel_loop3A_285 {pack_format = #tpu.pack_format<interleaved>, positions = array<i32: 0, 1>} : vector<16xf32>, vector<16xf32> -> vector<32xbf16>
        %parallel_loop3A_287 = vector.extract_strided_slice %parallel_loop3A_238 {offsets = [12], sizes = [1], strides = [1]} : vector<16xf32> to vector<1xf32>
        %parallel_loop3A_288 = vector.extract %parallel_loop3A_287[0] : f32 from vector<1xf32>
        %parallel_loop3A_289 = vector.broadcast %parallel_loop3A_288 : f32 to vector<16xf32>
        %parallel_loop3A_290 = tpu.pack_subelements %parallel_loop3A_289, %parallel_loop3A_289 {pack_format = #tpu.pack_format<interleaved>, positions = array<i32: 0, 1>} : vector<16xf32>, vector<16xf32> -> vector<32xbf16>
        %parallel_loop3A_291 = vector.extract_strided_slice %parallel_loop3A_238 {offsets = [13], sizes = [1], strides = [1]} : vector<16xf32> to vector<1xf32>
        %parallel_loop3A_292 = vector.extract %parallel_loop3A_291[0] : f32 from vector<1xf32>
        %parallel_loop3A_293 = vector.broadcast %parallel_loop3A_292 : f32 to vector<16xf32>
        %parallel_loop3A_294 = tpu.pack_subelements %parallel_loop3A_293, %parallel_loop3A_293 {pack_format = #tpu.pack_format<interleaved>, positions = array<i32: 0, 1>} : vector<16xf32>, vector<16xf32> -> vector<32xbf16>
        %parallel_loop3A_295 = vector.extract_strided_slice %parallel_loop3A_238 {offsets = [14], sizes = [1], strides = [1]} : vector<16xf32> to vector<1xf32>
        %parallel_loop3A_296 = vector.extract %parallel_loop3A_295[0] : f32 from vector<1xf32>
        %parallel_loop3A_297 = vector.broadcast %parallel_loop3A_296 : f32 to vector<16xf32>
        %parallel_loop3A_298 = tpu.pack_subelements %parallel_loop3A_297, %parallel_loop3A_297 {pack_format = #tpu.pack_format<interleaved>, positions = array<i32: 0, 1>} : vector<16xf32>, vector<16xf32> -> vector<32xbf16>
        %parallel_loop3A_299 = vector.extract_strided_slice %parallel_loop3A_238 {offsets = [15], sizes = [1], strides = [1]} : vector<16xf32> to vector<1xf32>
        %parallel_loop3A_300 = vector.extract %parallel_loop3A_299[0] : f32 from vector<1xf32>
        %parallel_loop3A_301 = vector.broadcast %parallel_loop3A_300 : f32 to vector<16xf32>
        %parallel_loop3A_302 = tpu.pack_subelements %parallel_loop3A_301, %parallel_loop3A_301 {pack_format = #tpu.pack_format<interleaved>, positions = array<i32: 0, 1>} : vector<16xf32>, vector<16xf32> -> vector<32xbf16>
        %parallel_loop3A_303 = arith.constant 16 : i32
        %parallel_loop3A_304 = arith.muli %parallel_loop3A_232, %parallel_loop3A_303 : i32
        %parallel_loop3A_305 = arith.constant 0 : i32
        %parallel_loop3A_306 = arith.addi %parallel_loop3A_304, %parallel_loop3A_305 : i32
        %parallel_loop3A_307 = arith.constant 1 : i32
        %parallel_loop3A_308 = arith.index_cast %parallel_loop3A_307 : i32 to index
        %parallel_loop3A_309 = arith.index_cast %parallel_loop3A_306 : i32 to index
        %parallel_loop3A_310 = arith.constant 0 : index
        %parallel_loop3A_311 = tpu.vector_load %arg8[%parallel_loop3A_308, %parallel_loop3A_309, %parallel_loop3A_310] {strides = array<i32>} : memref<2x128x128xi32, #tpu.memory_space<vmem>>, vector<16xi32>,
        %parallel_loop3A_312 = vector.bitcast %parallel_loop3A_311 : vector<16xi32> to vector<32xbf16>
        %parallel_loop3A_313 = arith.mulf %parallel_loop3A_242, %parallel_loop3A_312 : vector<32xbf16>
        %parallel_loop3A_314 = arith.constant 16 : i32
        %parallel_loop3A_315 = arith.muli %parallel_loop3A_232, %parallel_loop3A_314 : i32
        %parallel_loop3A_316 = arith.constant 1 : i32
        %parallel_loop3A_317 = arith.addi %parallel_loop3A_315, %parallel_loop3A_316 : i32
        %parallel_loop3A_318 = arith.constant 1 : i32
        %parallel_loop3A_319 = arith.index_cast %parallel_loop3A_318 : i32 to index
        %parallel_loop3A_320 = arith.index_cast %parallel_loop3A_317 : i32 to index
        %parallel_loop3A_321 = arith.constant 0 : index
        %parallel_loop3A_322 = tpu.vector_load %arg8[%parallel_loop3A_319, %parallel_loop3A_320, %parallel_loop3A_321] {strides = array<i32>} : memref<2x128x128xi32, #tpu.memory_space<vmem>>, vector<16xi32>,
        %parallel_loop3A_323 = vector.bitcast %parallel_loop3A_322 : vector<16xi32> to vector<32xbf16>
        %parallel_loop3A_324 = arith.mulf %parallel_loop3A_246, %parallel_loop3A_323 : vector<32xbf16>
        %parallel_loop3A_325 = arith.constant 16 : i32
        %parallel_loop3A_326 = arith.muli %parallel_loop3A_232, %parallel_loop3A_325 : i32
        %parallel_loop3A_327 = arith.constant 2 : i32
        %parallel_loop3A_328 = arith.addi %parallel_loop3A_326, %parallel_loop3A_327 : i32
        %parallel_loop3A_329 = arith.constant 1 : i32
        %parallel_loop3A_330 = arith.index_cast %parallel_loop3A_329 : i32 to index
        %parallel_loop3A_331 = arith.index_cast %parallel_loop3A_328 : i32 to index
        %parallel_loop3A_332 = arith.constant 0 : index
        %parallel_loop3A_333 = tpu.vector_load %arg8[%parallel_loop3A_330, %parallel_loop3A_331, %parallel_loop3A_332] {strides = array<i32>} : memref<2x128x128xi32, #tpu.memory_space<vmem>>, vector<16xi32>,
        %parallel_loop3A_334 = vector.bitcast %parallel_loop3A_333 : vector<16xi32> to vector<32xbf16>
        %parallel_loop3A_335 = arith.mulf %parallel_loop3A_250, %parallel_loop3A_334 : vector<32xbf16>
        %parallel_loop3A_336 = arith.constant 16 : i32
        %parallel_loop3A_337 = arith.muli %parallel_loop3A_232, %parallel_loop3A_336 : i32
        %parallel_loop3A_338 = arith.constant 3 : i32
        %parallel_loop3A_339 = arith.addi %parallel_loop3A_337, %parallel_loop3A_338 : i32
        %parallel_loop3A_340 = arith.constant 1 : i32
        %parallel_loop3A_341 = arith.index_cast %parallel_loop3A_340 : i32 to index
        %parallel_loop3A_342 = arith.index_cast %parallel_loop3A_339 : i32 to index
        %parallel_loop3A_343 = arith.constant 0 : index
        %parallel_loop3A_344 = tpu.vector_load %arg8[%parallel_loop3A_341, %parallel_loop3A_342, %parallel_loop3A_343] {strides = array<i32>} : memref<2x128x128xi32, #tpu.memory_space<vmem>>, vector<16xi32>,
        %parallel_loop3A_345 = vector.bitcast %parallel_loop3A_344 : vector<16xi32> to vector<32xbf16>
        %parallel_loop3A_346 = arith.mulf %parallel_loop3A_254, %parallel_loop3A_345 : vector<32xbf16>
        %parallel_loop3A_347 = arith.constant 16 : i32
        %parallel_loop3A_348 = arith.muli %parallel_loop3A_232, %parallel_loop3A_347 : i32
        %parallel_loop3A_349 = arith.constant 4 : i32
        %parallel_loop3A_350 = arith.addi %parallel_loop3A_348, %parallel_loop3A_349 : i32
        %parallel_loop3A_351 = arith.constant 1 : i32
        %parallel_loop3A_352 = arith.index_cast %parallel_loop3A_351 : i32 to index
        %parallel_loop3A_353 = arith.index_cast %parallel_loop3A_350 : i32 to index
        %parallel_loop3A_354 = arith.constant 0 : index
        %parallel_loop3A_355 = tpu.vector_load %arg8[%parallel_loop3A_352, %parallel_loop3A_353, %parallel_loop3A_354] {strides = array<i32>} : memref<2x128x128xi32, #tpu.memory_space<vmem>>, vector<16xi32>,
        %parallel_loop3A_356 = vector.bitcast %parallel_loop3A_355 : vector<16xi32> to vector<32xbf16>
        %parallel_loop3A_357 = arith.mulf %parallel_loop3A_258, %parallel_loop3A_356 : vector<32xbf16>
        %parallel_loop3A_358 = arith.constant 16 : i32
        %parallel_loop3A_359 = arith.muli %parallel_loop3A_232, %parallel_loop3A_358 : i32
        %parallel_loop3A_360 = arith.constant 5 : i32
        %parallel_loop3A_361 = arith.addi %parallel_loop3A_359, %parallel_loop3A_360 : i32
        %parallel_loop3A_362 = arith.constant 1 : i32
        %parallel_loop3A_363 = arith.index_cast %parallel_loop3A_362 : i32 to index
        %parallel_loop3A_364 = arith.index_cast %parallel_loop3A_361 : i32 to index
        %parallel_loop3A_365 = arith.constant 0 : index
        %parallel_loop3A_366 = tpu.vector_load %arg8[%parallel_loop3A_363, %parallel_loop3A_364, %parallel_loop3A_365] {strides = array<i32>} : memref<2x128x128xi32, #tpu.memory_space<vmem>>, vector<16xi32>,
        %parallel_loop3A_367 = vector.bitcast %parallel_loop3A_366 : vector<16xi32> to vector<32xbf16>
        %parallel_loop3A_368 = arith.mulf %parallel_loop3A_262, %parallel_loop3A_367 : vector<32xbf16>
        %parallel_loop3A_369 = arith.constant 16 : i32
        %parallel_loop3A_370 = arith.muli %parallel_loop3A_232, %parallel_loop3A_369 : i32
        %parallel_loop3A_371 = arith.constant 6 : i32
        %parallel_loop3A_372 = arith.addi %parallel_loop3A_370, %parallel_loop3A_371 : i32
        %parallel_loop3A_373 = arith.constant 1 : i32
        %parallel_loop3A_374 = arith.index_cast %parallel_loop3A_373 : i32 to index
        %parallel_loop3A_375 = arith.index_cast %parallel_loop3A_372 : i32 to index
        %parallel_loop3A_376 = arith.constant 0 : index
        %parallel_loop3A_377 = tpu.vector_load %arg8[%parallel_loop3A_374, %parallel_loop3A_375, %parallel_loop3A_376] {strides = array<i32>} : memref<2x128x128xi32, #tpu.memory_space<vmem>>, vector<16xi32>,
        %parallel_loop3A_378 = vector.bitcast %parallel_loop3A_377 : vector<16xi32> to vector<32xbf16>
        %parallel_loop3A_379 = arith.mulf %parallel_loop3A_266, %parallel_loop3A_378 : vector<32xbf16>
        %parallel_loop3A_380 = arith.constant 16 : i32
        %parallel_loop3A_381 = arith.muli %parallel_loop3A_232, %parallel_loop3A_380 : i32
        %parallel_loop3A_382 = arith.constant 7 : i32
        %parallel_loop3A_383 = arith.addi %parallel_loop3A_381, %parallel_loop3A_382 : i32
        %parallel_loop3A_384 = arith.constant 1 : i32
        %parallel_loop3A_385 = arith.index_cast %parallel_loop3A_384 : i32 to index
        %parallel_loop3A_386 = arith.index_cast %parallel_loop3A_383 : i32 to index
        %parallel_loop3A_387 = arith.constant 0 : index
        %parallel_loop3A_388 = tpu.vector_load %arg8[%parallel_loop3A_385, %parallel_loop3A_386, %parallel_loop3A_387] {strides = array<i32>} : memref<2x128x128xi32, #tpu.memory_space<vmem>>, vector<16xi32>,
        %parallel_loop3A_389 = vector.bitcast %parallel_loop3A_388 : vector<16xi32> to vector<32xbf16>
        %parallel_loop3A_390 = arith.mulf %parallel_loop3A_270, %parallel_loop3A_389 : vector<32xbf16>
        %parallel_loop3A_391 = arith.constant 16 : i32
        %parallel_loop3A_392 = arith.muli %parallel_loop3A_232, %parallel_loop3A_391 : i32
        %parallel_loop3A_393 = arith.constant 8 : i32
        %parallel_loop3A_394 = arith.addi %parallel_loop3A_392, %parallel_loop3A_393 : i32
        %parallel_loop3A_395 = arith.constant 1 : i32
        %parallel_loop3A_396 = arith.index_cast %parallel_loop3A_395 : i32 to index
        %parallel_loop3A_397 = arith.index_cast %parallel_loop3A_394 : i32 to index
        %parallel_loop3A_398 = arith.constant 0 : index
        %parallel_loop3A_399 = tpu.vector_load %arg8[%parallel_loop3A_396, %parallel_loop3A_397, %parallel_loop3A_398] {strides = array<i32>} : memref<2x128x128xi32, #tpu.memory_space<vmem>>, vector<16xi32>,
        %parallel_loop3A_400 = vector.bitcast %parallel_loop3A_399 : vector<16xi32> to vector<32xbf16>
        %parallel_loop3A_401 = arith.mulf %parallel_loop3A_274, %parallel_loop3A_400 : vector<32xbf16>
        %parallel_loop3A_402 = arith.constant 16 : i32
        %parallel_loop3A_403 = arith.muli %parallel_loop3A_232, %parallel_loop3A_402 : i32
        %parallel_loop3A_404 = arith.constant 9 : i32
        %parallel_loop3A_405 = arith.addi %parallel_loop3A_403, %parallel_loop3A_404 : i32
        %parallel_loop3A_406 = arith.constant 1 : i32
        %parallel_loop3A_407 = arith.index_cast %parallel_loop3A_406 : i32 to index
        %parallel_loop3A_408 = arith.index_cast %parallel_loop3A_405 : i32 to index
        %parallel_loop3A_409 = arith.constant 0 : index
        %parallel_loop3A_410 = tpu.vector_load %arg8[%parallel_loop3A_407, %parallel_loop3A_408, %parallel_loop3A_409] {strides = array<i32>} : memref<2x128x128xi32, #tpu.memory_space<vmem>>, vector<16xi32>,
        %parallel_loop3A_411 = vector.bitcast %parallel_loop3A_410 : vector<16xi32> to vector<32xbf16>
        %parallel_loop3A_412 = arith.mulf %parallel_loop3A_278, %parallel_loop3A_411 : vector<32xbf16>
        %parallel_loop3A_413 = arith.constant 16 : i32
        %parallel_loop3A_414 = arith.muli %parallel_loop3A_232, %parallel_loop3A_413 : i32
        %parallel_loop3A_415 = arith.constant 10 : i32
        %parallel_loop3A_416 = arith.addi %parallel_loop3A_414, %parallel_loop3A_415 : i32
        %parallel_loop3A_417 = arith.constant 1 : i32
        %parallel_loop3A_418 = arith.index_cast %parallel_loop3A_417 : i32 to index
        %parallel_loop3A_419 = arith.index_cast %parallel_loop3A_416 : i32 to index
        %parallel_loop3A_420 = arith.constant 0 : index
        %parallel_loop3A_421 = tpu.vector_load %arg8[%parallel_loop3A_418, %parallel_loop3A_419, %parallel_loop3A_420] {strides = array<i32>} : memref<2x128x128xi32, #tpu.memory_space<vmem>>, vector<16xi32>,
        %parallel_loop3A_422 = vector.bitcast %parallel_loop3A_421 : vector<16xi32> to vector<32xbf16>
        %parallel_loop3A_423 = arith.mulf %parallel_loop3A_282, %parallel_loop3A_422 : vector<32xbf16>
        %parallel_loop3A_424 = arith.constant 16 : i32
        %parallel_loop3A_425 = arith.muli %parallel_loop3A_232, %parallel_loop3A_424 : i32
        %parallel_loop3A_426 = arith.constant 11 : i32
        %parallel_loop3A_427 = arith.addi %parallel_loop3A_425, %parallel_loop3A_426 : i32
        %parallel_loop3A_428 = arith.constant 1 : i32
        %parallel_loop3A_429 = arith.index_cast %parallel_loop3A_428 : i32 to index
        %parallel_loop3A_430 = arith.index_cast %parallel_loop3A_427 : i32 to index
        %parallel_loop3A_431 = arith.constant 0 : index
        %parallel_loop3A_432 = tpu.vector_load %arg8[%parallel_loop3A_429, %parallel_loop3A_430, %parallel_loop3A_431] {strides = array<i32>} : memref<2x128x128xi32, #tpu.memory_space<vmem>>, vector<16xi32>,
        %parallel_loop3A_433 = vector.bitcast %parallel_loop3A_432 : vector<16xi32> to vector<32xbf16>
        %parallel_loop3A_434 = arith.mulf %parallel_loop3A_286, %parallel_loop3A_433 : vector<32xbf16>
        %parallel_loop3A_435 = arith.constant 16 : i32
        %parallel_loop3A_436 = arith.muli %parallel_loop3A_232, %parallel_loop3A_435 : i32
        %parallel_loop3A_437 = arith.constant 12 : i32
        %parallel_loop3A_438 = arith.addi %parallel_loop3A_436, %parallel_loop3A_437 : i32
        %parallel_loop3A_439 = arith.constant 1 : i32
        %parallel_loop3A_440 = arith.index_cast %parallel_loop3A_439 : i32 to index
        %parallel_loop3A_441 = arith.index_cast %parallel_loop3A_438 : i32 to index
        %parallel_loop3A_442 = arith.constant 0 : index
        %parallel_loop3A_443 = tpu.vector_load %arg8[%parallel_loop3A_440, %parallel_loop3A_441, %parallel_loop3A_442] {strides = array<i32>} : memref<2x128x128xi32, #tpu.memory_space<vmem>>, vector<16xi32>,
        %parallel_loop3A_444 = vector.bitcast %parallel_loop3A_443 : vector<16xi32> to vector<32xbf16>
        %parallel_loop3A_445 = arith.mulf %parallel_loop3A_290, %parallel_loop3A_444 : vector<32xbf16>
        %parallel_loop3A_446 = arith.constant 16 : i32
        %parallel_loop3A_447 = arith.muli %parallel_loop3A_232, %parallel_loop3A_446 : i32
        %parallel_loop3A_448 = arith.constant 13 : i32
        %parallel_loop3A_449 = arith.addi %parallel_loop3A_447, %parallel_loop3A_448 : i32
        %parallel_loop3A_450 = arith.constant 1 : i32
        %parallel_loop3A_451 = arith.index_cast %parallel_loop3A_450 : i32 to index
        %parallel_loop3A_452 = arith.index_cast %parallel_loop3A_449 : i32 to index
        %parallel_loop3A_453 = arith.constant 0 : index
        %parallel_loop3A_454 = tpu.vector_load %arg8[%parallel_loop3A_451, %parallel_loop3A_452, %parallel_loop3A_453] {strides = array<i32>} : memref<2x128x128xi32, #tpu.memory_space<vmem>>, vector<16xi32>,
        %parallel_loop3A_455 = vector.bitcast %parallel_loop3A_454 : vector<16xi32> to vector<32xbf16>
        %parallel_loop3A_456 = arith.mulf %parallel_loop3A_294, %parallel_loop3A_455 : vector<32xbf16>
        %parallel_loop3A_457 = arith.constant 16 : i32
        %parallel_loop3A_458 = arith.muli %parallel_loop3A_232, %parallel_loop3A_457 : i32
        %parallel_loop3A_459 = arith.constant 14 : i32
        %parallel_loop3A_460 = arith.addi %parallel_loop3A_458, %parallel_loop3A_459 : i32
        %parallel_loop3A_461 = arith.constant 1 : i32
        %parallel_loop3A_462 = arith.index_cast %parallel_loop3A_461 : i32 to index
        %parallel_loop3A_463 = arith.index_cast %parallel_loop3A_460 : i32 to index
        %parallel_loop3A_464 = arith.constant 0 : index
        %parallel_loop3A_465 = tpu.vector_load %arg8[%parallel_loop3A_462, %parallel_loop3A_463, %parallel_loop3A_464] {strides = array<i32>} : memref<2x128x128xi32, #tpu.memory_space<vmem>>, vector<16xi32>,
        %parallel_loop3A_466 = vector.bitcast %parallel_loop3A_465 : vector<16xi32> to vector<32xbf16>
        %parallel_loop3A_467 = arith.mulf %parallel_loop3A_298, %parallel_loop3A_466 : vector<32xbf16>
        %parallel_loop3A_468 = arith.constant 16 : i32
        %parallel_loop3A_469 = arith.muli %parallel_loop3A_232, %parallel_loop3A_468 : i32
        %parallel_loop3A_470 = arith.constant 15 : i32
        %parallel_loop3A_471 = arith.addi %parallel_loop3A_469, %parallel_loop3A_470 : i32
        %parallel_loop3A_472 = arith.constant 1 : i32
        %parallel_loop3A_473 = arith.index_cast %parallel_loop3A_472 : i32 to index
        %parallel_loop3A_474 = arith.index_cast %parallel_loop3A_471 : i32 to index
        %parallel_loop3A_475 = arith.constant 0 : index
        %parallel_loop3A_476 = tpu.vector_load %arg8[%parallel_loop3A_473, %parallel_loop3A_474, %parallel_loop3A_475] {strides = array<i32>} : memref<2x128x128xi32, #tpu.memory_space<vmem>>, vector<16xi32>,
        %parallel_loop3A_477 = vector.bitcast %parallel_loop3A_476 : vector<16xi32> to vector<32xbf16>
        %parallel_loop3A_478 = arith.mulf %parallel_loop3A_302, %parallel_loop3A_477 : vector<32xbf16>
        %parallel_loop3A_479 = arith.addf %parallel_loop3A_313, %parallel_loop3A_324 : vector<32xbf16>
        %parallel_loop3A_480 = arith.addf %parallel_loop3A_335, %parallel_loop3A_346 : vector<32xbf16>
        %parallel_loop3A_481 = arith.addf %parallel_loop3A_357, %parallel_loop3A_368 : vector<32xbf16>
        %parallel_loop3A_482 = arith.addf %parallel_loop3A_379, %parallel_loop3A_390 : vector<32xbf16>
        %parallel_loop3A_483 = arith.addf %parallel_loop3A_401, %parallel_loop3A_412 : vector<32xbf16>
        %parallel_loop3A_484 = arith.addf %parallel_loop3A_423, %parallel_loop3A_434 : vector<32xbf16>
        %parallel_loop3A_485 = arith.addf %parallel_loop3A_445, %parallel_loop3A_456 : vector<32xbf16>
        %parallel_loop3A_486 = arith.addf %parallel_loop3A_467, %parallel_loop3A_478 : vector<32xbf16>
        %parallel_loop3A_487 = arith.addf %parallel_loop3A_479, %parallel_loop3A_480 : vector<32xbf16>
        %parallel_loop3A_488 = arith.addf %parallel_loop3A_481, %parallel_loop3A_482 : vector<32xbf16>
        %parallel_loop3A_489 = arith.addf %parallel_loop3A_483, %parallel_loop3A_484 : vector<32xbf16>
        %parallel_loop3A_490 = arith.addf %parallel_loop3A_485, %parallel_loop3A_486 : vector<32xbf16>
        %parallel_loop3A_491 = arith.addf %parallel_loop3A_487, %parallel_loop3A_488 : vector<32xbf16>
        %parallel_loop3A_492 = arith.addf %parallel_loop3A_489, %parallel_loop3A_490 : vector<32xbf16>
        %parallel_loop3A_493 = arith.addf %parallel_loop3A_491, %parallel_loop3A_492 : vector<32xbf16>
        %parallel_loop3A_494 = tpu.unpack_subelements %parallel_loop3A_493, 0 {pack_format = #tpu.pack_format<interleaved>} : vector<32xbf16> -> vector<16xf32>
        %parallel_loop3A_495 = tpu.unpack_subelements %parallel_loop3A_493, 1 {pack_format = #tpu.pack_format<interleaved>} : vector<32xbf16> -> vector<16xf32>
        %parallel_loop3A_496 = arith.constant 1 : i32
        %parallel_loop3A_497 = arith.index_cast %parallel_loop3A_496 : i32 to index
        %parallel_loop3A_498 = arith.index_cast %parallel_loop3A_232 : i32 to index
        %parallel_loop3A_499 = arith.constant 0 : index
        %parallel_loop3A_500 = tpu.vector_load %arg9[%parallel_loop3A_497, %parallel_loop3A_498, %parallel_loop3A_499] {strides = array<i32>} : memref<2x8x256xf32, #tpu.memory_space<vmem>>, vector<16xf32>,
        tpu.vector_store %arg9[%parallel_loop3A_497, %parallel_loop3A_498, %parallel_loop3A_499], %parallel_loop3A_494 {strides = array<i32>} : memref<2x8x256xf32, #tpu.memory_space<vmem>>, vector<16xf32>,
        %parallel_loop3A_501 = arith.constant 1 : i32
        %parallel_loop3A_502 = arith.index_cast %parallel_loop3A_501 : i32 to index
        %parallel_loop3A_503 = arith.index_cast %parallel_loop3A_232 : i32 to index
        %parallel_loop3A_504 = arith.constant 128 : index
        %parallel_loop3A_505 = tpu.vector_load %arg9[%parallel_loop3A_502, %parallel_loop3A_503, %parallel_loop3A_504] {strides = array<i32>} : memref<2x8x256xf32, #tpu.memory_space<vmem>>, vector<16xf32>,
        tpu.vector_store %arg9[%parallel_loop3A_502, %parallel_loop3A_503, %parallel_loop3A_504], %parallel_loop3A_495 {strides = array<i32>} : memref<2x8x256xf32, #tpu.memory_space<vmem>>, vector<16xf32>,
        %parallel_loop3A_506 = arith.constant 16 : i32
        %parallel_loop3A_507 = arith.muli %parallel_loop3A_232, %parallel_loop3A_506 : i32
        %parallel_loop3A_508 = arith.constant 0 : i32
        %parallel_loop3A_509 = arith.addi %parallel_loop3A_507, %parallel_loop3A_508 : i32
        %parallel_loop3A_510 = arith.constant 1 : i32
        %parallel_loop3A_511 = arith.index_cast %parallel_loop3A_510 : i32 to index
        %parallel_loop3A_512 = arith.index_cast %parallel_loop3A_509 : i32 to index
        %parallel_loop3A_513 = arith.constant 16 : index
        %parallel_loop3A_514 = tpu.vector_load %arg8[%parallel_loop3A_511, %parallel_loop3A_512, %parallel_loop3A_513] {strides = array<i32>} : memref<2x128x128xi32, #tpu.memory_space<vmem>>, vector<16xi32>,
        %parallel_loop3A_515 = vector.bitcast %parallel_loop3A_514 : vector<16xi32> to vector<32xbf16>
        %parallel_loop3A_516 = arith.mulf %parallel_loop3A_242, %parallel_loop3A_515 : vector<32xbf16>
        %parallel_loop3A_517 = arith.constant 16 : i32
        %parallel_loop3A_518 = arith.muli %parallel_loop3A_232, %parallel_loop3A_517 : i32
        %parallel_loop3A_519 = arith.constant 1 : i32
        %parallel_loop3A_520 = arith.addi %parallel_loop3A_518, %parallel_loop3A_519 : i32
        %parallel_loop3A_521 = arith.constant 1 : i32
        %parallel_loop3A_522 = arith.index_cast %parallel_loop3A_521 : i32 to index
        %parallel_loop3A_523 = arith.index_cast %parallel_loop3A_520 : i32 to index
        %parallel_loop3A_524 = arith.constant 16 : index
        %parallel_loop3A_525 = tpu.vector_load %arg8[%parallel_loop3A_522, %parallel_loop3A_523, %parallel_loop3A_524] {strides = array<i32>} : memref<2x128x128xi32, #tpu.memory_space<vmem>>, vector<16xi32>,
        %parallel_loop3A_526 = vector.bitcast %parallel_loop3A_525 : vector<16xi32> to vector<32xbf16>
        %parallel_loop3A_527 = arith.mulf %parallel_loop3A_246, %parallel_loop3A_526 : vector<32xbf16>
        %parallel_loop3A_528 = arith.constant 16 : i32
        %parallel_loop3A_529 = arith.muli %parallel_loop3A_232, %parallel_loop3A_528 : i32
        %parallel_loop3A_530 = arith.constant 2 : i32
        %parallel_loop3A_531 = arith.addi %parallel_loop3A_529, %parallel_loop3A_530 : i32
        %parallel_loop3A_532 = arith.constant 1 : i32
        %parallel_loop3A_533 = arith.index_cast %parallel_loop3A_532 : i32 to index
        %parallel_loop3A_534 = arith.index_cast %parallel_loop3A_531 : i32 to index
        %parallel_loop3A_535 = arith.constant 16 : index
        %parallel_loop3A_536 = tpu.vector_load %arg8[%parallel_loop3A_533, %parallel_loop3A_534, %parallel_loop3A_535] {strides = array<i32>} : memref<2x128x128xi32, #tpu.memory_space<vmem>>, vector<16xi32>,
        %parallel_loop3A_537 = vector.bitcast %parallel_loop3A_536 : vector<16xi32> to vector<32xbf16>
        %parallel_loop3A_538 = arith.mulf %parallel_loop3A_250, %parallel_loop3A_537 : vector<32xbf16>
        %parallel_loop3A_539 = arith.constant 16 : i32
        %parallel_loop3A_540 = arith.muli %parallel_loop3A_232, %parallel_loop3A_539 : i32
        %parallel_loop3A_541 = arith.constant 3 : i32
        %parallel_loop3A_542 = arith.addi %parallel_loop3A_540, %parallel_loop3A_541 : i32
        %parallel_loop3A_543 = arith.constant 1 : i32
        %parallel_loop3A_544 = arith.index_cast %parallel_loop3A_543 : i32 to index
        %parallel_loop3A_545 = arith.index_cast %parallel_loop3A_542 : i32 to index
        %parallel_loop3A_546 = arith.constant 16 : index
        %parallel_loop3A_547 = tpu.vector_load %arg8[%parallel_loop3A_544, %parallel_loop3A_545, %parallel_loop3A_546] {strides = array<i32>} : memref<2x128x128xi32, #tpu.memory_space<vmem>>, vector<16xi32>,
        %parallel_loop3A_548 = vector.bitcast %parallel_loop3A_547 : vector<16xi32> to vector<32xbf16>
        %parallel_loop3A_549 = arith.mulf %parallel_loop3A_254, %parallel_loop3A_548 : vector<32xbf16>
        %parallel_loop3A_550 = arith.constant 16 : i32
        %parallel_loop3A_551 = arith.muli %parallel_loop3A_232, %parallel_loop3A_550 : i32
        %parallel_loop3A_552 = arith.constant 4 : i32
        %parallel_loop3A_553 = arith.addi %parallel_loop3A_551, %parallel_loop3A_552 : i32
        %parallel_loop3A_554 = arith.constant 1 : i32
        %parallel_loop3A_555 = arith.index_cast %parallel_loop3A_554 : i32 to index
        %parallel_loop3A_556 = arith.index_cast %parallel_loop3A_553 : i32 to index
        %parallel_loop3A_557 = arith.constant 16 : index
        %parallel_loop3A_558 = tpu.vector_load %arg8[%parallel_loop3A_555, %parallel_loop3A_556, %parallel_loop3A_557] {strides = array<i32>} : memref<2x128x128xi32, #tpu.memory_space<vmem>>, vector<16xi32>,
        %parallel_loop3A_559 = vector.bitcast %parallel_loop3A_558 : vector<16xi32> to vector<32xbf16>
        %parallel_loop3A_560 = arith.mulf %parallel_loop3A_258, %parallel_loop3A_559 : vector<32xbf16>
        %parallel_loop3A_561 = arith.constant 16 : i32
        %parallel_loop3A_562 = arith.muli %parallel_loop3A_232, %parallel_loop3A_561 : i32
        %parallel_loop3A_563 = arith.constant 5 : i32
        %parallel_loop3A_564 = arith.addi %parallel_loop3A_562, %parallel_loop3A_563 : i32
        %parallel_loop3A_565 = arith.constant 1 : i32
        %parallel_loop3A_566 = arith.index_cast %parallel_loop3A_565 : i32 to index
        %parallel_loop3A_567 = arith.index_cast %parallel_loop3A_564 : i32 to index
        %parallel_loop3A_568 = arith.constant 16 : index
        %parallel_loop3A_569 = tpu.vector_load %arg8[%parallel_loop3A_566, %parallel_loop3A_567, %parallel_loop3A_568] {strides = array<i32>} : memref<2x128x128xi32, #tpu.memory_space<vmem>>, vector<16xi32>,
        %parallel_loop3A_570 = vector.bitcast %parallel_loop3A_569 : vector<16xi32> to vector<32xbf16>
        %parallel_loop3A_571 = arith.mulf %parallel_loop3A_262, %parallel_loop3A_570 : vector<32xbf16>
        %parallel_loop3A_572 = arith.constant 16 : i32
        %parallel_loop3A_573 = arith.muli %parallel_loop3A_232, %parallel_loop3A_572 : i32
        %parallel_loop3A_574 = arith.constant 6 : i32
        %parallel_loop3A_575 = arith.addi %parallel_loop3A_573, %parallel_loop3A_574 : i32
        %parallel_loop3A_576 = arith.constant 1 : i32
        %parallel_loop3A_577 = arith.index_cast %parallel_loop3A_576 : i32 to index
        %parallel_loop3A_578 = arith.index_cast %parallel_loop3A_575 : i32 to index
        %parallel_loop3A_579 = arith.constant 16 : index
        %parallel_loop3A_580 = tpu.vector_load %arg8[%parallel_loop3A_577, %parallel_loop3A_578, %parallel_loop3A_579] {strides = array<i32>} : memref<2x128x128xi32, #tpu.memory_space<vmem>>, vector<16xi32>,
        %parallel_loop3A_581 = vector.bitcast %parallel_loop3A_580 : vector<16xi32> to vector<32xbf16>
        %parallel_loop3A_582 = arith.mulf %parallel_loop3A_266, %parallel_loop3A_581 : vector<32xbf16>
        %parallel_loop3A_583 = arith.constant 16 : i32
        %parallel_loop3A_584 = arith.muli %parallel_loop3A_232, %parallel_loop3A_583 : i32
        %parallel_loop3A_585 = arith.constant 7 : i32
        %parallel_loop3A_586 = arith.addi %parallel_loop3A_584, %parallel_loop3A_585 : i32
        %parallel_loop3A_587 = arith.constant 1 : i32
        %parallel_loop3A_588 = arith.index_cast %parallel_loop3A_587 : i32 to index
        %parallel_loop3A_589 = arith.index_cast %parallel_loop3A_586 : i32 to index
        %parallel_loop3A_590 = arith.constant 16 : index
        %parallel_loop3A_591 = tpu.vector_load %arg8[%parallel_loop3A_588, %parallel_loop3A_589, %parallel_loop3A_590] {strides = array<i32>} : memref<2x128x128xi32, #tpu.memory_space<vmem>>, vector<16xi32>,
        %parallel_loop3A_592 = vector.bitcast %parallel_loop3A_591 : vector<16xi32> to vector<32xbf16>
        %parallel_loop3A_593 = arith.mulf %parallel_loop3A_270, %parallel_loop3A_592 : vector<32xbf16>
        %parallel_loop3A_594 = arith.constant 16 : i32
        %parallel_loop3A_595 = arith.muli %parallel_loop3A_232, %parallel_loop3A_594 : i32
        %parallel_loop3A_596 = arith.constant 8 : i32
        %parallel_loop3A_597 = arith.addi %parallel_loop3A_595, %parallel_loop3A_596 : i32
        %parallel_loop3A_598 = arith.constant 1 : i32
        %parallel_loop3A_599 = arith.index_cast %parallel_loop3A_598 : i32 to index
        %parallel_loop3A_600 = arith.index_cast %parallel_loop3A_597 : i32 to index
        %parallel_loop3A_601 = arith.constant 16 : index
        %parallel_loop3A_602 = tpu.vector_load %arg8[%parallel_loop3A_599, %parallel_loop3A_600, %parallel_loop3A_601] {strides = array<i32>} : memref<2x128x128xi32, #tpu.memory_space<vmem>>, vector<16xi32>,
        %parallel_loop3A_603 = vector.bitcast %parallel_loop3A_602 : vector<16xi32> to vector<32xbf16>
        %parallel_loop3A_604 = arith.mulf %parallel_loop3A_274, %parallel_loop3A_603 : vector<32xbf16>
        %parallel_loop3A_605 = arith.constant 16 : i32
        %parallel_loop3A_606 = arith.muli %parallel_loop3A_232, %parallel_loop3A_605 : i32
        %parallel_loop3A_607 = arith.constant 9 : i32
        %parallel_loop3A_608 = arith.addi %parallel_loop3A_606, %parallel_loop3A_607 : i32
        %parallel_loop3A_609 = arith.constant 1 : i32
        %parallel_loop3A_610 = arith.index_cast %parallel_loop3A_609 : i32 to index
        %parallel_loop3A_611 = arith.index_cast %parallel_loop3A_608 : i32 to index
        %parallel_loop3A_612 = arith.constant 16 : index
        %parallel_loop3A_613 = tpu.vector_load %arg8[%parallel_loop3A_610, %parallel_loop3A_611, %parallel_loop3A_612] {strides = array<i32>} : memref<2x128x128xi32, #tpu.memory_space<vmem>>, vector<16xi32>,
        %parallel_loop3A_614 = vector.bitcast %parallel_loop3A_613 : vector<16xi32> to vector<32xbf16>
        %parallel_loop3A_615 = arith.mulf %parallel_loop3A_278, %parallel_loop3A_614 : vector<32xbf16>
        %parallel_loop3A_616 = arith.constant 16 : i32
        %parallel_loop3A_617 = arith.muli %parallel_loop3A_232, %parallel_loop3A_616 : i32
        %parallel_loop3A_618 = arith.constant 10 : i32
        %parallel_loop3A_619 = arith.addi %parallel_loop3A_617, %parallel_loop3A_618 : i32
        %parallel_loop3A_620 = arith.constant 1 : i32
        %parallel_loop3A_621 = arith.index_cast %parallel_loop3A_620 : i32 to index
        %parallel_loop3A_622 = arith.index_cast %parallel_loop3A_619 : i32 to index
        %parallel_loop3A_623 = arith.constant 16 : index
        %parallel_loop3A_624 = tpu.vector_load %arg8[%parallel_loop3A_621, %parallel_loop3A_622, %parallel_loop3A_623] {strides = array<i32>} : memref<2x128x128xi32, #tpu.memory_space<vmem>>, vector<16xi32>,
        %parallel_loop3A_625 = vector.bitcast %parallel_loop3A_624 : vector<16xi32> to vector<32xbf16>
        %parallel_loop3A_626 = arith.mulf %parallel_loop3A_282, %parallel_loop3A_625 : vector<32xbf16>
        %parallel_loop3A_627 = arith.constant 16 : i32
        %parallel_loop3A_628 = arith.muli %parallel_loop3A_232, %parallel_loop3A_627 : i32
        %parallel_loop3A_629 = arith.constant 11 : i32
        %parallel_loop3A_630 = arith.addi %parallel_loop3A_628, %parallel_loop3A_629 : i32
        %parallel_loop3A_631 = arith.constant 1 : i32
        %parallel_loop3A_632 = arith.index_cast %parallel_loop3A_631 : i32 to index
        %parallel_loop3A_633 = arith.index_cast %parallel_loop3A_630 : i32 to index
        %parallel_loop3A_634 = arith.constant 16 : index
        %parallel_loop3A_635 = tpu.vector_load %arg8[%parallel_loop3A_632, %parallel_loop3A_633, %parallel_loop3A_634] {strides = array<i32>} : memref<2x128x128xi32, #tpu.memory_space<vmem>>, vector<16xi32>,
        %parallel_loop3A_636 = vector.bitcast %parallel_loop3A_635 : vector<16xi32> to vector<32xbf16>
        %parallel_loop3A_637 = arith.mulf %parallel_loop3A_286, %parallel_loop3A_636 : vector<32xbf16>
        %parallel_loop3A_638 = arith.constant 16 : i32
        %parallel_loop3A_639 = arith.muli %parallel_loop3A_232, %parallel_loop3A_638 : i32
        %parallel_loop3A_640 = arith.constant 12 : i32
        %parallel_loop3A_641 = arith.addi %parallel_loop3A_639, %parallel_loop3A_640 : i32
        %parallel_loop3A_642 = arith.constant 1 : i32
        %parallel_loop3A_643 = arith.index_cast %parallel_loop3A_642 : i32 to index
        %parallel_loop3A_644 = arith.index_cast %parallel_loop3A_641 : i32 to index
        %parallel_loop3A_645 = arith.constant 16 : index
        %parallel_loop3A_646 = tpu.vector_load %arg8[%parallel_loop3A_643, %parallel_loop3A_644, %parallel_loop3A_645] {strides = array<i32>} : memref<2x128x128xi32, #tpu.memory_space<vmem>>, vector<16xi32>,
        %parallel_loop3A_647 = vector.bitcast %parallel_loop3A_646 : vector<16xi32> to vector<32xbf16>
        %parallel_loop3A_648 = arith.mulf %parallel_loop3A_290, %parallel_loop3A_647 : vector<32xbf16>
        %parallel_loop3A_649 = arith.constant 16 : i32
        %parallel_loop3A_650 = arith.muli %parallel_loop3A_232, %parallel_loop3A_649 : i32
        %parallel_loop3A_651 = arith.constant 13 : i32
        %parallel_loop3A_652 = arith.addi %parallel_loop3A_650, %parallel_loop3A_651 : i32
        %parallel_loop3A_653 = arith.constant 1 : i32
        %parallel_loop3A_654 = arith.index_cast %parallel_loop3A_653 : i32 to index
        %parallel_loop3A_655 = arith.index_cast %parallel_loop3A_652 : i32 to index
        %parallel_loop3A_656 = arith.constant 16 : index
        %parallel_loop3A_657 = tpu.vector_load %arg8[%parallel_loop3A_654, %parallel_loop3A_655, %parallel_loop3A_656] {strides = array<i32>} : memref<2x128x128xi32, #tpu.memory_space<vmem>>, vector<16xi32>,
        %parallel_loop3A_658 = vector.bitcast %parallel_loop3A_657 : vector<16xi32> to vector<32xbf16>
        %parallel_loop3A_659 = arith.mulf %parallel_loop3A_294, %parallel_loop3A_658 : vector<32xbf16>
        %parallel_loop3A_660 = arith.constant 16 : i32
        %parallel_loop3A_661 = arith.muli %parallel_loop3A_232, %parallel_loop3A_660 : i32
        %parallel_loop3A_662 = arith.constant 14 : i32
        %parallel_loop3A_663 = arith.addi %parallel_loop3A_661, %parallel_loop3A_662 : i32
        %parallel_loop3A_664 = arith.constant 1 : i32
        %parallel_loop3A_665 = arith.index_cast %parallel_loop3A_664 : i32 to index
        %parallel_loop3A_666 = arith.index_cast %parallel_loop3A_663 : i32 to index
        %parallel_loop3A_667 = arith.constant 16 : index
        %parallel_loop3A_668 = tpu.vector_load %arg8[%parallel_loop3A_665, %parallel_loop3A_666, %parallel_loop3A_667] {strides = array<i32>} : memref<2x128x128xi32, #tpu.memory_space<vmem>>, vector<16xi32>,
        %parallel_loop3A_669 = vector.bitcast %parallel_loop3A_668 : vector<16xi32> to vector<32xbf16>
        %parallel_loop3A_670 = arith.mulf %parallel_loop3A_298, %parallel_loop3A_669 : vector<32xbf16>
        %parallel_loop3A_671 = arith.constant 16 : i32
        %parallel_loop3A_672 = arith.muli %parallel_loop3A_232, %parallel_loop3A_671 : i32
        %parallel_loop3A_673 = arith.constant 15 : i32
        %parallel_loop3A_674 = arith.addi %parallel_loop3A_672, %parallel_loop3A_673 : i32
        %parallel_loop3A_675 = arith.constant 1 : i32
        %parallel_loop3A_676 = arith.index_cast %parallel_loop3A_675 : i32 to index
        %parallel_loop3A_677 = arith.index_cast %parallel_loop3A_674 : i32 to index
        %parallel_loop3A_678 = arith.constant 16 : index
        %parallel_loop3A_679 = tpu.vector_load %arg8[%parallel_loop3A_676, %parallel_loop3A_677, %parallel_loop3A_678] {strides = array<i32>} : memref<2x128x128xi32, #tpu.memory_space<vmem>>, vector<16xi32>,
        %parallel_loop3A_680 = vector.bitcast %parallel_loop3A_679 : vector<16xi32> to vector<32xbf16>
        %parallel_loop3A_681 = arith.mulf %parallel_loop3A_302, %parallel_loop3A_680 : vector<32xbf16>
        %parallel_loop3A_682 = arith.addf %parallel_loop3A_516, %parallel_loop3A_527 : vector<32xbf16>
        %parallel_loop3A_683 = arith.addf %parallel_loop3A_538, %parallel_loop3A_549 : vector<32xbf16>
        %parallel_loop3A_684 = arith.addf %parallel_loop3A_560, %parallel_loop3A_571 : vector<32xbf16>
        %parallel_loop3A_685 = arith.addf %parallel_loop3A_582, %parallel_loop3A_593 : vector<32xbf16>
        %parallel_loop3A_686 = arith.addf %parallel_loop3A_604, %parallel_loop3A_615 : vector<32xbf16>
        %parallel_loop3A_687 = arith.addf %parallel_loop3A_626, %parallel_loop3A_637 : vector<32xbf16>
        %parallel_loop3A_688 = arith.addf %parallel_loop3A_648, %parallel_loop3A_659 : vector<32xbf16>
        %parallel_loop3A_689 = arith.addf %parallel_loop3A_670, %parallel_loop3A_681 : vector<32xbf16>
        %parallel_loop3A_690 = arith.addf %parallel_loop3A_682, %parallel_loop3A_683 : vector<32xbf16>
        %parallel_loop3A_691 = arith.addf %parallel_loop3A_684, %parallel_loop3A_685 : vector<32xbf16>
        %parallel_loop3A_692 = arith.addf %parallel_loop3A_686, %parallel_loop3A_687 : vector<32xbf16>
        %parallel_loop3A_693 = arith.addf %parallel_loop3A_688, %parallel_loop3A_689 : vector<32xbf16>
        %parallel_loop3A_694 = arith.addf %parallel_loop3A_690, %parallel_loop3A_691 : vector<32xbf16>
        %parallel_loop3A_695 = arith.addf %parallel_loop3A_692, %parallel_loop3A_693 : vector<32xbf16>
        %parallel_loop3A_696 = arith.addf %parallel_loop3A_694, %parallel_loop3A_695 : vector<32xbf16>
        %parallel_loop3A_697 = tpu.unpack_subelements %parallel_loop3A_696, 0 {pack_format = #tpu.pack_format<interleaved>} : vector<32xbf16> -> vector<16xf32>
        %parallel_loop3A_698 = tpu.unpack_subelements %parallel_loop3A_696, 1 {pack_format = #tpu.pack_format<interleaved>} : vector<32xbf16> -> vector<16xf32>
        %parallel_loop3A_699 = arith.constant 1 : i32
        %parallel_loop3A_700 = arith.index_cast %parallel_loop3A_699 : i32 to index
        %parallel_loop3A_701 = arith.index_cast %parallel_loop3A_232 : i32 to index
        %parallel_loop3A_702 = arith.constant 16 : index
        %parallel_loop3A_703 = tpu.vector_load %arg9[%parallel_loop3A_700, %parallel_loop3A_701, %parallel_loop3A_702] {strides = array<i32>} : memref<2x8x256xf32, #tpu.memory_space<vmem>>, vector<16xf32>,
        tpu.vector_store %arg9[%parallel_loop3A_700, %parallel_loop3A_701, %parallel_loop3A_702], %parallel_loop3A_697 {strides = array<i32>} : memref<2x8x256xf32, #tpu.memory_space<vmem>>, vector<16xf32>,
        %parallel_loop3A_704 = arith.constant 1 : i32
        %parallel_loop3A_705 = arith.index_cast %parallel_loop3A_704 : i32 to index
        %parallel_loop3A_706 = arith.index_cast %parallel_loop3A_232 : i32 to index
        %parallel_loop3A_707 = arith.constant 144 : index
        %parallel_loop3A_708 = tpu.vector_load %arg9[%parallel_loop3A_705, %parallel_loop3A_706, %parallel_loop3A_707] {strides = array<i32>} : memref<2x8x256xf32, #tpu.memory_space<vmem>>, vector<16xf32>,
        tpu.vector_store %arg9[%parallel_loop3A_705, %parallel_loop3A_706, %parallel_loop3A_707], %parallel_loop3A_698 {strides = array<i32>} : memref<2x8x256xf32, #tpu.memory_space<vmem>>, vector<16xf32>,
        %parallel_loop3A_709 = arith.constant 16 : i32
        %parallel_loop3A_710 = arith.muli %parallel_loop3A_232, %parallel_loop3A_709 : i32
        %parallel_loop3A_711 = arith.constant 0 : i32
        %parallel_loop3A_712 = arith.addi %parallel_loop3A_710, %parallel_loop3A_711 : i32
        %parallel_loop3A_713 = arith.constant 1 : i32
        %parallel_loop3A_714 = arith.index_cast %parallel_loop3A_713 : i32 to index
        %parallel_loop3A_715 = arith.index_cast %parallel_loop3A_712 : i32 to index
        %parallel_loop3A_716 = arith.constant 32 : index
        %parallel_loop3A_717 = tpu.vector_load %arg8[%parallel_loop3A_714, %parallel_loop3A_715, %parallel_loop3A_716] {strides = array<i32>} : memref<2x128x128xi32, #tpu.memory_space<vmem>>, vector<16xi32>,
        %parallel_loop3A_718 = vector.bitcast %parallel_loop3A_717 : vector<16xi32> to vector<32xbf16>
        %parallel_loop3A_719 = arith.mulf %parallel_loop3A_242, %parallel_loop3A_718 : vector<32xbf16>
        %parallel_loop3A_720 = arith.constant 16 : i32
        %parallel_loop3A_721 = arith.muli %parallel_loop3A_232, %parallel_loop3A_720 : i32
        %parallel_loop3A_722 = arith.constant 1 : i32
        %parallel_loop3A_723 = arith.addi %parallel_loop3A_721, %parallel_loop3A_722 : i32
        %parallel_loop3A_724 = arith.constant 1 : i32
        %parallel_loop3A_725 = arith.index_cast %parallel_loop3A_724 : i32 to index
        %parallel_loop3A_726 = arith.index_cast %parallel_loop3A_723 : i32 to index
        %parallel_loop3A_727 = arith.constant 32 : index
        %parallel_loop3A_728 = tpu.vector_load %arg8[%parallel_loop3A_725, %parallel_loop3A_726, %parallel_loop3A_727] {strides = array<i32>} : memref<2x128x128xi32, #tpu.memory_space<vmem>>, vector<16xi32>,
        %parallel_loop3A_729 = vector.bitcast %parallel_loop3A_728 : vector<16xi32> to vector<32xbf16>
        %parallel_loop3A_730 = arith.mulf %parallel_loop3A_246, %parallel_loop3A_729 : vector<32xbf16>
        %parallel_loop3A_731 = arith.constant 16 : i32
        %parallel_loop3A_732 = arith.muli %parallel_loop3A_232, %parallel_loop3A_731 : i32
        %parallel_loop3A_733 = arith.constant 2 : i32
        %parallel_loop3A_734 = arith.addi %parallel_loop3A_732, %parallel_loop3A_733 : i32
        %parallel_loop3A_735 = arith.constant 1 : i32
        %parallel_loop3A_736 = arith.index_cast %parallel_loop3A_735 : i32 to index
        %parallel_loop3A_737 = arith.index_cast %parallel_loop3A_734 : i32 to index
        %parallel_loop3A_738 = arith.constant 32 : index
        %parallel_loop3A_739 = tpu.vector_load %arg8[%parallel_loop3A_736, %parallel_loop3A_737, %parallel_loop3A_738] {strides = array<i32>} : memref<2x128x128xi32, #tpu.memory_space<vmem>>, vector<16xi32>,
        %parallel_loop3A_740 = vector.bitcast %parallel_loop3A_739 : vector<16xi32> to vector<32xbf16>
        %parallel_loop3A_741 = arith.mulf %parallel_loop3A_250, %parallel_loop3A_740 : vector<32xbf16>
        %parallel_loop3A_742 = arith.constant 16 : i32
        %parallel_loop3A_743 = arith.muli %parallel_loop3A_232, %parallel_loop3A_742 : i32
        %parallel_loop3A_744 = arith.constant 3 : i32
        %parallel_loop3A_745 = arith.addi %parallel_loop3A_743, %parallel_loop3A_744 : i32
        %parallel_loop3A_746 = arith.constant 1 : i32
        %parallel_loop3A_747 = arith.index_cast %parallel_loop3A_746 : i32 to index
        %parallel_loop3A_748 = arith.index_cast %parallel_loop3A_745 : i32 to index
        %parallel_loop3A_749 = arith.constant 32 : index
        %parallel_loop3A_750 = tpu.vector_load %arg8[%parallel_loop3A_747, %parallel_loop3A_748, %parallel_loop3A_749] {strides = array<i32>} : memref<2x128x128xi32, #tpu.memory_space<vmem>>, vector<16xi32>,
        %parallel_loop3A_751 = vector.bitcast %parallel_loop3A_750 : vector<16xi32> to vector<32xbf16>
        %parallel_loop3A_752 = arith.mulf %parallel_loop3A_254, %parallel_loop3A_751 : vector<32xbf16>
        %parallel_loop3A_753 = arith.constant 16 : i32
        %parallel_loop3A_754 = arith.muli %parallel_loop3A_232, %parallel_loop3A_753 : i32
        %parallel_loop3A_755 = arith.constant 4 : i32
        %parallel_loop3A_756 = arith.addi %parallel_loop3A_754, %parallel_loop3A_755 : i32
        %parallel_loop3A_757 = arith.constant 1 : i32
        %parallel_loop3A_758 = arith.index_cast %parallel_loop3A_757 : i32 to index
        %parallel_loop3A_759 = arith.index_cast %parallel_loop3A_756 : i32 to index
        %parallel_loop3A_760 = arith.constant 32 : index
        %parallel_loop3A_761 = tpu.vector_load %arg8[%parallel_loop3A_758, %parallel_loop3A_759, %parallel_loop3A_760] {strides = array<i32>} : memref<2x128x128xi32, #tpu.memory_space<vmem>>, vector<16xi32>,
        %parallel_loop3A_762 = vector.bitcast %parallel_loop3A_761 : vector<16xi32> to vector<32xbf16>
        %parallel_loop3A_763 = arith.mulf %parallel_loop3A_258, %parallel_loop3A_762 : vector<32xbf16>
        %parallel_loop3A_764 = arith.constant 16 : i32
        %parallel_loop3A_765 = arith.muli %parallel_loop3A_232, %parallel_loop3A_764 : i32
        %parallel_loop3A_766 = arith.constant 5 : i32
        %parallel_loop3A_767 = arith.addi %parallel_loop3A_765, %parallel_loop3A_766 : i32
        %parallel_loop3A_768 = arith.constant 1 : i32
        %parallel_loop3A_769 = arith.index_cast %parallel_loop3A_768 : i32 to index
        %parallel_loop3A_770 = arith.index_cast %parallel_loop3A_767 : i32 to index
        %parallel_loop3A_771 = arith.constant 32 : index
        %parallel_loop3A_772 = tpu.vector_load %arg8[%parallel_loop3A_769, %parallel_loop3A_770, %parallel_loop3A_771] {strides = array<i32>} : memref<2x128x128xi32, #tpu.memory_space<vmem>>, vector<16xi32>,
        %parallel_loop3A_773 = vector.bitcast %parallel_loop3A_772 : vector<16xi32> to vector<32xbf16>
        %parallel_loop3A_774 = arith.mulf %parallel_loop3A_262, %parallel_loop3A_773 : vector<32xbf16>
        %parallel_loop3A_775 = arith.constant 16 : i32
        %parallel_loop3A_776 = arith.muli %parallel_loop3A_232, %parallel_loop3A_775 : i32
        %parallel_loop3A_777 = arith.constant 6 : i32
        %parallel_loop3A_778 = arith.addi %parallel_loop3A_776, %parallel_loop3A_777 : i32
        %parallel_loop3A_779 = arith.constant 1 : i32
        %parallel_loop3A_780 = arith.index_cast %parallel_loop3A_779 : i32 to index
        %parallel_loop3A_781 = arith.index_cast %parallel_loop3A_778 : i32 to index
        %parallel_loop3A_782 = arith.constant 32 : index
        %parallel_loop3A_783 = tpu.vector_load %arg8[%parallel_loop3A_780, %parallel_loop3A_781, %parallel_loop3A_782] {strides = array<i32>} : memref<2x128x128xi32, #tpu.memory_space<vmem>>, vector<16xi32>,
        %parallel_loop3A_784 = vector.bitcast %parallel_loop3A_783 : vector<16xi32> to vector<32xbf16>
        %parallel_loop3A_785 = arith.mulf %parallel_loop3A_266, %parallel_loop3A_784 : vector<32xbf16>
        %parallel_loop3A_786 = arith.constant 16 : i32
        %parallel_loop3A_787 = arith.muli %parallel_loop3A_232, %parallel_loop3A_786 : i32
        %parallel_loop3A_788 = arith.constant 7 : i32
        %parallel_loop3A_789 = arith.addi %parallel_loop3A_787, %parallel_loop3A_788 : i32
        %parallel_loop3A_790 = arith.constant 1 : i32
        %parallel_loop3A_791 = arith.index_cast %parallel_loop3A_790 : i32 to index
        %parallel_loop3A_792 = arith.index_cast %parallel_loop3A_789 : i32 to index
        %parallel_loop3A_793 = arith.constant 32 : index
        %parallel_loop3A_794 = tpu.vector_load %arg8[%parallel_loop3A_791, %parallel_loop3A_792, %parallel_loop3A_793] {strides = array<i32>} : memref<2x128x128xi32, #tpu.memory_space<vmem>>, vector<16xi32>,
        %parallel_loop3A_795 = vector.bitcast %parallel_loop3A_794 : vector<16xi32> to vector<32xbf16>
        %parallel_loop3A_796 = arith.mulf %parallel_loop3A_270, %parallel_loop3A_795 : vector<32xbf16>
        %parallel_loop3A_797 = arith.constant 16 : i32
        %parallel_loop3A_798 = arith.muli %parallel_loop3A_232, %parallel_loop3A_797 : i32
        %parallel_loop3A_799 = arith.constant 8 : i32
        %parallel_loop3A_800 = arith.addi %parallel_loop3A_798, %parallel_loop3A_799 : i32
        %parallel_loop3A_801 = arith.constant 1 : i32
        %parallel_loop3A_802 = arith.index_cast %parallel_loop3A_801 : i32 to index
        %parallel_loop3A_803 = arith.index_cast %parallel_loop3A_800 : i32 to index
        %parallel_loop3A_804 = arith.constant 32 : index
        %parallel_loop3A_805 = tpu.vector_load %arg8[%parallel_loop3A_802, %parallel_loop3A_803, %parallel_loop3A_804] {strides = array<i32>} : memref<2x128x128xi32, #tpu.memory_space<vmem>>, vector<16xi32>,
        %parallel_loop3A_806 = vector.bitcast %parallel_loop3A_805 : vector<16xi32> to vector<32xbf16>
        %parallel_loop3A_807 = arith.mulf %parallel_loop3A_274, %parallel_loop3A_806 : vector<32xbf16>
        %parallel_loop3A_808 = arith.constant 16 : i32
        %parallel_loop3A_809 = arith.muli %parallel_loop3A_232, %parallel_loop3A_808 : i32
        %parallel_loop3A_810 = arith.constant 9 : i32
        %parallel_loop3A_811 = arith.addi %parallel_loop3A_809, %parallel_loop3A_810 : i32
        %parallel_loop3A_812 = arith.constant 1 : i32
        %parallel_loop3A_813 = arith.index_cast %parallel_loop3A_812 : i32 to index
        %parallel_loop3A_814 = arith.index_cast %parallel_loop3A_811 : i32 to index
        %parallel_loop3A_815 = arith.constant 32 : index
        %parallel_loop3A_816 = tpu.vector_load %arg8[%parallel_loop3A_813, %parallel_loop3A_814, %parallel_loop3A_815] {strides = array<i32>} : memref<2x128x128xi32, #tpu.memory_space<vmem>>, vector<16xi32>,
        %parallel_loop3A_817 = vector.bitcast %parallel_loop3A_816 : vector<16xi32> to vector<32xbf16>
        %parallel_loop3A_818 = arith.mulf %parallel_loop3A_278, %parallel_loop3A_817 : vector<32xbf16>
        %parallel_loop3A_819 = arith.constant 16 : i32
        %parallel_loop3A_820 = arith.muli %parallel_loop3A_232, %parallel_loop3A_819 : i32
        %parallel_loop3A_821 = arith.constant 10 : i32
        %parallel_loop3A_822 = arith.addi %parallel_loop3A_820, %parallel_loop3A_821 : i32
        %parallel_loop3A_823 = arith.constant 1 : i32
        %parallel_loop3A_824 = arith.index_cast %parallel_loop3A_823 : i32 to index
        %parallel_loop3A_825 = arith.index_cast %parallel_loop3A_822 : i32 to index
        %parallel_loop3A_826 = arith.constant 32 : index
        %parallel_loop3A_827 = tpu.vector_load %arg8[%parallel_loop3A_824, %parallel_loop3A_825, %parallel_loop3A_826] {strides = array<i32>} : memref<2x128x128xi32, #tpu.memory_space<vmem>>, vector<16xi32>,
        %parallel_loop3A_828 = vector.bitcast %parallel_loop3A_827 : vector<16xi32> to vector<32xbf16>
        %parallel_loop3A_829 = arith.mulf %parallel_loop3A_282, %parallel_loop3A_828 : vector<32xbf16>
        %parallel_loop3A_830 = arith.constant 16 : i32
        %parallel_loop3A_831 = arith.muli %parallel_loop3A_232, %parallel_loop3A_830 : i32
        %parallel_loop3A_832 = arith.constant 11 : i32
        %parallel_loop3A_833 = arith.addi %parallel_loop3A_831, %parallel_loop3A_832 : i32
        %parallel_loop3A_834 = arith.constant 1 : i32
        %parallel_loop3A_835 = arith.index_cast %parallel_loop3A_834 : i32 to index
        %parallel_loop3A_836 = arith.index_cast %parallel_loop3A_833 : i32 to index
        %parallel_loop3A_837 = arith.constant 32 : index
        %parallel_loop3A_838 = tpu.vector_load %arg8[%parallel_loop3A_835, %parallel_loop3A_836, %parallel_loop3A_837] {strides = array<i32>} : memref<2x128x128xi32, #tpu.memory_space<vmem>>, vector<16xi32>,
        %parallel_loop3A_839 = vector.bitcast %parallel_loop3A_838 : vector<16xi32> to vector<32xbf16>
        %parallel_loop3A_840 = arith.mulf %parallel_loop3A_286, %parallel_loop3A_839 : vector<32xbf16>
        %parallel_loop3A_841 = arith.constant 16 : i32
        %parallel_loop3A_842 = arith.muli %parallel_loop3A_232, %parallel_loop3A_841 : i32
        %parallel_loop3A_843 = arith.constant 12 : i32
        %parallel_loop3A_844 = arith.addi %parallel_loop3A_842, %parallel_loop3A_843 : i32
        %parallel_loop3A_845 = arith.constant 1 : i32
        %parallel_loop3A_846 = arith.index_cast %parallel_loop3A_845 : i32 to index
        %parallel_loop3A_847 = arith.index_cast %parallel_loop3A_844 : i32 to index
        %parallel_loop3A_848 = arith.constant 32 : index
        %parallel_loop3A_849 = tpu.vector_load %arg8[%parallel_loop3A_846, %parallel_loop3A_847, %parallel_loop3A_848] {strides = array<i32>} : memref<2x128x128xi32, #tpu.memory_space<vmem>>, vector<16xi32>,
        %parallel_loop3A_850 = vector.bitcast %parallel_loop3A_849 : vector<16xi32> to vector<32xbf16>
        %parallel_loop3A_851 = arith.mulf %parallel_loop3A_290, %parallel_loop3A_850 : vector<32xbf16>
        %parallel_loop3A_852 = arith.constant 16 : i32
        %parallel_loop3A_853 = arith.muli %parallel_loop3A_232, %parallel_loop3A_852 : i32
        %parallel_loop3A_854 = arith.constant 13 : i32
        %parallel_loop3A_855 = arith.addi %parallel_loop3A_853, %parallel_loop3A_854 : i32
        %parallel_loop3A_856 = arith.constant 1 : i32
        %parallel_loop3A_857 = arith.index_cast %parallel_loop3A_856 : i32 to index
        %parallel_loop3A_858 = arith.index_cast %parallel_loop3A_855 : i32 to index
        %parallel_loop3A_859 = arith.constant 32 : index
        %parallel_loop3A_860 = tpu.vector_load %arg8[%parallel_loop3A_857, %parallel_loop3A_858, %parallel_loop3A_859] {strides = array<i32>} : memref<2x128x128xi32, #tpu.memory_space<vmem>>, vector<16xi32>,
        %parallel_loop3A_861 = vector.bitcast %parallel_loop3A_860 : vector<16xi32> to vector<32xbf16>
        %parallel_loop3A_862 = arith.mulf %parallel_loop3A_294, %parallel_loop3A_861 : vector<32xbf16>
        %parallel_loop3A_863 = arith.constant 16 : i32
        %parallel_loop3A_864 = arith.muli %parallel_loop3A_232, %parallel_loop3A_863 : i32
        %parallel_loop3A_865 = arith.constant 14 : i32
        %parallel_loop3A_866 = arith.addi %parallel_loop3A_864, %parallel_loop3A_865 : i32
        %parallel_loop3A_867 = arith.constant 1 : i32
        %parallel_loop3A_868 = arith.index_cast %parallel_loop3A_867 : i32 to index
        %parallel_loop3A_869 = arith.index_cast %parallel_loop3A_866 : i32 to index
        %parallel_loop3A_870 = arith.constant 32 : index
        %parallel_loop3A_871 = tpu.vector_load %arg8[%parallel_loop3A_868, %parallel_loop3A_869, %parallel_loop3A_870] {strides = array<i32>} : memref<2x128x128xi32, #tpu.memory_space<vmem>>, vector<16xi32>,
        %parallel_loop3A_872 = vector.bitcast %parallel_loop3A_871 : vector<16xi32> to vector<32xbf16>
        %parallel_loop3A_873 = arith.mulf %parallel_loop3A_298, %parallel_loop3A_872 : vector<32xbf16>
        %parallel_loop3A_874 = arith.constant 16 : i32
        %parallel_loop3A_875 = arith.muli %parallel_loop3A_232, %parallel_loop3A_874 : i32
        %parallel_loop3A_876 = arith.constant 15 : i32
        %parallel_loop3A_877 = arith.addi %parallel_loop3A_875, %parallel_loop3A_876 : i32
        %parallel_loop3A_878 = arith.constant 1 : i32
        %parallel_loop3A_879 = arith.index_cast %parallel_loop3A_878 : i32 to index
        %parallel_loop3A_880 = arith.index_cast %parallel_loop3A_877 : i32 to index
        %parallel_loop3A_881 = arith.constant 32 : index
        %parallel_loop3A_882 = tpu.vector_load %arg8[%parallel_loop3A_879, %parallel_loop3A_880, %parallel_loop3A_881] {strides = array<i32>} : memref<2x128x128xi32, #tpu.memory_space<vmem>>, vector<16xi32>,
        %parallel_loop3A_883 = vector.bitcast %parallel_loop3A_882 : vector<16xi32> to vector<32xbf16>
        %parallel_loop3A_884 = arith.mulf %parallel_loop3A_302, %parallel_loop3A_883 : vector<32xbf16>
        %parallel_loop3A_885 = arith.addf %parallel_loop3A_719, %parallel_loop3A_730 : vector<32xbf16>
        %parallel_loop3A_886 = arith.addf %parallel_loop3A_741, %parallel_loop3A_752 : vector<32xbf16>
        %parallel_loop3A_887 = arith.addf %parallel_loop3A_763, %parallel_loop3A_774 : vector<32xbf16>
        %parallel_loop3A_888 = arith.addf %parallel_loop3A_785, %parallel_loop3A_796 : vector<32xbf16>
        %parallel_loop3A_889 = arith.addf %parallel_loop3A_807, %parallel_loop3A_818 : vector<32xbf16>
        %parallel_loop3A_890 = arith.addf %parallel_loop3A_829, %parallel_loop3A_840 : vector<32xbf16>
        %parallel_loop3A_891 = arith.addf %parallel_loop3A_851, %parallel_loop3A_862 : vector<32xbf16>
        %parallel_loop3A_892 = arith.addf %parallel_loop3A_873, %parallel_loop3A_884 : vector<32xbf16>
        %parallel_loop3A_893 = arith.addf %parallel_loop3A_885, %parallel_loop3A_886 : vector<32xbf16>
        %parallel_loop3A_894 = arith.addf %parallel_loop3A_887, %parallel_loop3A_888 : vector<32xbf16>
        %parallel_loop3A_895 = arith.addf %parallel_loop3A_889, %parallel_loop3A_890 : vector<32xbf16>
        %parallel_loop3A_896 = arith.addf %parallel_loop3A_891, %parallel_loop3A_892 : vector<32xbf16>
        %parallel_loop3A_897 = arith.addf %parallel_loop3A_893, %parallel_loop3A_894 : vector<32xbf16>
        %parallel_loop3A_898 = arith.addf %parallel_loop3A_895, %parallel_loop3A_896 : vector<32xbf16>
        %parallel_loop3A_899 = arith.addf %parallel_loop3A_897, %parallel_loop3A_898 : vector<32xbf16>
        %parallel_loop3A_900 = tpu.unpack_subelements %parallel_loop3A_899, 0 {pack_format = #tpu.pack_format<interleaved>} : vector<32xbf16> -> vector<16xf32>
        %parallel_loop3A_901 = tpu.unpack_subelements %parallel_loop3A_899, 1 {pack_format = #tpu.pack_format<interleaved>} : vector<32xbf16> -> vector<16xf32>
        %parallel_loop3A_902 = arith.constant 1 : i32
        %parallel_loop3A_903 = arith.index_cast %parallel_loop3A_902 : i32 to index
        %parallel_loop3A_904 = arith.index_cast %parallel_loop3A_232 : i32 to index
        %parallel_loop3A_905 = arith.constant 32 : index
        %parallel_loop3A_906 = tpu.vector_load %arg9[%parallel_loop3A_903, %parallel_loop3A_904, %parallel_loop3A_905] {strides = array<i32>} : memref<2x8x256xf32, #tpu.memory_space<vmem>>, vector<16xf32>,
        tpu.vector_store %arg9[%parallel_loop3A_903, %parallel_loop3A_904, %parallel_loop3A_905], %parallel_loop3A_900 {strides = array<i32>} : memref<2x8x256xf32, #tpu.memory_space<vmem>>, vector<16xf32>,
        %parallel_loop3A_907 = arith.constant 1 : i32
        %parallel_loop3A_908 = arith.index_cast %parallel_loop3A_907 : i32 to index
        %parallel_loop3A_909 = arith.index_cast %parallel_loop3A_232 : i32 to index
        %parallel_loop3A_910 = arith.constant 160 : index
        %parallel_loop3A_911 = tpu.vector_load %arg9[%parallel_loop3A_908, %parallel_loop3A_909, %parallel_loop3A_910] {strides = array<i32>} : memref<2x8x256xf32, #tpu.memory_space<vmem>>, vector<16xf32>,
        tpu.vector_store %arg9[%parallel_loop3A_908, %parallel_loop3A_909, %parallel_loop3A_910], %parallel_loop3A_901 {strides = array<i32>} : memref<2x8x256xf32, #tpu.memory_space<vmem>>, vector<16xf32>,
        %parallel_loop3A_912 = arith.constant 16 : i32
        %parallel_loop3A_913 = arith.muli %parallel_loop3A_232, %parallel_loop3A_912 : i32
        %parallel_loop3A_914 = arith.constant 0 : i32
        %parallel_loop3A_915 = arith.addi %parallel_loop3A_913, %parallel_loop3A_914 : i32
        %parallel_loop3A_916 = arith.constant 1 : i32
        %parallel_loop3A_917 = arith.index_cast %parallel_loop3A_916 : i32 to index
        %parallel_loop3A_918 = arith.index_cast %parallel_loop3A_915 : i32 to index
        %parallel_loop3A_919 = arith.constant 48 : index
        %parallel_loop3A_920 = tpu.vector_load %arg8[%parallel_loop3A_917, %parallel_loop3A_918, %parallel_loop3A_919] {strides = array<i32>} : memref<2x128x128xi32, #tpu.memory_space<vmem>>, vector<16xi32>,
        %parallel_loop3A_921 = vector.bitcast %parallel_loop3A_920 : vector<16xi32> to vector<32xbf16>
        %parallel_loop3A_922 = arith.mulf %parallel_loop3A_242, %parallel_loop3A_921 : vector<32xbf16>
        %parallel_loop3A_923 = arith.constant 16 : i32
        %parallel_loop3A_924 = arith.muli %parallel_loop3A_232, %parallel_loop3A_923 : i32
        %parallel_loop3A_925 = arith.constant 1 : i32
        %parallel_loop3A_926 = arith.addi %parallel_loop3A_924, %parallel_loop3A_925 : i32
        %parallel_loop3A_927 = arith.constant 1 : i32
        %parallel_loop3A_928 = arith.index_cast %parallel_loop3A_927 : i32 to index
        %parallel_loop3A_929 = arith.index_cast %parallel_loop3A_926 : i32 to index
        %parallel_loop3A_930 = arith.constant 48 : index
        %parallel_loop3A_931 = tpu.vector_load %arg8[%parallel_loop3A_928, %parallel_loop3A_929, %parallel_loop3A_930] {strides = array<i32>} : memref<2x128x128xi32, #tpu.memory_space<vmem>>, vector<16xi32>,
        %parallel_loop3A_932 = vector.bitcast %parallel_loop3A_931 : vector<16xi32> to vector<32xbf16>
        %parallel_loop3A_933 = arith.mulf %parallel_loop3A_246, %parallel_loop3A_932 : vector<32xbf16>
        %parallel_loop3A_934 = arith.constant 16 : i32
        %parallel_loop3A_935 = arith.muli %parallel_loop3A_232, %parallel_loop3A_934 : i32
        %parallel_loop3A_936 = arith.constant 2 : i32
        %parallel_loop3A_937 = arith.addi %parallel_loop3A_935, %parallel_loop3A_936 : i32
        %parallel_loop3A_938 = arith.constant 1 : i32
        %parallel_loop3A_939 = arith.index_cast %parallel_loop3A_938 : i32 to index
        %parallel_loop3A_940 = arith.index_cast %parallel_loop3A_937 : i32 to index
        %parallel_loop3A_941 = arith.constant 48 : index
        %parallel_loop3A_942 = tpu.vector_load %arg8[%parallel_loop3A_939, %parallel_loop3A_940, %parallel_loop3A_941] {strides = array<i32>} : memref<2x128x128xi32, #tpu.memory_space<vmem>>, vector<16xi32>,
        %parallel_loop3A_943 = vector.bitcast %parallel_loop3A_942 : vector<16xi32> to vector<32xbf16>
        %parallel_loop3A_944 = arith.mulf %parallel_loop3A_250, %parallel_loop3A_943 : vector<32xbf16>
        %parallel_loop3A_945 = arith.constant 16 : i32
        %parallel_loop3A_946 = arith.muli %parallel_loop3A_232, %parallel_loop3A_945 : i32
        %parallel_loop3A_947 = arith.constant 3 : i32
        %parallel_loop3A_948 = arith.addi %parallel_loop3A_946, %parallel_loop3A_947 : i32
        %parallel_loop3A_949 = arith.constant 1 : i32
        %parallel_loop3A_950 = arith.index_cast %parallel_loop3A_949 : i32 to index
        %parallel_loop3A_951 = arith.index_cast %parallel_loop3A_948 : i32 to index
        %parallel_loop3A_952 = arith.constant 48 : index
        %parallel_loop3A_953 = tpu.vector_load %arg8[%parallel_loop3A_950, %parallel_loop3A_951, %parallel_loop3A_952] {strides = array<i32>} : memref<2x128x128xi32, #tpu.memory_space<vmem>>, vector<16xi32>,
        %parallel_loop3A_954 = vector.bitcast %parallel_loop3A_953 : vector<16xi32> to vector<32xbf16>
        %parallel_loop3A_955 = arith.mulf %parallel_loop3A_254, %parallel_loop3A_954 : vector<32xbf16>
        %parallel_loop3A_956 = arith.constant 16 : i32
        %parallel_loop3A_957 = arith.muli %parallel_loop3A_232, %parallel_loop3A_956 : i32
        %parallel_loop3A_958 = arith.constant 4 : i32
        %parallel_loop3A_959 = arith.addi %parallel_loop3A_957, %parallel_loop3A_958 : i32
        %parallel_loop3A_960 = arith.constant 1 : i32
        %parallel_loop3A_961 = arith.index_cast %parallel_loop3A_960 : i32 to index
        %parallel_loop3A_962 = arith.index_cast %parallel_loop3A_959 : i32 to index
        %parallel_loop3A_963 = arith.constant 48 : index
        %parallel_loop3A_964 = tpu.vector_load %arg8[%parallel_loop3A_961, %parallel_loop3A_962, %parallel_loop3A_963] {strides = array<i32>} : memref<2x128x128xi32, #tpu.memory_space<vmem>>, vector<16xi32>,
        %parallel_loop3A_965 = vector.bitcast %parallel_loop3A_964 : vector<16xi32> to vector<32xbf16>
        %parallel_loop3A_966 = arith.mulf %parallel_loop3A_258, %parallel_loop3A_965 : vector<32xbf16>
        %parallel_loop3A_967 = arith.constant 16 : i32
        %parallel_loop3A_968 = arith.muli %parallel_loop3A_232, %parallel_loop3A_967 : i32
        %parallel_loop3A_969 = arith.constant 5 : i32
        %parallel_loop3A_970 = arith.addi %parallel_loop3A_968, %parallel_loop3A_969 : i32
        %parallel_loop3A_971 = arith.constant 1 : i32
        %parallel_loop3A_972 = arith.index_cast %parallel_loop3A_971 : i32 to index
        %parallel_loop3A_973 = arith.index_cast %parallel_loop3A_970 : i32 to index
        %parallel_loop3A_974 = arith.constant 48 : index
        %parallel_loop3A_975 = tpu.vector_load %arg8[%parallel_loop3A_972, %parallel_loop3A_973, %parallel_loop3A_974] {strides = array<i32>} : memref<2x128x128xi32, #tpu.memory_space<vmem>>, vector<16xi32>,
        %parallel_loop3A_976 = vector.bitcast %parallel_loop3A_975 : vector<16xi32> to vector<32xbf16>
        %parallel_loop3A_977 = arith.mulf %parallel_loop3A_262, %parallel_loop3A_976 : vector<32xbf16>
        %parallel_loop3A_978 = arith.constant 16 : i32
        %parallel_loop3A_979 = arith.muli %parallel_loop3A_232, %parallel_loop3A_978 : i32
        %parallel_loop3A_980 = arith.constant 6 : i32
        %parallel_loop3A_981 = arith.addi %parallel_loop3A_979, %parallel_loop3A_980 : i32
        %parallel_loop3A_982 = arith.constant 1 : i32
        %parallel_loop3A_983 = arith.index_cast %parallel_loop3A_982 : i32 to index
        %parallel_loop3A_984 = arith.index_cast %parallel_loop3A_981 : i32 to index
        %parallel_loop3A_985 = arith.constant 48 : index
        %parallel_loop3A_986 = tpu.vector_load %arg8[%parallel_loop3A_983, %parallel_loop3A_984, %parallel_loop3A_985] {strides = array<i32>} : memref<2x128x128xi32, #tpu.memory_space<vmem>>, vector<16xi32>,
        %parallel_loop3A_987 = vector.bitcast %parallel_loop3A_986 : vector<16xi32> to vector<32xbf16>
        %parallel_loop3A_988 = arith.mulf %parallel_loop3A_266, %parallel_loop3A_987 : vector<32xbf16>
        %parallel_loop3A_989 = arith.constant 16 : i32
        %parallel_loop3A_990 = arith.muli %parallel_loop3A_232, %parallel_loop3A_989 : i32
        %parallel_loop3A_991 = arith.constant 7 : i32
        %parallel_loop3A_992 = arith.addi %parallel_loop3A_990, %parallel_loop3A_991 : i32
        %parallel_loop3A_993 = arith.constant 1 : i32
        %parallel_loop3A_994 = arith.index_cast %parallel_loop3A_993 : i32 to index
        %parallel_loop3A_995 = arith.index_cast %parallel_loop3A_992 : i32 to index
        %parallel_loop3A_996 = arith.constant 48 : index
        %parallel_loop3A_997 = tpu.vector_load %arg8[%parallel_loop3A_994, %parallel_loop3A_995, %parallel_loop3A_996] {strides = array<i32>} : memref<2x128x128xi32, #tpu.memory_space<vmem>>, vector<16xi32>,
        %parallel_loop3A_998 = vector.bitcast %parallel_loop3A_997 : vector<16xi32> to vector<32xbf16>
        %parallel_loop3A_999 = arith.mulf %parallel_loop3A_270, %parallel_loop3A_998 : vector<32xbf16>
        %parallel_loop3A_1000 = arith.constant 16 : i32
        %parallel_loop3A_1001 = arith.muli %parallel_loop3A_232, %parallel_loop3A_1000 : i32
        %parallel_loop3A_1002 = arith.constant 8 : i32
        %parallel_loop3A_1003 = arith.addi %parallel_loop3A_1001, %parallel_loop3A_1002 : i32
        %parallel_loop3A_1004 = arith.constant 1 : i32
        %parallel_loop3A_1005 = arith.index_cast %parallel_loop3A_1004 : i32 to index
        %parallel_loop3A_1006 = arith.index_cast %parallel_loop3A_1003 : i32 to index
        %parallel_loop3A_1007 = arith.constant 48 : index
        %parallel_loop3A_1008 = tpu.vector_load %arg8[%parallel_loop3A_1005, %parallel_loop3A_1006, %parallel_loop3A_1007] {strides = array<i32>} : memref<2x128x128xi32, #tpu.memory_space<vmem>>, vector<16xi32>,
        %parallel_loop3A_1009 = vector.bitcast %parallel_loop3A_1008 : vector<16xi32> to vector<32xbf16>
        %parallel_loop3A_1010 = arith.mulf %parallel_loop3A_274, %parallel_loop3A_1009 : vector<32xbf16>
        %parallel_loop3A_1011 = arith.constant 16 : i32
        %parallel_loop3A_1012 = arith.muli %parallel_loop3A_232, %parallel_loop3A_1011 : i32
        %parallel_loop3A_1013 = arith.constant 9 : i32
        %parallel_loop3A_1014 = arith.addi %parallel_loop3A_1012, %parallel_loop3A_1013 : i32
        %parallel_loop3A_1015 = arith.constant 1 : i32
        %parallel_loop3A_1016 = arith.index_cast %parallel_loop3A_1015 : i32 to index
        %parallel_loop3A_1017 = arith.index_cast %parallel_loop3A_1014 : i32 to index
        %parallel_loop3A_1018 = arith.constant 48 : index
        %parallel_loop3A_1019 = tpu.vector_load %arg8[%parallel_loop3A_1016, %parallel_loop3A_1017, %parallel_loop3A_1018] {strides = array<i32>} : memref<2x128x128xi32, #tpu.memory_space<vmem>>, vector<16xi32>,
        %parallel_loop3A_1020 = vector.bitcast %parallel_loop3A_1019 : vector<16xi32> to vector<32xbf16>
        %parallel_loop3A_1021 = arith.mulf %parallel_loop3A_278, %parallel_loop3A_1020 : vector<32xbf16>
        %parallel_loop3A_1022 = arith.constant 16 : i32
        %parallel_loop3A_1023 = arith.muli %parallel_loop3A_232, %parallel_loop3A_1022 : i32
        %parallel_loop3A_1024 = arith.constant 10 : i32
        %parallel_loop3A_1025 = arith.addi %parallel_loop3A_1023, %parallel_loop3A_1024 : i32
        %parallel_loop3A_1026 = arith.constant 1 : i32
        %parallel_loop3A_1027 = arith.index_cast %parallel_loop3A_1026 : i32 to index
        %parallel_loop3A_1028 = arith.index_cast %parallel_loop3A_1025 : i32 to index
        %parallel_loop3A_1029 = arith.constant 48 : index
        %parallel_loop3A_1030 = tpu.vector_load %arg8[%parallel_loop3A_1027, %parallel_loop3A_1028, %parallel_loop3A_1029] {strides = array<i32>} : memref<2x128x128xi32, #tpu.memory_space<vmem>>, vector<16xi32>,
        %parallel_loop3A_1031 = vector.bitcast %parallel_loop3A_1030 : vector<16xi32> to vector<32xbf16>
        %parallel_loop3A_1032 = arith.mulf %parallel_loop3A_282, %parallel_loop3A_1031 : vector<32xbf16>
        %parallel_loop3A_1033 = arith.constant 16 : i32
        %parallel_loop3A_1034 = arith.muli %parallel_loop3A_232, %parallel_loop3A_1033 : i32
        %parallel_loop3A_1035 = arith.constant 11 : i32
        %parallel_loop3A_1036 = arith.addi %parallel_loop3A_1034, %parallel_loop3A_1035 : i32
        %parallel_loop3A_1037 = arith.constant 1 : i32
        %parallel_loop3A_1038 = arith.index_cast %parallel_loop3A_1037 : i32 to index
        %parallel_loop3A_1039 = arith.index_cast %parallel_loop3A_1036 : i32 to index
        %parallel_loop3A_1040 = arith.constant 48 : index
        %parallel_loop3A_1041 = tpu.vector_load %arg8[%parallel_loop3A_1038, %parallel_loop3A_1039, %parallel_loop3A_1040] {strides = array<i32>} : memref<2x128x128xi32, #tpu.memory_space<vmem>>, vector<16xi32>,
        %parallel_loop3A_1042 = vector.bitcast %parallel_loop3A_1041 : vector<16xi32> to vector<32xbf16>
        %parallel_loop3A_1043 = arith.mulf %parallel_loop3A_286, %parallel_loop3A_1042 : vector<32xbf16>
        %parallel_loop3A_1044 = arith.constant 16 : i32
        %parallel_loop3A_1045 = arith.muli %parallel_loop3A_232, %parallel_loop3A_1044 : i32
        %parallel_loop3A_1046 = arith.constant 12 : i32
        %parallel_loop3A_1047 = arith.addi %parallel_loop3A_1045, %parallel_loop3A_1046 : i32
        %parallel_loop3A_1048 = arith.constant 1 : i32
        %parallel_loop3A_1049 = arith.index_cast %parallel_loop3A_1048 : i32 to index
        %parallel_loop3A_1050 = arith.index_cast %parallel_loop3A_1047 : i32 to index
        %parallel_loop3A_1051 = arith.constant 48 : index
        %parallel_loop3A_1052 = tpu.vector_load %arg8[%parallel_loop3A_1049, %parallel_loop3A_1050, %parallel_loop3A_1051] {strides = array<i32>} : memref<2x128x128xi32, #tpu.memory_space<vmem>>, vector<16xi32>,
        %parallel_loop3A_1053 = vector.bitcast %parallel_loop3A_1052 : vector<16xi32> to vector<32xbf16>
        %parallel_loop3A_1054 = arith.mulf %parallel_loop3A_290, %parallel_loop3A_1053 : vector<32xbf16>
        %parallel_loop3A_1055 = arith.constant 16 : i32
        %parallel_loop3A_1056 = arith.muli %parallel_loop3A_232, %parallel_loop3A_1055 : i32
        %parallel_loop3A_1057 = arith.constant 13 : i32
        %parallel_loop3A_1058 = arith.addi %parallel_loop3A_1056, %parallel_loop3A_1057 : i32
        %parallel_loop3A_1059 = arith.constant 1 : i32
        %parallel_loop3A_1060 = arith.index_cast %parallel_loop3A_1059 : i32 to index
        %parallel_loop3A_1061 = arith.index_cast %parallel_loop3A_1058 : i32 to index
        %parallel_loop3A_1062 = arith.constant 48 : index
        %parallel_loop3A_1063 = tpu.vector_load %arg8[%parallel_loop3A_1060, %parallel_loop3A_1061, %parallel_loop3A_1062] {strides = array<i32>} : memref<2x128x128xi32, #tpu.memory_space<vmem>>, vector<16xi32>,
        %parallel_loop3A_1064 = vector.bitcast %parallel_loop3A_1063 : vector<16xi32> to vector<32xbf16>
        %parallel_loop3A_1065 = arith.mulf %parallel_loop3A_294, %parallel_loop3A_1064 : vector<32xbf16>
        %parallel_loop3A_1066 = arith.constant 16 : i32
        %parallel_loop3A_1067 = arith.muli %parallel_loop3A_232, %parallel_loop3A_1066 : i32
        %parallel_loop3A_1068 = arith.constant 14 : i32
        %parallel_loop3A_1069 = arith.addi %parallel_loop3A_1067, %parallel_loop3A_1068 : i32
        %parallel_loop3A_1070 = arith.constant 1 : i32
        %parallel_loop3A_1071 = arith.index_cast %parallel_loop3A_1070 : i32 to index
        %parallel_loop3A_1072 = arith.index_cast %parallel_loop3A_1069 : i32 to index
        %parallel_loop3A_1073 = arith.constant 48 : index
        %parallel_loop3A_1074 = tpu.vector_load %arg8[%parallel_loop3A_1071, %parallel_loop3A_1072, %parallel_loop3A_1073] {strides = array<i32>} : memref<2x128x128xi32, #tpu.memory_space<vmem>>, vector<16xi32>,
        %parallel_loop3A_1075 = vector.bitcast %parallel_loop3A_1074 : vector<16xi32> to vector<32xbf16>
        %parallel_loop3A_1076 = arith.mulf %parallel_loop3A_298, %parallel_loop3A_1075 : vector<32xbf16>
        %parallel_loop3A_1077 = arith.constant 16 : i32
        %parallel_loop3A_1078 = arith.muli %parallel_loop3A_232, %parallel_loop3A_1077 : i32
        %parallel_loop3A_1079 = arith.constant 15 : i32
        %parallel_loop3A_1080 = arith.addi %parallel_loop3A_1078, %parallel_loop3A_1079 : i32
        %parallel_loop3A_1081 = arith.constant 1 : i32
        %parallel_loop3A_1082 = arith.index_cast %parallel_loop3A_1081 : i32 to index
        %parallel_loop3A_1083 = arith.index_cast %parallel_loop3A_1080 : i32 to index
        %parallel_loop3A_1084 = arith.constant 48 : index
        %parallel_loop3A_1085 = tpu.vector_load %arg8[%parallel_loop3A_1082, %parallel_loop3A_1083, %parallel_loop3A_1084] {strides = array<i32>} : memref<2x128x128xi32, #tpu.memory_space<vmem>>, vector<16xi32>,
        %parallel_loop3A_1086 = vector.bitcast %parallel_loop3A_1085 : vector<16xi32> to vector<32xbf16>
        %parallel_loop3A_1087 = arith.mulf %parallel_loop3A_302, %parallel_loop3A_1086 : vector<32xbf16>
        %parallel_loop3A_1088 = arith.addf %parallel_loop3A_922, %parallel_loop3A_933 : vector<32xbf16>
        %parallel_loop3A_1089 = arith.addf %parallel_loop3A_944, %parallel_loop3A_955 : vector<32xbf16>
        %parallel_loop3A_1090 = arith.addf %parallel_loop3A_966, %parallel_loop3A_977 : vector<32xbf16>
        %parallel_loop3A_1091 = arith.addf %parallel_loop3A_988, %parallel_loop3A_999 : vector<32xbf16>
        %parallel_loop3A_1092 = arith.addf %parallel_loop3A_1010, %parallel_loop3A_1021 : vector<32xbf16>
        %parallel_loop3A_1093 = arith.addf %parallel_loop3A_1032, %parallel_loop3A_1043 : vector<32xbf16>
        %parallel_loop3A_1094 = arith.addf %parallel_loop3A_1054, %parallel_loop3A_1065 : vector<32xbf16>
        %parallel_loop3A_1095 = arith.addf %parallel_loop3A_1076, %parallel_loop3A_1087 : vector<32xbf16>
        %parallel_loop3A_1096 = arith.addf %parallel_loop3A_1088, %parallel_loop3A_1089 : vector<32xbf16>
        %parallel_loop3A_1097 = arith.addf %parallel_loop3A_1090, %parallel_loop3A_1091 : vector<32xbf16>
        %parallel_loop3A_1098 = arith.addf %parallel_loop3A_1092, %parallel_loop3A_1093 : vector<32xbf16>
        %parallel_loop3A_1099 = arith.addf %parallel_loop3A_1094, %parallel_loop3A_1095 : vector<32xbf16>
        %parallel_loop3A_1100 = arith.addf %parallel_loop3A_1096, %parallel_loop3A_1097 : vector<32xbf16>
        %parallel_loop3A_1101 = arith.addf %parallel_loop3A_1098, %parallel_loop3A_1099 : vector<32xbf16>
        %parallel_loop3A_1102 = arith.addf %parallel_loop3A_1100, %parallel_loop3A_1101 : vector<32xbf16>
        %parallel_loop3A_1103 = tpu.unpack_subelements %parallel_loop3A_1102, 0 {pack_format = #tpu.pack_format<interleaved>} : vector<32xbf16> -> vector<16xf32>
        %parallel_loop3A_1104 = tpu.unpack_subelements %parallel_loop3A_1102, 1 {pack_format = #tpu.pack_format<interleaved>} : vector<32xbf16> -> vector<16xf32>
        %parallel_loop3A_1105 = arith.constant 1 : i32
        %parallel_loop3A_1106 = arith.index_cast %parallel_loop3A_1105 : i32 to index
        %parallel_loop3A_1107 = arith.index_cast %parallel_loop3A_232 : i32 to index
        %parallel_loop3A_1108 = arith.constant 48 : index
        %parallel_loop3A_1109 = tpu.vector_load %arg9[%parallel_loop3A_1106, %parallel_loop3A_1107, %parallel_loop3A_1108] {strides = array<i32>} : memref<2x8x256xf32, #tpu.memory_space<vmem>>, vector<16xf32>,
        tpu.vector_store %arg9[%parallel_loop3A_1106, %parallel_loop3A_1107, %parallel_loop3A_1108], %parallel_loop3A_1103 {strides = array<i32>} : memref<2x8x256xf32, #tpu.memory_space<vmem>>, vector<16xf32>,
        %parallel_loop3A_1110 = arith.constant 1 : i32
        %parallel_loop3A_1111 = arith.index_cast %parallel_loop3A_1110 : i32 to index
        %parallel_loop3A_1112 = arith.index_cast %parallel_loop3A_232 : i32 to index
        %parallel_loop3A_1113 = arith.constant 176 : index
        %parallel_loop3A_1114 = tpu.vector_load %arg9[%parallel_loop3A_1111, %parallel_loop3A_1112, %parallel_loop3A_1113] {strides = array<i32>} : memref<2x8x256xf32, #tpu.memory_space<vmem>>, vector<16xf32>,
        tpu.vector_store %arg9[%parallel_loop3A_1111, %parallel_loop3A_1112, %parallel_loop3A_1113], %parallel_loop3A_1104 {strides = array<i32>} : memref<2x8x256xf32, #tpu.memory_space<vmem>>, vector<16xf32>,
        %parallel_loop3A_1115 = arith.constant 16 : i32
        %parallel_loop3A_1116 = arith.muli %parallel_loop3A_232, %parallel_loop3A_1115 : i32
        %parallel_loop3A_1117 = arith.constant 0 : i32
        %parallel_loop3A_1118 = arith.addi %parallel_loop3A_1116, %parallel_loop3A_1117 : i32
        %parallel_loop3A_1119 = arith.constant 1 : i32
        %parallel_loop3A_1120 = arith.index_cast %parallel_loop3A_1119 : i32 to index
        %parallel_loop3A_1121 = arith.index_cast %parallel_loop3A_1118 : i32 to index
        %parallel_loop3A_1122 = arith.constant 64 : index
        %parallel_loop3A_1123 = tpu.vector_load %arg8[%parallel_loop3A_1120, %parallel_loop3A_1121, %parallel_loop3A_1122] {strides = array<i32>} : memref<2x128x128xi32, #tpu.memory_space<vmem>>, vector<16xi32>,
        %parallel_loop3A_1124 = vector.bitcast %parallel_loop3A_1123 : vector<16xi32> to vector<32xbf16>
        %parallel_loop3A_1125 = arith.mulf %parallel_loop3A_242, %parallel_loop3A_1124 : vector<32xbf16>
        %parallel_loop3A_1126 = arith.constant 16 : i32
        %parallel_loop3A_1127 = arith.muli %parallel_loop3A_232, %parallel_loop3A_1126 : i32
        %parallel_loop3A_1128 = arith.constant 1 : i32
        %parallel_loop3A_1129 = arith.addi %parallel_loop3A_1127, %parallel_loop3A_1128 : i32
        %parallel_loop3A_1130 = arith.constant 1 : i32
        %parallel_loop3A_1131 = arith.index_cast %parallel_loop3A_1130 : i32 to index
        %parallel_loop3A_1132 = arith.index_cast %parallel_loop3A_1129 : i32 to index
        %parallel_loop3A_1133 = arith.constant 64 : index
        %parallel_loop3A_1134 = tpu.vector_load %arg8[%parallel_loop3A_1131, %parallel_loop3A_1132, %parallel_loop3A_1133] {strides = array<i32>} : memref<2x128x128xi32, #tpu.memory_space<vmem>>, vector<16xi32>,
        %parallel_loop3A_1135 = vector.bitcast %parallel_loop3A_1134 : vector<16xi32> to vector<32xbf16>
        %parallel_loop3A_1136 = arith.mulf %parallel_loop3A_246, %parallel_loop3A_1135 : vector<32xbf16>
        %parallel_loop3A_1137 = arith.constant 16 : i32
        %parallel_loop3A_1138 = arith.muli %parallel_loop3A_232, %parallel_loop3A_1137 : i32
        %parallel_loop3A_1139 = arith.constant 2 : i32
        %parallel_loop3A_1140 = arith.addi %parallel_loop3A_1138, %parallel_loop3A_1139 : i32
        %parallel_loop3A_1141 = arith.constant 1 : i32
        %parallel_loop3A_1142 = arith.index_cast %parallel_loop3A_1141 : i32 to index
        %parallel_loop3A_1143 = arith.index_cast %parallel_loop3A_1140 : i32 to index
        %parallel_loop3A_1144 = arith.constant 64 : index
        %parallel_loop3A_1145 = tpu.vector_load %arg8[%parallel_loop3A_1142, %parallel_loop3A_1143, %parallel_loop3A_1144] {strides = array<i32>} : memref<2x128x128xi32, #tpu.memory_space<vmem>>, vector<16xi32>,
        %parallel_loop3A_1146 = vector.bitcast %parallel_loop3A_1145 : vector<16xi32> to vector<32xbf16>
        %parallel_loop3A_1147 = arith.mulf %parallel_loop3A_250, %parallel_loop3A_1146 : vector<32xbf16>
        %parallel_loop3A_1148 = arith.constant 16 : i32
        %parallel_loop3A_1149 = arith.muli %parallel_loop3A_232, %parallel_loop3A_1148 : i32
        %parallel_loop3A_1150 = arith.constant 3 : i32
        %parallel_loop3A_1151 = arith.addi %parallel_loop3A_1149, %parallel_loop3A_1150 : i32
        %parallel_loop3A_1152 = arith.constant 1 : i32
        %parallel_loop3A_1153 = arith.index_cast %parallel_loop3A_1152 : i32 to index
        %parallel_loop3A_1154 = arith.index_cast %parallel_loop3A_1151 : i32 to index
        %parallel_loop3A_1155 = arith.constant 64 : index
        %parallel_loop3A_1156 = tpu.vector_load %arg8[%parallel_loop3A_1153, %parallel_loop3A_1154, %parallel_loop3A_1155] {strides = array<i32>} : memref<2x128x128xi32, #tpu.memory_space<vmem>>, vector<16xi32>,
        %parallel_loop3A_1157 = vector.bitcast %parallel_loop3A_1156 : vector<16xi32> to vector<32xbf16>
        %parallel_loop3A_1158 = arith.mulf %parallel_loop3A_254, %parallel_loop3A_1157 : vector<32xbf16>
        %parallel_loop3A_1159 = arith.constant 16 : i32
        %parallel_loop3A_1160 = arith.muli %parallel_loop3A_232, %parallel_loop3A_1159 : i32
        %parallel_loop3A_1161 = arith.constant 4 : i32
        %parallel_loop3A_1162 = arith.addi %parallel_loop3A_1160, %parallel_loop3A_1161 : i32
        %parallel_loop3A_1163 = arith.constant 1 : i32
        %parallel_loop3A_1164 = arith.index_cast %parallel_loop3A_1163 : i32 to index
        %parallel_loop3A_1165 = arith.index_cast %parallel_loop3A_1162 : i32 to index
        %parallel_loop3A_1166 = arith.constant 64 : index
        %parallel_loop3A_1167 = tpu.vector_load %arg8[%parallel_loop3A_1164, %parallel_loop3A_1165, %parallel_loop3A_1166] {strides = array<i32>} : memref<2x128x128xi32, #tpu.memory_space<vmem>>, vector<16xi32>,
        %parallel_loop3A_1168 = vector.bitcast %parallel_loop3A_1167 : vector<16xi32> to vector<32xbf16>
        %parallel_loop3A_1169 = arith.mulf %parallel_loop3A_258, %parallel_loop3A_1168 : vector<32xbf16>
        %parallel_loop3A_1170 = arith.constant 16 : i32
        %parallel_loop3A_1171 = arith.muli %parallel_loop3A_232, %parallel_loop3A_1170 : i32
        %parallel_loop3A_1172 = arith.constant 5 : i32
        %parallel_loop3A_1173 = arith.addi %parallel_loop3A_1171, %parallel_loop3A_1172 : i32
        %parallel_loop3A_1174 = arith.constant 1 : i32
        %parallel_loop3A_1175 = arith.index_cast %parallel_loop3A_1174 : i32 to index
        %parallel_loop3A_1176 = arith.index_cast %parallel_loop3A_1173 : i32 to index
        %parallel_loop3A_1177 = arith.constant 64 : index
        %parallel_loop3A_1178 = tpu.vector_load %arg8[%parallel_loop3A_1175, %parallel_loop3A_1176, %parallel_loop3A_1177] {strides = array<i32>} : memref<2x128x128xi32, #tpu.memory_space<vmem>>, vector<16xi32>,
        %parallel_loop3A_1179 = vector.bitcast %parallel_loop3A_1178 : vector<16xi32> to vector<32xbf16>
        %parallel_loop3A_1180 = arith.mulf %parallel_loop3A_262, %parallel_loop3A_1179 : vector<32xbf16>
        %parallel_loop3A_1181 = arith.constant 16 : i32
        %parallel_loop3A_1182 = arith.muli %parallel_loop3A_232, %parallel_loop3A_1181 : i32
        %parallel_loop3A_1183 = arith.constant 6 : i32
        %parallel_loop3A_1184 = arith.addi %parallel_loop3A_1182, %parallel_loop3A_1183 : i32
        %parallel_loop3A_1185 = arith.constant 1 : i32
        %parallel_loop3A_1186 = arith.index_cast %parallel_loop3A_1185 : i32 to index
        %parallel_loop3A_1187 = arith.index_cast %parallel_loop3A_1184 : i32 to index
        %parallel_loop3A_1188 = arith.constant 64 : index
        %parallel_loop3A_1189 = tpu.vector_load %arg8[%parallel_loop3A_1186, %parallel_loop3A_1187, %parallel_loop3A_1188] {strides = array<i32>} : memref<2x128x128xi32, #tpu.memory_space<vmem>>, vector<16xi32>,
        %parallel_loop3A_1190 = vector.bitcast %parallel_loop3A_1189 : vector<16xi32> to vector<32xbf16>
        %parallel_loop3A_1191 = arith.mulf %parallel_loop3A_266, %parallel_loop3A_1190 : vector<32xbf16>
        %parallel_loop3A_1192 = arith.constant 16 : i32
        %parallel_loop3A_1193 = arith.muli %parallel_loop3A_232, %parallel_loop3A_1192 : i32
        %parallel_loop3A_1194 = arith.constant 7 : i32
        %parallel_loop3A_1195 = arith.addi %parallel_loop3A_1193, %parallel_loop3A_1194 : i32
        %parallel_loop3A_1196 = arith.constant 1 : i32
        %parallel_loop3A_1197 = arith.index_cast %parallel_loop3A_1196 : i32 to index
        %parallel_loop3A_1198 = arith.index_cast %parallel_loop3A_1195 : i32 to index
        %parallel_loop3A_1199 = arith.constant 64 : index
        %parallel_loop3A_1200 = tpu.vector_load %arg8[%parallel_loop3A_1197, %parallel_loop3A_1198, %parallel_loop3A_1199] {strides = array<i32>} : memref<2x128x128xi32, #tpu.memory_space<vmem>>, vector<16xi32>,
        %parallel_loop3A_1201 = vector.bitcast %parallel_loop3A_1200 : vector<16xi32> to vector<32xbf16>
        %parallel_loop3A_1202 = arith.mulf %parallel_loop3A_270, %parallel_loop3A_1201 : vector<32xbf16>
        %parallel_loop3A_1203 = arith.constant 16 : i32
        %parallel_loop3A_1204 = arith.muli %parallel_loop3A_232, %parallel_loop3A_1203 : i32
        %parallel_loop3A_1205 = arith.constant 8 : i32
        %parallel_loop3A_1206 = arith.addi %parallel_loop3A_1204, %parallel_loop3A_1205 : i32
        %parallel_loop3A_1207 = arith.constant 1 : i32
        %parallel_loop3A_1208 = arith.index_cast %parallel_loop3A_1207 : i32 to index
        %parallel_loop3A_1209 = arith.index_cast %parallel_loop3A_1206 : i32 to index
        %parallel_loop3A_1210 = arith.constant 64 : index
        %parallel_loop3A_1211 = tpu.vector_load %arg8[%parallel_loop3A_1208, %parallel_loop3A_1209, %parallel_loop3A_1210] {strides = array<i32>} : memref<2x128x128xi32, #tpu.memory_space<vmem>>, vector<16xi32>,
        %parallel_loop3A_1212 = vector.bitcast %parallel_loop3A_1211 : vector<16xi32> to vector<32xbf16>
        %parallel_loop3A_1213 = arith.mulf %parallel_loop3A_274, %parallel_loop3A_1212 : vector<32xbf16>
        %parallel_loop3A_1214 = arith.constant 16 : i32
        %parallel_loop3A_1215 = arith.muli %parallel_loop3A_232, %parallel_loop3A_1214 : i32
        %parallel_loop3A_1216 = arith.constant 9 : i32
        %parallel_loop3A_1217 = arith.addi %parallel_loop3A_1215, %parallel_loop3A_1216 : i32
        %parallel_loop3A_1218 = arith.constant 1 : i32
        %parallel_loop3A_1219 = arith.index_cast %parallel_loop3A_1218 : i32 to index
        %parallel_loop3A_1220 = arith.index_cast %parallel_loop3A_1217 : i32 to index
        %parallel_loop3A_1221 = arith.constant 64 : index
        %parallel_loop3A_1222 = tpu.vector_load %arg8[%parallel_loop3A_1219, %parallel_loop3A_1220, %parallel_loop3A_1221] {strides = array<i32>} : memref<2x128x128xi32, #tpu.memory_space<vmem>>, vector<16xi32>,
        %parallel_loop3A_1223 = vector.bitcast %parallel_loop3A_1222 : vector<16xi32> to vector<32xbf16>
        %parallel_loop3A_1224 = arith.mulf %parallel_loop3A_278, %parallel_loop3A_1223 : vector<32xbf16>
        %parallel_loop3A_1225 = arith.constant 16 : i32
        %parallel_loop3A_1226 = arith.muli %parallel_loop3A_232, %parallel_loop3A_1225 : i32
        %parallel_loop3A_1227 = arith.constant 10 : i32
        %parallel_loop3A_1228 = arith.addi %parallel_loop3A_1226, %parallel_loop3A_1227 : i32
        %parallel_loop3A_1229 = arith.constant 1 : i32
        %parallel_loop3A_1230 = arith.index_cast %parallel_loop3A_1229 : i32 to index
        %parallel_loop3A_1231 = arith.index_cast %parallel_loop3A_1228 : i32 to index
        %parallel_loop3A_1232 = arith.constant 64 : index
        %parallel_loop3A_1233 = tpu.vector_load %arg8[%parallel_loop3A_1230, %parallel_loop3A_1231, %parallel_loop3A_1232] {strides = array<i32>} : memref<2x128x128xi32, #tpu.memory_space<vmem>>, vector<16xi32>,
        %parallel_loop3A_1234 = vector.bitcast %parallel_loop3A_1233 : vector<16xi32> to vector<32xbf16>
        %parallel_loop3A_1235 = arith.mulf %parallel_loop3A_282, %parallel_loop3A_1234 : vector<32xbf16>
        %parallel_loop3A_1236 = arith.constant 16 : i32
        %parallel_loop3A_1237 = arith.muli %parallel_loop3A_232, %parallel_loop3A_1236 : i32
        %parallel_loop3A_1238 = arith.constant 11 : i32
        %parallel_loop3A_1239 = arith.addi %parallel_loop3A_1237, %parallel_loop3A_1238 : i32
        %parallel_loop3A_1240 = arith.constant 1 : i32
        %parallel_loop3A_1241 = arith.index_cast %parallel_loop3A_1240 : i32 to index
        %parallel_loop3A_1242 = arith.index_cast %parallel_loop3A_1239 : i32 to index
        %parallel_loop3A_1243 = arith.constant 64 : index
        %parallel_loop3A_1244 = tpu.vector_load %arg8[%parallel_loop3A_1241, %parallel_loop3A_1242, %parallel_loop3A_1243] {strides = array<i32>} : memref<2x128x128xi32, #tpu.memory_space<vmem>>, vector<16xi32>,
        %parallel_loop3A_1245 = vector.bitcast %parallel_loop3A_1244 : vector<16xi32> to vector<32xbf16>
        %parallel_loop3A_1246 = arith.mulf %parallel_loop3A_286, %parallel_loop3A_1245 : vector<32xbf16>
        %parallel_loop3A_1247 = arith.constant 16 : i32
        %parallel_loop3A_1248 = arith.muli %parallel_loop3A_232, %parallel_loop3A_1247 : i32
        %parallel_loop3A_1249 = arith.constant 12 : i32
        %parallel_loop3A_1250 = arith.addi %parallel_loop3A_1248, %parallel_loop3A_1249 : i32
        %parallel_loop3A_1251 = arith.constant 1 : i32
        %parallel_loop3A_1252 = arith.index_cast %parallel_loop3A_1251 : i32 to index
        %parallel_loop3A_1253 = arith.index_cast %parallel_loop3A_1250 : i32 to index
        %parallel_loop3A_1254 = arith.constant 64 : index
        %parallel_loop3A_1255 = tpu.vector_load %arg8[%parallel_loop3A_1252, %parallel_loop3A_1253, %parallel_loop3A_1254] {strides = array<i32>} : memref<2x128x128xi32, #tpu.memory_space<vmem>>, vector<16xi32>,
        %parallel_loop3A_1256 = vector.bitcast %parallel_loop3A_1255 : vector<16xi32> to vector<32xbf16>
        %parallel_loop3A_1257 = arith.mulf %parallel_loop3A_290, %parallel_loop3A_1256 : vector<32xbf16>
        %parallel_loop3A_1258 = arith.constant 16 : i32
        %parallel_loop3A_1259 = arith.muli %parallel_loop3A_232, %parallel_loop3A_1258 : i32
        %parallel_loop3A_1260 = arith.constant 13 : i32
        %parallel_loop3A_1261 = arith.addi %parallel_loop3A_1259, %parallel_loop3A_1260 : i32
        %parallel_loop3A_1262 = arith.constant 1 : i32
        %parallel_loop3A_1263 = arith.index_cast %parallel_loop3A_1262 : i32 to index
        %parallel_loop3A_1264 = arith.index_cast %parallel_loop3A_1261 : i32 to index
        %parallel_loop3A_1265 = arith.constant 64 : index
        %parallel_loop3A_1266 = tpu.vector_load %arg8[%parallel_loop3A_1263, %parallel_loop3A_1264, %parallel_loop3A_1265] {strides = array<i32>} : memref<2x128x128xi32, #tpu.memory_space<vmem>>, vector<16xi32>,
        %parallel_loop3A_1267 = vector.bitcast %parallel_loop3A_1266 : vector<16xi32> to vector<32xbf16>
        %parallel_loop3A_1268 = arith.mulf %parallel_loop3A_294, %parallel_loop3A_1267 : vector<32xbf16>
        %parallel_loop3A_1269 = arith.constant 16 : i32
        %parallel_loop3A_1270 = arith.muli %parallel_loop3A_232, %parallel_loop3A_1269 : i32
        %parallel_loop3A_1271 = arith.constant 14 : i32
        %parallel_loop3A_1272 = arith.addi %parallel_loop3A_1270, %parallel_loop3A_1271 : i32
        %parallel_loop3A_1273 = arith.constant 1 : i32
        %parallel_loop3A_1274 = arith.index_cast %parallel_loop3A_1273 : i32 to index
        %parallel_loop3A_1275 = arith.index_cast %parallel_loop3A_1272 : i32 to index
        %parallel_loop3A_1276 = arith.constant 64 : index
        %parallel_loop3A_1277 = tpu.vector_load %arg8[%parallel_loop3A_1274, %parallel_loop3A_1275, %parallel_loop3A_1276] {strides = array<i32>} : memref<2x128x128xi32, #tpu.memory_space<vmem>>, vector<16xi32>,
        %parallel_loop3A_1278 = vector.bitcast %parallel_loop3A_1277 : vector<16xi32> to vector<32xbf16>
        %parallel_loop3A_1279 = arith.mulf %parallel_loop3A_298, %parallel_loop3A_1278 : vector<32xbf16>
        %parallel_loop3A_1280 = arith.constant 16 : i32
        %parallel_loop3A_1281 = arith.muli %parallel_loop3A_232, %parallel_loop3A_1280 : i32
        %parallel_loop3A_1282 = arith.constant 15 : i32
        %parallel_loop3A_1283 = arith.addi %parallel_loop3A_1281, %parallel_loop3A_1282 : i32
        %parallel_loop3A_1284 = arith.constant 1 : i32
        %parallel_loop3A_1285 = arith.index_cast %parallel_loop3A_1284 : i32 to index
        %parallel_loop3A_1286 = arith.index_cast %parallel_loop3A_1283 : i32 to index
        %parallel_loop3A_1287 = arith.constant 64 : index
        %parallel_loop3A_1288 = tpu.vector_load %arg8[%parallel_loop3A_1285, %parallel_loop3A_1286, %parallel_loop3A_1287] {strides = array<i32>} : memref<2x128x128xi32, #tpu.memory_space<vmem>>, vector<16xi32>,
        %parallel_loop3A_1289 = vector.bitcast %parallel_loop3A_1288 : vector<16xi32> to vector<32xbf16>
        %parallel_loop3A_1290 = arith.mulf %parallel_loop3A_302, %parallel_loop3A_1289 : vector<32xbf16>
        %parallel_loop3A_1291 = arith.addf %parallel_loop3A_1125, %parallel_loop3A_1136 : vector<32xbf16>
        %parallel_loop3A_1292 = arith.addf %parallel_loop3A_1147, %parallel_loop3A_1158 : vector<32xbf16>
        %parallel_loop3A_1293 = arith.addf %parallel_loop3A_1169, %parallel_loop3A_1180 : vector<32xbf16>
        %parallel_loop3A_1294 = arith.addf %parallel_loop3A_1191, %parallel_loop3A_1202 : vector<32xbf16>
        %parallel_loop3A_1295 = arith.addf %parallel_loop3A_1213, %parallel_loop3A_1224 : vector<32xbf16>
        %parallel_loop3A_1296 = arith.addf %parallel_loop3A_1235, %parallel_loop3A_1246 : vector<32xbf16>
        %parallel_loop3A_1297 = arith.addf %parallel_loop3A_1257, %parallel_loop3A_1268 : vector<32xbf16>
        %parallel_loop3A_1298 = arith.addf %parallel_loop3A_1279, %parallel_loop3A_1290 : vector<32xbf16>
        %parallel_loop3A_1299 = arith.addf %parallel_loop3A_1291, %parallel_loop3A_1292 : vector<32xbf16>
        %parallel_loop3A_1300 = arith.addf %parallel_loop3A_1293, %parallel_loop3A_1294 : vector<32xbf16>
        %parallel_loop3A_1301 = arith.addf %parallel_loop3A_1295, %parallel_loop3A_1296 : vector<32xbf16>
        %parallel_loop3A_1302 = arith.addf %parallel_loop3A_1297, %parallel_loop3A_1298 : vector<32xbf16>
        %parallel_loop3A_1303 = arith.addf %parallel_loop3A_1299, %parallel_loop3A_1300 : vector<32xbf16>
        %parallel_loop3A_1304 = arith.addf %parallel_loop3A_1301, %parallel_loop3A_1302 : vector<32xbf16>
        %parallel_loop3A_1305 = arith.addf %parallel_loop3A_1303, %parallel_loop3A_1304 : vector<32xbf16>
        %parallel_loop3A_1306 = tpu.unpack_subelements %parallel_loop3A_1305, 0 {pack_format = #tpu.pack_format<interleaved>} : vector<32xbf16> -> vector<16xf32>
        %parallel_loop3A_1307 = tpu.unpack_subelements %parallel_loop3A_1305, 1 {pack_format = #tpu.pack_format<interleaved>} : vector<32xbf16> -> vector<16xf32>
        %parallel_loop3A_1308 = arith.constant 1 : i32
        %parallel_loop3A_1309 = arith.index_cast %parallel_loop3A_1308 : i32 to index
        %parallel_loop3A_1310 = arith.index_cast %parallel_loop3A_232 : i32 to index
        %parallel_loop3A_1311 = arith.constant 64 : index
        %parallel_loop3A_1312 = tpu.vector_load %arg9[%parallel_loop3A_1309, %parallel_loop3A_1310, %parallel_loop3A_1311] {strides = array<i32>} : memref<2x8x256xf32, #tpu.memory_space<vmem>>, vector<16xf32>,
        tpu.vector_store %arg9[%parallel_loop3A_1309, %parallel_loop3A_1310, %parallel_loop3A_1311], %parallel_loop3A_1306 {strides = array<i32>} : memref<2x8x256xf32, #tpu.memory_space<vmem>>, vector<16xf32>,
        %parallel_loop3A_1313 = arith.constant 1 : i32
        %parallel_loop3A_1314 = arith.index_cast %parallel_loop3A_1313 : i32 to index
        %parallel_loop3A_1315 = arith.index_cast %parallel_loop3A_232 : i32 to index
        %parallel_loop3A_1316 = arith.constant 192 : index
        %parallel_loop3A_1317 = tpu.vector_load %arg9[%parallel_loop3A_1314, %parallel_loop3A_1315, %parallel_loop3A_1316] {strides = array<i32>} : memref<2x8x256xf32, #tpu.memory_space<vmem>>, vector<16xf32>,
        tpu.vector_store %arg9[%parallel_loop3A_1314, %parallel_loop3A_1315, %parallel_loop3A_1316], %parallel_loop3A_1307 {strides = array<i32>} : memref<2x8x256xf32, #tpu.memory_space<vmem>>, vector<16xf32>,
        %parallel_loop3A_1318 = arith.constant 16 : i32
        %parallel_loop3A_1319 = arith.muli %parallel_loop3A_232, %parallel_loop3A_1318 : i32
        %parallel_loop3A_1320 = arith.constant 0 : i32
        %parallel_loop3A_1321 = arith.addi %parallel_loop3A_1319, %parallel_loop3A_1320 : i32
        %parallel_loop3A_1322 = arith.constant 1 : i32
        %parallel_loop3A_1323 = arith.index_cast %parallel_loop3A_1322 : i32 to index
        %parallel_loop3A_1324 = arith.index_cast %parallel_loop3A_1321 : i32 to index
        %parallel_loop3A_1325 = arith.constant 80 : index
        %parallel_loop3A_1326 = tpu.vector_load %arg8[%parallel_loop3A_1323, %parallel_loop3A_1324, %parallel_loop3A_1325] {strides = array<i32>} : memref<2x128x128xi32, #tpu.memory_space<vmem>>, vector<16xi32>,
        %parallel_loop3A_1327 = vector.bitcast %parallel_loop3A_1326 : vector<16xi32> to vector<32xbf16>
        %parallel_loop3A_1328 = arith.mulf %parallel_loop3A_242, %parallel_loop3A_1327 : vector<32xbf16>
        %parallel_loop3A_1329 = arith.constant 16 : i32
        %parallel_loop3A_1330 = arith.muli %parallel_loop3A_232, %parallel_loop3A_1329 : i32
        %parallel_loop3A_1331 = arith.constant 1 : i32
        %parallel_loop3A_1332 = arith.addi %parallel_loop3A_1330, %parallel_loop3A_1331 : i32
        %parallel_loop3A_1333 = arith.constant 1 : i32
        %parallel_loop3A_1334 = arith.index_cast %parallel_loop3A_1333 : i32 to index
        %parallel_loop3A_1335 = arith.index_cast %parallel_loop3A_1332 : i32 to index
        %parallel_loop3A_1336 = arith.constant 80 : index
        %parallel_loop3A_1337 = tpu.vector_load %arg8[%parallel_loop3A_1334, %parallel_loop3A_1335, %parallel_loop3A_1336] {strides = array<i32>} : memref<2x128x128xi32, #tpu.memory_space<vmem>>, vector<16xi32>,
        %parallel_loop3A_1338 = vector.bitcast %parallel_loop3A_1337 : vector<16xi32> to vector<32xbf16>
        %parallel_loop3A_1339 = arith.mulf %parallel_loop3A_246, %parallel_loop3A_1338 : vector<32xbf16>
        %parallel_loop3A_1340 = arith.constant 16 : i32
        %parallel_loop3A_1341 = arith.muli %parallel_loop3A_232, %parallel_loop3A_1340 : i32
        %parallel_loop3A_1342 = arith.constant 2 : i32
        %parallel_loop3A_1343 = arith.addi %parallel_loop3A_1341, %parallel_loop3A_1342 : i32
        %parallel_loop3A_1344 = arith.constant 1 : i32
        %parallel_loop3A_1345 = arith.index_cast %parallel_loop3A_1344 : i32 to index
        %parallel_loop3A_1346 = arith.index_cast %parallel_loop3A_1343 : i32 to index
        %parallel_loop3A_1347 = arith.constant 80 : index
        %parallel_loop3A_1348 = tpu.vector_load %arg8[%parallel_loop3A_1345, %parallel_loop3A_1346, %parallel_loop3A_1347] {strides = array<i32>} : memref<2x128x128xi32, #tpu.memory_space<vmem>>, vector<16xi32>,
        %parallel_loop3A_1349 = vector.bitcast %parallel_loop3A_1348 : vector<16xi32> to vector<32xbf16>
        %parallel_loop3A_1350 = arith.mulf %parallel_loop3A_250, %parallel_loop3A_1349 : vector<32xbf16>
        %parallel_loop3A_1351 = arith.constant 16 : i32
        %parallel_loop3A_1352 = arith.muli %parallel_loop3A_232, %parallel_loop3A_1351 : i32
        %parallel_loop3A_1353 = arith.constant 3 : i32
        %parallel_loop3A_1354 = arith.addi %parallel_loop3A_1352, %parallel_loop3A_1353 : i32
        %parallel_loop3A_1355 = arith.constant 1 : i32
        %parallel_loop3A_1356 = arith.index_cast %parallel_loop3A_1355 : i32 to index
        %parallel_loop3A_1357 = arith.index_cast %parallel_loop3A_1354 : i32 to index
        %parallel_loop3A_1358 = arith.constant 80 : index
        %parallel_loop3A_1359 = tpu.vector_load %arg8[%parallel_loop3A_1356, %parallel_loop3A_1357, %parallel_loop3A_1358] {strides = array<i32>} : memref<2x128x128xi32, #tpu.memory_space<vmem>>, vector<16xi32>,
        %parallel_loop3A_1360 = vector.bitcast %parallel_loop3A_1359 : vector<16xi32> to vector<32xbf16>
        %parallel_loop3A_1361 = arith.mulf %parallel_loop3A_254, %parallel_loop3A_1360 : vector<32xbf16>
        %parallel_loop3A_1362 = arith.constant 16 : i32
        %parallel_loop3A_1363 = arith.muli %parallel_loop3A_232, %parallel_loop3A_1362 : i32
        %parallel_loop3A_1364 = arith.constant 4 : i32
        %parallel_loop3A_1365 = arith.addi %parallel_loop3A_1363, %parallel_loop3A_1364 : i32
        %parallel_loop3A_1366 = arith.constant 1 : i32
        %parallel_loop3A_1367 = arith.index_cast %parallel_loop3A_1366 : i32 to index
        %parallel_loop3A_1368 = arith.index_cast %parallel_loop3A_1365 : i32 to index
        %parallel_loop3A_1369 = arith.constant 80 : index
        %parallel_loop3A_1370 = tpu.vector_load %arg8[%parallel_loop3A_1367, %parallel_loop3A_1368, %parallel_loop3A_1369] {strides = array<i32>} : memref<2x128x128xi32, #tpu.memory_space<vmem>>, vector<16xi32>,
        %parallel_loop3A_1371 = vector.bitcast %parallel_loop3A_1370 : vector<16xi32> to vector<32xbf16>
        %parallel_loop3A_1372 = arith.mulf %parallel_loop3A_258, %parallel_loop3A_1371 : vector<32xbf16>
        %parallel_loop3A_1373 = arith.constant 16 : i32
        %parallel_loop3A_1374 = arith.muli %parallel_loop3A_232, %parallel_loop3A_1373 : i32
        %parallel_loop3A_1375 = arith.constant 5 : i32
        %parallel_loop3A_1376 = arith.addi %parallel_loop3A_1374, %parallel_loop3A_1375 : i32
        %parallel_loop3A_1377 = arith.constant 1 : i32
        %parallel_loop3A_1378 = arith.index_cast %parallel_loop3A_1377 : i32 to index
        %parallel_loop3A_1379 = arith.index_cast %parallel_loop3A_1376 : i32 to index
        %parallel_loop3A_1380 = arith.constant 80 : index
        %parallel_loop3A_1381 = tpu.vector_load %arg8[%parallel_loop3A_1378, %parallel_loop3A_1379, %parallel_loop3A_1380] {strides = array<i32>} : memref<2x128x128xi32, #tpu.memory_space<vmem>>, vector<16xi32>,
        %parallel_loop3A_1382 = vector.bitcast %parallel_loop3A_1381 : vector<16xi32> to vector<32xbf16>
        %parallel_loop3A_1383 = arith.mulf %parallel_loop3A_262, %parallel_loop3A_1382 : vector<32xbf16>
        %parallel_loop3A_1384 = arith.constant 16 : i32
        %parallel_loop3A_1385 = arith.muli %parallel_loop3A_232, %parallel_loop3A_1384 : i32
        %parallel_loop3A_1386 = arith.constant 6 : i32
        %parallel_loop3A_1387 = arith.addi %parallel_loop3A_1385, %parallel_loop3A_1386 : i32
        %parallel_loop3A_1388 = arith.constant 1 : i32
        %parallel_loop3A_1389 = arith.index_cast %parallel_loop3A_1388 : i32 to index
        %parallel_loop3A_1390 = arith.index_cast %parallel_loop3A_1387 : i32 to index
        %parallel_loop3A_1391 = arith.constant 80 : index
        %parallel_loop3A_1392 = tpu.vector_load %arg8[%parallel_loop3A_1389, %parallel_loop3A_1390, %parallel_loop3A_1391] {strides = array<i32>} : memref<2x128x128xi32, #tpu.memory_space<vmem>>, vector<16xi32>,
        %parallel_loop3A_1393 = vector.bitcast %parallel_loop3A_1392 : vector<16xi32> to vector<32xbf16>
        %parallel_loop3A_1394 = arith.mulf %parallel_loop3A_266, %parallel_loop3A_1393 : vector<32xbf16>
        %parallel_loop3A_1395 = arith.constant 16 : i32
        %parallel_loop3A_1396 = arith.muli %parallel_loop3A_232, %parallel_loop3A_1395 : i32
        %parallel_loop3A_1397 = arith.constant 7 : i32
        %parallel_loop3A_1398 = arith.addi %parallel_loop3A_1396, %parallel_loop3A_1397 : i32
        %parallel_loop3A_1399 = arith.constant 1 : i32
        %parallel_loop3A_1400 = arith.index_cast %parallel_loop3A_1399 : i32 to index
        %parallel_loop3A_1401 = arith.index_cast %parallel_loop3A_1398 : i32 to index
        %parallel_loop3A_1402 = arith.constant 80 : index
        %parallel_loop3A_1403 = tpu.vector_load %arg8[%parallel_loop3A_1400, %parallel_loop3A_1401, %parallel_loop3A_1402] {strides = array<i32>} : memref<2x128x128xi32, #tpu.memory_space<vmem>>, vector<16xi32>,
        %parallel_loop3A_1404 = vector.bitcast %parallel_loop3A_1403 : vector<16xi32> to vector<32xbf16>
        %parallel_loop3A_1405 = arith.mulf %parallel_loop3A_270, %parallel_loop3A_1404 : vector<32xbf16>
        %parallel_loop3A_1406 = arith.constant 16 : i32
        %parallel_loop3A_1407 = arith.muli %parallel_loop3A_232, %parallel_loop3A_1406 : i32
        %parallel_loop3A_1408 = arith.constant 8 : i32
        %parallel_loop3A_1409 = arith.addi %parallel_loop3A_1407, %parallel_loop3A_1408 : i32
        %parallel_loop3A_1410 = arith.constant 1 : i32
        %parallel_loop3A_1411 = arith.index_cast %parallel_loop3A_1410 : i32 to index
        %parallel_loop3A_1412 = arith.index_cast %parallel_loop3A_1409 : i32 to index
        %parallel_loop3A_1413 = arith.constant 80 : index
        %parallel_loop3A_1414 = tpu.vector_load %arg8[%parallel_loop3A_1411, %parallel_loop3A_1412, %parallel_loop3A_1413] {strides = array<i32>} : memref<2x128x128xi32, #tpu.memory_space<vmem>>, vector<16xi32>,
        %parallel_loop3A_1415 = vector.bitcast %parallel_loop3A_1414 : vector<16xi32> to vector<32xbf16>
        %parallel_loop3A_1416 = arith.mulf %parallel_loop3A_274, %parallel_loop3A_1415 : vector<32xbf16>
        %parallel_loop3A_1417 = arith.constant 16 : i32
        %parallel_loop3A_1418 = arith.muli %parallel_loop3A_232, %parallel_loop3A_1417 : i32
        %parallel_loop3A_1419 = arith.constant 9 : i32
        %parallel_loop3A_1420 = arith.addi %parallel_loop3A_1418, %parallel_loop3A_1419 : i32
        %parallel_loop3A_1421 = arith.constant 1 : i32
        %parallel_loop3A_1422 = arith.index_cast %parallel_loop3A_1421 : i32 to index
        %parallel_loop3A_1423 = arith.index_cast %parallel_loop3A_1420 : i32 to index
        %parallel_loop3A_1424 = arith.constant 80 : index
        %parallel_loop3A_1425 = tpu.vector_load %arg8[%parallel_loop3A_1422, %parallel_loop3A_1423, %parallel_loop3A_1424] {strides = array<i32>} : memref<2x128x128xi32, #tpu.memory_space<vmem>>, vector<16xi32>,
        %parallel_loop3A_1426 = vector.bitcast %parallel_loop3A_1425 : vector<16xi32> to vector<32xbf16>
        %parallel_loop3A_1427 = arith.mulf %parallel_loop3A_278, %parallel_loop3A_1426 : vector<32xbf16>
        %parallel_loop3A_1428 = arith.constant 16 : i32
        %parallel_loop3A_1429 = arith.muli %parallel_loop3A_232, %parallel_loop3A_1428 : i32
        %parallel_loop3A_1430 = arith.constant 10 : i32
        %parallel_loop3A_1431 = arith.addi %parallel_loop3A_1429, %parallel_loop3A_1430 : i32
        %parallel_loop3A_1432 = arith.constant 1 : i32
        %parallel_loop3A_1433 = arith.index_cast %parallel_loop3A_1432 : i32 to index
        %parallel_loop3A_1434 = arith.index_cast %parallel_loop3A_1431 : i32 to index
        %parallel_loop3A_1435 = arith.constant 80 : index
        %parallel_loop3A_1436 = tpu.vector_load %arg8[%parallel_loop3A_1433, %parallel_loop3A_1434, %parallel_loop3A_1435] {strides = array<i32>} : memref<2x128x128xi32, #tpu.memory_space<vmem>>, vector<16xi32>,
        %parallel_loop3A_1437 = vector.bitcast %parallel_loop3A_1436 : vector<16xi32> to vector<32xbf16>
        %parallel_loop3A_1438 = arith.mulf %parallel_loop3A_282, %parallel_loop3A_1437 : vector<32xbf16>
        %parallel_loop3A_1439 = arith.constant 16 : i32
        %parallel_loop3A_1440 = arith.muli %parallel_loop3A_232, %parallel_loop3A_1439 : i32
        %parallel_loop3A_1441 = arith.constant 11 : i32
        %parallel_loop3A_1442 = arith.addi %parallel_loop3A_1440, %parallel_loop3A_1441 : i32
        %parallel_loop3A_1443 = arith.constant 1 : i32
        %parallel_loop3A_1444 = arith.index_cast %parallel_loop3A_1443 : i32 to index
        %parallel_loop3A_1445 = arith.index_cast %parallel_loop3A_1442 : i32 to index
        %parallel_loop3A_1446 = arith.constant 80 : index
        %parallel_loop3A_1447 = tpu.vector_load %arg8[%parallel_loop3A_1444, %parallel_loop3A_1445, %parallel_loop3A_1446] {strides = array<i32>} : memref<2x128x128xi32, #tpu.memory_space<vmem>>, vector<16xi32>,
        %parallel_loop3A_1448 = vector.bitcast %parallel_loop3A_1447 : vector<16xi32> to vector<32xbf16>
        %parallel_loop3A_1449 = arith.mulf %parallel_loop3A_286, %parallel_loop3A_1448 : vector<32xbf16>
        %parallel_loop3A_1450 = arith.constant 16 : i32
        %parallel_loop3A_1451 = arith.muli %parallel_loop3A_232, %parallel_loop3A_1450 : i32
        %parallel_loop3A_1452 = arith.constant 12 : i32
        %parallel_loop3A_1453 = arith.addi %parallel_loop3A_1451, %parallel_loop3A_1452 : i32
        %parallel_loop3A_1454 = arith.constant 1 : i32
        %parallel_loop3A_1455 = arith.index_cast %parallel_loop3A_1454 : i32 to index
        %parallel_loop3A_1456 = arith.index_cast %parallel_loop3A_1453 : i32 to index
        %parallel_loop3A_1457 = arith.constant 80 : index
        %parallel_loop3A_1458 = tpu.vector_load %arg8[%parallel_loop3A_1455, %parallel_loop3A_1456, %parallel_loop3A_1457] {strides = array<i32>} : memref<2x128x128xi32, #tpu.memory_space<vmem>>, vector<16xi32>,
        %parallel_loop3A_1459 = vector.bitcast %parallel_loop3A_1458 : vector<16xi32> to vector<32xbf16>
        %parallel_loop3A_1460 = arith.mulf %parallel_loop3A_290, %parallel_loop3A_1459 : vector<32xbf16>
        %parallel_loop3A_1461 = arith.constant 16 : i32
        %parallel_loop3A_1462 = arith.muli %parallel_loop3A_232, %parallel_loop3A_1461 : i32
        %parallel_loop3A_1463 = arith.constant 13 : i32
        %parallel_loop3A_1464 = arith.addi %parallel_loop3A_1462, %parallel_loop3A_1463 : i32
        %parallel_loop3A_1465 = arith.constant 1 : i32
        %parallel_loop3A_1466 = arith.index_cast %parallel_loop3A_1465 : i32 to index
        %parallel_loop3A_1467 = arith.index_cast %parallel_loop3A_1464 : i32 to index
        %parallel_loop3A_1468 = arith.constant 80 : index
        %parallel_loop3A_1469 = tpu.vector_load %arg8[%parallel_loop3A_1466, %parallel_loop3A_1467, %parallel_loop3A_1468] {strides = array<i32>} : memref<2x128x128xi32, #tpu.memory_space<vmem>>, vector<16xi32>,
        %parallel_loop3A_1470 = vector.bitcast %parallel_loop3A_1469 : vector<16xi32> to vector<32xbf16>
        %parallel_loop3A_1471 = arith.mulf %parallel_loop3A_294, %parallel_loop3A_1470 : vector<32xbf16>
        %parallel_loop3A_1472 = arith.constant 16 : i32
        %parallel_loop3A_1473 = arith.muli %parallel_loop3A_232, %parallel_loop3A_1472 : i32
        %parallel_loop3A_1474 = arith.constant 14 : i32
        %parallel_loop3A_1475 = arith.addi %parallel_loop3A_1473, %parallel_loop3A_1474 : i32
        %parallel_loop3A_1476 = arith.constant 1 : i32
        %parallel_loop3A_1477 = arith.index_cast %parallel_loop3A_1476 : i32 to index
        %parallel_loop3A_1478 = arith.index_cast %parallel_loop3A_1475 : i32 to index
        %parallel_loop3A_1479 = arith.constant 80 : index
        %parallel_loop3A_1480 = tpu.vector_load %arg8[%parallel_loop3A_1477, %parallel_loop3A_1478, %parallel_loop3A_1479] {strides = array<i32>} : memref<2x128x128xi32, #tpu.memory_space<vmem>>, vector<16xi32>,
        %parallel_loop3A_1481 = vector.bitcast %parallel_loop3A_1480 : vector<16xi32> to vector<32xbf16>
        %parallel_loop3A_1482 = arith.mulf %parallel_loop3A_298, %parallel_loop3A_1481 : vector<32xbf16>
        %parallel_loop3A_1483 = arith.constant 16 : i32
        %parallel_loop3A_1484 = arith.muli %parallel_loop3A_232, %parallel_loop3A_1483 : i32
        %parallel_loop3A_1485 = arith.constant 15 : i32
        %parallel_loop3A_1486 = arith.addi %parallel_loop3A_1484, %parallel_loop3A_1485 : i32
        %parallel_loop3A_1487 = arith.constant 1 : i32
        %parallel_loop3A_1488 = arith.index_cast %parallel_loop3A_1487 : i32 to index
        %parallel_loop3A_1489 = arith.index_cast %parallel_loop3A_1486 : i32 to index
        %parallel_loop3A_1490 = arith.constant 80 : index
        %parallel_loop3A_1491 = tpu.vector_load %arg8[%parallel_loop3A_1488, %parallel_loop3A_1489, %parallel_loop3A_1490] {strides = array<i32>} : memref<2x128x128xi32, #tpu.memory_space<vmem>>, vector<16xi32>,
        %parallel_loop3A_1492 = vector.bitcast %parallel_loop3A_1491 : vector<16xi32> to vector<32xbf16>
        %parallel_loop3A_1493 = arith.mulf %parallel_loop3A_302, %parallel_loop3A_1492 : vector<32xbf16>
        %parallel_loop3A_1494 = arith.addf %parallel_loop3A_1328, %parallel_loop3A_1339 : vector<32xbf16>
        %parallel_loop3A_1495 = arith.addf %parallel_loop3A_1350, %parallel_loop3A_1361 : vector<32xbf16>
        %parallel_loop3A_1496 = arith.addf %parallel_loop3A_1372, %parallel_loop3A_1383 : vector<32xbf16>
        %parallel_loop3A_1497 = arith.addf %parallel_loop3A_1394, %parallel_loop3A_1405 : vector<32xbf16>
        %parallel_loop3A_1498 = arith.addf %parallel_loop3A_1416, %parallel_loop3A_1427 : vector<32xbf16>
        %parallel_loop3A_1499 = arith.addf %parallel_loop3A_1438, %parallel_loop3A_1449 : vector<32xbf16>
        %parallel_loop3A_1500 = arith.addf %parallel_loop3A_1460, %parallel_loop3A_1471 : vector<32xbf16>
        %parallel_loop3A_1501 = arith.addf %parallel_loop3A_1482, %parallel_loop3A_1493 : vector<32xbf16>
        %parallel_loop3A_1502 = arith.addf %parallel_loop3A_1494, %parallel_loop3A_1495 : vector<32xbf16>
        %parallel_loop3A_1503 = arith.addf %parallel_loop3A_1496, %parallel_loop3A_1497 : vector<32xbf16>
        %parallel_loop3A_1504 = arith.addf %parallel_loop3A_1498, %parallel_loop3A_1499 : vector<32xbf16>
        %parallel_loop3A_1505 = arith.addf %parallel_loop3A_1500, %parallel_loop3A_1501 : vector<32xbf16>
        %parallel_loop3A_1506 = arith.addf %parallel_loop3A_1502, %parallel_loop3A_1503 : vector<32xbf16>
        %parallel_loop3A_1507 = arith.addf %parallel_loop3A_1504, %parallel_loop3A_1505 : vector<32xbf16>
        %parallel_loop3A_1508 = arith.addf %parallel_loop3A_1506, %parallel_loop3A_1507 : vector<32xbf16>
        %parallel_loop3A_1509 = tpu.unpack_subelements %parallel_loop3A_1508, 0 {pack_format = #tpu.pack_format<interleaved>} : vector<32xbf16> -> vector<16xf32>
        %parallel_loop3A_1510 = tpu.unpack_subelements %parallel_loop3A_1508, 1 {pack_format = #tpu.pack_format<interleaved>} : vector<32xbf16> -> vector<16xf32>
        %parallel_loop3A_1511 = arith.constant 1 : i32
        %parallel_loop3A_1512 = arith.index_cast %parallel_loop3A_1511 : i32 to index
        %parallel_loop3A_1513 = arith.index_cast %parallel_loop3A_232 : i32 to index
        %parallel_loop3A_1514 = arith.constant 80 : index
        %parallel_loop3A_1515 = tpu.vector_load %arg9[%parallel_loop3A_1512, %parallel_loop3A_1513, %parallel_loop3A_1514] {strides = array<i32>} : memref<2x8x256xf32, #tpu.memory_space<vmem>>, vector<16xf32>,
        tpu.vector_store %arg9[%parallel_loop3A_1512, %parallel_loop3A_1513, %parallel_loop3A_1514], %parallel_loop3A_1509 {strides = array<i32>} : memref<2x8x256xf32, #tpu.memory_space<vmem>>, vector<16xf32>,
        %parallel_loop3A_1516 = arith.constant 1 : i32
        %parallel_loop3A_1517 = arith.index_cast %parallel_loop3A_1516 : i32 to index
        %parallel_loop3A_1518 = arith.index_cast %parallel_loop3A_232 : i32 to index
        %parallel_loop3A_1519 = arith.constant 208 : index
        %parallel_loop3A_1520 = tpu.vector_load %arg9[%parallel_loop3A_1517, %parallel_loop3A_1518, %parallel_loop3A_1519] {strides = array<i32>} : memref<2x8x256xf32, #tpu.memory_space<vmem>>, vector<16xf32>,
        tpu.vector_store %arg9[%parallel_loop3A_1517, %parallel_loop3A_1518, %parallel_loop3A_1519], %parallel_loop3A_1510 {strides = array<i32>} : memref<2x8x256xf32, #tpu.memory_space<vmem>>, vector<16xf32>,
        %parallel_loop3A_1521 = arith.constant 16 : i32
        %parallel_loop3A_1522 = arith.muli %parallel_loop3A_232, %parallel_loop3A_1521 : i32
        %parallel_loop3A_1523 = arith.constant 0 : i32
        %parallel_loop3A_1524 = arith.addi %parallel_loop3A_1522, %parallel_loop3A_1523 : i32
        %parallel_loop3A_1525 = arith.constant 1 : i32
        %parallel_loop3A_1526 = arith.index_cast %parallel_loop3A_1525 : i32 to index
        %parallel_loop3A_1527 = arith.index_cast %parallel_loop3A_1524 : i32 to index
        %parallel_loop3A_1528 = arith.constant 96 : index
        %parallel_loop3A_1529 = tpu.vector_load %arg8[%parallel_loop3A_1526, %parallel_loop3A_1527, %parallel_loop3A_1528] {strides = array<i32>} : memref<2x128x128xi32, #tpu.memory_space<vmem>>, vector<16xi32>,
        %parallel_loop3A_1530 = vector.bitcast %parallel_loop3A_1529 : vector<16xi32> to vector<32xbf16>
        %parallel_loop3A_1531 = arith.mulf %parallel_loop3A_242, %parallel_loop3A_1530 : vector<32xbf16>
        %parallel_loop3A_1532 = arith.constant 16 : i32
        %parallel_loop3A_1533 = arith.muli %parallel_loop3A_232, %parallel_loop3A_1532 : i32
        %parallel_loop3A_1534 = arith.constant 1 : i32
        %parallel_loop3A_1535 = arith.addi %parallel_loop3A_1533, %parallel_loop3A_1534 : i32
        %parallel_loop3A_1536 = arith.constant 1 : i32
        %parallel_loop3A_1537 = arith.index_cast %parallel_loop3A_1536 : i32 to index
        %parallel_loop3A_1538 = arith.index_cast %parallel_loop3A_1535 : i32 to index
        %parallel_loop3A_1539 = arith.constant 96 : index
        %parallel_loop3A_1540 = tpu.vector_load %arg8[%parallel_loop3A_1537, %parallel_loop3A_1538, %parallel_loop3A_1539] {strides = array<i32>} : memref<2x128x128xi32, #tpu.memory_space<vmem>>, vector<16xi32>,
        %parallel_loop3A_1541 = vector.bitcast %parallel_loop3A_1540 : vector<16xi32> to vector<32xbf16>
        %parallel_loop3A_1542 = arith.mulf %parallel_loop3A_246, %parallel_loop3A_1541 : vector<32xbf16>
        %parallel_loop3A_1543 = arith.constant 16 : i32
        %parallel_loop3A_1544 = arith.muli %parallel_loop3A_232, %parallel_loop3A_1543 : i32
        %parallel_loop3A_1545 = arith.constant 2 : i32
        %parallel_loop3A_1546 = arith.addi %parallel_loop3A_1544, %parallel_loop3A_1545 : i32
        %parallel_loop3A_1547 = arith.constant 1 : i32
        %parallel_loop3A_1548 = arith.index_cast %parallel_loop3A_1547 : i32 to index
        %parallel_loop3A_1549 = arith.index_cast %parallel_loop3A_1546 : i32 to index
        %parallel_loop3A_1550 = arith.constant 96 : index
        %parallel_loop3A_1551 = tpu.vector_load %arg8[%parallel_loop3A_1548, %parallel_loop3A_1549, %parallel_loop3A_1550] {strides = array<i32>} : memref<2x128x128xi32, #tpu.memory_space<vmem>>, vector<16xi32>,
        %parallel_loop3A_1552 = vector.bitcast %parallel_loop3A_1551 : vector<16xi32> to vector<32xbf16>
        %parallel_loop3A_1553 = arith.mulf %parallel_loop3A_250, %parallel_loop3A_1552 : vector<32xbf16>
        %parallel_loop3A_1554 = arith.constant 16 : i32
        %parallel_loop3A_1555 = arith.muli %parallel_loop3A_232, %parallel_loop3A_1554 : i32
        %parallel_loop3A_1556 = arith.constant 3 : i32
        %parallel_loop3A_1557 = arith.addi %parallel_loop3A_1555, %parallel_loop3A_1556 : i32
        %parallel_loop3A_1558 = arith.constant 1 : i32
        %parallel_loop3A_1559 = arith.index_cast %parallel_loop3A_1558 : i32 to index
        %parallel_loop3A_1560 = arith.index_cast %parallel_loop3A_1557 : i32 to index
        %parallel_loop3A_1561 = arith.constant 96 : index
        %parallel_loop3A_1562 = tpu.vector_load %arg8[%parallel_loop3A_1559, %parallel_loop3A_1560, %parallel_loop3A_1561] {strides = array<i32>} : memref<2x128x128xi32, #tpu.memory_space<vmem>>, vector<16xi32>,
        %parallel_loop3A_1563 = vector.bitcast %parallel_loop3A_1562 : vector<16xi32> to vector<32xbf16>
        %parallel_loop3A_1564 = arith.mulf %parallel_loop3A_254, %parallel_loop3A_1563 : vector<32xbf16>
        %parallel_loop3A_1565 = arith.constant 16 : i32
        %parallel_loop3A_1566 = arith.muli %parallel_loop3A_232, %parallel_loop3A_1565 : i32
        %parallel_loop3A_1567 = arith.constant 4 : i32
        %parallel_loop3A_1568 = arith.addi %parallel_loop3A_1566, %parallel_loop3A_1567 : i32
        %parallel_loop3A_1569 = arith.constant 1 : i32
        %parallel_loop3A_1570 = arith.index_cast %parallel_loop3A_1569 : i32 to index
        %parallel_loop3A_1571 = arith.index_cast %parallel_loop3A_1568 : i32 to index
        %parallel_loop3A_1572 = arith.constant 96 : index
        %parallel_loop3A_1573 = tpu.vector_load %arg8[%parallel_loop3A_1570, %parallel_loop3A_1571, %parallel_loop3A_1572] {strides = array<i32>} : memref<2x128x128xi32, #tpu.memory_space<vmem>>, vector<16xi32>,
        %parallel_loop3A_1574 = vector.bitcast %parallel_loop3A_1573 : vector<16xi32> to vector<32xbf16>
        %parallel_loop3A_1575 = arith.mulf %parallel_loop3A_258, %parallel_loop3A_1574 : vector<32xbf16>
        %parallel_loop3A_1576 = arith.constant 16 : i32
        %parallel_loop3A_1577 = arith.muli %parallel_loop3A_232, %parallel_loop3A_1576 : i32
        %parallel_loop3A_1578 = arith.constant 5 : i32
        %parallel_loop3A_1579 = arith.addi %parallel_loop3A_1577, %parallel_loop3A_1578 : i32
        %parallel_loop3A_1580 = arith.constant 1 : i32
        %parallel_loop3A_1581 = arith.index_cast %parallel_loop3A_1580 : i32 to index
        %parallel_loop3A_1582 = arith.index_cast %parallel_loop3A_1579 : i32 to index
        %parallel_loop3A_1583 = arith.constant 96 : index
        %parallel_loop3A_1584 = tpu.vector_load %arg8[%parallel_loop3A_1581, %parallel_loop3A_1582, %parallel_loop3A_1583] {strides = array<i32>} : memref<2x128x128xi32, #tpu.memory_space<vmem>>, vector<16xi32>,
        %parallel_loop3A_1585 = vector.bitcast %parallel_loop3A_1584 : vector<16xi32> to vector<32xbf16>
        %parallel_loop3A_1586 = arith.mulf %parallel_loop3A_262, %parallel_loop3A_1585 : vector<32xbf16>
        %parallel_loop3A_1587 = arith.constant 16 : i32
        %parallel_loop3A_1588 = arith.muli %parallel_loop3A_232, %parallel_loop3A_1587 : i32
        %parallel_loop3A_1589 = arith.constant 6 : i32
        %parallel_loop3A_1590 = arith.addi %parallel_loop3A_1588, %parallel_loop3A_1589 : i32
        %parallel_loop3A_1591 = arith.constant 1 : i32
        %parallel_loop3A_1592 = arith.index_cast %parallel_loop3A_1591 : i32 to index
        %parallel_loop3A_1593 = arith.index_cast %parallel_loop3A_1590 : i32 to index
        %parallel_loop3A_1594 = arith.constant 96 : index
        %parallel_loop3A_1595 = tpu.vector_load %arg8[%parallel_loop3A_1592, %parallel_loop3A_1593, %parallel_loop3A_1594] {strides = array<i32>} : memref<2x128x128xi32, #tpu.memory_space<vmem>>, vector<16xi32>,
        %parallel_loop3A_1596 = vector.bitcast %parallel_loop3A_1595 : vector<16xi32> to vector<32xbf16>
        %parallel_loop3A_1597 = arith.mulf %parallel_loop3A_266, %parallel_loop3A_1596 : vector<32xbf16>
        %parallel_loop3A_1598 = arith.constant 16 : i32
        %parallel_loop3A_1599 = arith.muli %parallel_loop3A_232, %parallel_loop3A_1598 : i32
        %parallel_loop3A_1600 = arith.constant 7 : i32
        %parallel_loop3A_1601 = arith.addi %parallel_loop3A_1599, %parallel_loop3A_1600 : i32
        %parallel_loop3A_1602 = arith.constant 1 : i32
        %parallel_loop3A_1603 = arith.index_cast %parallel_loop3A_1602 : i32 to index
        %parallel_loop3A_1604 = arith.index_cast %parallel_loop3A_1601 : i32 to index
        %parallel_loop3A_1605 = arith.constant 96 : index
        %parallel_loop3A_1606 = tpu.vector_load %arg8[%parallel_loop3A_1603, %parallel_loop3A_1604, %parallel_loop3A_1605] {strides = array<i32>} : memref<2x128x128xi32, #tpu.memory_space<vmem>>, vector<16xi32>,
        %parallel_loop3A_1607 = vector.bitcast %parallel_loop3A_1606 : vector<16xi32> to vector<32xbf16>
        %parallel_loop3A_1608 = arith.mulf %parallel_loop3A_270, %parallel_loop3A_1607 : vector<32xbf16>
        %parallel_loop3A_1609 = arith.constant 16 : i32
        %parallel_loop3A_1610 = arith.muli %parallel_loop3A_232, %parallel_loop3A_1609 : i32
        %parallel_loop3A_1611 = arith.constant 8 : i32
        %parallel_loop3A_1612 = arith.addi %parallel_loop3A_1610, %parallel_loop3A_1611 : i32
        %parallel_loop3A_1613 = arith.constant 1 : i32
        %parallel_loop3A_1614 = arith.index_cast %parallel_loop3A_1613 : i32 to index
        %parallel_loop3A_1615 = arith.index_cast %parallel_loop3A_1612 : i32 to index
        %parallel_loop3A_1616 = arith.constant 96 : index
        %parallel_loop3A_1617 = tpu.vector_load %arg8[%parallel_loop3A_1614, %parallel_loop3A_1615, %parallel_loop3A_1616] {strides = array<i32>} : memref<2x128x128xi32, #tpu.memory_space<vmem>>, vector<16xi32>,
        %parallel_loop3A_1618 = vector.bitcast %parallel_loop3A_1617 : vector<16xi32> to vector<32xbf16>
        %parallel_loop3A_1619 = arith.mulf %parallel_loop3A_274, %parallel_loop3A_1618 : vector<32xbf16>
        %parallel_loop3A_1620 = arith.constant 16 : i32
        %parallel_loop3A_1621 = arith.muli %parallel_loop3A_232, %parallel_loop3A_1620 : i32
        %parallel_loop3A_1622 = arith.constant 9 : i32
        %parallel_loop3A_1623 = arith.addi %parallel_loop3A_1621, %parallel_loop3A_1622 : i32
        %parallel_loop3A_1624 = arith.constant 1 : i32
        %parallel_loop3A_1625 = arith.index_cast %parallel_loop3A_1624 : i32 to index
        %parallel_loop3A_1626 = arith.index_cast %parallel_loop3A_1623 : i32 to index
        %parallel_loop3A_1627 = arith.constant 96 : index
        %parallel_loop3A_1628 = tpu.vector_load %arg8[%parallel_loop3A_1625, %parallel_loop3A_1626, %parallel_loop3A_1627] {strides = array<i32>} : memref<2x128x128xi32, #tpu.memory_space<vmem>>, vector<16xi32>,
        %parallel_loop3A_1629 = vector.bitcast %parallel_loop3A_1628 : vector<16xi32> to vector<32xbf16>
        %parallel_loop3A_1630 = arith.mulf %parallel_loop3A_278, %parallel_loop3A_1629 : vector<32xbf16>
        %parallel_loop3A_1631 = arith.constant 16 : i32
        %parallel_loop3A_1632 = arith.muli %parallel_loop3A_232, %parallel_loop3A_1631 : i32
        %parallel_loop3A_1633 = arith.constant 10 : i32
        %parallel_loop3A_1634 = arith.addi %parallel_loop3A_1632, %parallel_loop3A_1633 : i32
        %parallel_loop3A_1635 = arith.constant 1 : i32
        %parallel_loop3A_1636 = arith.index_cast %parallel_loop3A_1635 : i32 to index
        %parallel_loop3A_1637 = arith.index_cast %parallel_loop3A_1634 : i32 to index
        %parallel_loop3A_1638 = arith.constant 96 : index
        %parallel_loop3A_1639 = tpu.vector_load %arg8[%parallel_loop3A_1636, %parallel_loop3A_1637, %parallel_loop3A_1638] {strides = array<i32>} : memref<2x128x128xi32, #tpu.memory_space<vmem>>, vector<16xi32>,
        %parallel_loop3A_1640 = vector.bitcast %parallel_loop3A_1639 : vector<16xi32> to vector<32xbf16>
        %parallel_loop3A_1641 = arith.mulf %parallel_loop3A_282, %parallel_loop3A_1640 : vector<32xbf16>
        %parallel_loop3A_1642 = arith.constant 16 : i32
        %parallel_loop3A_1643 = arith.muli %parallel_loop3A_232, %parallel_loop3A_1642 : i32
        %parallel_loop3A_1644 = arith.constant 11 : i32
        %parallel_loop3A_1645 = arith.addi %parallel_loop3A_1643, %parallel_loop3A_1644 : i32
        %parallel_loop3A_1646 = arith.constant 1 : i32
        %parallel_loop3A_1647 = arith.index_cast %parallel_loop3A_1646 : i32 to index
        %parallel_loop3A_1648 = arith.index_cast %parallel_loop3A_1645 : i32 to index
        %parallel_loop3A_1649 = arith.constant 96 : index
        %parallel_loop3A_1650 = tpu.vector_load %arg8[%parallel_loop3A_1647, %parallel_loop3A_1648, %parallel_loop3A_1649] {strides = array<i32>} : memref<2x128x128xi32, #tpu.memory_space<vmem>>, vector<16xi32>,
        %parallel_loop3A_1651 = vector.bitcast %parallel_loop3A_1650 : vector<16xi32> to vector<32xbf16>
        %parallel_loop3A_1652 = arith.mulf %parallel_loop3A_286, %parallel_loop3A_1651 : vector<32xbf16>
        %parallel_loop3A_1653 = arith.constant 16 : i32
        %parallel_loop3A_1654 = arith.muli %parallel_loop3A_232, %parallel_loop3A_1653 : i32
        %parallel_loop3A_1655 = arith.constant 12 : i32
        %parallel_loop3A_1656 = arith.addi %parallel_loop3A_1654, %parallel_loop3A_1655 : i32
        %parallel_loop3A_1657 = arith.constant 1 : i32
        %parallel_loop3A_1658 = arith.index_cast %parallel_loop3A_1657 : i32 to index
        %parallel_loop3A_1659 = arith.index_cast %parallel_loop3A_1656 : i32 to index
        %parallel_loop3A_1660 = arith.constant 96 : index
        %parallel_loop3A_1661 = tpu.vector_load %arg8[%parallel_loop3A_1658, %parallel_loop3A_1659, %parallel_loop3A_1660] {strides = array<i32>} : memref<2x128x128xi32, #tpu.memory_space<vmem>>, vector<16xi32>,
        %parallel_loop3A_1662 = vector.bitcast %parallel_loop3A_1661 : vector<16xi32> to vector<32xbf16>
        %parallel_loop3A_1663 = arith.mulf %parallel_loop3A_290, %parallel_loop3A_1662 : vector<32xbf16>
        %parallel_loop3A_1664 = arith.constant 16 : i32
        %parallel_loop3A_1665 = arith.muli %parallel_loop3A_232, %parallel_loop3A_1664 : i32
        %parallel_loop3A_1666 = arith.constant 13 : i32
        %parallel_loop3A_1667 = arith.addi %parallel_loop3A_1665, %parallel_loop3A_1666 : i32
        %parallel_loop3A_1668 = arith.constant 1 : i32
        %parallel_loop3A_1669 = arith.index_cast %parallel_loop3A_1668 : i32 to index
        %parallel_loop3A_1670 = arith.index_cast %parallel_loop3A_1667 : i32 to index
        %parallel_loop3A_1671 = arith.constant 96 : index
        %parallel_loop3A_1672 = tpu.vector_load %arg8[%parallel_loop3A_1669, %parallel_loop3A_1670, %parallel_loop3A_1671] {strides = array<i32>} : memref<2x128x128xi32, #tpu.memory_space<vmem>>, vector<16xi32>,
        %parallel_loop3A_1673 = vector.bitcast %parallel_loop3A_1672 : vector<16xi32> to vector<32xbf16>
        %parallel_loop3A_1674 = arith.mulf %parallel_loop3A_294, %parallel_loop3A_1673 : vector<32xbf16>
        %parallel_loop3A_1675 = arith.constant 16 : i32
        %parallel_loop3A_1676 = arith.muli %parallel_loop3A_232, %parallel_loop3A_1675 : i32
        %parallel_loop3A_1677 = arith.constant 14 : i32
        %parallel_loop3A_1678 = arith.addi %parallel_loop3A_1676, %parallel_loop3A_1677 : i32
        %parallel_loop3A_1679 = arith.constant 1 : i32
        %parallel_loop3A_1680 = arith.index_cast %parallel_loop3A_1679 : i32 to index
        %parallel_loop3A_1681 = arith.index_cast %parallel_loop3A_1678 : i32 to index
        %parallel_loop3A_1682 = arith.constant 96 : index
        %parallel_loop3A_1683 = tpu.vector_load %arg8[%parallel_loop3A_1680, %parallel_loop3A_1681, %parallel_loop3A_1682] {strides = array<i32>} : memref<2x128x128xi32, #tpu.memory_space<vmem>>, vector<16xi32>,
        %parallel_loop3A_1684 = vector.bitcast %parallel_loop3A_1683 : vector<16xi32> to vector<32xbf16>
        %parallel_loop3A_1685 = arith.mulf %parallel_loop3A_298, %parallel_loop3A_1684 : vector<32xbf16>
        %parallel_loop3A_1686 = arith.constant 16 : i32
        %parallel_loop3A_1687 = arith.muli %parallel_loop3A_232, %parallel_loop3A_1686 : i32
        %parallel_loop3A_1688 = arith.constant 15 : i32
        %parallel_loop3A_1689 = arith.addi %parallel_loop3A_1687, %parallel_loop3A_1688 : i32
        %parallel_loop3A_1690 = arith.constant 1 : i32
        %parallel_loop3A_1691 = arith.index_cast %parallel_loop3A_1690 : i32 to index
        %parallel_loop3A_1692 = arith.index_cast %parallel_loop3A_1689 : i32 to index
        %parallel_loop3A_1693 = arith.constant 96 : index
        %parallel_loop3A_1694 = tpu.vector_load %arg8[%parallel_loop3A_1691, %parallel_loop3A_1692, %parallel_loop3A_1693] {strides = array<i32>} : memref<2x128x128xi32, #tpu.memory_space<vmem>>, vector<16xi32>,
        %parallel_loop3A_1695 = vector.bitcast %parallel_loop3A_1694 : vector<16xi32> to vector<32xbf16>
        %parallel_loop3A_1696 = arith.mulf %parallel_loop3A_302, %parallel_loop3A_1695 : vector<32xbf16>
        %parallel_loop3A_1697 = arith.addf %parallel_loop3A_1531, %parallel_loop3A_1542 : vector<32xbf16>
        %parallel_loop3A_1698 = arith.addf %parallel_loop3A_1553, %parallel_loop3A_1564 : vector<32xbf16>
        %parallel_loop3A_1699 = arith.addf %parallel_loop3A_1575, %parallel_loop3A_1586 : vector<32xbf16>
        %parallel_loop3A_1700 = arith.addf %parallel_loop3A_1597, %parallel_loop3A_1608 : vector<32xbf16>
        %parallel_loop3A_1701 = arith.addf %parallel_loop3A_1619, %parallel_loop3A_1630 : vector<32xbf16>
        %parallel_loop3A_1702 = arith.addf %parallel_loop3A_1641, %parallel_loop3A_1652 : vector<32xbf16>
        %parallel_loop3A_1703 = arith.addf %parallel_loop3A_1663, %parallel_loop3A_1674 : vector<32xbf16>
        %parallel_loop3A_1704 = arith.addf %parallel_loop3A_1685, %parallel_loop3A_1696 : vector<32xbf16>
        %parallel_loop3A_1705 = arith.addf %parallel_loop3A_1697, %parallel_loop3A_1698 : vector<32xbf16>
        %parallel_loop3A_1706 = arith.addf %parallel_loop3A_1699, %parallel_loop3A_1700 : vector<32xbf16>
        %parallel_loop3A_1707 = arith.addf %parallel_loop3A_1701, %parallel_loop3A_1702 : vector<32xbf16>
        %parallel_loop3A_1708 = arith.addf %parallel_loop3A_1703, %parallel_loop3A_1704 : vector<32xbf16>
        %parallel_loop3A_1709 = arith.addf %parallel_loop3A_1705, %parallel_loop3A_1706 : vector<32xbf16>
        %parallel_loop3A_1710 = arith.addf %parallel_loop3A_1707, %parallel_loop3A_1708 : vector<32xbf16>
        %parallel_loop3A_1711 = arith.addf %parallel_loop3A_1709, %parallel_loop3A_1710 : vector<32xbf16>
        %parallel_loop3A_1712 = tpu.unpack_subelements %parallel_loop3A_1711, 0 {pack_format = #tpu.pack_format<interleaved>} : vector<32xbf16> -> vector<16xf32>
        %parallel_loop3A_1713 = tpu.unpack_subelements %parallel_loop3A_1711, 1 {pack_format = #tpu.pack_format<interleaved>} : vector<32xbf16> -> vector<16xf32>
        %parallel_loop3A_1714 = arith.constant 1 : i32
        %parallel_loop3A_1715 = arith.index_cast %parallel_loop3A_1714 : i32 to index
        %parallel_loop3A_1716 = arith.index_cast %parallel_loop3A_232 : i32 to index
        %parallel_loop3A_1717 = arith.constant 96 : index
        %parallel_loop3A_1718 = tpu.vector_load %arg9[%parallel_loop3A_1715, %parallel_loop3A_1716, %parallel_loop3A_1717] {strides = array<i32>} : memref<2x8x256xf32, #tpu.memory_space<vmem>>, vector<16xf32>,
        tpu.vector_store %arg9[%parallel_loop3A_1715, %parallel_loop3A_1716, %parallel_loop3A_1717], %parallel_loop3A_1712 {strides = array<i32>} : memref<2x8x256xf32, #tpu.memory_space<vmem>>, vector<16xf32>,
        %parallel_loop3A_1719 = arith.constant 1 : i32
        %parallel_loop3A_1720 = arith.index_cast %parallel_loop3A_1719 : i32 to index
        %parallel_loop3A_1721 = arith.index_cast %parallel_loop3A_232 : i32 to index
        %parallel_loop3A_1722 = arith.constant 224 : index
        %parallel_loop3A_1723 = tpu.vector_load %arg9[%parallel_loop3A_1720, %parallel_loop3A_1721, %parallel_loop3A_1722] {strides = array<i32>} : memref<2x8x256xf32, #tpu.memory_space<vmem>>, vector<16xf32>,
        tpu.vector_store %arg9[%parallel_loop3A_1720, %parallel_loop3A_1721, %parallel_loop3A_1722], %parallel_loop3A_1713 {strides = array<i32>} : memref<2x8x256xf32, #tpu.memory_space<vmem>>, vector<16xf32>,
        %parallel_loop3A_1724 = arith.constant 16 : i32
        %parallel_loop3A_1725 = arith.muli %parallel_loop3A_232, %parallel_loop3A_1724 : i32
        %parallel_loop3A_1726 = arith.constant 0 : i32
        %parallel_loop3A_1727 = arith.addi %parallel_loop3A_1725, %parallel_loop3A_1726 : i32
        %parallel_loop3A_1728 = arith.constant 1 : i32
        %parallel_loop3A_1729 = arith.index_cast %parallel_loop3A_1728 : i32 to index
        %parallel_loop3A_1730 = arith.index_cast %parallel_loop3A_1727 : i32 to index
        %parallel_loop3A_1731 = arith.constant 112 : index
        %parallel_loop3A_1732 = tpu.vector_load %arg8[%parallel_loop3A_1729, %parallel_loop3A_1730, %parallel_loop3A_1731] {strides = array<i32>} : memref<2x128x128xi32, #tpu.memory_space<vmem>>, vector<16xi32>,
        %parallel_loop3A_1733 = vector.bitcast %parallel_loop3A_1732 : vector<16xi32> to vector<32xbf16>
        %parallel_loop3A_1734 = arith.mulf %parallel_loop3A_242, %parallel_loop3A_1733 : vector<32xbf16>
        %parallel_loop3A_1735 = arith.constant 16 : i32
        %parallel_loop3A_1736 = arith.muli %parallel_loop3A_232, %parallel_loop3A_1735 : i32
        %parallel_loop3A_1737 = arith.constant 1 : i32
        %parallel_loop3A_1738 = arith.addi %parallel_loop3A_1736, %parallel_loop3A_1737 : i32
        %parallel_loop3A_1739 = arith.constant 1 : i32
        %parallel_loop3A_1740 = arith.index_cast %parallel_loop3A_1739 : i32 to index
        %parallel_loop3A_1741 = arith.index_cast %parallel_loop3A_1738 : i32 to index
        %parallel_loop3A_1742 = arith.constant 112 : index
        %parallel_loop3A_1743 = tpu.vector_load %arg8[%parallel_loop3A_1740, %parallel_loop3A_1741, %parallel_loop3A_1742] {strides = array<i32>} : memref<2x128x128xi32, #tpu.memory_space<vmem>>, vector<16xi32>,
        %parallel_loop3A_1744 = vector.bitcast %parallel_loop3A_1743 : vector<16xi32> to vector<32xbf16>
        %parallel_loop3A_1745 = arith.mulf %parallel_loop3A_246, %parallel_loop3A_1744 : vector<32xbf16>
        %parallel_loop3A_1746 = arith.constant 16 : i32
        %parallel_loop3A_1747 = arith.muli %parallel_loop3A_232, %parallel_loop3A_1746 : i32
        %parallel_loop3A_1748 = arith.constant 2 : i32
        %parallel_loop3A_1749 = arith.addi %parallel_loop3A_1747, %parallel_loop3A_1748 : i32
        %parallel_loop3A_1750 = arith.constant 1 : i32
        %parallel_loop3A_1751 = arith.index_cast %parallel_loop3A_1750 : i32 to index
        %parallel_loop3A_1752 = arith.index_cast %parallel_loop3A_1749 : i32 to index
        %parallel_loop3A_1753 = arith.constant 112 : index
        %parallel_loop3A_1754 = tpu.vector_load %arg8[%parallel_loop3A_1751, %parallel_loop3A_1752, %parallel_loop3A_1753] {strides = array<i32>} : memref<2x128x128xi32, #tpu.memory_space<vmem>>, vector<16xi32>,
        %parallel_loop3A_1755 = vector.bitcast %parallel_loop3A_1754 : vector<16xi32> to vector<32xbf16>
        %parallel_loop3A_1756 = arith.mulf %parallel_loop3A_250, %parallel_loop3A_1755 : vector<32xbf16>
        %parallel_loop3A_1757 = arith.constant 16 : i32
        %parallel_loop3A_1758 = arith.muli %parallel_loop3A_232, %parallel_loop3A_1757 : i32
        %parallel_loop3A_1759 = arith.constant 3 : i32
        %parallel_loop3A_1760 = arith.addi %parallel_loop3A_1758, %parallel_loop3A_1759 : i32
        %parallel_loop3A_1761 = arith.constant 1 : i32
        %parallel_loop3A_1762 = arith.index_cast %parallel_loop3A_1761 : i32 to index
        %parallel_loop3A_1763 = arith.index_cast %parallel_loop3A_1760 : i32 to index
        %parallel_loop3A_1764 = arith.constant 112 : index
        %parallel_loop3A_1765 = tpu.vector_load %arg8[%parallel_loop3A_1762, %parallel_loop3A_1763, %parallel_loop3A_1764] {strides = array<i32>} : memref<2x128x128xi32, #tpu.memory_space<vmem>>, vector<16xi32>,
        %parallel_loop3A_1766 = vector.bitcast %parallel_loop3A_1765 : vector<16xi32> to vector<32xbf16>
        %parallel_loop3A_1767 = arith.mulf %parallel_loop3A_254, %parallel_loop3A_1766 : vector<32xbf16>
        %parallel_loop3A_1768 = arith.constant 16 : i32
        %parallel_loop3A_1769 = arith.muli %parallel_loop3A_232, %parallel_loop3A_1768 : i32
        %parallel_loop3A_1770 = arith.constant 4 : i32
        %parallel_loop3A_1771 = arith.addi %parallel_loop3A_1769, %parallel_loop3A_1770 : i32
        %parallel_loop3A_1772 = arith.constant 1 : i32
        %parallel_loop3A_1773 = arith.index_cast %parallel_loop3A_1772 : i32 to index
        %parallel_loop3A_1774 = arith.index_cast %parallel_loop3A_1771 : i32 to index
        %parallel_loop3A_1775 = arith.constant 112 : index
        %parallel_loop3A_1776 = tpu.vector_load %arg8[%parallel_loop3A_1773, %parallel_loop3A_1774, %parallel_loop3A_1775] {strides = array<i32>} : memref<2x128x128xi32, #tpu.memory_space<vmem>>, vector<16xi32>,
        %parallel_loop3A_1777 = vector.bitcast %parallel_loop3A_1776 : vector<16xi32> to vector<32xbf16>
        %parallel_loop3A_1778 = arith.mulf %parallel_loop3A_258, %parallel_loop3A_1777 : vector<32xbf16>
        %parallel_loop3A_1779 = arith.constant 16 : i32
        %parallel_loop3A_1780 = arith.muli %parallel_loop3A_232, %parallel_loop3A_1779 : i32
        %parallel_loop3A_1781 = arith.constant 5 : i32
        %parallel_loop3A_1782 = arith.addi %parallel_loop3A_1780, %parallel_loop3A_1781 : i32
        %parallel_loop3A_1783 = arith.constant 1 : i32
        %parallel_loop3A_1784 = arith.index_cast %parallel_loop3A_1783 : i32 to index
        %parallel_loop3A_1785 = arith.index_cast %parallel_loop3A_1782 : i32 to index
        %parallel_loop3A_1786 = arith.constant 112 : index
        %parallel_loop3A_1787 = tpu.vector_load %arg8[%parallel_loop3A_1784, %parallel_loop3A_1785, %parallel_loop3A_1786] {strides = array<i32>} : memref<2x128x128xi32, #tpu.memory_space<vmem>>, vector<16xi32>,
        %parallel_loop3A_1788 = vector.bitcast %parallel_loop3A_1787 : vector<16xi32> to vector<32xbf16>
        %parallel_loop3A_1789 = arith.mulf %parallel_loop3A_262, %parallel_loop3A_1788 : vector<32xbf16>
        %parallel_loop3A_1790 = arith.constant 16 : i32
        %parallel_loop3A_1791 = arith.muli %parallel_loop3A_232, %parallel_loop3A_1790 : i32
        %parallel_loop3A_1792 = arith.constant 6 : i32
        %parallel_loop3A_1793 = arith.addi %parallel_loop3A_1791, %parallel_loop3A_1792 : i32
        %parallel_loop3A_1794 = arith.constant 1 : i32
        %parallel_loop3A_1795 = arith.index_cast %parallel_loop3A_1794 : i32 to index
        %parallel_loop3A_1796 = arith.index_cast %parallel_loop3A_1793 : i32 to index
        %parallel_loop3A_1797 = arith.constant 112 : index
        %parallel_loop3A_1798 = tpu.vector_load %arg8[%parallel_loop3A_1795, %parallel_loop3A_1796, %parallel_loop3A_1797] {strides = array<i32>} : memref<2x128x128xi32, #tpu.memory_space<vmem>>, vector<16xi32>,
        %parallel_loop3A_1799 = vector.bitcast %parallel_loop3A_1798 : vector<16xi32> to vector<32xbf16>
        %parallel_loop3A_1800 = arith.mulf %parallel_loop3A_266, %parallel_loop3A_1799 : vector<32xbf16>
        %parallel_loop3A_1801 = arith.constant 16 : i32
        %parallel_loop3A_1802 = arith.muli %parallel_loop3A_232, %parallel_loop3A_1801 : i32
        %parallel_loop3A_1803 = arith.constant 7 : i32
        %parallel_loop3A_1804 = arith.addi %parallel_loop3A_1802, %parallel_loop3A_1803 : i32
        %parallel_loop3A_1805 = arith.constant 1 : i32
        %parallel_loop3A_1806 = arith.index_cast %parallel_loop3A_1805 : i32 to index
        %parallel_loop3A_1807 = arith.index_cast %parallel_loop3A_1804 : i32 to index
        %parallel_loop3A_1808 = arith.constant 112 : index
        %parallel_loop3A_1809 = tpu.vector_load %arg8[%parallel_loop3A_1806, %parallel_loop3A_1807, %parallel_loop3A_1808] {strides = array<i32>} : memref<2x128x128xi32, #tpu.memory_space<vmem>>, vector<16xi32>,
        %parallel_loop3A_1810 = vector.bitcast %parallel_loop3A_1809 : vector<16xi32> to vector<32xbf16>
        %parallel_loop3A_1811 = arith.mulf %parallel_loop3A_270, %parallel_loop3A_1810 : vector<32xbf16>
        %parallel_loop3A_1812 = arith.constant 16 : i32
        %parallel_loop3A_1813 = arith.muli %parallel_loop3A_232, %parallel_loop3A_1812 : i32
        %parallel_loop3A_1814 = arith.constant 8 : i32
        %parallel_loop3A_1815 = arith.addi %parallel_loop3A_1813, %parallel_loop3A_1814 : i32
        %parallel_loop3A_1816 = arith.constant 1 : i32
        %parallel_loop3A_1817 = arith.index_cast %parallel_loop3A_1816 : i32 to index
        %parallel_loop3A_1818 = arith.index_cast %parallel_loop3A_1815 : i32 to index
        %parallel_loop3A_1819 = arith.constant 112 : index
        %parallel_loop3A_1820 = tpu.vector_load %arg8[%parallel_loop3A_1817, %parallel_loop3A_1818, %parallel_loop3A_1819] {strides = array<i32>} : memref<2x128x128xi32, #tpu.memory_space<vmem>>, vector<16xi32>,
        %parallel_loop3A_1821 = vector.bitcast %parallel_loop3A_1820 : vector<16xi32> to vector<32xbf16>
        %parallel_loop3A_1822 = arith.mulf %parallel_loop3A_274, %parallel_loop3A_1821 : vector<32xbf16>
        %parallel_loop3A_1823 = arith.constant 16 : i32
        %parallel_loop3A_1824 = arith.muli %parallel_loop3A_232, %parallel_loop3A_1823 : i32
        %parallel_loop3A_1825 = arith.constant 9 : i32
        %parallel_loop3A_1826 = arith.addi %parallel_loop3A_1824, %parallel_loop3A_1825 : i32
        %parallel_loop3A_1827 = arith.constant 1 : i32
        %parallel_loop3A_1828 = arith.index_cast %parallel_loop3A_1827 : i32 to index
        %parallel_loop3A_1829 = arith.index_cast %parallel_loop3A_1826 : i32 to index
        %parallel_loop3A_1830 = arith.constant 112 : index
        %parallel_loop3A_1831 = tpu.vector_load %arg8[%parallel_loop3A_1828, %parallel_loop3A_1829, %parallel_loop3A_1830] {strides = array<i32>} : memref<2x128x128xi32, #tpu.memory_space<vmem>>, vector<16xi32>,
        %parallel_loop3A_1832 = vector.bitcast %parallel_loop3A_1831 : vector<16xi32> to vector<32xbf16>
        %parallel_loop3A_1833 = arith.mulf %parallel_loop3A_278, %parallel_loop3A_1832 : vector<32xbf16>
        %parallel_loop3A_1834 = arith.constant 16 : i32
        %parallel_loop3A_1835 = arith.muli %parallel_loop3A_232, %parallel_loop3A_1834 : i32
        %parallel_loop3A_1836 = arith.constant 10 : i32
        %parallel_loop3A_1837 = arith.addi %parallel_loop3A_1835, %parallel_loop3A_1836 : i32
        %parallel_loop3A_1838 = arith.constant 1 : i32
        %parallel_loop3A_1839 = arith.index_cast %parallel_loop3A_1838 : i32 to index
        %parallel_loop3A_1840 = arith.index_cast %parallel_loop3A_1837 : i32 to index
        %parallel_loop3A_1841 = arith.constant 112 : index
        %parallel_loop3A_1842 = tpu.vector_load %arg8[%parallel_loop3A_1839, %parallel_loop3A_1840, %parallel_loop3A_1841] {strides = array<i32>} : memref<2x128x128xi32, #tpu.memory_space<vmem>>, vector<16xi32>,
        %parallel_loop3A_1843 = vector.bitcast %parallel_loop3A_1842 : vector<16xi32> to vector<32xbf16>
        %parallel_loop3A_1844 = arith.mulf %parallel_loop3A_282, %parallel_loop3A_1843 : vector<32xbf16>
        %parallel_loop3A_1845 = arith.constant 16 : i32
        %parallel_loop3A_1846 = arith.muli %parallel_loop3A_232, %parallel_loop3A_1845 : i32
        %parallel_loop3A_1847 = arith.constant 11 : i32
        %parallel_loop3A_1848 = arith.addi %parallel_loop3A_1846, %parallel_loop3A_1847 : i32
        %parallel_loop3A_1849 = arith.constant 1 : i32
        %parallel_loop3A_1850 = arith.index_cast %parallel_loop3A_1849 : i32 to index
        %parallel_loop3A_1851 = arith.index_cast %parallel_loop3A_1848 : i32 to index
        %parallel_loop3A_1852 = arith.constant 112 : index
        %parallel_loop3A_1853 = tpu.vector_load %arg8[%parallel_loop3A_1850, %parallel_loop3A_1851, %parallel_loop3A_1852] {strides = array<i32>} : memref<2x128x128xi32, #tpu.memory_space<vmem>>, vector<16xi32>,
        %parallel_loop3A_1854 = vector.bitcast %parallel_loop3A_1853 : vector<16xi32> to vector<32xbf16>
        %parallel_loop3A_1855 = arith.mulf %parallel_loop3A_286, %parallel_loop3A_1854 : vector<32xbf16>
        %parallel_loop3A_1856 = arith.constant 16 : i32
        %parallel_loop3A_1857 = arith.muli %parallel_loop3A_232, %parallel_loop3A_1856 : i32
        %parallel_loop3A_1858 = arith.constant 12 : i32
        %parallel_loop3A_1859 = arith.addi %parallel_loop3A_1857, %parallel_loop3A_1858 : i32
        %parallel_loop3A_1860 = arith.constant 1 : i32
        %parallel_loop3A_1861 = arith.index_cast %parallel_loop3A_1860 : i32 to index
        %parallel_loop3A_1862 = arith.index_cast %parallel_loop3A_1859 : i32 to index
        %parallel_loop3A_1863 = arith.constant 112 : index
        %parallel_loop3A_1864 = tpu.vector_load %arg8[%parallel_loop3A_1861, %parallel_loop3A_1862, %parallel_loop3A_1863] {strides = array<i32>} : memref<2x128x128xi32, #tpu.memory_space<vmem>>, vector<16xi32>,
        %parallel_loop3A_1865 = vector.bitcast %parallel_loop3A_1864 : vector<16xi32> to vector<32xbf16>
        %parallel_loop3A_1866 = arith.mulf %parallel_loop3A_290, %parallel_loop3A_1865 : vector<32xbf16>
        %parallel_loop3A_1867 = arith.constant 16 : i32
        %parallel_loop3A_1868 = arith.muli %parallel_loop3A_232, %parallel_loop3A_1867 : i32
        %parallel_loop3A_1869 = arith.constant 13 : i32
        %parallel_loop3A_1870 = arith.addi %parallel_loop3A_1868, %parallel_loop3A_1869 : i32
        %parallel_loop3A_1871 = arith.constant 1 : i32
        %parallel_loop3A_1872 = arith.index_cast %parallel_loop3A_1871 : i32 to index
        %parallel_loop3A_1873 = arith.index_cast %parallel_loop3A_1870 : i32 to index
        %parallel_loop3A_1874 = arith.constant 112 : index
        %parallel_loop3A_1875 = tpu.vector_load %arg8[%parallel_loop3A_1872, %parallel_loop3A_1873, %parallel_loop3A_1874] {strides = array<i32>} : memref<2x128x128xi32, #tpu.memory_space<vmem>>, vector<16xi32>,
        %parallel_loop3A_1876 = vector.bitcast %parallel_loop3A_1875 : vector<16xi32> to vector<32xbf16>
        %parallel_loop3A_1877 = arith.mulf %parallel_loop3A_294, %parallel_loop3A_1876 : vector<32xbf16>
        %parallel_loop3A_1878 = arith.constant 16 : i32
        %parallel_loop3A_1879 = arith.muli %parallel_loop3A_232, %parallel_loop3A_1878 : i32
        %parallel_loop3A_1880 = arith.constant 14 : i32
        %parallel_loop3A_1881 = arith.addi %parallel_loop3A_1879, %parallel_loop3A_1880 : i32
        %parallel_loop3A_1882 = arith.constant 1 : i32
        %parallel_loop3A_1883 = arith.index_cast %parallel_loop3A_1882 : i32 to index
        %parallel_loop3A_1884 = arith.index_cast %parallel_loop3A_1881 : i32 to index
        %parallel_loop3A_1885 = arith.constant 112 : index
        %parallel_loop3A_1886 = tpu.vector_load %arg8[%parallel_loop3A_1883, %parallel_loop3A_1884, %parallel_loop3A_1885] {strides = array<i32>} : memref<2x128x128xi32, #tpu.memory_space<vmem>>, vector<16xi32>,
        %parallel_loop3A_1887 = vector.bitcast %parallel_loop3A_1886 : vector<16xi32> to vector<32xbf16>
        %parallel_loop3A_1888 = arith.mulf %parallel_loop3A_298, %parallel_loop3A_1887 : vector<32xbf16>
        %parallel_loop3A_1889 = arith.constant 16 : i32
        %parallel_loop3A_1890 = arith.muli %parallel_loop3A_232, %parallel_loop3A_1889 : i32
        %parallel_loop3A_1891 = arith.constant 15 : i32
        %parallel_loop3A_1892 = arith.addi %parallel_loop3A_1890, %parallel_loop3A_1891 : i32
        %parallel_loop3A_1893 = arith.constant 1 : i32
        %parallel_loop3A_1894 = arith.index_cast %parallel_loop3A_1893 : i32 to index
        %parallel_loop3A_1895 = arith.index_cast %parallel_loop3A_1892 : i32 to index
        %parallel_loop3A_1896 = arith.constant 112 : index
        %parallel_loop3A_1897 = tpu.vector_load %arg8[%parallel_loop3A_1894, %parallel_loop3A_1895, %parallel_loop3A_1896] {strides = array<i32>} : memref<2x128x128xi32, #tpu.memory_space<vmem>>, vector<16xi32>,
        %parallel_loop3A_1898 = vector.bitcast %parallel_loop3A_1897 : vector<16xi32> to vector<32xbf16>
        %parallel_loop3A_1899 = arith.mulf %parallel_loop3A_302, %parallel_loop3A_1898 : vector<32xbf16>
        %parallel_loop3A_1900 = arith.addf %parallel_loop3A_1734, %parallel_loop3A_1745 : vector<32xbf16>
        %parallel_loop3A_1901 = arith.addf %parallel_loop3A_1756, %parallel_loop3A_1767 : vector<32xbf16>
        %parallel_loop3A_1902 = arith.addf %parallel_loop3A_1778, %parallel_loop3A_1789 : vector<32xbf16>
        %parallel_loop3A_1903 = arith.addf %parallel_loop3A_1800, %parallel_loop3A_1811 : vector<32xbf16>
        %parallel_loop3A_1904 = arith.addf %parallel_loop3A_1822, %parallel_loop3A_1833 : vector<32xbf16>
        %parallel_loop3A_1905 = arith.addf %parallel_loop3A_1844, %parallel_loop3A_1855 : vector<32xbf16>
        %parallel_loop3A_1906 = arith.addf %parallel_loop3A_1866, %parallel_loop3A_1877 : vector<32xbf16>
        %parallel_loop3A_1907 = arith.addf %parallel_loop3A_1888, %parallel_loop3A_1899 : vector<32xbf16>
        %parallel_loop3A_1908 = arith.addf %parallel_loop3A_1900, %parallel_loop3A_1901 : vector<32xbf16>
        %parallel_loop3A_1909 = arith.addf %parallel_loop3A_1902, %parallel_loop3A_1903 : vector<32xbf16>
        %parallel_loop3A_1910 = arith.addf %parallel_loop3A_1904, %parallel_loop3A_1905 : vector<32xbf16>
        %parallel_loop3A_1911 = arith.addf %parallel_loop3A_1906, %parallel_loop3A_1907 : vector<32xbf16>
        %parallel_loop3A_1912 = arith.addf %parallel_loop3A_1908, %parallel_loop3A_1909 : vector<32xbf16>
        %parallel_loop3A_1913 = arith.addf %parallel_loop3A_1910, %parallel_loop3A_1911 : vector<32xbf16>
        %parallel_loop3A_1914 = arith.addf %parallel_loop3A_1912, %parallel_loop3A_1913 : vector<32xbf16>
        %parallel_loop3A_1915 = tpu.unpack_subelements %parallel_loop3A_1914, 0 {pack_format = #tpu.pack_format<interleaved>} : vector<32xbf16> -> vector<16xf32>
        %parallel_loop3A_1916 = tpu.unpack_subelements %parallel_loop3A_1914, 1 {pack_format = #tpu.pack_format<interleaved>} : vector<32xbf16> -> vector<16xf32>
        %parallel_loop3A_1917 = arith.constant 1 : i32
        %parallel_loop3A_1918 = arith.index_cast %parallel_loop3A_1917 : i32 to index
        %parallel_loop3A_1919 = arith.index_cast %parallel_loop3A_232 : i32 to index
        %parallel_loop3A_1920 = arith.constant 112 : index
        %parallel_loop3A_1921 = tpu.vector_load %arg9[%parallel_loop3A_1918, %parallel_loop3A_1919, %parallel_loop3A_1920] {strides = array<i32>} : memref<2x8x256xf32, #tpu.memory_space<vmem>>, vector<16xf32>,
        tpu.vector_store %arg9[%parallel_loop3A_1918, %parallel_loop3A_1919, %parallel_loop3A_1920], %parallel_loop3A_1915 {strides = array<i32>} : memref<2x8x256xf32, #tpu.memory_space<vmem>>, vector<16xf32>,
        %parallel_loop3A_1922 = arith.constant 1 : i32
        %parallel_loop3A_1923 = arith.index_cast %parallel_loop3A_1922 : i32 to index
        %parallel_loop3A_1924 = arith.index_cast %parallel_loop3A_232 : i32 to index
        %parallel_loop3A_1925 = arith.constant 240 : index
        %parallel_loop3A_1926 = tpu.vector_load %arg9[%parallel_loop3A_1923, %parallel_loop3A_1924, %parallel_loop3A_1925] {strides = array<i32>} : memref<2x8x256xf32, #tpu.memory_space<vmem>>, vector<16xf32>,
        tpu.vector_store %arg9[%parallel_loop3A_1923, %parallel_loop3A_1924, %parallel_loop3A_1925], %parallel_loop3A_1916 {strides = array<i32>} : memref<2x8x256xf32, #tpu.memory_space<vmem>>, vector<16xf32>,
      } {sc.loop_unroll_factor = 2 : i64, sc.parallel_access}
      %mul3A_209 = arith.constant 8 : i32
      %mul3A_210 = arith.muli %add3A_181, %mul3A_209 : i32
      %add3A_211 = arith.addi %mul3A_4, %mul3A_210 : i32
      %dma_start3A_212 = arith.constant 1 : i32
      %dma_start3A_213 = arith.constant 0 : i32
      %dma_start3A_214 = arith.constant 0 : i32
      %dma_start3A_215 = tpu.memref_slice %arg9[%dma_start3A_212, %dma_start3A_213, %dma_start3A_214] : memref<2x8x256xf32, #tpu.memory_space<vmem>> -> memref<1x8x256xf32, #tpu.memory_space<vmem>>
      %dma_start3A_216 = tpu.memref_squeeze %dma_start3A_215 : memref<1x8x256xf32, #tpu.memory_space<vmem>> -> memref<8x256xf32, #tpu.memory_space<vmem>>
      %dma_start3A_217 = arith.constant 0 : i32
      %dma_start3A_218 = tpu.memref_slice %arg5[%add3A_211, %dma_start3A_217] : memref<49152x256xf32, #tpu.memory_space<hbm>> -> memref<8x256xf32, #tpu.memory_space<hbm>>
      %dma_start3A_219 = arith.constant 0 : i32
      %dma_start3A_220 = tpu.memref_slice %arg5[%add3A_211, %dma_start3A_219] : memref<49152x256xf32, #tpu.memory_space<hbm>> -> memref<8x256xf32, #tpu.memory_space<hbm>>
      %dma_start3A_221 = arith.constant 0 : i32
      %dma_start3A_222 = arith.constant 0 : i32
      %dma_start3A_223 = tpu.memref_slice %arg9[%dma_start3A_212, %dma_start3A_221, %dma_start3A_222] : memref<2x8x256xf32, #tpu.memory_space<vmem>> -> memref<1x8x256xf32, #tpu.memory_space<vmem>>
      %dma_start3A_224 = tpu.memref_squeeze %dma_start3A_223 : memref<1x8x256xf32, #tpu.memory_space<vmem>> -> memref<8x256xf32, #tpu.memory_space<vmem>>
      tpu.enqueue_dma source(%dma_start3A_224 : memref<8x256xf32, #tpu.memory_space<vmem>>) target(%dma_start3A_220 : memref<8x256xf32, #tpu.memory_space<hbm>>) target_semaphore(%arg17 : memref<!tpu.dma_semaphore, #tpu.memory_space<semaphore_mem>>)
      %add3A_225 = arith.constant 2 : i32
      %add3A_226 = arith.addi %add3A_181, %add3A_225 : i32
      %lt3A_227 = arith.constant 192 : i32
      %lt3A_228 = arith.cmpi slt, %add3A_226, %lt3A_227 : i32
      %convert_element_type3A_229 = arith.extui %lt3A_228 : i1 to i32
      %cond3A_230 = arith.constant 0 : i32
      %cond3A_231 = arith.cmpi ne, %convert_element_type3A_229, %cond3A_230 : i32
      scf.if %cond3A_231 {
        %add3A_232 = arith.addi %mul3A_2, %add3A_181 : i32
        %add3A_233 = arith.constant 2 : i32
        %add3A_234 = arith.addi %add3A_232, %add3A_233 : i32
        %dma_start3A_235 = arith.constant 1 : i32
        %dma_start3A_236 = arith.constant 0 : i32
        %dma_start3A_237 = tpu.memref_slice %arg6[%dma_start3A_235, %dma_start3A_236] : memref<2x128xi32, #tpu.memory_space<vmem>> -> memref<1x128xi32, #tpu.memory_space<vmem>>
        %dma_start3A_238 = tpu.memref_squeeze %dma_start3A_237 : memref<1x128xi32, #tpu.memory_space<vmem>> -> memref<128xi32, #tpu.memory_space<vmem>>
        %dma_start3A_239 = arith.constant 0 : i32
        %dma_start3A_240 = tpu.memref_slice %arg3[%add3A_234, %dma_start3A_239] : memref<6144x128xi32, #tpu.memory_space<hbm>> -> memref<1x128xi32, #tpu.memory_space<hbm>>
        %dma_start3A_241 = tpu.memref_squeeze %dma_start3A_240 : memref<1x128xi32, #tpu.memory_space<hbm>> -> memref<128xi32, #tpu.memory_space<hbm>>
        %dma_start3A_242 = arith.constant 0 : i32
        %dma_start3A_243 = tpu.memref_slice %arg6[%dma_start3A_235, %dma_start3A_242] : memref<2x128xi32, #tpu.memory_space<vmem>> -> memref<1x128xi32, #tpu.memory_space<vmem>>
        %dma_start3A_244 = tpu.memref_squeeze %dma_start3A_243 : memref<1x128xi32, #tpu.memory_space<vmem>> -> memref<128xi32, #tpu.memory_space<vmem>>
        %dma_start3A_245 = arith.constant 0 : i32
        %dma_start3A_246 = tpu.memref_slice %arg3[%add3A_234, %dma_start3A_245] : memref<6144x128xi32, #tpu.memory_space<hbm>> -> memref<1x128xi32, #tpu.memory_space<hbm>>
        %dma_start3A_247 = tpu.memref_squeeze %dma_start3A_246 : memref<1x128xi32, #tpu.memory_space<hbm>> -> memref<128xi32, #tpu.memory_space<hbm>>
        tpu.enqueue_dma source(%dma_start3A_247 : memref<128xi32, #tpu.memory_space<hbm>>) target(%dma_start3A_244 : memref<128xi32, #tpu.memory_space<vmem>>) target_semaphore(%arg11 : memref<!tpu.dma_semaphore, #tpu.memory_space<semaphore_mem>>)
        %add3A_248 = arith.addi %mul3A_2, %add3A_181 : i32
        %add3A_249 = arith.constant 2 : i32
        %add3A_250 = arith.addi %add3A_248, %add3A_249 : i32
        %dma_start3A_251 = arith.constant 1 : i32
        %dma_start3A_252 = arith.constant 0 : i32
        %dma_start3A_253 = tpu.memref_slice %arg7[%dma_start3A_251, %dma_start3A_252] : memref<2x128xf32, #tpu.memory_space<vmem>> -> memref<1x128xf32, #tpu.memory_space<vmem>>
        %dma_start3A_254 = tpu.memref_squeeze %dma_start3A_253 : memref<1x128xf32, #tpu.memory_space<vmem>> -> memref<128xf32, #tpu.memory_space<vmem>>
        %dma_start3A_255 = arith.constant 0 : i32
        %dma_start3A_256 = tpu.memref_slice %arg4[%add3A_250, %dma_start3A_255] : memref<6144x128xf32, #tpu.memory_space<hbm>> -> memref<1x128xf32, #tpu.memory_space<hbm>>
        %dma_start3A_257 = tpu.memref_squeeze %dma_start3A_256 : memref<1x128xf32, #tpu.memory_space<hbm>> -> memref<128xf32, #tpu.memory_space<hbm>>
        %dma_start3A_258 = arith.constant 0 : i32
        %dma_start3A_259 = tpu.memref_slice %arg7[%dma_start3A_251, %dma_start3A_258] : memref<2x128xf32, #tpu.memory_space<vmem>> -> memref<1x128xf32, #tpu.memory_space<vmem>>
        %dma_start3A_260 = tpu.memref_squeeze %dma_start3A_259 : memref<1x128xf32, #tpu.memory_space<vmem>> -> memref<128xf32, #tpu.memory_space<vmem>>
        %dma_start3A_261 = arith.constant 0 : i32
        %dma_start3A_262 = tpu.memref_slice %arg4[%add3A_250, %dma_start3A_261] : memref<6144x128xf32, #tpu.memory_space<hbm>> -> memref<1x128xf32, #tpu.memory_space<hbm>>
        %dma_start3A_263 = tpu.memref_squeeze %dma_start3A_262 : memref<1x128xf32, #tpu.memory_space<hbm>> -> memref<128xf32, #tpu.memory_space<hbm>>
        tpu.enqueue_dma source(%dma_start3A_263 : memref<128xf32, #tpu.memory_space<hbm>>) target(%dma_start3A_260 : memref<128xf32, #tpu.memory_space<vmem>>) target_semaphore(%arg13 : memref<!tpu.dma_semaphore, #tpu.memory_space<semaphore_mem>>)
      } else {
      }
    }
    %scan3A_101 = arith.constant 96 : i32
    %dma_wait3A_102 = arith.constant 0 : i32
    %dma_wait3A_103 = arith.constant 0 : i32
    %dma_wait3A_104 = arith.constant 0 : i32
    %dma_wait3A_105 = tpu.memref_slice %arg9[%dma_wait3A_102, %dma_wait3A_103, %dma_wait3A_104] : memref<2x8x256xf32, #tpu.memory_space<vmem>> -> memref<1x8x256xf32, #tpu.memory_space<vmem>>
    %dma_wait3A_106 = tpu.memref_squeeze %dma_wait3A_105 : memref<1x8x256xf32, #tpu.memory_space<vmem>> -> memref<8x256xf32, #tpu.memory_space<vmem>>
    %dma_wait3A_107 = arith.constant 0 : i32
    %dma_wait3A_108 = tpu.memref_slice %arg5[%mul3A_4, %dma_wait3A_107] : memref<49152x256xf32, #tpu.memory_space<hbm>> -> memref<8x256xf32, #tpu.memory_space<hbm>>
    %dma_wait3A_109 = arith.constant 0 : i32
    %dma_wait3A_110 = tpu.memref_slice %arg5[%mul3A_4, %dma_wait3A_109] : memref<49152x256xf32, #tpu.memory_space<hbm>> -> memref<8x256xf32, #tpu.memory_space<hbm>>
    %dma_wait3A_111 = arith.constant 0 : i32
    %dma_wait3A_112 = arith.constant 0 : i32
    %dma_wait3A_113 = tpu.memref_slice %arg9[%dma_wait3A_102, %dma_wait3A_111, %dma_wait3A_112] : memref<2x8x256xf32, #tpu.memory_space<vmem>> -> memref<1x8x256xf32, #tpu.memory_space<vmem>>
    %dma_wait3A_114 = tpu.memref_squeeze %dma_wait3A_113 : memref<1x8x256xf32, #tpu.memory_space<vmem>> -> memref<8x256xf32, #tpu.memory_space<vmem>>
    tpu.wait_dma2 semaphore(%arg16 : memref<!tpu.dma_semaphore, #tpu.memory_space<semaphore_mem>>) src(%dma_wait3A_114 : memref<8x256xf32, #tpu.memory_space<vmem>>) dst(%dma_wait3A_110 : memref<8x256xf32, #tpu.memory_space<hbm>>)
    %dma_wait3A_115 = arith.constant 1 : i32
    %dma_wait3A_116 = arith.constant 0 : i32
    %dma_wait3A_117 = arith.constant 0 : i32
    %dma_wait3A_118 = tpu.memref_slice %arg9[%dma_wait3A_115, %dma_wait3A_116, %dma_wait3A_117] : memref<2x8x256xf32, #tpu.memory_space<vmem>> -> memref<1x8x256xf32, #tpu.memory_space<vmem>>
    %dma_wait3A_119 = tpu.memref_squeeze %dma_wait3A_118 : memref<1x8x256xf32, #tpu.memory_space<vmem>> -> memref<8x256xf32, #tpu.memory_space<vmem>>
    %dma_wait3A_120 = arith.constant 0 : i32
    %dma_wait3A_121 = tpu.memref_slice %arg5[%mul3A_4, %dma_wait3A_120] : memref<49152x256xf32, #tpu.memory_space<hbm>> -> memref<8x256xf32, #tpu.memory_space<hbm>>
    %dma_wait3A_122 = arith.constant 0 : i32
    %dma_wait3A_123 = tpu.memref_slice %arg5[%mul3A_4, %dma_wait3A_122] : memref<49152x256xf32, #tpu.memory_space<hbm>> -> memref<8x256xf32, #tpu.memory_space<hbm>>
    %dma_wait3A_124 = arith.constant 0 : i32
    %dma_wait3A_125 = arith.constant 0 : i32
    %dma_wait3A_126 = tpu.memref_slice %arg9[%dma_wait3A_115, %dma_wait3A_124, %dma_wait3A_125] : memref<2x8x256xf32, #tpu.memory_space<vmem>> -> memref<1x8x256xf32, #tpu.memory_space<vmem>>
    %dma_wait3A_127 = tpu.memref_squeeze %dma_wait3A_126 : memref<1x8x256xf32, #tpu.memory_space<vmem>> -> memref<8x256xf32, #tpu.memory_space<vmem>>
    tpu.wait_dma2 semaphore(%arg17 : memref<!tpu.dma_semaphore, #tpu.memory_space<semaphore_mem>>) src(%dma_wait3A_127 : memref<8x256xf32, #tpu.memory_space<vmem>>) dst(%dma_wait3A_123 : memref<8x256xf32, #tpu.memory_space<hbm>>)
    return
  }
}

module attributes {stable_mosaic.version = 14 : i64} {
  func.func @_coeff_kernel(%arg0: memref<8x1024xf32, #tpu.memory_space<vmem>>, %arg1: memref<16x49x1024xi32, #tpu.memory_space<vmem>>, %arg2: memref<16x49x1024xf32, #tpu.memory_space<vmem>>) attributes {dimension_semantics = [], scalar_prefetch = 0 : i64, scratch_operands = 0 : i64, tpu.core_type = #tpu.core_type<tc>} {
    %get3A = arith.constant 0 : index
    %get3A_0 = arith.constant 0 : index
    %get3A_1 = vector.load %arg0[%get3A, %get3A_0] : memref<8x1024xf32, #tpu.memory_space<vmem>>, vector<1x1024xf32>
    %convert_element_type3A = arith.fptosi %get3A_1 : vector<1x1024xf32> to vector<1x1024xi32>
    %get3A_2 = arith.constant 1 : index
    %get3A_3 = arith.constant 0 : index
    %get3A_4 = vector.load %arg0[%get3A_2, %get3A_3] : memref<8x1024xf32, #tpu.memory_space<vmem>>, vector<1x1024xf32>
    %mul3A = arith.constant 1.250000e-01 : f32
    %mul3A_5 = vector.broadcast %mul3A : f32 to vector<1x1024xf32>
    %mul3A_6 = arith.mulf %get3A_4, %mul3A_5 : vector<1x1024xf32>
    %get3A_7 = arith.constant 2 : index
    %get3A_8 = arith.constant 0 : index
    %get3A_9 = vector.load %arg0[%get3A_7, %get3A_8] : memref<8x1024xf32, #tpu.memory_space<vmem>>, vector<1x1024xf32>
    %mul3A_10 = arith.constant 1.250000e-01 : f32
    %mul3A_11 = vector.broadcast %mul3A_10 : f32 to vector<1x1024xf32>
    %mul3A_12 = arith.mulf %get3A_9, %mul3A_11 : vector<1x1024xf32>
    %get3A_13 = arith.constant 3 : index
    %get3A_14 = arith.constant 0 : index
    %get3A_15 = vector.load %arg0[%get3A_13, %get3A_14] : memref<8x1024xf32, #tpu.memory_space<vmem>>, vector<1x1024xf32>
    %mul3A_16 = arith.constant 1.250000e-01 : f32
    %mul3A_17 = vector.broadcast %mul3A_16 : f32 to vector<1x1024xf32>
    %mul3A_18 = arith.mulf %get3A_15, %mul3A_17 : vector<1x1024xf32>
    %max3A = arith.constant 1.000000e+00 : f32
    %max3A_19 = vector.broadcast %max3A : f32 to vector<1x1024xf32>
    %max3A_20 = arith.maximumf %mul3A_18, %max3A_19 : vector<1x1024xf32>
    %get3A_21 = arith.constant 4 : index
    %get3A_22 = arith.constant 0 : index
    %get3A_23 = vector.load %arg0[%get3A_21, %get3A_22] : memref<8x1024xf32, #tpu.memory_space<vmem>>, vector<1x1024xf32>
    %mul3A_24 = arith.constant 1.250000e-01 : f32
    %mul3A_25 = vector.broadcast %mul3A_24 : f32 to vector<1x1024xf32>
    %mul3A_26 = arith.mulf %get3A_23, %mul3A_25 : vector<1x1024xf32>
    %max3A_27 = arith.constant 1.000000e+00 : f32
    %max3A_28 = vector.broadcast %max3A_27 : f32 to vector<1x1024xf32>
    %max3A_29 = arith.maximumf %mul3A_26, %max3A_28 : vector<1x1024xf32>
    %get3A_30 = arith.constant 5 : index
    %get3A_31 = arith.constant 0 : index
    %get3A_32 = vector.load %arg0[%get3A_30, %get3A_31] : memref<8x1024xf32, #tpu.memory_space<vmem>>, vector<1x1024xf32>
    %cos3A = math.cos %get3A_32 : vector<1x1024xf32>
    %sin3A = math.sin %get3A_32 : vector<1x1024xf32>
    %div3A = arith.constant 7.000000e+00 : f32
    %div3A_33 = vector.broadcast %div3A : f32 to vector<1x1024xf32>
    %div3A_34 = arith.divf %max3A_29, %div3A_33 : vector<1x1024xf32>
    %div3A_35 = arith.constant 7.000000e+00 : f32
    %div3A_36 = vector.broadcast %div3A_35 : f32 to vector<1x1024xf32>
    %div3A_37 = arith.divf %max3A_20, %div3A_36 : vector<1x1024xf32>
    %iota3A = tpu.iota {dimensions = array<i32: 0>} : vector<49x1024xi32>
    %jit3A = arith.constant 7 : i32
    %div3A_38 = vector.broadcast %jit3A : i32 to vector<49x1024xi32>
    %div3A_39 = arith.divsi %iota3A, %div3A_38 : vector<49x1024xi32>
    %sign3A = arith.constant 0 : i32
    %sign3A_40 = vector.broadcast %sign3A : i32 to vector<49x1024xi32>
    %sign3A_41 = arith.cmpi sgt, %iota3A, %sign3A_40 : vector<49x1024xi32>
    %sign3A_42 = arith.extui %sign3A_41 : vector<49x1024xi1> to vector<49x1024xi32>
    %sign3A_43 = arith.constant 0 : i32
    %sign3A_44 = vector.broadcast %sign3A_43 : i32 to vector<49x1024xi32>
    %sign3A_45 = arith.cmpi slt, %iota3A, %sign3A_44 : vector<49x1024xi32>
    %sign3A_46 = arith.extui %sign3A_45 : vector<49x1024xi1> to vector<49x1024xi32>
    %sign3A_47 = arith.subi %sign3A_42, %sign3A_46 : vector<49x1024xi32>
    %sign3A_48 = arith.constant 0 : i32
    %sign3A_49 = arith.cmpi sgt, %jit3A, %sign3A_48 : i32
    %sign3A_50 = arith.extui %sign3A_49 : i1 to i32
    %sign3A_51 = arith.constant 0 : i32
    %sign3A_52 = arith.cmpi slt, %jit3A, %sign3A_51 : i32
    %sign3A_53 = arith.extui %sign3A_52 : i1 to i32
    %sign3A_54 = arith.subi %sign3A_50, %sign3A_53 : i32
    %ne3A = vector.broadcast %sign3A_54 : i32 to vector<49x1024xi32>
    %ne3A_55 = arith.cmpi ne, %sign3A_47, %ne3A : vector<49x1024xi32>
    %rem3A = vector.broadcast %jit3A : i32 to vector<49x1024xi32>
    %rem3A_56 = arith.remsi %iota3A, %rem3A : vector<49x1024xi32>
    %ne3A_57 = arith.constant 0 : i32
    %ne3A_58 = vector.broadcast %ne3A_57 : i32 to vector<49x1024xi32>
    %ne3A_59 = arith.cmpi ne, %rem3A_56, %ne3A_58 : vector<49x1024xi32>
    %and3A = arith.andi %ne3A_55, %ne3A_59 : vector<49x1024xi1>
    %sub3A = arith.constant 1 : i32
    %sub3A_60 = vector.broadcast %sub3A : i32 to vector<49x1024xi32>
    %sub3A_61 = arith.subi %div3A_39, %sub3A_60 : vector<49x1024xi32>
    %select_n3A = arith.select %and3A, %sub3A_61, %div3A_39 : vector<49x1024xi1>, vector<49x1024xi32>
    %convert_element_type3A_62 = arith.sitofp %select_n3A : vector<49x1024xi32> to vector<49x1024xf32>
    %jit3A_63 = arith.constant 7 : i32
    %eq3A = arith.constant 0 : i32
    %eq3A_64 = arith.cmpi eq, %jit3A_63, %eq3A : i32
    %jit3A_65 = arith.constant 1 : i32
    %select_n3A_66 = arith.select %eq3A_64, %jit3A_65, %jit3A_63 : i32
    %rem3A_67 = vector.broadcast %select_n3A_66 : i32 to vector<49x1024xi32>
    %rem3A_68 = arith.remsi %iota3A, %rem3A_67 : vector<49x1024xi32>
    %ne3A_69 = arith.constant 0 : i32
    %ne3A_70 = vector.broadcast %ne3A_69 : i32 to vector<49x1024xi32>
    %ne3A_71 = arith.cmpi ne, %rem3A_68, %ne3A_70 : vector<49x1024xi32>
    %lt3A = arith.constant 0 : i32
    %lt3A_72 = vector.broadcast %lt3A : i32 to vector<49x1024xi32>
    %lt3A_73 = arith.cmpi slt, %rem3A_68, %lt3A_72 : vector<49x1024xi32>
    %lt3A_74 = arith.constant 0 : i32
    %lt3A_75 = arith.cmpi slt, %select_n3A_66, %lt3A_74 : i32
    %ne3A_76 = vector.broadcast %lt3A_75 : i1 to vector<49x1024xi1>
    %ne3A_77 = vector.broadcast %ne3A_76 : vector<49x1024xi1> to vector<49x1024xi1>
    %ne3A_78 = arith.xori %lt3A_73, %ne3A_77 : vector<49x1024xi1>
    %and3A_79 = arith.andi %ne3A_78, %ne3A_71 : vector<49x1024xi1>
    %add3A = vector.broadcast %select_n3A_66 : i32 to vector<49x1024xi32>
    %add3A_80 = arith.addi %rem3A_68, %add3A : vector<49x1024xi32>
    %select_n3A_81 = arith.select %and3A_79, %add3A_80, %rem3A_68 : vector<49x1024xi1>, vector<49x1024xi32>
    %convert_element_type3A_82 = arith.sitofp %select_n3A_81 : vector<49x1024xi32> to vector<49x1024xf32>
    %neg3A = arith.constant 0.000000e+00 : f32
    %neg3A_83 = vector.broadcast %neg3A : f32 to vector<1x1024xf32>
    %neg3A_84 = arith.subf %neg3A_83, %max3A_29 : vector<1x1024xf32>
    %mul3A_85 = arith.constant 5.000000e-01 : f32
    %mul3A_86 = vector.broadcast %mul3A_85 : f32 to vector<1x1024xf32>
    %mul3A_87 = arith.mulf %neg3A_84, %mul3A_86 : vector<1x1024xf32>
    %add3A_88 = arith.constant 2.500000e-01 : f32
    %add3A_89 = vector.broadcast %add3A_88 : f32 to vector<49x1024xf32>
    %add3A_90 = arith.addf %convert_element_type3A_62, %add3A_89 : vector<49x1024xf32>
    %mul3A_91 = vector.broadcast %div3A_34 : vector<1x1024xf32> to vector<49x1024xf32>
    %mul3A_92 = arith.mulf %add3A_90, %mul3A_91 : vector<49x1024xf32>
    %add3A_93 = vector.broadcast %mul3A_87 : vector<1x1024xf32> to vector<49x1024xf32>
    %add3A_94 = arith.addf %add3A_93, %mul3A_92 : vector<49x1024xf32>
    %neg3A_95 = arith.constant 0.000000e+00 : f32
    %neg3A_96 = vector.broadcast %neg3A_95 : f32 to vector<1x1024xf32>
    %neg3A_97 = arith.subf %neg3A_96, %max3A_20 : vector<1x1024xf32>
    %mul3A_98 = arith.constant 5.000000e-01 : f32
    %mul3A_99 = vector.broadcast %mul3A_98 : f32 to vector<1x1024xf32>
    %mul3A_100 = arith.mulf %neg3A_97, %mul3A_99 : vector<1x1024xf32>
    %add3A_101 = arith.constant 2.500000e-01 : f32
    %add3A_102 = vector.broadcast %add3A_101 : f32 to vector<49x1024xf32>
    %add3A_103 = arith.addf %convert_element_type3A_82, %add3A_102 : vector<49x1024xf32>
    %mul3A_104 = vector.broadcast %div3A_37 : vector<1x1024xf32> to vector<49x1024xf32>
    %mul3A_105 = arith.mulf %add3A_103, %mul3A_104 : vector<49x1024xf32>
    %add3A_106 = vector.broadcast %mul3A_100 : vector<1x1024xf32> to vector<49x1024xf32>
    %add3A_107 = arith.addf %add3A_106, %mul3A_105 : vector<49x1024xf32>
    %mul3A_108 = vector.broadcast %cos3A : vector<1x1024xf32> to vector<49x1024xf32>
    %mul3A_109 = arith.mulf %add3A_107, %mul3A_108 : vector<49x1024xf32>
    %mul3A_110 = vector.broadcast %sin3A : vector<1x1024xf32> to vector<49x1024xf32>
    %mul3A_111 = arith.mulf %add3A_94, %mul3A_110 : vector<49x1024xf32>
    %sub3A_112 = arith.subf %mul3A_109, %mul3A_111 : vector<49x1024xf32>
    %add3A_113 = vector.broadcast %mul3A_6 : vector<1x1024xf32> to vector<49x1024xf32>
    %add3A_114 = arith.addf %sub3A_112, %add3A_113 : vector<49x1024xf32>
    %mul3A_115 = vector.broadcast %sin3A : vector<1x1024xf32> to vector<49x1024xf32>
    %mul3A_116 = arith.mulf %add3A_107, %mul3A_115 : vector<49x1024xf32>
    %mul3A_117 = vector.broadcast %cos3A : vector<1x1024xf32> to vector<49x1024xf32>
    %mul3A_118 = arith.mulf %add3A_94, %mul3A_117 : vector<49x1024xf32>
    %add3A_119 = arith.addf %mul3A_116, %mul3A_118 : vector<49x1024xf32>
    %add3A_120 = vector.broadcast %mul3A_12 : vector<1x1024xf32> to vector<49x1024xf32>
    %add3A_121 = arith.addf %add3A_119, %add3A_120 : vector<49x1024xf32>
    %gt3A = arith.constant -1.000000e+00 : f32
    %gt3A_122 = vector.broadcast %gt3A : f32 to vector<49x1024xf32>
    %gt3A_123 = arith.cmpf ogt, %add3A_121, %gt3A_122 : vector<49x1024xf32>
    %lt3A_124 = arith.constant 1.600000e+02 : f32
    %lt3A_125 = vector.broadcast %lt3A_124 : f32 to vector<49x1024xf32>
    %lt3A_126 = arith.cmpf olt, %add3A_121, %lt3A_125 : vector<49x1024xf32>
    %and3A_127 = arith.andi %gt3A_123, %lt3A_126 : vector<49x1024xi1>
    %gt3A_128 = arith.constant -1.000000e+00 : f32
    %gt3A_129 = vector.broadcast %gt3A_128 : f32 to vector<49x1024xf32>
    %gt3A_130 = arith.cmpf ogt, %add3A_114, %gt3A_129 : vector<49x1024xf32>
    %and3A_131 = arith.andi %and3A_127, %gt3A_130 : vector<49x1024xi1>
    %lt3A_132 = arith.constant 1.600000e+02 : f32
    %lt3A_133 = vector.broadcast %lt3A_132 : f32 to vector<49x1024xf32>
    %lt3A_134 = arith.cmpf olt, %add3A_114, %lt3A_133 : vector<49x1024xf32>
    %and3A_135 = arith.andi %and3A_131, %lt3A_134 : vector<49x1024xi1>
    %jit3A_136 = arith.constant 0.000000e+00 : f32
    %jit3A_137 = arith.constant 1.590000e+02 : f32
    %max3A_138 = vector.broadcast %jit3A_136 : f32 to vector<49x1024xf32>
    %max3A_139 = arith.maximumf %max3A_138, %add3A_121 : vector<49x1024xf32>
    %min3A = vector.broadcast %jit3A_137 : f32 to vector<49x1024xf32>
    %min3A_140 = arith.minimumf %min3A, %max3A_139 : vector<49x1024xf32>
    %jit3A_141 = arith.constant 0.000000e+00 : f32
    %jit3A_142 = arith.constant 1.590000e+02 : f32
    %max3A_143 = vector.broadcast %jit3A_141 : f32 to vector<49x1024xf32>
    %max3A_144 = arith.maximumf %max3A_143, %add3A_114 : vector<49x1024xf32>
    %min3A_145 = vector.broadcast %jit3A_142 : f32 to vector<49x1024xf32>
    %min3A_146 = arith.minimumf %min3A_145, %max3A_144 : vector<49x1024xf32>
    %floor3A = math.floor %min3A_140 : vector<49x1024xf32>
    %convert_element_type3A_147 = arith.fptosi %floor3A : vector<49x1024xf32> to vector<49x1024xi32>
    %min3A_148 = arith.constant 158 : i32
    %min3A_149 = vector.broadcast %min3A_148 : i32 to vector<49x1024xi32>
    %min3A_150 = arith.minsi %convert_element_type3A_147, %min3A_149 : vector<49x1024xi32>
    %floor3A_151 = math.floor %min3A_146 : vector<49x1024xf32>
    %convert_element_type3A_152 = arith.fptosi %floor3A_151 : vector<49x1024xf32> to vector<49x1024xi32>
    %min3A_153 = arith.constant 158 : i32
    %min3A_154 = vector.broadcast %min3A_153 : i32 to vector<49x1024xi32>
    %min3A_155 = arith.minsi %convert_element_type3A_152, %min3A_154 : vector<49x1024xi32>
    %convert_element_type3A_156 = arith.sitofp %min3A_150 : vector<49x1024xi32> to vector<49x1024xf32>
    %sub3A_157 = arith.subf %min3A_140, %convert_element_type3A_156 : vector<49x1024xf32>
    %convert_element_type3A_158 = arith.sitofp %min3A_155 : vector<49x1024xi32> to vector<49x1024xf32>
    %sub3A_159 = arith.subf %min3A_146, %convert_element_type3A_158 : vector<49x1024xf32>
    %sub3A_160 = arith.constant 1.000000e+00 : f32
    %sub3A_161 = vector.broadcast %sub3A_160 : f32 to vector<49x1024xf32>
    %sub3A_162 = arith.subf %sub3A_161, %sub3A_157 : vector<49x1024xf32>
    %sub3A_163 = arith.constant 1.000000e+00 : f32
    %sub3A_164 = vector.broadcast %sub3A_163 : f32 to vector<49x1024xf32>
    %sub3A_165 = arith.subf %sub3A_164, %sub3A_159 : vector<49x1024xf32>
    %convert_element_type3A_166 = arith.extui %and3A_135 : vector<49x1024xi1> to vector<49x1024xi32>
    %convert_element_type3A_167 = arith.sitofp %convert_element_type3A_166 : vector<49x1024xi32> to vector<49x1024xf32>
    %mul3A_168 = arith.constant 2.500000e-01 : f32
    %mul3A_169 = vector.broadcast %mul3A_168 : f32 to vector<49x1024xf32>
    %mul3A_170 = arith.mulf %convert_element_type3A_167, %mul3A_169 : vector<49x1024xf32>
    %mul3A_171 = arith.constant 25600 : i32
    %mul3A_172 = vector.broadcast %mul3A_171 : i32 to vector<1x1024xi32>
    %mul3A_173 = arith.muli %convert_element_type3A, %mul3A_172 : vector<1x1024xi32>
    %mul3A_174 = arith.constant 160 : i32
    %mul3A_175 = vector.broadcast %mul3A_174 : i32 to vector<49x1024xi32>
    %mul3A_176 = arith.muli %min3A_150, %mul3A_175 : vector<49x1024xi32>
    %add3A_177 = vector.broadcast %mul3A_173 : vector<1x1024xi32> to vector<49x1024xi32>
    %add3A_178 = arith.addi %add3A_177, %mul3A_176 : vector<49x1024xi32>
    %add3A_179 = arith.addi %add3A_178, %min3A_155 : vector<49x1024xi32>
    %swap3A = arith.constant 0 : index
    %swap3A_180 = arith.constant 0 : index
    %swap3A_181 = arith.constant 0 : index
    %swap3A_182 = vector.load %arg1[%swap3A, %swap3A_180, %swap3A_181] : memref<16x49x1024xi32, #tpu.memory_space<vmem>>, vector<1x49x1024xi32>
    %swap3A_183 = vector.shape_cast %swap3A_182 : vector<1x49x1024xi32> to vector<49x1024xi32>
    %swap3A_184 = vector.shape_cast %add3A_179 : vector<49x1024xi32> to vector<1x49x1024xi32>
    tpu.vector_store %arg1[%swap3A, %swap3A_180, %swap3A_181], %swap3A_184 {strides = array<i32>} : memref<16x49x1024xi32, #tpu.memory_space<vmem>>, vector<1x49x1024xi32>,
    %mul3A_185 = arith.mulf %sub3A_162, %sub3A_165 : vector<49x1024xf32>
    %mul3A_186 = arith.mulf %mul3A_185, %mul3A_170 : vector<49x1024xf32>
    %swap3A_187 = arith.constant 0 : index
    %swap3A_188 = arith.constant 0 : index
    %swap3A_189 = arith.constant 0 : index
    %swap3A_190 = vector.load %arg2[%swap3A_187, %swap3A_188, %swap3A_189] : memref<16x49x1024xf32, #tpu.memory_space<vmem>>, vector<1x49x1024xf32>
    %swap3A_191 = vector.shape_cast %swap3A_190 : vector<1x49x1024xf32> to vector<49x1024xf32>
    %swap3A_192 = vector.shape_cast %mul3A_186 : vector<49x1024xf32> to vector<1x49x1024xf32>
    tpu.vector_store %arg2[%swap3A_187, %swap3A_188, %swap3A_189], %swap3A_192 {strides = array<i32>} : memref<16x49x1024xf32, #tpu.memory_space<vmem>>, vector<1x49x1024xf32>,
    %add3A_193 = arith.constant 1 : i32
    %add3A_194 = vector.broadcast %add3A_193 : i32 to vector<49x1024xi32>
    %add3A_195 = arith.addi %add3A_179, %add3A_194 : vector<49x1024xi32>
    %swap3A_196 = arith.constant 1 : index
    %swap3A_197 = arith.constant 0 : index
    %swap3A_198 = arith.constant 0 : index
    %swap3A_199 = vector.load %arg1[%swap3A_196, %swap3A_197, %swap3A_198] : memref<16x49x1024xi32, #tpu.memory_space<vmem>>, vector<1x49x1024xi32>
    %swap3A_200 = vector.shape_cast %swap3A_199 : vector<1x49x1024xi32> to vector<49x1024xi32>
    %swap3A_201 = vector.shape_cast %add3A_195 : vector<49x1024xi32> to vector<1x49x1024xi32>
    tpu.vector_store %arg1[%swap3A_196, %swap3A_197, %swap3A_198], %swap3A_201 {strides = array<i32>} : memref<16x49x1024xi32, #tpu.memory_space<vmem>>, vector<1x49x1024xi32>,
    %mul3A_202 = arith.mulf %sub3A_162, %sub3A_159 : vector<49x1024xf32>
    %mul3A_203 = arith.mulf %mul3A_202, %mul3A_170 : vector<49x1024xf32>
    %swap3A_204 = arith.constant 1 : index
    %swap3A_205 = arith.constant 0 : index
    %swap3A_206 = arith.constant 0 : index
    %swap3A_207 = vector.load %arg2[%swap3A_204, %swap3A_205, %swap3A_206] : memref<16x49x1024xf32, #tpu.memory_space<vmem>>, vector<1x49x1024xf32>
    %swap3A_208 = vector.shape_cast %swap3A_207 : vector<1x49x1024xf32> to vector<49x1024xf32>
    %swap3A_209 = vector.shape_cast %mul3A_203 : vector<49x1024xf32> to vector<1x49x1024xf32>
    tpu.vector_store %arg2[%swap3A_204, %swap3A_205, %swap3A_206], %swap3A_209 {strides = array<i32>} : memref<16x49x1024xf32, #tpu.memory_space<vmem>>, vector<1x49x1024xf32>,
    %add3A_210 = arith.constant 160 : i32
    %add3A_211 = vector.broadcast %add3A_210 : i32 to vector<49x1024xi32>
    %add3A_212 = arith.addi %add3A_179, %add3A_211 : vector<49x1024xi32>
    %swap3A_213 = arith.constant 2 : index
    %swap3A_214 = arith.constant 0 : index
    %swap3A_215 = arith.constant 0 : index
    %swap3A_216 = vector.load %arg1[%swap3A_213, %swap3A_214, %swap3A_215] : memref<16x49x1024xi32, #tpu.memory_space<vmem>>, vector<1x49x1024xi32>
    %swap3A_217 = vector.shape_cast %swap3A_216 : vector<1x49x1024xi32> to vector<49x1024xi32>
    %swap3A_218 = vector.shape_cast %add3A_212 : vector<49x1024xi32> to vector<1x49x1024xi32>
    tpu.vector_store %arg1[%swap3A_213, %swap3A_214, %swap3A_215], %swap3A_218 {strides = array<i32>} : memref<16x49x1024xi32, #tpu.memory_space<vmem>>, vector<1x49x1024xi32>,
    %mul3A_219 = arith.mulf %sub3A_157, %sub3A_165 : vector<49x1024xf32>
    %mul3A_220 = arith.mulf %mul3A_219, %mul3A_170 : vector<49x1024xf32>
    %swap3A_221 = arith.constant 2 : index
    %swap3A_222 = arith.constant 0 : index
    %swap3A_223 = arith.constant 0 : index
    %swap3A_224 = vector.load %arg2[%swap3A_221, %swap3A_222, %swap3A_223] : memref<16x49x1024xf32, #tpu.memory_space<vmem>>, vector<1x49x1024xf32>
    %swap3A_225 = vector.shape_cast %swap3A_224 : vector<1x49x1024xf32> to vector<49x1024xf32>
    %swap3A_226 = vector.shape_cast %mul3A_220 : vector<49x1024xf32> to vector<1x49x1024xf32>
    tpu.vector_store %arg2[%swap3A_221, %swap3A_222, %swap3A_223], %swap3A_226 {strides = array<i32>} : memref<16x49x1024xf32, #tpu.memory_space<vmem>>, vector<1x49x1024xf32>,
    %add3A_227 = arith.constant 160 : i32
    %add3A_228 = vector.broadcast %add3A_227 : i32 to vector<49x1024xi32>
    %add3A_229 = arith.addi %add3A_179, %add3A_228 : vector<49x1024xi32>
    %add3A_230 = arith.constant 1 : i32
    %add3A_231 = vector.broadcast %add3A_230 : i32 to vector<49x1024xi32>
    %add3A_232 = arith.addi %add3A_229, %add3A_231 : vector<49x1024xi32>
    %swap3A_233 = arith.constant 3 : index
    %swap3A_234 = arith.constant 0 : index
    %swap3A_235 = arith.constant 0 : index
    %swap3A_236 = vector.load %arg1[%swap3A_233, %swap3A_234, %swap3A_235] : memref<16x49x1024xi32, #tpu.memory_space<vmem>>, vector<1x49x1024xi32>
    %swap3A_237 = vector.shape_cast %swap3A_236 : vector<1x49x1024xi32> to vector<49x1024xi32>
    %swap3A_238 = vector.shape_cast %add3A_232 : vector<49x1024xi32> to vector<1x49x1024xi32>
    tpu.vector_store %arg1[%swap3A_233, %swap3A_234, %swap3A_235], %swap3A_238 {strides = array<i32>} : memref<16x49x1024xi32, #tpu.memory_space<vmem>>, vector<1x49x1024xi32>,
    %mul3A_239 = arith.mulf %sub3A_157, %sub3A_159 : vector<49x1024xf32>
    %mul3A_240 = arith.mulf %mul3A_239, %mul3A_170 : vector<49x1024xf32>
    %swap3A_241 = arith.constant 3 : index
    %swap3A_242 = arith.constant 0 : index
    %swap3A_243 = arith.constant 0 : index
    %swap3A_244 = vector.load %arg2[%swap3A_241, %swap3A_242, %swap3A_243] : memref<16x49x1024xf32, #tpu.memory_space<vmem>>, vector<1x49x1024xf32>
    %swap3A_245 = vector.shape_cast %swap3A_244 : vector<1x49x1024xf32> to vector<49x1024xf32>
    %swap3A_246 = vector.shape_cast %mul3A_240 : vector<49x1024xf32> to vector<1x49x1024xf32>
    tpu.vector_store %arg2[%swap3A_241, %swap3A_242, %swap3A_243], %swap3A_246 {strides = array<i32>} : memref<16x49x1024xf32, #tpu.memory_space<vmem>>, vector<1x49x1024xf32>,
    %neg3A_247 = arith.constant 0.000000e+00 : f32
    %neg3A_248 = vector.broadcast %neg3A_247 : f32 to vector<1x1024xf32>
    %neg3A_249 = arith.subf %neg3A_248, %max3A_29 : vector<1x1024xf32>
    %mul3A_250 = arith.constant 5.000000e-01 : f32
    %mul3A_251 = vector.broadcast %mul3A_250 : f32 to vector<1x1024xf32>
    %mul3A_252 = arith.mulf %neg3A_249, %mul3A_251 : vector<1x1024xf32>
    %add3A_253 = arith.constant 2.500000e-01 : f32
    %add3A_254 = vector.broadcast %add3A_253 : f32 to vector<49x1024xf32>
    %add3A_255 = arith.addf %convert_element_type3A_62, %add3A_254 : vector<49x1024xf32>
    %mul3A_256 = vector.broadcast %div3A_34 : vector<1x1024xf32> to vector<49x1024xf32>
    %mul3A_257 = arith.mulf %add3A_255, %mul3A_256 : vector<49x1024xf32>
    %add3A_258 = vector.broadcast %mul3A_252 : vector<1x1024xf32> to vector<49x1024xf32>
    %add3A_259 = arith.addf %add3A_258, %mul3A_257 : vector<49x1024xf32>
    %neg3A_260 = arith.constant 0.000000e+00 : f32
    %neg3A_261 = vector.broadcast %neg3A_260 : f32 to vector<1x1024xf32>
    %neg3A_262 = arith.subf %neg3A_261, %max3A_20 : vector<1x1024xf32>
    %mul3A_263 = arith.constant 5.000000e-01 : f32
    %mul3A_264 = vector.broadcast %mul3A_263 : f32 to vector<1x1024xf32>
    %mul3A_265 = arith.mulf %neg3A_262, %mul3A_264 : vector<1x1024xf32>
    %add3A_266 = arith.constant 7.500000e-01 : f32
    %add3A_267 = vector.broadcast %add3A_266 : f32 to vector<49x1024xf32>
    %add3A_268 = arith.addf %convert_element_type3A_82, %add3A_267 : vector<49x1024xf32>
    %mul3A_269 = vector.broadcast %div3A_37 : vector<1x1024xf32> to vector<49x1024xf32>
    %mul3A_270 = arith.mulf %add3A_268, %mul3A_269 : vector<49x1024xf32>
    %add3A_271 = vector.broadcast %mul3A_265 : vector<1x1024xf32> to vector<49x1024xf32>
    %add3A_272 = arith.addf %add3A_271, %mul3A_270 : vector<49x1024xf32>
    %mul3A_273 = vector.broadcast %cos3A : vector<1x1024xf32> to vector<49x1024xf32>
    %mul3A_274 = arith.mulf %add3A_272, %mul3A_273 : vector<49x1024xf32>
    %mul3A_275 = vector.broadcast %sin3A : vector<1x1024xf32> to vector<49x1024xf32>
    %mul3A_276 = arith.mulf %add3A_259, %mul3A_275 : vector<49x1024xf32>
    %sub3A_277 = arith.subf %mul3A_274, %mul3A_276 : vector<49x1024xf32>
    %add3A_278 = vector.broadcast %mul3A_6 : vector<1x1024xf32> to vector<49x1024xf32>
    %add3A_279 = arith.addf %sub3A_277, %add3A_278 : vector<49x1024xf32>
    %mul3A_280 = vector.broadcast %sin3A : vector<1x1024xf32> to vector<49x1024xf32>
    %mul3A_281 = arith.mulf %add3A_272, %mul3A_280 : vector<49x1024xf32>
    %mul3A_282 = vector.broadcast %cos3A : vector<1x1024xf32> to vector<49x1024xf32>
    %mul3A_283 = arith.mulf %add3A_259, %mul3A_282 : vector<49x1024xf32>
    %add3A_284 = arith.addf %mul3A_281, %mul3A_283 : vector<49x1024xf32>
    %add3A_285 = vector.broadcast %mul3A_12 : vector<1x1024xf32> to vector<49x1024xf32>
    %add3A_286 = arith.addf %add3A_284, %add3A_285 : vector<49x1024xf32>
    %gt3A_287 = arith.constant -1.000000e+00 : f32
    %gt3A_288 = vector.broadcast %gt3A_287 : f32 to vector<49x1024xf32>
    %gt3A_289 = arith.cmpf ogt, %add3A_286, %gt3A_288 : vector<49x1024xf32>
    %lt3A_290 = arith.constant 1.600000e+02 : f32
    %lt3A_291 = vector.broadcast %lt3A_290 : f32 to vector<49x1024xf32>
    %lt3A_292 = arith.cmpf olt, %add3A_286, %lt3A_291 : vector<49x1024xf32>
    %and3A_293 = arith.andi %gt3A_289, %lt3A_292 : vector<49x1024xi1>
    %gt3A_294 = arith.constant -1.000000e+00 : f32
    %gt3A_295 = vector.broadcast %gt3A_294 : f32 to vector<49x1024xf32>
    %gt3A_296 = arith.cmpf ogt, %add3A_279, %gt3A_295 : vector<49x1024xf32>
    %and3A_297 = arith.andi %and3A_293, %gt3A_296 : vector<49x1024xi1>
    %lt3A_298 = arith.constant 1.600000e+02 : f32
    %lt3A_299 = vector.broadcast %lt3A_298 : f32 to vector<49x1024xf32>
    %lt3A_300 = arith.cmpf olt, %add3A_279, %lt3A_299 : vector<49x1024xf32>
    %and3A_301 = arith.andi %and3A_297, %lt3A_300 : vector<49x1024xi1>
    %jit3A_302 = arith.constant 0.000000e+00 : f32
    %jit3A_303 = arith.constant 1.590000e+02 : f32
    %max3A_304 = vector.broadcast %jit3A_302 : f32 to vector<49x1024xf32>
    %max3A_305 = arith.maximumf %max3A_304, %add3A_286 : vector<49x1024xf32>
    %min3A_306 = vector.broadcast %jit3A_303 : f32 to vector<49x1024xf32>
    %min3A_307 = arith.minimumf %min3A_306, %max3A_305 : vector<49x1024xf32>
    %jit3A_308 = arith.constant 0.000000e+00 : f32
    %jit3A_309 = arith.constant 1.590000e+02 : f32
    %max3A_310 = vector.broadcast %jit3A_308 : f32 to vector<49x1024xf32>
    %max3A_311 = arith.maximumf %max3A_310, %add3A_279 : vector<49x1024xf32>
    %min3A_312 = vector.broadcast %jit3A_309 : f32 to vector<49x1024xf32>
    %min3A_313 = arith.minimumf %min3A_312, %max3A_311 : vector<49x1024xf32>
    %floor3A_314 = math.floor %min3A_307 : vector<49x1024xf32>
    %convert_element_type3A_315 = arith.fptosi %floor3A_314 : vector<49x1024xf32> to vector<49x1024xi32>
    %min3A_316 = arith.constant 158 : i32
    %min3A_317 = vector.broadcast %min3A_316 : i32 to vector<49x1024xi32>
    %min3A_318 = arith.minsi %convert_element_type3A_315, %min3A_317 : vector<49x1024xi32>
    %floor3A_319 = math.floor %min3A_313 : vector<49x1024xf32>
    %convert_element_type3A_320 = arith.fptosi %floor3A_319 : vector<49x1024xf32> to vector<49x1024xi32>
    %min3A_321 = arith.constant 158 : i32
    %min3A_322 = vector.broadcast %min3A_321 : i32 to vector<49x1024xi32>
    %min3A_323 = arith.minsi %convert_element_type3A_320, %min3A_322 : vector<49x1024xi32>
    %convert_element_type3A_324 = arith.sitofp %min3A_318 : vector<49x1024xi32> to vector<49x1024xf32>
    %sub3A_325 = arith.subf %min3A_307, %convert_element_type3A_324 : vector<49x1024xf32>
    %convert_element_type3A_326 = arith.sitofp %min3A_323 : vector<49x1024xi32> to vector<49x1024xf32>
    %sub3A_327 = arith.subf %min3A_313, %convert_element_type3A_326 : vector<49x1024xf32>
    %sub3A_328 = arith.constant 1.000000e+00 : f32
    %sub3A_329 = vector.broadcast %sub3A_328 : f32 to vector<49x1024xf32>
    %sub3A_330 = arith.subf %sub3A_329, %sub3A_325 : vector<49x1024xf32>
    %sub3A_331 = arith.constant 1.000000e+00 : f32
    %sub3A_332 = vector.broadcast %sub3A_331 : f32 to vector<49x1024xf32>
    %sub3A_333 = arith.subf %sub3A_332, %sub3A_327 : vector<49x1024xf32>
    %convert_element_type3A_334 = arith.extui %and3A_301 : vector<49x1024xi1> to vector<49x1024xi32>
    %convert_element_type3A_335 = arith.sitofp %convert_element_type3A_334 : vector<49x1024xi32> to vector<49x1024xf32>
    %mul3A_336 = arith.constant 2.500000e-01 : f32
    %mul3A_337 = vector.broadcast %mul3A_336 : f32 to vector<49x1024xf32>
    %mul3A_338 = arith.mulf %convert_element_type3A_335, %mul3A_337 : vector<49x1024xf32>
    %mul3A_339 = arith.constant 25600 : i32
    %mul3A_340 = vector.broadcast %mul3A_339 : i32 to vector<1x1024xi32>
    %mul3A_341 = arith.muli %convert_element_type3A, %mul3A_340 : vector<1x1024xi32>
    %mul3A_342 = arith.constant 160 : i32
    %mul3A_343 = vector.broadcast %mul3A_342 : i32 to vector<49x1024xi32>
    %mul3A_344 = arith.muli %min3A_318, %mul3A_343 : vector<49x1024xi32>
    %add3A_345 = vector.broadcast %mul3A_341 : vector<1x1024xi32> to vector<49x1024xi32>
    %add3A_346 = arith.addi %add3A_345, %mul3A_344 : vector<49x1024xi32>
    %add3A_347 = arith.addi %add3A_346, %min3A_323 : vector<49x1024xi32>
    %swap3A_348 = arith.constant 4 : index
    %swap3A_349 = arith.constant 0 : index
    %swap3A_350 = arith.constant 0 : index
    %swap3A_351 = vector.load %arg1[%swap3A_348, %swap3A_349, %swap3A_350] : memref<16x49x1024xi32, #tpu.memory_space<vmem>>, vector<1x49x1024xi32>
    %swap3A_352 = vector.shape_cast %swap3A_351 : vector<1x49x1024xi32> to vector<49x1024xi32>
    %swap3A_353 = vector.shape_cast %add3A_347 : vector<49x1024xi32> to vector<1x49x1024xi32>
    tpu.vector_store %arg1[%swap3A_348, %swap3A_349, %swap3A_350], %swap3A_353 {strides = array<i32>} : memref<16x49x1024xi32, #tpu.memory_space<vmem>>, vector<1x49x1024xi32>,
    %mul3A_354 = arith.mulf %sub3A_330, %sub3A_333 : vector<49x1024xf32>
    %mul3A_355 = arith.mulf %mul3A_354, %mul3A_338 : vector<49x1024xf32>
    %swap3A_356 = arith.constant 4 : index
    %swap3A_357 = arith.constant 0 : index
    %swap3A_358 = arith.constant 0 : index
    %swap3A_359 = vector.load %arg2[%swap3A_356, %swap3A_357, %swap3A_358] : memref<16x49x1024xf32, #tpu.memory_space<vmem>>, vector<1x49x1024xf32>
    %swap3A_360 = vector.shape_cast %swap3A_359 : vector<1x49x1024xf32> to vector<49x1024xf32>
    %swap3A_361 = vector.shape_cast %mul3A_355 : vector<49x1024xf32> to vector<1x49x1024xf32>
    tpu.vector_store %arg2[%swap3A_356, %swap3A_357, %swap3A_358], %swap3A_361 {strides = array<i32>} : memref<16x49x1024xf32, #tpu.memory_space<vmem>>, vector<1x49x1024xf32>,
    %add3A_362 = arith.constant 1 : i32
    %add3A_363 = vector.broadcast %add3A_362 : i32 to vector<49x1024xi32>
    %add3A_364 = arith.addi %add3A_347, %add3A_363 : vector<49x1024xi32>
    %swap3A_365 = arith.constant 5 : index
    %swap3A_366 = arith.constant 0 : index
    %swap3A_367 = arith.constant 0 : index
    %swap3A_368 = vector.load %arg1[%swap3A_365, %swap3A_366, %swap3A_367] : memref<16x49x1024xi32, #tpu.memory_space<vmem>>, vector<1x49x1024xi32>
    %swap3A_369 = vector.shape_cast %swap3A_368 : vector<1x49x1024xi32> to vector<49x1024xi32>
    %swap3A_370 = vector.shape_cast %add3A_364 : vector<49x1024xi32> to vector<1x49x1024xi32>
    tpu.vector_store %arg1[%swap3A_365, %swap3A_366, %swap3A_367], %swap3A_370 {strides = array<i32>} : memref<16x49x1024xi32, #tpu.memory_space<vmem>>, vector<1x49x1024xi32>,
    %mul3A_371 = arith.mulf %sub3A_330, %sub3A_327 : vector<49x1024xf32>
    %mul3A_372 = arith.mulf %mul3A_371, %mul3A_338 : vector<49x1024xf32>
    %swap3A_373 = arith.constant 5 : index
    %swap3A_374 = arith.constant 0 : index
    %swap3A_375 = arith.constant 0 : index
    %swap3A_376 = vector.load %arg2[%swap3A_373, %swap3A_374, %swap3A_375] : memref<16x49x1024xf32, #tpu.memory_space<vmem>>, vector<1x49x1024xf32>
    %swap3A_377 = vector.shape_cast %swap3A_376 : vector<1x49x1024xf32> to vector<49x1024xf32>
    %swap3A_378 = vector.shape_cast %mul3A_372 : vector<49x1024xf32> to vector<1x49x1024xf32>
    tpu.vector_store %arg2[%swap3A_373, %swap3A_374, %swap3A_375], %swap3A_378 {strides = array<i32>} : memref<16x49x1024xf32, #tpu.memory_space<vmem>>, vector<1x49x1024xf32>,
    %add3A_379 = arith.constant 160 : i32
    %add3A_380 = vector.broadcast %add3A_379 : i32 to vector<49x1024xi32>
    %add3A_381 = arith.addi %add3A_347, %add3A_380 : vector<49x1024xi32>
    %swap3A_382 = arith.constant 6 : index
    %swap3A_383 = arith.constant 0 : index
    %swap3A_384 = arith.constant 0 : index
    %swap3A_385 = vector.load %arg1[%swap3A_382, %swap3A_383, %swap3A_384] : memref<16x49x1024xi32, #tpu.memory_space<vmem>>, vector<1x49x1024xi32>
    %swap3A_386 = vector.shape_cast %swap3A_385 : vector<1x49x1024xi32> to vector<49x1024xi32>
    %swap3A_387 = vector.shape_cast %add3A_381 : vector<49x1024xi32> to vector<1x49x1024xi32>
    tpu.vector_store %arg1[%swap3A_382, %swap3A_383, %swap3A_384], %swap3A_387 {strides = array<i32>} : memref<16x49x1024xi32, #tpu.memory_space<vmem>>, vector<1x49x1024xi32>,
    %mul3A_388 = arith.mulf %sub3A_325, %sub3A_333 : vector<49x1024xf32>
    %mul3A_389 = arith.mulf %mul3A_388, %mul3A_338 : vector<49x1024xf32>
    %swap3A_390 = arith.constant 6 : index
    %swap3A_391 = arith.constant 0 : index
    %swap3A_392 = arith.constant 0 : index
    %swap3A_393 = vector.load %arg2[%swap3A_390, %swap3A_391, %swap3A_392] : memref<16x49x1024xf32, #tpu.memory_space<vmem>>, vector<1x49x1024xf32>
    %swap3A_394 = vector.shape_cast %swap3A_393 : vector<1x49x1024xf32> to vector<49x1024xf32>
    %swap3A_395 = vector.shape_cast %mul3A_389 : vector<49x1024xf32> to vector<1x49x1024xf32>
    tpu.vector_store %arg2[%swap3A_390, %swap3A_391, %swap3A_392], %swap3A_395 {strides = array<i32>} : memref<16x49x1024xf32, #tpu.memory_space<vmem>>, vector<1x49x1024xf32>,
    %add3A_396 = arith.constant 160 : i32
    %add3A_397 = vector.broadcast %add3A_396 : i32 to vector<49x1024xi32>
    %add3A_398 = arith.addi %add3A_347, %add3A_397 : vector<49x1024xi32>
    %add3A_399 = arith.constant 1 : i32
    %add3A_400 = vector.broadcast %add3A_399 : i32 to vector<49x1024xi32>
    %add3A_401 = arith.addi %add3A_398, %add3A_400 : vector<49x1024xi32>
    %swap3A_402 = arith.constant 7 : index
    %swap3A_403 = arith.constant 0 : index
    %swap3A_404 = arith.constant 0 : index
    %swap3A_405 = vector.load %arg1[%swap3A_402, %swap3A_403, %swap3A_404] : memref<16x49x1024xi32, #tpu.memory_space<vmem>>, vector<1x49x1024xi32>
    %swap3A_406 = vector.shape_cast %swap3A_405 : vector<1x49x1024xi32> to vector<49x1024xi32>
    %swap3A_407 = vector.shape_cast %add3A_401 : vector<49x1024xi32> to vector<1x49x1024xi32>
    tpu.vector_store %arg1[%swap3A_402, %swap3A_403, %swap3A_404], %swap3A_407 {strides = array<i32>} : memref<16x49x1024xi32, #tpu.memory_space<vmem>>, vector<1x49x1024xi32>,
    %mul3A_408 = arith.mulf %sub3A_325, %sub3A_327 : vector<49x1024xf32>
    %mul3A_409 = arith.mulf %mul3A_408, %mul3A_338 : vector<49x1024xf32>
    %swap3A_410 = arith.constant 7 : index
    %swap3A_411 = arith.constant 0 : index
    %swap3A_412 = arith.constant 0 : index
    %swap3A_413 = vector.load %arg2[%swap3A_410, %swap3A_411, %swap3A_412] : memref<16x49x1024xf32, #tpu.memory_space<vmem>>, vector<1x49x1024xf32>
    %swap3A_414 = vector.shape_cast %swap3A_413 : vector<1x49x1024xf32> to vector<49x1024xf32>
    %swap3A_415 = vector.shape_cast %mul3A_409 : vector<49x1024xf32> to vector<1x49x1024xf32>
    tpu.vector_store %arg2[%swap3A_410, %swap3A_411, %swap3A_412], %swap3A_415 {strides = array<i32>} : memref<16x49x1024xf32, #tpu.memory_space<vmem>>, vector<1x49x1024xf32>,
    %neg3A_416 = arith.constant 0.000000e+00 : f32
    %neg3A_417 = vector.broadcast %neg3A_416 : f32 to vector<1x1024xf32>
    %neg3A_418 = arith.subf %neg3A_417, %max3A_29 : vector<1x1024xf32>
    %mul3A_419 = arith.constant 5.000000e-01 : f32
    %mul3A_420 = vector.broadcast %mul3A_419 : f32 to vector<1x1024xf32>
    %mul3A_421 = arith.mulf %neg3A_418, %mul3A_420 : vector<1x1024xf32>
    %add3A_422 = arith.constant 7.500000e-01 : f32
    %add3A_423 = vector.broadcast %add3A_422 : f32 to vector<49x1024xf32>
    %add3A_424 = arith.addf %convert_element_type3A_62, %add3A_423 : vector<49x1024xf32>
    %mul3A_425 = vector.broadcast %div3A_34 : vector<1x1024xf32> to vector<49x1024xf32>
    %mul3A_426 = arith.mulf %add3A_424, %mul3A_425 : vector<49x1024xf32>
    %add3A_427 = vector.broadcast %mul3A_421 : vector<1x1024xf32> to vector<49x1024xf32>
    %add3A_428 = arith.addf %add3A_427, %mul3A_426 : vector<49x1024xf32>
    %neg3A_429 = arith.constant 0.000000e+00 : f32
    %neg3A_430 = vector.broadcast %neg3A_429 : f32 to vector<1x1024xf32>
    %neg3A_431 = arith.subf %neg3A_430, %max3A_20 : vector<1x1024xf32>
    %mul3A_432 = arith.constant 5.000000e-01 : f32
    %mul3A_433 = vector.broadcast %mul3A_432 : f32 to vector<1x1024xf32>
    %mul3A_434 = arith.mulf %neg3A_431, %mul3A_433 : vector<1x1024xf32>
    %add3A_435 = arith.constant 2.500000e-01 : f32
    %add3A_436 = vector.broadcast %add3A_435 : f32 to vector<49x1024xf32>
    %add3A_437 = arith.addf %convert_element_type3A_82, %add3A_436 : vector<49x1024xf32>
    %mul3A_438 = vector.broadcast %div3A_37 : vector<1x1024xf32> to vector<49x1024xf32>
    %mul3A_439 = arith.mulf %add3A_437, %mul3A_438 : vector<49x1024xf32>
    %add3A_440 = vector.broadcast %mul3A_434 : vector<1x1024xf32> to vector<49x1024xf32>
    %add3A_441 = arith.addf %add3A_440, %mul3A_439 : vector<49x1024xf32>
    %mul3A_442 = vector.broadcast %cos3A : vector<1x1024xf32> to vector<49x1024xf32>
    %mul3A_443 = arith.mulf %add3A_441, %mul3A_442 : vector<49x1024xf32>
    %mul3A_444 = vector.broadcast %sin3A : vector<1x1024xf32> to vector<49x1024xf32>
    %mul3A_445 = arith.mulf %add3A_428, %mul3A_444 : vector<49x1024xf32>
    %sub3A_446 = arith.subf %mul3A_443, %mul3A_445 : vector<49x1024xf32>
    %add3A_447 = vector.broadcast %mul3A_6 : vector<1x1024xf32> to vector<49x1024xf32>
    %add3A_448 = arith.addf %sub3A_446, %add3A_447 : vector<49x1024xf32>
    %mul3A_449 = vector.broadcast %sin3A : vector<1x1024xf32> to vector<49x1024xf32>
    %mul3A_450 = arith.mulf %add3A_441, %mul3A_449 : vector<49x1024xf32>
    %mul3A_451 = vector.broadcast %cos3A : vector<1x1024xf32> to vector<49x1024xf32>
    %mul3A_452 = arith.mulf %add3A_428, %mul3A_451 : vector<49x1024xf32>
    %add3A_453 = arith.addf %mul3A_450, %mul3A_452 : vector<49x1024xf32>
    %add3A_454 = vector.broadcast %mul3A_12 : vector<1x1024xf32> to vector<49x1024xf32>
    %add3A_455 = arith.addf %add3A_453, %add3A_454 : vector<49x1024xf32>
    %gt3A_456 = arith.constant -1.000000e+00 : f32
    %gt3A_457 = vector.broadcast %gt3A_456 : f32 to vector<49x1024xf32>
    %gt3A_458 = arith.cmpf ogt, %add3A_455, %gt3A_457 : vector<49x1024xf32>
    %lt3A_459 = arith.constant 1.600000e+02 : f32
    %lt3A_460 = vector.broadcast %lt3A_459 : f32 to vector<49x1024xf32>
    %lt3A_461 = arith.cmpf olt, %add3A_455, %lt3A_460 : vector<49x1024xf32>
    %and3A_462 = arith.andi %gt3A_458, %lt3A_461 : vector<49x1024xi1>
    %gt3A_463 = arith.constant -1.000000e+00 : f32
    %gt3A_464 = vector.broadcast %gt3A_463 : f32 to vector<49x1024xf32>
    %gt3A_465 = arith.cmpf ogt, %add3A_448, %gt3A_464 : vector<49x1024xf32>
    %and3A_466 = arith.andi %and3A_462, %gt3A_465 : vector<49x1024xi1>
    %lt3A_467 = arith.constant 1.600000e+02 : f32
    %lt3A_468 = vector.broadcast %lt3A_467 : f32 to vector<49x1024xf32>
    %lt3A_469 = arith.cmpf olt, %add3A_448, %lt3A_468 : vector<49x1024xf32>
    %and3A_470 = arith.andi %and3A_466, %lt3A_469 : vector<49x1024xi1>
    %jit3A_471 = arith.constant 0.000000e+00 : f32
    %jit3A_472 = arith.constant 1.590000e+02 : f32
    %max3A_473 = vector.broadcast %jit3A_471 : f32 to vector<49x1024xf32>
    %max3A_474 = arith.maximumf %max3A_473, %add3A_455 : vector<49x1024xf32>
    %min3A_475 = vector.broadcast %jit3A_472 : f32 to vector<49x1024xf32>
    %min3A_476 = arith.minimumf %min3A_475, %max3A_474 : vector<49x1024xf32>
    %jit3A_477 = arith.constant 0.000000e+00 : f32
    %jit3A_478 = arith.constant 1.590000e+02 : f32
    %max3A_479 = vector.broadcast %jit3A_477 : f32 to vector<49x1024xf32>
    %max3A_480 = arith.maximumf %max3A_479, %add3A_448 : vector<49x1024xf32>
    %min3A_481 = vector.broadcast %jit3A_478 : f32 to vector<49x1024xf32>
    %min3A_482 = arith.minimumf %min3A_481, %max3A_480 : vector<49x1024xf32>
    %floor3A_483 = math.floor %min3A_476 : vector<49x1024xf32>
    %convert_element_type3A_484 = arith.fptosi %floor3A_483 : vector<49x1024xf32> to vector<49x1024xi32>
    %min3A_485 = arith.constant 158 : i32
    %min3A_486 = vector.broadcast %min3A_485 : i32 to vector<49x1024xi32>
    %min3A_487 = arith.minsi %convert_element_type3A_484, %min3A_486 : vector<49x1024xi32>
    %floor3A_488 = math.floor %min3A_482 : vector<49x1024xf32>
    %convert_element_type3A_489 = arith.fptosi %floor3A_488 : vector<49x1024xf32> to vector<49x1024xi32>
    %min3A_490 = arith.constant 158 : i32
    %min3A_491 = vector.broadcast %min3A_490 : i32 to vector<49x1024xi32>
    %min3A_492 = arith.minsi %convert_element_type3A_489, %min3A_491 : vector<49x1024xi32>
    %convert_element_type3A_493 = arith.sitofp %min3A_487 : vector<49x1024xi32> to vector<49x1024xf32>
    %sub3A_494 = arith.subf %min3A_476, %convert_element_type3A_493 : vector<49x1024xf32>
    %convert_element_type3A_495 = arith.sitofp %min3A_492 : vector<49x1024xi32> to vector<49x1024xf32>
    %sub3A_496 = arith.subf %min3A_482, %convert_element_type3A_495 : vector<49x1024xf32>
    %sub3A_497 = arith.constant 1.000000e+00 : f32
    %sub3A_498 = vector.broadcast %sub3A_497 : f32 to vector<49x1024xf32>
    %sub3A_499 = arith.subf %sub3A_498, %sub3A_494 : vector<49x1024xf32>
    %sub3A_500 = arith.constant 1.000000e+00 : f32
    %sub3A_501 = vector.broadcast %sub3A_500 : f32 to vector<49x1024xf32>
    %sub3A_502 = arith.subf %sub3A_501, %sub3A_496 : vector<49x1024xf32>
    %convert_element_type3A_503 = arith.extui %and3A_470 : vector<49x1024xi1> to vector<49x1024xi32>
    %convert_element_type3A_504 = arith.sitofp %convert_element_type3A_503 : vector<49x1024xi32> to vector<49x1024xf32>
    %mul3A_505 = arith.constant 2.500000e-01 : f32
    %mul3A_506 = vector.broadcast %mul3A_505 : f32 to vector<49x1024xf32>
    %mul3A_507 = arith.mulf %convert_element_type3A_504, %mul3A_506 : vector<49x1024xf32>
    %mul3A_508 = arith.constant 25600 : i32
    %mul3A_509 = vector.broadcast %mul3A_508 : i32 to vector<1x1024xi32>
    %mul3A_510 = arith.muli %convert_element_type3A, %mul3A_509 : vector<1x1024xi32>
    %mul3A_511 = arith.constant 160 : i32
    %mul3A_512 = vector.broadcast %mul3A_511 : i32 to vector<49x1024xi32>
    %mul3A_513 = arith.muli %min3A_487, %mul3A_512 : vector<49x1024xi32>
    %add3A_514 = vector.broadcast %mul3A_510 : vector<1x1024xi32> to vector<49x1024xi32>
    %add3A_515 = arith.addi %add3A_514, %mul3A_513 : vector<49x1024xi32>
    %add3A_516 = arith.addi %add3A_515, %min3A_492 : vector<49x1024xi32>
    %swap3A_517 = arith.constant 8 : index
    %swap3A_518 = arith.constant 0 : index
    %swap3A_519 = arith.constant 0 : index
    %swap3A_520 = vector.load %arg1[%swap3A_517, %swap3A_518, %swap3A_519] : memref<16x49x1024xi32, #tpu.memory_space<vmem>>, vector<1x49x1024xi32>
    %swap3A_521 = vector.shape_cast %swap3A_520 : vector<1x49x1024xi32> to vector<49x1024xi32>
    %swap3A_522 = vector.shape_cast %add3A_516 : vector<49x1024xi32> to vector<1x49x1024xi32>
    tpu.vector_store %arg1[%swap3A_517, %swap3A_518, %swap3A_519], %swap3A_522 {strides = array<i32>} : memref<16x49x1024xi32, #tpu.memory_space<vmem>>, vector<1x49x1024xi32>,
    %mul3A_523 = arith.mulf %sub3A_499, %sub3A_502 : vector<49x1024xf32>
    %mul3A_524 = arith.mulf %mul3A_523, %mul3A_507 : vector<49x1024xf32>
    %swap3A_525 = arith.constant 8 : index
    %swap3A_526 = arith.constant 0 : index
    %swap3A_527 = arith.constant 0 : index
    %swap3A_528 = vector.load %arg2[%swap3A_525, %swap3A_526, %swap3A_527] : memref<16x49x1024xf32, #tpu.memory_space<vmem>>, vector<1x49x1024xf32>
    %swap3A_529 = vector.shape_cast %swap3A_528 : vector<1x49x1024xf32> to vector<49x1024xf32>
    %swap3A_530 = vector.shape_cast %mul3A_524 : vector<49x1024xf32> to vector<1x49x1024xf32>
    tpu.vector_store %arg2[%swap3A_525, %swap3A_526, %swap3A_527], %swap3A_530 {strides = array<i32>} : memref<16x49x1024xf32, #tpu.memory_space<vmem>>, vector<1x49x1024xf32>,
    %add3A_531 = arith.constant 1 : i32
    %add3A_532 = vector.broadcast %add3A_531 : i32 to vector<49x1024xi32>
    %add3A_533 = arith.addi %add3A_516, %add3A_532 : vector<49x1024xi32>
    %swap3A_534 = arith.constant 9 : index
    %swap3A_535 = arith.constant 0 : index
    %swap3A_536 = arith.constant 0 : index
    %swap3A_537 = vector.load %arg1[%swap3A_534, %swap3A_535, %swap3A_536] : memref<16x49x1024xi32, #tpu.memory_space<vmem>>, vector<1x49x1024xi32>
    %swap3A_538 = vector.shape_cast %swap3A_537 : vector<1x49x1024xi32> to vector<49x1024xi32>
    %swap3A_539 = vector.shape_cast %add3A_533 : vector<49x1024xi32> to vector<1x49x1024xi32>
    tpu.vector_store %arg1[%swap3A_534, %swap3A_535, %swap3A_536], %swap3A_539 {strides = array<i32>} : memref<16x49x1024xi32, #tpu.memory_space<vmem>>, vector<1x49x1024xi32>,
    %mul3A_540 = arith.mulf %sub3A_499, %sub3A_496 : vector<49x1024xf32>
    %mul3A_541 = arith.mulf %mul3A_540, %mul3A_507 : vector<49x1024xf32>
    %swap3A_542 = arith.constant 9 : index
    %swap3A_543 = arith.constant 0 : index
    %swap3A_544 = arith.constant 0 : index
    %swap3A_545 = vector.load %arg2[%swap3A_542, %swap3A_543, %swap3A_544] : memref<16x49x1024xf32, #tpu.memory_space<vmem>>, vector<1x49x1024xf32>
    %swap3A_546 = vector.shape_cast %swap3A_545 : vector<1x49x1024xf32> to vector<49x1024xf32>
    %swap3A_547 = vector.shape_cast %mul3A_541 : vector<49x1024xf32> to vector<1x49x1024xf32>
    tpu.vector_store %arg2[%swap3A_542, %swap3A_543, %swap3A_544], %swap3A_547 {strides = array<i32>} : memref<16x49x1024xf32, #tpu.memory_space<vmem>>, vector<1x49x1024xf32>,
    %add3A_548 = arith.constant 160 : i32
    %add3A_549 = vector.broadcast %add3A_548 : i32 to vector<49x1024xi32>
    %add3A_550 = arith.addi %add3A_516, %add3A_549 : vector<49x1024xi32>
    %swap3A_551 = arith.constant 10 : index
    %swap3A_552 = arith.constant 0 : index
    %swap3A_553 = arith.constant 0 : index
    %swap3A_554 = vector.load %arg1[%swap3A_551, %swap3A_552, %swap3A_553] : memref<16x49x1024xi32, #tpu.memory_space<vmem>>, vector<1x49x1024xi32>
    %swap3A_555 = vector.shape_cast %swap3A_554 : vector<1x49x1024xi32> to vector<49x1024xi32>
    %swap3A_556 = vector.shape_cast %add3A_550 : vector<49x1024xi32> to vector<1x49x1024xi32>
    tpu.vector_store %arg1[%swap3A_551, %swap3A_552, %swap3A_553], %swap3A_556 {strides = array<i32>} : memref<16x49x1024xi32, #tpu.memory_space<vmem>>, vector<1x49x1024xi32>,
    %mul3A_557 = arith.mulf %sub3A_494, %sub3A_502 : vector<49x1024xf32>
    %mul3A_558 = arith.mulf %mul3A_557, %mul3A_507 : vector<49x1024xf32>
    %swap3A_559 = arith.constant 10 : index
    %swap3A_560 = arith.constant 0 : index
    %swap3A_561 = arith.constant 0 : index
    %swap3A_562 = vector.load %arg2[%swap3A_559, %swap3A_560, %swap3A_561] : memref<16x49x1024xf32, #tpu.memory_space<vmem>>, vector<1x49x1024xf32>
    %swap3A_563 = vector.shape_cast %swap3A_562 : vector<1x49x1024xf32> to vector<49x1024xf32>
    %swap3A_564 = vector.shape_cast %mul3A_558 : vector<49x1024xf32> to vector<1x49x1024xf32>
    tpu.vector_store %arg2[%swap3A_559, %swap3A_560, %swap3A_561], %swap3A_564 {strides = array<i32>} : memref<16x49x1024xf32, #tpu.memory_space<vmem>>, vector<1x49x1024xf32>,
    %add3A_565 = arith.constant 160 : i32
    %add3A_566 = vector.broadcast %add3A_565 : i32 to vector<49x1024xi32>
    %add3A_567 = arith.addi %add3A_516, %add3A_566 : vector<49x1024xi32>
    %add3A_568 = arith.constant 1 : i32
    %add3A_569 = vector.broadcast %add3A_568 : i32 to vector<49x1024xi32>
    %add3A_570 = arith.addi %add3A_567, %add3A_569 : vector<49x1024xi32>
    %swap3A_571 = arith.constant 11 : index
    %swap3A_572 = arith.constant 0 : index
    %swap3A_573 = arith.constant 0 : index
    %swap3A_574 = vector.load %arg1[%swap3A_571, %swap3A_572, %swap3A_573] : memref<16x49x1024xi32, #tpu.memory_space<vmem>>, vector<1x49x1024xi32>
    %swap3A_575 = vector.shape_cast %swap3A_574 : vector<1x49x1024xi32> to vector<49x1024xi32>
    %swap3A_576 = vector.shape_cast %add3A_570 : vector<49x1024xi32> to vector<1x49x1024xi32>
    tpu.vector_store %arg1[%swap3A_571, %swap3A_572, %swap3A_573], %swap3A_576 {strides = array<i32>} : memref<16x49x1024xi32, #tpu.memory_space<vmem>>, vector<1x49x1024xi32>,
    %mul3A_577 = arith.mulf %sub3A_494, %sub3A_496 : vector<49x1024xf32>
    %mul3A_578 = arith.mulf %mul3A_577, %mul3A_507 : vector<49x1024xf32>
    %swap3A_579 = arith.constant 11 : index
    %swap3A_580 = arith.constant 0 : index
    %swap3A_581 = arith.constant 0 : index
    %swap3A_582 = vector.load %arg2[%swap3A_579, %swap3A_580, %swap3A_581] : memref<16x49x1024xf32, #tpu.memory_space<vmem>>, vector<1x49x1024xf32>
    %swap3A_583 = vector.shape_cast %swap3A_582 : vector<1x49x1024xf32> to vector<49x1024xf32>
    %swap3A_584 = vector.shape_cast %mul3A_578 : vector<49x1024xf32> to vector<1x49x1024xf32>
    tpu.vector_store %arg2[%swap3A_579, %swap3A_580, %swap3A_581], %swap3A_584 {strides = array<i32>} : memref<16x49x1024xf32, #tpu.memory_space<vmem>>, vector<1x49x1024xf32>,
    %neg3A_585 = arith.constant 0.000000e+00 : f32
    %neg3A_586 = vector.broadcast %neg3A_585 : f32 to vector<1x1024xf32>
    %neg3A_587 = arith.subf %neg3A_586, %max3A_29 : vector<1x1024xf32>
    %mul3A_588 = arith.constant 5.000000e-01 : f32
    %mul3A_589 = vector.broadcast %mul3A_588 : f32 to vector<1x1024xf32>
    %mul3A_590 = arith.mulf %neg3A_587, %mul3A_589 : vector<1x1024xf32>
    %add3A_591 = arith.constant 7.500000e-01 : f32
    %add3A_592 = vector.broadcast %add3A_591 : f32 to vector<49x1024xf32>
    %add3A_593 = arith.addf %convert_element_type3A_62, %add3A_592 : vector<49x1024xf32>
    %mul3A_594 = vector.broadcast %div3A_34 : vector<1x1024xf32> to vector<49x1024xf32>
    %mul3A_595 = arith.mulf %add3A_593, %mul3A_594 : vector<49x1024xf32>
    %add3A_596 = vector.broadcast %mul3A_590 : vector<1x1024xf32> to vector<49x1024xf32>
    %add3A_597 = arith.addf %add3A_596, %mul3A_595 : vector<49x1024xf32>
    %neg3A_598 = arith.constant 0.000000e+00 : f32
    %neg3A_599 = vector.broadcast %neg3A_598 : f32 to vector<1x1024xf32>
    %neg3A_600 = arith.subf %neg3A_599, %max3A_20 : vector<1x1024xf32>
    %mul3A_601 = arith.constant 5.000000e-01 : f32
    %mul3A_602 = vector.broadcast %mul3A_601 : f32 to vector<1x1024xf32>
    %mul3A_603 = arith.mulf %neg3A_600, %mul3A_602 : vector<1x1024xf32>
    %add3A_604 = arith.constant 7.500000e-01 : f32
    %add3A_605 = vector.broadcast %add3A_604 : f32 to vector<49x1024xf32>
    %add3A_606 = arith.addf %convert_element_type3A_82, %add3A_605 : vector<49x1024xf32>
    %mul3A_607 = vector.broadcast %div3A_37 : vector<1x1024xf32> to vector<49x1024xf32>
    %mul3A_608 = arith.mulf %add3A_606, %mul3A_607 : vector<49x1024xf32>
    %add3A_609 = vector.broadcast %mul3A_603 : vector<1x1024xf32> to vector<49x1024xf32>
    %add3A_610 = arith.addf %add3A_609, %mul3A_608 : vector<49x1024xf32>
    %mul3A_611 = vector.broadcast %cos3A : vector<1x1024xf32> to vector<49x1024xf32>
    %mul3A_612 = arith.mulf %add3A_610, %mul3A_611 : vector<49x1024xf32>
    %mul3A_613 = vector.broadcast %sin3A : vector<1x1024xf32> to vector<49x1024xf32>
    %mul3A_614 = arith.mulf %add3A_597, %mul3A_613 : vector<49x1024xf32>
    %sub3A_615 = arith.subf %mul3A_612, %mul3A_614 : vector<49x1024xf32>
    %add3A_616 = vector.broadcast %mul3A_6 : vector<1x1024xf32> to vector<49x1024xf32>
    %add3A_617 = arith.addf %sub3A_615, %add3A_616 : vector<49x1024xf32>
    %mul3A_618 = vector.broadcast %sin3A : vector<1x1024xf32> to vector<49x1024xf32>
    %mul3A_619 = arith.mulf %add3A_610, %mul3A_618 : vector<49x1024xf32>
    %mul3A_620 = vector.broadcast %cos3A : vector<1x1024xf32> to vector<49x1024xf32>
    %mul3A_621 = arith.mulf %add3A_597, %mul3A_620 : vector<49x1024xf32>
    %add3A_622 = arith.addf %mul3A_619, %mul3A_621 : vector<49x1024xf32>
    %add3A_623 = vector.broadcast %mul3A_12 : vector<1x1024xf32> to vector<49x1024xf32>
    %add3A_624 = arith.addf %add3A_622, %add3A_623 : vector<49x1024xf32>
    %gt3A_625 = arith.constant -1.000000e+00 : f32
    %gt3A_626 = vector.broadcast %gt3A_625 : f32 to vector<49x1024xf32>
    %gt3A_627 = arith.cmpf ogt, %add3A_624, %gt3A_626 : vector<49x1024xf32>
    %lt3A_628 = arith.constant 1.600000e+02 : f32
    %lt3A_629 = vector.broadcast %lt3A_628 : f32 to vector<49x1024xf32>
    %lt3A_630 = arith.cmpf olt, %add3A_624, %lt3A_629 : vector<49x1024xf32>
    %and3A_631 = arith.andi %gt3A_627, %lt3A_630 : vector<49x1024xi1>
    %gt3A_632 = arith.constant -1.000000e+00 : f32
    %gt3A_633 = vector.broadcast %gt3A_632 : f32 to vector<49x1024xf32>
    %gt3A_634 = arith.cmpf ogt, %add3A_617, %gt3A_633 : vector<49x1024xf32>
    %and3A_635 = arith.andi %and3A_631, %gt3A_634 : vector<49x1024xi1>
    %lt3A_636 = arith.constant 1.600000e+02 : f32
    %lt3A_637 = vector.broadcast %lt3A_636 : f32 to vector<49x1024xf32>
    %lt3A_638 = arith.cmpf olt, %add3A_617, %lt3A_637 : vector<49x1024xf32>
    %and3A_639 = arith.andi %and3A_635, %lt3A_638 : vector<49x1024xi1>
    %jit3A_640 = arith.constant 0.000000e+00 : f32
    %jit3A_641 = arith.constant 1.590000e+02 : f32
    %max3A_642 = vector.broadcast %jit3A_640 : f32 to vector<49x1024xf32>
    %max3A_643 = arith.maximumf %max3A_642, %add3A_624 : vector<49x1024xf32>
    %min3A_644 = vector.broadcast %jit3A_641 : f32 to vector<49x1024xf32>
    %min3A_645 = arith.minimumf %min3A_644, %max3A_643 : vector<49x1024xf32>
    %jit3A_646 = arith.constant 0.000000e+00 : f32
    %jit3A_647 = arith.constant 1.590000e+02 : f32
    %max3A_648 = vector.broadcast %jit3A_646 : f32 to vector<49x1024xf32>
    %max3A_649 = arith.maximumf %max3A_648, %add3A_617 : vector<49x1024xf32>
    %min3A_650 = vector.broadcast %jit3A_647 : f32 to vector<49x1024xf32>
    %min3A_651 = arith.minimumf %min3A_650, %max3A_649 : vector<49x1024xf32>
    %floor3A_652 = math.floor %min3A_645 : vector<49x1024xf32>
    %convert_element_type3A_653 = arith.fptosi %floor3A_652 : vector<49x1024xf32> to vector<49x1024xi32>
    %min3A_654 = arith.constant 158 : i32
    %min3A_655 = vector.broadcast %min3A_654 : i32 to vector<49x1024xi32>
    %min3A_656 = arith.minsi %convert_element_type3A_653, %min3A_655 : vector<49x1024xi32>
    %floor3A_657 = math.floor %min3A_651 : vector<49x1024xf32>
    %convert_element_type3A_658 = arith.fptosi %floor3A_657 : vector<49x1024xf32> to vector<49x1024xi32>
    %min3A_659 = arith.constant 158 : i32
    %min3A_660 = vector.broadcast %min3A_659 : i32 to vector<49x1024xi32>
    %min3A_661 = arith.minsi %convert_element_type3A_658, %min3A_660 : vector<49x1024xi32>
    %convert_element_type3A_662 = arith.sitofp %min3A_656 : vector<49x1024xi32> to vector<49x1024xf32>
    %sub3A_663 = arith.subf %min3A_645, %convert_element_type3A_662 : vector<49x1024xf32>
    %convert_element_type3A_664 = arith.sitofp %min3A_661 : vector<49x1024xi32> to vector<49x1024xf32>
    %sub3A_665 = arith.subf %min3A_651, %convert_element_type3A_664 : vector<49x1024xf32>
    %sub3A_666 = arith.constant 1.000000e+00 : f32
    %sub3A_667 = vector.broadcast %sub3A_666 : f32 to vector<49x1024xf32>
    %sub3A_668 = arith.subf %sub3A_667, %sub3A_663 : vector<49x1024xf32>
    %sub3A_669 = arith.constant 1.000000e+00 : f32
    %sub3A_670 = vector.broadcast %sub3A_669 : f32 to vector<49x1024xf32>
    %sub3A_671 = arith.subf %sub3A_670, %sub3A_665 : vector<49x1024xf32>
    %convert_element_type3A_672 = arith.extui %and3A_639 : vector<49x1024xi1> to vector<49x1024xi32>
    %convert_element_type3A_673 = arith.sitofp %convert_element_type3A_672 : vector<49x1024xi32> to vector<49x1024xf32>
    %mul3A_674 = arith.constant 2.500000e-01 : f32
    %mul3A_675 = vector.broadcast %mul3A_674 : f32 to vector<49x1024xf32>
    %mul3A_676 = arith.mulf %convert_element_type3A_673, %mul3A_675 : vector<49x1024xf32>
    %mul3A_677 = arith.constant 25600 : i32
    %mul3A_678 = vector.broadcast %mul3A_677 : i32 to vector<1x1024xi32>
    %mul3A_679 = arith.muli %convert_element_type3A, %mul3A_678 : vector<1x1024xi32>
    %mul3A_680 = arith.constant 160 : i32
    %mul3A_681 = vector.broadcast %mul3A_680 : i32 to vector<49x1024xi32>
    %mul3A_682 = arith.muli %min3A_656, %mul3A_681 : vector<49x1024xi32>
    %add3A_683 = vector.broadcast %mul3A_679 : vector<1x1024xi32> to vector<49x1024xi32>
    %add3A_684 = arith.addi %add3A_683, %mul3A_682 : vector<49x1024xi32>
    %add3A_685 = arith.addi %add3A_684, %min3A_661 : vector<49x1024xi32>
    %swap3A_686 = arith.constant 12 : index
    %swap3A_687 = arith.constant 0 : index
    %swap3A_688 = arith.constant 0 : index
    %swap3A_689 = vector.load %arg1[%swap3A_686, %swap3A_687, %swap3A_688] : memref<16x49x1024xi32, #tpu.memory_space<vmem>>, vector<1x49x1024xi32>
    %swap3A_690 = vector.shape_cast %swap3A_689 : vector<1x49x1024xi32> to vector<49x1024xi32>
    %swap3A_691 = vector.shape_cast %add3A_685 : vector<49x1024xi32> to vector<1x49x1024xi32>
    tpu.vector_store %arg1[%swap3A_686, %swap3A_687, %swap3A_688], %swap3A_691 {strides = array<i32>} : memref<16x49x1024xi32, #tpu.memory_space<vmem>>, vector<1x49x1024xi32>,
    %mul3A_692 = arith.mulf %sub3A_668, %sub3A_671 : vector<49x1024xf32>
    %mul3A_693 = arith.mulf %mul3A_692, %mul3A_676 : vector<49x1024xf32>
    %swap3A_694 = arith.constant 12 : index
    %swap3A_695 = arith.constant 0 : index
    %swap3A_696 = arith.constant 0 : index
    %swap3A_697 = vector.load %arg2[%swap3A_694, %swap3A_695, %swap3A_696] : memref<16x49x1024xf32, #tpu.memory_space<vmem>>, vector<1x49x1024xf32>
    %swap3A_698 = vector.shape_cast %swap3A_697 : vector<1x49x1024xf32> to vector<49x1024xf32>
    %swap3A_699 = vector.shape_cast %mul3A_693 : vector<49x1024xf32> to vector<1x49x1024xf32>
    tpu.vector_store %arg2[%swap3A_694, %swap3A_695, %swap3A_696], %swap3A_699 {strides = array<i32>} : memref<16x49x1024xf32, #tpu.memory_space<vmem>>, vector<1x49x1024xf32>,
    %add3A_700 = arith.constant 1 : i32
    %add3A_701 = vector.broadcast %add3A_700 : i32 to vector<49x1024xi32>
    %add3A_702 = arith.addi %add3A_685, %add3A_701 : vector<49x1024xi32>
    %swap3A_703 = arith.constant 13 : index
    %swap3A_704 = arith.constant 0 : index
    %swap3A_705 = arith.constant 0 : index
    %swap3A_706 = vector.load %arg1[%swap3A_703, %swap3A_704, %swap3A_705] : memref<16x49x1024xi32, #tpu.memory_space<vmem>>, vector<1x49x1024xi32>
    %swap3A_707 = vector.shape_cast %swap3A_706 : vector<1x49x1024xi32> to vector<49x1024xi32>
    %swap3A_708 = vector.shape_cast %add3A_702 : vector<49x1024xi32> to vector<1x49x1024xi32>
    tpu.vector_store %arg1[%swap3A_703, %swap3A_704, %swap3A_705], %swap3A_708 {strides = array<i32>} : memref<16x49x1024xi32, #tpu.memory_space<vmem>>, vector<1x49x1024xi32>,
    %mul3A_709 = arith.mulf %sub3A_668, %sub3A_665 : vector<49x1024xf32>
    %mul3A_710 = arith.mulf %mul3A_709, %mul3A_676 : vector<49x1024xf32>
    %swap3A_711 = arith.constant 13 : index
    %swap3A_712 = arith.constant 0 : index
    %swap3A_713 = arith.constant 0 : index
    %swap3A_714 = vector.load %arg2[%swap3A_711, %swap3A_712, %swap3A_713] : memref<16x49x1024xf32, #tpu.memory_space<vmem>>, vector<1x49x1024xf32>
    %swap3A_715 = vector.shape_cast %swap3A_714 : vector<1x49x1024xf32> to vector<49x1024xf32>
    %swap3A_716 = vector.shape_cast %mul3A_710 : vector<49x1024xf32> to vector<1x49x1024xf32>
    tpu.vector_store %arg2[%swap3A_711, %swap3A_712, %swap3A_713], %swap3A_716 {strides = array<i32>} : memref<16x49x1024xf32, #tpu.memory_space<vmem>>, vector<1x49x1024xf32>,
    %add3A_717 = arith.constant 160 : i32
    %add3A_718 = vector.broadcast %add3A_717 : i32 to vector<49x1024xi32>
    %add3A_719 = arith.addi %add3A_685, %add3A_718 : vector<49x1024xi32>
    %swap3A_720 = arith.constant 14 : index
    %swap3A_721 = arith.constant 0 : index
    %swap3A_722 = arith.constant 0 : index
    %swap3A_723 = vector.load %arg1[%swap3A_720, %swap3A_721, %swap3A_722] : memref<16x49x1024xi32, #tpu.memory_space<vmem>>, vector<1x49x1024xi32>
    %swap3A_724 = vector.shape_cast %swap3A_723 : vector<1x49x1024xi32> to vector<49x1024xi32>
    %swap3A_725 = vector.shape_cast %add3A_719 : vector<49x1024xi32> to vector<1x49x1024xi32>
    tpu.vector_store %arg1[%swap3A_720, %swap3A_721, %swap3A_722], %swap3A_725 {strides = array<i32>} : memref<16x49x1024xi32, #tpu.memory_space<vmem>>, vector<1x49x1024xi32>,
    %mul3A_726 = arith.mulf %sub3A_663, %sub3A_671 : vector<49x1024xf32>
    %mul3A_727 = arith.mulf %mul3A_726, %mul3A_676 : vector<49x1024xf32>
    %swap3A_728 = arith.constant 14 : index
    %swap3A_729 = arith.constant 0 : index
    %swap3A_730 = arith.constant 0 : index
    %swap3A_731 = vector.load %arg2[%swap3A_728, %swap3A_729, %swap3A_730] : memref<16x49x1024xf32, #tpu.memory_space<vmem>>, vector<1x49x1024xf32>
    %swap3A_732 = vector.shape_cast %swap3A_731 : vector<1x49x1024xf32> to vector<49x1024xf32>
    %swap3A_733 = vector.shape_cast %mul3A_727 : vector<49x1024xf32> to vector<1x49x1024xf32>
    tpu.vector_store %arg2[%swap3A_728, %swap3A_729, %swap3A_730], %swap3A_733 {strides = array<i32>} : memref<16x49x1024xf32, #tpu.memory_space<vmem>>, vector<1x49x1024xf32>,
    %add3A_734 = arith.constant 160 : i32
    %add3A_735 = vector.broadcast %add3A_734 : i32 to vector<49x1024xi32>
    %add3A_736 = arith.addi %add3A_685, %add3A_735 : vector<49x1024xi32>
    %add3A_737 = arith.constant 1 : i32
    %add3A_738 = vector.broadcast %add3A_737 : i32 to vector<49x1024xi32>
    %add3A_739 = arith.addi %add3A_736, %add3A_738 : vector<49x1024xi32>
    %swap3A_740 = arith.constant 15 : index
    %swap3A_741 = arith.constant 0 : index
    %swap3A_742 = arith.constant 0 : index
    %swap3A_743 = vector.load %arg1[%swap3A_740, %swap3A_741, %swap3A_742] : memref<16x49x1024xi32, #tpu.memory_space<vmem>>, vector<1x49x1024xi32>
    %swap3A_744 = vector.shape_cast %swap3A_743 : vector<1x49x1024xi32> to vector<49x1024xi32>
    %swap3A_745 = vector.shape_cast %add3A_739 : vector<49x1024xi32> to vector<1x49x1024xi32>
    tpu.vector_store %arg1[%swap3A_740, %swap3A_741, %swap3A_742], %swap3A_745 {strides = array<i32>} : memref<16x49x1024xi32, #tpu.memory_space<vmem>>, vector<1x49x1024xi32>,
    %mul3A_746 = arith.mulf %sub3A_663, %sub3A_665 : vector<49x1024xf32>
    %mul3A_747 = arith.mulf %mul3A_746, %mul3A_676 : vector<49x1024xf32>
    %swap3A_748 = arith.constant 15 : index
    %swap3A_749 = arith.constant 0 : index
    %swap3A_750 = arith.constant 0 : index
    %swap3A_751 = vector.load %arg2[%swap3A_748, %swap3A_749, %swap3A_750] : memref<16x49x1024xf32, #tpu.memory_space<vmem>>, vector<1x49x1024xf32>
    %swap3A_752 = vector.shape_cast %swap3A_751 : vector<1x49x1024xf32> to vector<49x1024xf32>
    %swap3A_753 = vector.shape_cast %mul3A_747 : vector<49x1024xf32> to vector<1x49x1024xf32>
    tpu.vector_store %arg2[%swap3A_748, %swap3A_749, %swap3A_750], %swap3A_753 {strides = array<i32>} : memref<16x49x1024xf32, #tpu.memory_space<vmem>>, vector<1x49x1024xf32>,
    return
  }
}

module attributes {stable_mosaic.version = 14 : i64} {
  func.func @_pack_words_kernel(%arg0: i32, %arg1: memref<2048x256xf32, #tpu.memory_space<vmem>>, %arg2: memref<2048x128xi32, #tpu.memory_space<vmem>>) attributes {dimension_semantics = [#tpu.dimension_semantics<arbitrary>], iteration_bounds = array<i64: 25>, scalar_prefetch = 0 : i64, scratch_operands = 0 : i64, tpu.core_type = #tpu.core_type<tc>, window_params = [{transform_indices = @transform_0, window_bounds = array<i64: 2048, 256>}, {transform_indices = @transform_1, window_bounds = array<i64: 2048, 128>}]} {
    %get3A = arith.constant 0 : index
    %get3A_0 = arith.constant 0 : index
    %get3A_1 = vector.load %arg1[%get3A, %get3A_0] : memref<2048x256xf32, #tpu.memory_space<vmem>>, vector<2048x256xf32>
    %bitcast_convert_type3A = tpu.bitcast %get3A_1 : vector<2048x256xf32> -> vector<2048x256xi32>
    %slice3A = vector.extract_strided_slice %bitcast_convert_type3A {offsets = [0, 0], sizes = [2048, 128], strides = [1, 1]} : vector<2048x256xi32> to vector<2048x128xi32>
    %slice3A_2 = vector.extract_strided_slice %bitcast_convert_type3A {offsets = [0, 128], sizes = [2048, 128], strides = [1, 1]} : vector<2048x256xi32> to vector<2048x128xi32>
    %shift_right_logical3A = arith.constant 16 : i32
    %shift_right_logical3A_3 = vector.broadcast %shift_right_logical3A : i32 to vector<2048x128xi32>
    %shift_right_logical3A_4 = arith.shrui %slice3A, %shift_right_logical3A_3 : vector<2048x128xi32>
    %and3A = arith.constant 1 : i32
    %and3A_5 = vector.broadcast %and3A : i32 to vector<2048x128xi32>
    %and3A_6 = arith.andi %shift_right_logical3A_4, %and3A_5 : vector<2048x128xi32>
    %add3A = arith.addi %slice3A, %and3A_6 : vector<2048x128xi32>
    %add3A_7 = arith.constant 32767 : i32
    %add3A_8 = vector.broadcast %add3A_7 : i32 to vector<2048x128xi32>
    %add3A_9 = arith.addi %add3A, %add3A_8 : vector<2048x128xi32>
    %shift_right_logical3A_10 = arith.constant 16 : i32
    %shift_right_logical3A_11 = vector.broadcast %shift_right_logical3A_10 : i32 to vector<2048x128xi32>
    %shift_right_logical3A_12 = arith.shrui %add3A_9, %shift_right_logical3A_11 : vector<2048x128xi32>
    %shift_right_logical3A_13 = arith.constant 16 : i32
    %shift_right_logical3A_14 = vector.broadcast %shift_right_logical3A_13 : i32 to vector<2048x128xi32>
    %shift_right_logical3A_15 = arith.shrui %slice3A_2, %shift_right_logical3A_14 : vector<2048x128xi32>
    %and3A_16 = arith.constant 1 : i32
    %and3A_17 = vector.broadcast %and3A_16 : i32 to vector<2048x128xi32>
    %and3A_18 = arith.andi %shift_right_logical3A_15, %and3A_17 : vector<2048x128xi32>
    %add3A_19 = arith.addi %slice3A_2, %and3A_18 : vector<2048x128xi32>
    %add3A_20 = arith.constant 32767 : i32
    %add3A_21 = vector.broadcast %add3A_20 : i32 to vector<2048x128xi32>
    %add3A_22 = arith.addi %add3A_19, %add3A_21 : vector<2048x128xi32>
    %shift_right_logical3A_23 = arith.constant 16 : i32
    %shift_right_logical3A_24 = vector.broadcast %shift_right_logical3A_23 : i32 to vector<2048x128xi32>
    %shift_right_logical3A_25 = arith.shrui %add3A_22, %shift_right_logical3A_24 : vector<2048x128xi32>
    %shift_left3A = arith.constant 16 : i32
    %shift_left3A_26 = vector.broadcast %shift_left3A : i32 to vector<2048x128xi32>
    %shift_left3A_27 = arith.shli %shift_right_logical3A_25, %shift_left3A_26 : vector<2048x128xi32>
    %or3A = arith.ori %shift_right_logical3A_12, %shift_left3A_27 : vector<2048x128xi32>
    %bitcast_convert_type3A_28 = tpu.bitcast %or3A : vector<2048x128xi32> -> vector<2048x128xi32>
    %swap3A = arith.constant 0 : index
    %swap3A_29 = arith.constant 0 : index
    %swap3A_30 = vector.load %arg2[%swap3A, %swap3A_29] : memref<2048x128xi32, #tpu.memory_space<vmem>>, vector<2048x128xi32>
    tpu.vector_store %arg2[%swap3A, %swap3A_29], %bitcast_convert_type3A_28 {strides = array<i32>} : memref<2048x128xi32, #tpu.memory_space<vmem>>, vector<2048x128xi32>,
    return
  }
  func.func @transform_0(%arg0: i32) -> (i32, i32) {
    %c0_i32 = arith.constant 0 : i32
    %c0_i32_0 = arith.constant 0 : i32
    return %arg0, %c0_i32 : i32, i32
  }
  func.func @transform_1(%arg0: i32) -> (i32, i32) {
    %c0_i32 = arith.constant 0 : i32
    %c0_i32_0 = arith.constant 0 : i32
    return %arg0, %c0_i32 : i32, i32
  }
}

</mosaic_0001>

<sc_bundles>
// kernel: kernel.5.cloned.1.call-start
scs
__scs_entry_jumppad:
0x0: {  	(pc) =	sbr.rel $0x88, $3  }
0x1: {  	(tag) =	ssettag $0x0;
	lr =	simm.s32 $0x1  }
0x2: {  	[smem:$0x3F9F] =	sst lr;
	_ =	strace $0xD0000000  }
0x3: {  	_ = 	snop  }
0x4: {  	_ = 	snop  }
0x5: {  	_ = 	snop  }
0x6: {  	_ = 	snop  }
0x7: {  	_ = 	snop  }
__scs_overlays_trampoline_lowered:
0x8: {  	[smem:$0x3FAE] =	sst s0  }
0x9: {  	[smem:$0x3FAF] =	sst s1  }
0xa: {  	[smem:$0x3FB0] =	sst s2  }
0xb: {  	[smem:$0x3FB1] =	sst s3  }
0xc: {  	[smem:$0x3FB2] =	sst s4  }
0xd: {  	[smem:$0x3FB3] =	sst s5  }
0xe: {  	[smem:$0x3FB4] =	sst s6  }
0xf: {  	[smem:$0x3FB5] =	sst s7  }
0x10: {  	[smem:$0x3FB6] =	sst s8  }
0x11: {  	[smem:$0x3FB7] =	sst s9;
	s0 =	simm.s32 @!p0 $0x0  }
0x12: {  	s1 =	sld [smem:$0x3F9D];
	s0 =	simm.s32 @p0 $0x1  }
0x13: {  	[smem:$0x3FB8] =	sst s0;
	s0 =	simm.s32 @!p1 $0x0  }
0x14: {  	s2 =	sld [smem:$0x3F9C];
	s0 =	simm.s32 @p1 $0x1  }
0x15: {  	[smem:$0x3FB9] =	sst s0;
	s0 =	simm.s32 @!p2 $0x0  }
0x16: {  	s3 =	sld [smem:$0x3FDB];
	s0 =	simm.s32 @p2 $0x1  }
0x17: {  	s4 =	simm.s32 $0x1BF5;
	[smem:$0x3FBB] =	sst s0  }
0x18: {  	s0 =	sld [smem:$0x3F9E];
	_ =	swait.ge [sflag:s4], $0x0  }
0x19: {  	s7 =	sld [smem:$0x3F9F]  }
0x1a: {  	s8 =	sadd.s32 $0xFFFFE003, lr  }
0x1b: {  	s9 =	sadd.s32 $0xFFFFFEF7, lr;
	s5 =	simm.s32 $0xFFFFFFFF;
	p2 =	slt.u32 s8, $0xFFFFF086  }
0x1c: {  	p1 =	slt.u32 s9, $0xF7A;
	s5 =	simm.s32 @!p2 $0x0  }
0x1d: {  	s5 =	simm.s32 @p1 $0x1;
	p0 =	seq.s32 s7, s2  }
0x1e: {  	s7 =	smul.u32 @!p0 $0xF7A, s2;
	p2 =	seq.s32 @!p0 s5, $0x0  }
0x1f: {  	s9 =	smul.u32 $0xF7A, s1;
	s8 =	simm.s32 @!p0 $0x1BF5;
	p2 =	por !p2, p0  }
0x20: {  	[sflag:s8] =	ssyncset.s32 @!p0 $0xFFFFF086;
	s6 =	sadd.s32 @!p0 s3, s7;
	s7 =	simm.s32 @!p0 $0x108  }
0x21: {  	s3 =	sadd.s32 s3, s9;
	s6 =	sadd.s32 @!p0 $0x88, s6;
	s7 =	simm.s32 @p2 $0x1082  }
0x22: {  	[simem:s7], [sflag:s8] =	dma.local @!p0 [hbm:s6], $0xF7A  }
0x23: {  	s9 =	sor.u32 $0xD0000000, s2;
	s6 =	simm.s32 $0x108;
	_ =	swait.ge @!p0 [sflag:s8], $0x0  }
0x24: {  	s3 =	sadd.s32 $0x88, s3;
	s6 =	simm.s32 @!p1 $0x1082;
	[sflag:s4] =	ssyncset.s32 $0xFFFFF086  }
0x25: {  	[simem:s6], [sflag:s4] =	dma.local [hbm:s3], $0xF7A  }
0x26: {  	[smem:$0x3F9F] =	sst s1;
	(tag) =	ssettag s2;
	_ =	strace s9  }
0x27: {  	s1 =	sld [smem:$0x3FAF]  }
0x28: {  	s2 =	sld [smem:$0x3FB0]  }
0x29: {  	s4 =	sld [smem:$0x3FB2]  }
0x2a: {  	p0 =	seq.s32 s5, $0x0;
	s5 =	sld [smem:$0x3FB3]  }
0x2b: {  	s6 =	sld [smem:$0x3FB4]  }
0x2c: {  	s7 =	sld [smem:$0x3FB5]  }
0x2d: {  	s3 =	simm.s32 $0x108;
	s8 =	sld [smem:$0x3FB6]  }
0x2e: {  	s3 =	simm.s32 @!p0 $0x1082;
	s9 =	sld [smem:$0x3FB7]  }
0x2f: {  	lr =	sadd.s32 s0, s3;
	s0 =	sld [smem:$0x3FAE]  }
0x30: {  	s3 =	sld [smem:$0x3FB1]  }
0x31: {  	[smem:$0x3FBA] =	sst s10  }
0x32: {  	s10 =	sld [smem:$0x3FB8];
	_ =	sdelay $0x3  }
0x33: {  	p0 =	seq.s32 s10, $0x1;
	s10 =	sld [smem:$0x3FBA];
	_ =	sdelay $0x3  }
0x34: {  	[smem:$0x3FBA] =	sst s10  }
0x35: {  	s10 =	sld [smem:$0x3FB9];
	_ =	sdelay $0x3  }
0x36: {  	p1 =	seq.s32 s10, $0x1;
	s10 =	sld [smem:$0x3FBA];
	_ =	sdelay $0x3  }
0x37: {  	[smem:$0x3FBA] =	sst s10  }
0x38: {  	s10 =	sld [smem:$0x3FBB]  }
0x39: {  	_ = 	snop;
	(pc) =	sbr.ind lr, $3  }
0x3a: {  	_ = 	snop  }
0x3b: {  	_ = 	snop  }
0x3c: {  	p2 =	seq.s32 s10, $0x1;
	s10 =	sld [smem:$0x3FBA]  }
0x3d: {  	_ =	shalt  }
0x3e: {  	_ =	shalt  }
0x3f: {  	_ =	shalt  }
0x40: {  	_ =	shalt  }
0x41: {  	_ =	shalt  }
0x42: {  	_ =	shalt  }
0x43: {  	_ =	shalt  }
0x44: {  	_ =	shalt  }
0x45: {  	_ =	shalt  }
0x46: {  	_ =	shalt  }
0x47: {  	_ =	shalt  }
0x48: {  	_ =	shalt  }
0x49: {  	_ =	shalt  }
0x4a: {  	_ =	shalt  }
0x4b: {  	_ =	shalt  }
0x4c: {  	_ =	shalt  }
0x4d: {  	_ =	shalt  }
0x4e: {  	_ =	shalt  }
0x4f: {  	_ =	shalt  }
0x50: {  	_ =	shalt  }
0x51: {  	_ =	shalt  }
0x52: {  	_ =	shalt  }
0x53: {  	_ =	shalt  }
0x54: {  	_ =	shalt  }
0x55: {  	_ =	shalt  }
0x56: {  	_ =	shalt  }
0x57: {  	_ =	shalt  }
0x58: {  	_ =	shalt  }
0x59: {  	_ =	shalt  }
0x5a: {  	_ =	shalt  }
0x5b: {  	_ =	shalt  }
0x5c: {  	_ =	shalt  }
0x5d: {  	_ =	shalt  }
0x5e: {  	_ =	shalt  }
0x5f: {  	_ =	shalt  }
0x60: {  	_ =	shalt  }
0x61: {  	_ =	shalt  }
0x62: {  	_ =	shalt  }
0x63: {  	_ =	shalt  }
0x64: {  	_ =	shalt  }
0x65: {  	_ =	shalt  }
0x66: {  	_ =	shalt  }
0x67: {  	_ =	shalt  }
0x68: {  	_ =	shalt  }
0x69: {  	_ =	shalt  }
0x6a: {  	_ =	shalt  }
0x6b: {  	_ =	shalt  }
0x6c: {  	_ =	shalt  }
0x6d: {  	_ =	shalt  }
0x6e: {  	_ =	shalt  }
0x6f: {  	_ =	shalt  }
0x70: {  	_ =	shalt  }
0x71: {  	_ =	shalt  }
0x72: {  	_ =	shalt  }
0x73: {  	_ =	shalt  }
0x74: {  	_ =	shalt  }
0x75: {  	_ =	shalt  }
0x76: {  	_ =	shalt  }
0x77: {  	_ =	shalt  }
0x78: {  	_ =	shalt  }
0x79: {  	_ =	shalt  }
0x7a: {  	_ =	shalt  }
0x7b: {  	_ =	shalt  }
0x7c: {  	_ =	shalt  }
0x7d: {  	_ =	shalt  }
0x7e: {  	_ =	shalt  }
0x7f: {  	_ =	shalt  }
0x80: {  	_ =	shalt  }
0x81: {  	_ =	shalt  }
0x82: {  	_ =	shalt  }
0x83: {  	_ =	shalt  }
0x84: {  	_ =	shalt  }
0x85: {  	_ =	shalt  }
0x86: {  	_ =	shalt  }
0x87: {  	_ =	shalt  }
.Lfunc_end0:
.L_simem_size_0:
called_computation.1_lowered:
.L_overlay_start_0:
0x88: {  	s2 =	sld [smem:$0x3FD9]  }
0x89: {  	s3 =	sld [smem:$0x3FFE];
	_ =	sdelay $0x1  }
0x8a: {  	s1 =	srdreg.scid  }
0x8b: {  	s0 =	sand.u32 $0x1, s1  }
0x8c: {  	s17 =	sshll.u32 s0, $0xA;
	s2 =	sadd.s32 s3, s2  }
0x8d: {  	s2 =	sadd.s32 s2, s17  }
0x8e: {  	[smem:$0x3FC6] =	sst s2  }
0x8f: {  	_ = 	snop  }
0x90: {  	s2 =	sld [smem:$0x3FD0];
	(tm) =	ssettm $0x1  }
0x91: {  	s18 =	sld [smem:$0x3FFB];
	_ =	sdelay $0x3  }
0x92: {  	_ =	strace s18  }
0x93: {  	s3 =	sld [smem:$0x3FFC];
	_ =	sdelay $0x3  }
0x94: {  	_ =	strace s3  }
0x95: {  	s3 =	sld [smem:$0x3FFD];
	_ =	sdelay $0x3  }
0x96: {  	_ =	strace s3  }
0x97: {  	_ =	strace $0x8FFFFFFF  }
0x98: {  	s19 =	sld [smem:$0x3FDB];
	_ =	sdelay $0x1  }
0x99: {  	s4 =	simm.s32 $_scs_section_size  }
0x9a: {  	s5 =	simm.s32 $_size__tile_overlayer_lowered;
	s6 =	simm.s32 $_tile_overlayer_lowered  }
0x9b: {  	s22 =	simm.s32 $0x1BFF;
	s21 =	sshll.u32 s6, $0x1;
	s3 =	sadd.s32 s4, s19  }
0x9c: {  	s7 =	simm.s32 $0x0;
	s20 =	sshll.u32 s5, $0x1;
	s5 =	sadd.s32 s21, s3  }
0x9d: {  	[timem:s7], [sflag:s22] =	dma.local [hbm:s5], s20  }
0x9e: {  	_ =	swait.ge [sflag:s22], s20  }
0x9f: {  	s4 =	ssub.s32 $0x0, s20;
	[sflag:s22] =	ssyncset.done $0x0  }
0xa0: {  	[sflag:s22] =	ssyncadd.s32 s4;
	_ =	sdelay $0x1  }
0xa1: {  	s23 =	simm.s32 $0x1B8B  }
0xa2: {  	_ =	swait.ge [sflag:s23], $0x1  }
0xa3: {  	[sflag:s23] =	ssyncset.done $0x0  }
0xa4: {  	s25 =	simm.s32 $0x1B8E;
	s24 =	sld [smem:$0x3FFE];
	[sflag:s23] =	ssyncadd.s32 $0xFFFFFFFF  }
0xa5: {  	s26 =	simm.s32 $execute0_lowered;
	[smem:$0x3FD2] =	sst s25  }
0xa6: {  	s5 =	sshll.u32 s26, $0x1;
	_ =	strace $0x80000046;
	[dreg:$0x1] =	wrdreg $0xFFFFFFFF  }
0xa7: {  	s28 =	simm.s32 $_size_execute0_lowered;
	s3 =	sadd.s32 s3, s5;
	[dreg:$0x0] =	wrdreg $0x0  }
0xa8: {  	s5 =	sshll.u32 s28, $0x1;
	[dreg:$0x2] =	wrdreg s3  }
0xa9: {  	[dreg:$0x3] =	wrdreg s5  }
0xaa: {  	[dreg:$0x4] =	wrdreg $0xC0  }
0xab: {  	_ =	task [dreg:s7], $0x5FFFF  }
0xac: {  	[dreg:$0x1] =	wrdreg $0xFFFFFFFF  }
0xad: {  	[dreg:$0x0] =	wrdreg $0x60  }
0xae: {  	[dreg:$0x2] =	wrdreg s2  }
0xaf: {  	[dreg:$0x3] =	wrdreg s24  }
0xb0: {  	[dreg:$0x4] =	wrdreg $0x9  }
0xb1: {  	_ =	task.clear_ibuf [dreg:s7], $0x5FFFF;
	_ =	strace $0x90000046  }
0xb2: {  	s29 =	simm.s32 $0x9;
	_ =	strace $0x80000048  }
0xb3: {  	_ =	swait.ge [sflag:s29], $0x1  }
0xb4: {  	[sflag:s29] =	ssyncadd.s32 $0xFFFFFFFF  }
0xb5: {  	_ =	strace $0x90000048  }
0xb6: {  	_ =	sfence  }
0xb7: {  	s30 =	sld [smem:$0x0];
	_ =	sdelay $0x2  }
0xb8: {  	s31 =	sshll.u32 s1, $0xD;
	s1 =	sshrl.u32 s1, $0x2  }
0xb9: {  	s3 =	sand.u32 $0x4000, s31;
	s1 =	sadd.s32 s1, s30  }
0xba: {  	s0 =	sor.u32 s3, s0;
	s1 =	sshll.u32 s1, $0x11  }
0xbb: {  	s0 =	sor.u32 s1, s0  }
0xbc: {  	s0 =	sadd.s32 $0x8F2B, s0  }
0xbd: {  	[sflag:s0] =	ssyncadd.remote.s32 $0x1  }
0xbe: {  	_ =	sfence.sel $0xFFFF  }
0xbf: {  	[dreg:$0x0] =	wrdreg $0xFFFFFFFF;
	(pc) =	sbr.abs _section_cstart, $3  }
0xc0: {  	[dreg:$0x1] =	wrdreg $0xFFFFFFFF  }
0xc1: {  	_ =	task.clear_ibuf [dreg:s7], $0x2FFFF;
	_ =	strace $0x9FFFFFFF  }
0xc2: {  	(tm) =	ssettm $0x7FFFFFFF  }
0xc3: {  	_ =	shalt  }
tec
execute0_lowered:
.L_overlay_start_1:
0x0: {  	(tag) =	ssettag $0x1  }
0x1: {  	s1 =	rddreg [dreg:$0x0]  }
0x2: {  	s0 =	rddreg [dreg:$0x1]  }
0x3: {  	s3 =	simm.s32 $0x0;
	s2 =	srdreg.scid;
	s4 =	stileid.u32  }
0x4: {  	s14 =	simm.s32 $0x1;
	s15 =	simm.s32 $0x100;
	s16 =	simm.s32 $0x3  }
0x5: {  	s17 =	simm.s32 $0x80;
	s18 =	simm.s32 $0x180;
	s19 =	simm.s32 $0x200  }
0x6: {  	s20 =	simm.s32 $0x2;
	s21 =	simm.s32 $0x4;
	s22 =	simm.s32 $0x4200  }
0x7: {  	s23 =	simm.s32 $0x5;
	s28 =	simm.s32 $0x8A00;
	s29 =	simm.s32 $0x7  }
0x8: {  	s30 =	simm.s32 $0x0;
	s2 =	sand.u32 $0x1, s2;
	s4 =	sshll.u32 s4, $0x1  }
0x9: {  	[smem:$0x7FF] =	sst s3;
	s7 =	ssub.s32 $0x2, s2;
	s2 =	sor.u32 s2, s4  }
0xa: {  	s5 =	sadd.s32 $0xA00, s0;
	s6 =	sadd.s32 $0x30A00, s0;
	s9 =	smul.u32 $0xC00, s2  }
0xb: {  	_ =	strace $0x80000047;
	s4 =	sadd.s32 $0x18A00, s0;
	s8 =	sshrl.u32 s7, $0x1  }
0xc: {  	s24 =	ssub.s32 s7, s8;
	s25 =	sadd.s32 s4, s9;
	s26 =	sor.u32 $0x10, s9  }
.Ltmp0:
0xd: {  	s9 =	sadd.s32 s5, s9;
	[dreg:$0x3] =	wrdreg s25;
	(pc) =	sbr.rel .LBB2_1-.Ltmp0, $4  }
0xe: {  	s12 =	smul.u32 $0x60000, s2;
	s0 =	smax.u32 s24, $0x1;
	[dreg:$0x4] =	wrdreg s9  }
0xf: {  	s7 =	smul.u32 $0xC0, s2;
	s31 =	sadd.s32 s4, s26;
	[dreg:$0x7] =	wrdreg s0  }
0x10: {  	s24 =	simm.s32 $0x8200;
	s8 =	sadd.s32 s5, s26;
	[dreg:$0x5] =	wrdreg s31  }
0x11: {  	s25 =	simm.s32 $0x6;
	s26 =	simm.s32 $0x8;
	[dreg:$0x6] =	wrdreg s8  }
.LBB2_12:
0x12: {  	_ =	swait.ge [sflag:s29], $0x800  }
0x13: {  	[sflag:s29] =	ssyncset.done $0x0  }
0x14: {  	[sflag:s29] =	ssyncadd.s32 $0xFFFFF800  }
0x15: {  	_ =	swait.ge [sflag:s26], $0x800  }
0x16: {  	s30 =	sadd.s32 $0x1, s30;
	s0 =	rddreg [dreg:$0x7]  }
0x17: {  	p0 =	sne.s32 s30, s0  }
.Ltmp1:
0x18: {  	_ = 	snop;
	(pc) =	sbr.rel @!p0 .LBB2_13-.Ltmp1, $3  }
0x19: {  	_ =	sdelay $0x1  }
0x1a: {  	[sflag:s26] =	ssyncset.done $0x0  }
0x1b: {  	[sflag:s26] =	ssyncadd.s32 $0xFFFFF800  }
.LBB2_1:
0x1c: {  	s0 =	rddreg [dreg:$0x3]  }
0x1d: {  	[tilespmem:s3], [sflag:$0x1] =	stream.linear.gather [hbm4b:s0+s3], $0x80, $0x38;
	[tilespmem:$0x9200] =	vst v63  }
0x1e: {  	_ =	swait.ge [sflag:s14], $0x80  }
0x1f: {  	[sflag:s14] =	ssyncset.done $0x0  }
0x20: {  	s10 =	rddreg [dreg:$0x4];
	[sflag:s14] =	ssyncadd.s32 $0xFFFFFF80  }
0x21: {  	[tilespmem:s15], [sflag:$0x3] =	stream.linear.gather [hbm4b:s10+s3], $0x80, $0x38;
	[tilespmem:$0x9200] =	vst v63  }
0x22: {  	_ =	swait.ge [sflag:s16], $0x80  }
0x23: {  	[sflag:s16] =	ssyncset.done $0x0  }
0x24: {  	s11 =	rddreg [dreg:$0x5];
	[sflag:s16] =	ssyncadd.s32 $0xFFFFFF80  }
0x25: {  	[tilespmem:s17], [sflag:$0x2] =	stream.linear.gather [hbm4b:s11+s3], $0x80, $0x38;
	[tilespmem:$0x9200] =	vst v63  }
0x26: {  	s13 =	rddreg [dreg:$0x6]  }
0x27: {  	[tilespmem:s18], [sflag:$0x4] =	stream.linear.gather [hbm4b:s13+s3], $0x80, $0x38;
	[tilespmem:$0x9200] =	vst v63  }
0x28: {  	s31 =	simm.s32 $0x0  }
0x29: {  	[tilespmem:s19], [sflag:$0x5] =	stream.indirect.gather [hbm4b:s1+s17], $0x80, s3, s17, $0xb8;
	[tilespmem:$0x9200] =	vst v63  }
.LBB2_2:
0x2a: {  	_ =	swait.ge [sflag:s20], $0x80  }
0x2b: {  	[sflag:s20] =	ssyncset.done $0x0  }
0x2c: {  	[sflag:s20] =	ssyncadd.s32 $0xFFFFFF80  }
0x2d: {  	_ =	swait.ge [sflag:s21], $0x80  }
0x2e: {  	[sflag:s21] =	ssyncset.done $0x0  }
0x2f: {  	[sflag:s21] =	ssyncadd.s32 $0xFFFFFF80  }
0x30: {  	[tilespmem:s22], [sflag:$0x6] =	stream.indirect.gather [hbm4b:s1+s17], $0x80, s17, s17, $0xb8;
	[tilespmem:$0x9200] =	vst v63  }
0x31: {  	_ =	swait.ge [sflag:s23], $0x4000  }
0x32: {  	p0 =	seq.s32 s31, $0x0;
	[sflag:s23] =	ssyncset.done $0x0  }
0x33: {  	s8 =	simm.s32 @!p0 $0x7;
	[sflag:s23] =	ssyncadd.s32 $0xFFFFC000  }
0x34: {  	_ =	swait.ge @!p0 [sflag:s8], $0x800  }
0x35: {  	s2 =	sshll.u32 s31, $0x1;
	[sflag:s8] =	ssyncset.done @!p0 $0x0  }
0x36: {  	s0 =	sshllo.u32 s31, $0x1;
	[sflag:s8] =	ssyncadd.s32 @!p0 $0xFFFFF800;
	s8 =	simm.s32 $0x0  }
.LBB2_3:
0x37: {  	s9 =	sshll.u32 s8, $0x4  }
0x38: {  	s9 =	sand.u32 $0x3FFFFFF0, s9  }
0x39: {  	v9 =	vld [tilespmem:s9+$0x100];
	_ =	sdelay $0x1  }
0x3a: {  	s10 =	sshll.u32 s8, $0xB  }
0x3b: {  	s9 =	sand.u32 $0x3FFFF800, s10  }
0x3c: {  	v10 =	vld [tilespmem:s9+$0x200]  }
0x3d: {  	v11 =	vld [tilespmem:s9+$0x280];
	v0 =	vbroadcast v9, $0x0  }
0x3e: {  	v12 =	vld [tilespmem:s9+$0x300];
	v1 =	vbroadcast v9, $0x1;
	v2 =	vbroadcast v9, $0x2  }
0x3f: {  	v13 =	vld [tilespmem:s9+$0x380];
	v3 =	vbroadcast v9, $0x3;
	v4 =	vbroadcast v9, $0x4  }
0x40: {  	s13 =	sor.u32 $0x1, s8;
	v14 =	vld [tilespmem:s9+$0x400];
	v5 =	vbroadcast v9, $0x5;
	v6 =	vbroadcast v9, $0x6  }
0x41: {  	s10 =	sshll.u32 s13, $0x4;
	v15 =	vld [tilespmem:s9+$0x480];
	v7 =	vbroadcast v9, $0x7;
	v8 =	vbroadcast v9, $0x8  }
0x42: {  	v16 =	vld [tilespmem:s9+$0x500];
	s10 =	sand.u32 $0x3FFFFFF0, s10;
	v18 =	vbroadcast v9, $0x9;
	v20 =	vbroadcast v9, $0xA  }
0x43: {  	v53 =	vld [tilespmem:s10+$0x100];
	v21 =	vbroadcast v9, $0xB;
	v23 =	vbroadcast v9, $0xC  }
0x44: {  	v17 =	vld [tilespmem:s9+$0x580];
	v24 =	vbroadcast v9, $0xD;
	v26 =	vbroadcast v9, $0xE  }
0x45: {  	v19 =	vld [tilespmem:s9+$0x600];
	v27 =	vbroadcast v9, $0xF;
	v0 =	vpack.i.f32.bf16 v0, v0;
	v1 =	vpack.i.f32.bf16 v1, v1  }
0x46: {  	v22 =	vld [tilespmem:s9+$0x680];
	v2 =	vpack.i.f32.bf16 v2, v2;
	v3 =	vpack.i.f32.bf16 v3, v3;
	v4 =	vpack.i.f32.bf16 v4, v4  }
0x47: {  	v25 =	vld [tilespmem:s9+$0x700];
	v5 =	vpack.i.f32.bf16 v5, v5;
	v6 =	vpack.i.f32.bf16 v6, v6;
	v7 =	vpack.i.f32.bf16 v7, v7  }
0x48: {  	v28 =	vld [tilespmem:s9+$0x780];
	v8 =	vpack.i.f32.bf16 v8, v8;
	v56 =	vbroadcast v53, $0x0;
	v59 =	vbroadcast v53, $0x1  }
0x49: {  	v30 =	vld [tilespmem:s9+$0x800];
	v9 =	vpack.i.f32.bf16 v18, v18;
	v62 =	vbroadcast v53, $0x2;
	v40 =	vmul.bf16 v10, v0  }
0x4a: {  	v32 =	vld [tilespmem:s9+$0x880];
	v29 =	vmul.bf16 v11, v1;
	v10 =	vpack.i.f32.bf16 v20, v20;
	v41 =	vmul.bf16 v12, v2  }
0x4b: {  	v34 =	vld [tilespmem:s9+$0x900];
	v31 =	vmul.bf16 v13, v3;
	v11 =	vpack.i.f32.bf16 v21, v21;
	v42 =	vmul.bf16 v14, v4  }
0x4c: {  	v43 =	vld [tilespmem:s9+$0x980];
	v33 =	vmul.bf16 v15, v5;
	v12 =	vpack.i.f32.bf16 v23, v23;
	v16 =	vmul.bf16 v16, v6  }
0x4d: {  	v17 =	vmul.bf16 v17, v7;
	v14 =	vpack.i.f32.bf16 v24, v24;
	v19 =	vmul.bf16 v19, v8  }
0x4e: {  	v22 =	vmul.bf16 v22, v9;
	v15 =	vpack.i.f32.bf16 v26, v26;
	v44 =	vmul.bf16 v25, v10  }
0x4f: {  	v13 =	vpack.i.f32.bf16 v27, v27;
	v45 =	vmul.bf16 v28, v11;
	v46 =	vmul.bf16 v30, v12  }
0x50: {  	s11 =	sshll.u32 s13, $0xB;
	v47 =	vmul.bf16 v32, v14;
	v48 =	vmul.bf16 v34, v15;
	v18 =	vadd.bf16 v29, v40  }
0x51: {  	s10 =	sand.u32 $0x3FFFF800, s11;
	v23 =	vmul.bf16 v43, v13;
	v20 =	vadd.bf16 v31, v41;
	v21 =	vadd.bf16 v33, v42  }
0x52: {  	v54 =	vld [tilespmem:s10+$0x200];
	v43 =	vbroadcast v53, $0xD;
	v16 =	vadd.bf16 v17, v16;
	v49 =	vadd.bf16 v22, v19  }
0x53: {  	v55 =	vld [tilespmem:s10+$0x280];
	v40 =	vbroadcast v53, $0xB;
	v41 =	vbroadcast v53, $0xC;
	v50 =	vadd.bf16 v45, v44  }
0x54: {  	v57 =	vld [tilespmem:s10+$0x300];
	v51 =	vadd.bf16 v47, v46;
	v45 =	vbroadcast v53, $0x3;
	v46 =	vbroadcast v53, $0x4  }
0x55: {  	v60 =	vld [tilespmem:s10+$0x380];
	v23 =	vadd.bf16 v23, v48;
	v47 =	vbroadcast v53, $0x5;
	v48 =	vbroadcast v53, $0x6  }
0x56: {  	v63 =	vld [tilespmem:s10+$0x400];
	v44 =	vbroadcast v53, $0xE;
	v29 =	vpack.i.f32.bf16 v43, v43;
	v18 =	vadd.bf16 v20, v18  }
0x57: {  	v35 =	vld [tilespmem:s10+$0x480];
	v16 =	vadd.bf16 v16, v21;
	v27 =	vpack.i.f32.bf16 v40, v40;
	v28 =	vpack.i.f32.bf16 v41, v41  }
0x58: {  	v36 =	vld [tilespmem:s10+$0x500];
	v17 =	vadd.bf16 v50, v49;
	v52 =	vadd.bf16 v23, v51;
	v22 =	vpack.i.f32.bf16 v45, v45  }
0x59: {  	v37 =	vld [tilespmem:s10+$0x580];
	v20 =	vpack.i.f32.bf16 v46, v46;
	v49 =	vbroadcast v53, $0x7;
	v23 =	vpack.i.f32.bf16 v47, v47  }
0x5a: {  	v38 =	vld [tilespmem:s10+$0x600];
	v19 =	vpack.i.f32.bf16 v48, v48;
	v50 =	vbroadcast v53, $0x8;
	v51 =	vbroadcast v53, $0x9  }
0x5b: {  	v39 =	vld [tilespmem:s10+$0x680];
	v46 =	vbroadcast v53, $0xF;
	v30 =	vpack.i.f32.bf16 v44, v44;
	v16 =	vadd.bf16 v16, v18  }
0x5c: {  	v42 =	vld [tilespmem:s10+$0x700];
	v18 =	vpack.i.f32.bf16 v62, v62;
	v32 =	vmul.bf16 v60, v22;
	v17 =	vadd.bf16 v52, v17  }
0x5d: {  	v45 =	vld [tilespmem:s10+$0x780];
	v34 =	vmul.bf16 v63, v20;
	v21 =	vpack.i.f32.bf16 v49, v49;
	v52 =	vbroadcast v53, $0xA  }
0x5e: {  	v48 =	vld [tilespmem:s10+$0x800];
	v24 =	vpack.i.f32.bf16 v50, v50;
	v49 =	vmul.bf16 v57, v18;
	v16 =	vadd.bf16 v17, v16  }
0x5f: {  	s11 =	sshll.u32 s8, $0x7;
	v25 =	vpack.i.f32.bf16 v51, v51;
	v50 =	vld [tilespmem:s10+$0x880];
	v37 =	vmul.bf16 v37, v21;
	v38 =	vmul.bf16 v38, v24  }
0x60: {  	s11 =	sand.u32 $0x3FFFFF80, s11;
	v57 =	vld [tilespmem:s10+$0x980];
	v58 =	vunpack.i.u.bf16.f32 v16;
	v61 =	vunpack.i.l.bf16.f32 v16;
	v16 =	vpack.i.f32.bf16 v56, v56  }
0x61: {  	v39 =	vmul.bf16 v39, v25;
	v17 =	vpack.i.f32.bf16 v59, v59;
	v47 =	vmul.bf16 v54, v16;
	v54 =	vld [tilespmem:s10+$0x900];
	[tilespmem:s11+$0x8200] =	vst v61  }
0x62: {  	v26 =	vpack.i.f32.bf16 v52, v52;
	v53 =	vmul.bf16 v55, v17;
	v55 =	vmul.bf16 v35, v23;
	[tilespmem:s11+$0x8600] =	vst v58  }
0x63: {  	v31 =	vpack.i.f32.bf16 v46, v46;
	v42 =	vmul.bf16 v42, v26;
	v45 =	vmul.bf16 v45, v27;
	v58 =	vld [tilespmem:s9+$0x210]  }
0x64: {  	v32 =	vadd.bf16 v32, v49;
	v60 =	vmul.bf16 v48, v28;
	v56 =	vmul.bf16 v36, v19;
	v59 =	vld [tilespmem:s9+$0x290]  }
0x65: {  	v62 =	vmul.bf16 v50, v29;
	v36 =	vmul.bf16 v57, v31;
	v33 =	vadd.bf16 v55, v34;
	v61 =	vld [tilespmem:s9+$0x310]  }
0x66: {  	v50 =	vadd.bf16 v39, v38;
	v51 =	vadd.bf16 v45, v42;
	v49 =	vld [tilespmem:s9+$0x390];
	v41 =	vmul.bf16 v54, v30  }
0x67: {  	v63 =	vadd.bf16 v37, v56;
	v35 =	vld [tilespmem:s9+$0x410];
	v40 =	vadd.bf16 v53, v47  }
0x68: {  	v39 =	vld [tilespmem:s9+$0x490];
	v52 =	vadd.bf16 v62, v60;
	v36 =	vadd.bf16 v36, v41  }
0x69: {  	v55 =	vld [tilespmem:s9+$0x610];
	v37 =	vadd.bf16 v51, v50;
	v33 =	vadd.bf16 v63, v33  }
0x6a: {  	v57 =	vld [tilespmem:s9+$0x710];
	v32 =	vadd.bf16 v32, v40;
	v36 =	vadd.bf16 v36, v52  }
0x6b: {  	v53 =	vld [tilespmem:s9+$0x510]  }
0x6c: {  	v40 =	vld [tilespmem:s9+$0x690];
	v32 =	vadd.bf16 v33, v32;
	v56 =	vadd.bf16 v36, v37  }
0x6d: {  	v54 =	vld [tilespmem:s9+$0x590]  }
0x6e: {  	v33 =	vmul.bf16 v58, v0;
	v58 =	vld [tilespmem:s9+$0x810];
	v32 =	vadd.bf16 v56, v32  }
0x6f: {  	s13 =	sshll.u32 s13, $0x7;
	v60 =	vmul.bf16 v61, v2;
	v61 =	vld [tilespmem:s9+$0x890]  }
0x70: {  	s13 =	sand.u32 $0x3FFFFF80, s13;
	v41 =	vmul.bf16 v53, v6;
	v53 =	vld [tilespmem:s9+$0x990];
	v62 =	vunpack.i.l.bf16.f32 v32  }
0x71: {  	v59 =	vmul.bf16 v59, v1;
	v52 =	vld [tilespmem:s9+$0x910];
	v32 =	vunpack.i.u.bf16.f32 v32;
	[tilespmem:s13+$0x8200] =	vst v62  }
0x72: {  	v63 =	vmul.bf16 v49, v3;
	v35 =	vmul.bf16 v35, v4;
	v37 =	vld [tilespmem:s9+$0x790];
	[tilespmem:s13+$0x8600] =	vst v32  }
0x73: {  	v39 =	vmul.bf16 v39, v5;
	v55 =	vmul.bf16 v55, v8;
	v56 =	vld [tilespmem:s10+$0x210]  }
0x74: {  	v33 =	vadd.bf16 v59, v33;
	v40 =	vmul.bf16 v40, v9;
	v36 =	vmul.bf16 v57, v10;
	v57 =	vld [tilespmem:s10+$0x290]  }
0x75: {  	v44 =	vadd.bf16 v63, v60;
	v54 =	vmul.bf16 v54, v7;
	v42 =	vmul.bf16 v58, v12;
	v58 =	vld [tilespmem:s10+$0x310]  }
0x76: {  	v35 =	vadd.bf16 v39, v35;
	v45 =	vmul.bf16 v61, v14;
	v46 =	vmul.bf16 v53, v13;
	v50 =	vld [tilespmem:s10+$0x390]  }
0x77: {  	v34 =	vadd.bf16 v40, v55;
	v48 =	vmul.bf16 v52, v15;
	v37 =	vmul.bf16 v37, v11;
	v51 =	vld [tilespmem:s10+$0x410]  }
0x78: {  	v59 =	vadd.bf16 v45, v42;
	v32 =	vadd.bf16 v54, v41;
	v61 =	vld [tilespmem:s10+$0x510]  }
0x79: {  	v60 =	vadd.bf16 v46, v48;
	v63 =	vld [tilespmem:s10+$0x610];
	v36 =	vadd.bf16 v37, v36  }
0x7a: {  	v33 =	vadd.bf16 v44, v33;
	v41 =	vld [tilespmem:s10+$0x690];
	v32 =	vadd.bf16 v32, v35  }
0x7b: {  	v53 =	vld [tilespmem:s10+$0x710];
	v62 =	vadd.bf16 v60, v59;
	v34 =	vadd.bf16 v36, v34  }
0x7c: {  	v54 =	vld [tilespmem:s10+$0x790]  }
0x7d: {  	v37 =	vld [tilespmem:s10+$0x490];
	v32 =	vadd.bf16 v32, v33;
	v52 =	vadd.bf16 v62, v34  }
0x7e: {  	v35 =	vld [tilespmem:s10+$0x590]  }
0x7f: {  	v60 =	vld [tilespmem:s10+$0x910];
	v55 =	vmul.bf16 v56, v16;
	v32 =	vadd.bf16 v52, v32  }
0x80: {  	v56 =	vld [tilespmem:s10+$0x810];
	v57 =	vmul.bf16 v57, v17;
	v43 =	vmul.bf16 v58, v18  }
0x81: {  	v58 =	vld [tilespmem:s10+$0x890];
	v47 =	vmul.bf16 v50, v22;
	v39 =	vmul.bf16 v51, v20;
	v59 =	vunpack.i.l.bf16.f32 v32  }
0x82: {  	v42 =	vmul.bf16 v61, v19;
	v61 =	vld [tilespmem:s10+$0x990];
	v63 =	vmul.bf16 v63, v24;
	v32 =	vunpack.i.u.bf16.f32 v32;
	[tilespmem:s11+$0x8210] =	vst v59  }
0x83: {  	v41 =	vmul.bf16 v41, v25;
	v34 =	vmul.bf16 v53, v26;
	[tilespmem:s11+$0x8610] =	vst v32  }
0x84: {  	v36 =	vmul.bf16 v54, v27;
	v37 =	vmul.bf16 v37, v23;
	v52 =	vld [tilespmem:s9+$0x220]  }
0x85: {  	v62 =	vmul.bf16 v35, v21;
	v48 =	vmul.bf16 v60, v30;
	v33 =	vadd.bf16 v57, v55;
	v53 =	vld [tilespmem:s9+$0x2A0]  }
0x86: {  	v43 =	vadd.bf16 v47, v43;
	v35 =	vadd.bf16 v41, v63;
	v38 =	vmul.bf16 v56, v28;
	v54 =	vld [tilespmem:s9+$0x320]  }
0x87: {  	v34 =	vadd.bf16 v36, v34;
	v45 =	vmul.bf16 v58, v29;
	v46 =	vmul.bf16 v61, v31;
	v50 =	vld [tilespmem:s9+$0x3A0]  }
0x88: {  	v37 =	vadd.bf16 v37, v39;
	v32 =	vadd.bf16 v62, v42;
	v51 =	vld [tilespmem:s9+$0x420]  }
0x89: {  	v36 =	vld [tilespmem:s9+$0x4A0];
	v38 =	vadd.bf16 v45, v38;
	v55 =	vadd.bf16 v46, v48  }
0x8a: {  	v33 =	vadd.bf16 v43, v33;
	v34 =	vadd.bf16 v34, v35;
	v56 =	vld [tilespmem:s9+$0x520]  }
0x8b: {  	v58 =	vld [tilespmem:s9+$0x620];
	v32 =	vadd.bf16 v32, v37;
	v57 =	vadd.bf16 v55, v38  }
0x8c: {  	v41 =	vld [tilespmem:s9+$0x6A0]  }
0x8d: {  	v60 =	vld [tilespmem:s9+$0x720];
	v32 =	vadd.bf16 v32, v33;
	v59 =	vadd.bf16 v57, v34  }
0x8e: {  	v61 =	vld [tilespmem:s9+$0x7A0]  }
0x8f: {  	v63 =	vld [tilespmem:s9+$0x820];
	v32 =	vadd.bf16 v59, v32  }
0x90: {  	v37 =	vld [tilespmem:s9+$0x5A0];
	v62 =	vmul.bf16 v52, v0  }
0x91: {  	v55 =	vld [tilespmem:s9+$0x920];
	v52 =	vmul.bf16 v53, v1;
	v44 =	vmul.bf16 v54, v2;
	v54 =	vunpack.i.l.bf16.f32 v32  }
0x92: {  	v53 =	vld [tilespmem:s9+$0x8A0];
	v47 =	vmul.bf16 v50, v3;
	v39 =	vmul.bf16 v51, v4;
	v32 =	vunpack.i.u.bf16.f32 v32;
	[tilespmem:s13+$0x8210] =	vst v54  }
0x93: {  	v36 =	vmul.bf16 v36, v5;
	v42 =	vmul.bf16 v56, v6;
	v56 =	vld [tilespmem:s9+$0x9A0];
	[tilespmem:s13+$0x8610] =	vst v32  }
0x94: {  	v58 =	vmul.bf16 v58, v8;
	v41 =	vmul.bf16 v41, v9;
	v59 =	vld [tilespmem:s10+$0x220]  }
0x95: {  	v34 =	vmul.bf16 v60, v10;
	v35 =	vmul.bf16 v61, v11;
	v60 =	vld [tilespmem:s10+$0x2A0]  }
0x96: {  	v40 =	vmul.bf16 v63, v12;
	v57 =	vmul.bf16 v37, v7;
	v33 =	vadd.bf16 v52, v62;
	v61 =	vld [tilespmem:s10+$0x320]  }
0x97: {  	v44 =	vadd.bf16 v47, v44;
	v36 =	vadd.bf16 v36, v39;
	v48 =	vmul.bf16 v55, v15;
	v50 =	vld [tilespmem:s10+$0x3A0]  }
0x98: {  	v37 =	vadd.bf16 v41, v58;
	v45 =	vmul.bf16 v53, v14;
	v46 =	vmul.bf16 v56, v13;
	v51 =	vld [tilespmem:s10+$0x420]  }
0x99: {  	v34 =	vadd.bf16 v35, v34;
	v32 =	vadd.bf16 v57, v42;
	v35 =	vld [tilespmem:s10+$0x4A0]  }
0x9a: {  	v63 =	vld [tilespmem:s10+$0x520];
	v40 =	vadd.bf16 v45, v40;
	v62 =	vadd.bf16 v46, v48  }
0x9b: {  	v33 =	vadd.bf16 v44, v33;
	v34 =	vadd.bf16 v34, v37;
	v53 =	vld [tilespmem:s10+$0x620]  }
0x9c: {  	v41 =	vld [tilespmem:s10+$0x6A0];
	v32 =	vadd.bf16 v32, v36;
	v52 =	vadd.bf16 v62, v40  }
0x9d: {  	v55 =	vld [tilespmem:s10+$0x720]  }
0x9e: {  	v56 =	vld [tilespmem:s10+$0x7A0];
	v32 =	vadd.bf16 v32, v33;
	v54 =	vadd.bf16 v52, v34  }
0x9f: {  	v58 =	vld [tilespmem:s10+$0x820]  }
0xa0: {  	v36 =	vld [tilespmem:s10+$0x5A0];
	v57 =	vmul.bf16 v59, v16;
	v32 =	vadd.bf16 v54, v32  }
0xa1: {  	v62 =	vld [tilespmem:s10+$0x920];
	v59 =	vmul.bf16 v60, v17;
	v43 =	vmul.bf16 v61, v18  }
0xa2: {  	v60 =	vld [tilespmem:s10+$0x8A0];
	v47 =	vmul.bf16 v50, v22;
	v39 =	vmul.bf16 v51, v20;
	v61 =	vunpack.i.l.bf16.f32 v32  }
0xa3: {  	v35 =	vmul.bf16 v35, v23;
	v42 =	vmul.bf16 v63, v19;
	v63 =	vld [tilespmem:s10+$0x9A0];
	v32 =	vunpack.i.u.bf16.f32 v32;
	[tilespmem:s11+$0x8220] =	vst v61  }
0xa4: {  	v53 =	vmul.bf16 v53, v24;
	v41 =	vmul.bf16 v41, v25;
	[tilespmem:s11+$0x8620] =	vst v32  }
0xa5: {  	v34 =	vmul.bf16 v55, v26;
	v37 =	vmul.bf16 v56, v27;
	v54 =	vld [tilespmem:s9+$0x230]  }
0xa6: {  	v38 =	vmul.bf16 v58, v28;
	v52 =	vmul.bf16 v36, v21;
	v33 =	vadd.bf16 v59, v57;
	v55 =	vld [tilespmem:s9+$0x2B0]  }
0xa7: {  	v43 =	vadd.bf16 v47, v43;
	v35 =	vadd.bf16 v35, v39;
	v48 =	vmul.bf16 v62, v30;
	v56 =	vld [tilespmem:s9+$0x330]  }
0xa8: {  	v36 =	vadd.bf16 v41, v53;
	v45 =	vmul.bf16 v60, v29;
	v46 =	vmul.bf16 v63, v31;
	v50 =	vld [tilespmem:s9+$0x3B0]  }
0xa9: {  	v34 =	vadd.bf16 v37, v34;
	v32 =	vadd.bf16 v52, v42;
	v51 =	vld [tilespmem:s9+$0x430]  }
0xaa: {  	v37 =	vld [tilespmem:s9+$0x4B0];
	v38 =	vadd.bf16 v45, v38;
	v57 =	vadd.bf16 v46, v48  }
0xab: {  	v33 =	vadd.bf16 v43, v33;
	v34 =	vadd.bf16 v34, v36;
	v58 =	vld [tilespmem:s9+$0x530]  }
0xac: {  	v60 =	vld [tilespmem:s9+$0x630];
	v32 =	vadd.bf16 v32, v35;
	v59 =	vadd.bf16 v57, v38  }
0xad: {  	v41 =	vld [tilespmem:s9+$0x6B0]  }
0xae: {  	v62 =	vld [tilespmem:s9+$0x730];
	v32 =	vadd.bf16 v32, v33;
	v61 =	vadd.bf16 v59, v34  }
0xaf: {  	v63 =	vld [tilespmem:s9+$0x7B0]  }
0xb0: {  	v53 =	vld [tilespmem:s9+$0x830];
	v32 =	vadd.bf16 v61, v32  }
0xb1: {  	v35 =	vld [tilespmem:s9+$0x5B0];
	v52 =	vmul.bf16 v54, v0  }
0xb2: {  	v57 =	vld [tilespmem:s9+$0x930];
	v54 =	vmul.bf16 v55, v1;
	v44 =	vmul.bf16 v56, v2;
	v56 =	vunpack.i.l.bf16.f32 v32  }
0xb3: {  	v55 =	vld [tilespmem:s9+$0x8B0];
	v47 =	vmul.bf16 v50, v3;
	v39 =	vmul.bf16 v51, v4;
	v32 =	vunpack.i.u.bf16.f32 v32;
	[tilespmem:s13+$0x8220] =	vst v56  }
0xb4: {  	v37 =	vmul.bf16 v37, v5;
	v42 =	vmul.bf16 v58, v6;
	v58 =	vld [tilespmem:s9+$0x9B0];
	[tilespmem:s13+$0x8620] =	vst v32  }
0xb5: {  	v60 =	vmul.bf16 v60, v8;
	v41 =	vmul.bf16 v41, v9;
	v61 =	vld [tilespmem:s10+$0x230]  }
0xb6: {  	v34 =	vmul.bf16 v62, v10;
	v36 =	vmul.bf16 v63, v11;
	v62 =	vld [tilespmem:s10+$0x2B0]  }
0xb7: {  	v40 =	vmul.bf16 v53, v12;
	v59 =	vmul.bf16 v35, v7;
	v33 =	vadd.bf16 v54, v52;
	v63 =	vld [tilespmem:s10+$0x330]  }
0xb8: {  	v44 =	vadd.bf16 v47, v44;
	v37 =	vadd.bf16 v37, v39;
	v48 =	vmul.bf16 v57, v15;
	v50 =	vld [tilespmem:s10+$0x3B0]  }
0xb9: {  	v35 =	vadd.bf16 v41, v60;
	v45 =	vmul.bf16 v55, v14;
	v46 =	vmul.bf16 v58, v13;
	v51 =	vld [tilespmem:s10+$0x430]  }
0xba: {  	v34 =	vadd.bf16 v36, v34;
	v32 =	vadd.bf16 v59, v42;
	v36 =	vld [tilespmem:s10+$0x4B0]  }
0xbb: {  	v54 =	vld [tilespmem:s10+$0x530];
	v40 =	vadd.bf16 v45, v40;
	v53 =	vadd.bf16 v46, v48  }
0xbc: {  	v33 =	vadd.bf16 v44, v33;
	v34 =	vadd.bf16 v34, v35;
	v56 =	vld [tilespmem:s10+$0x630]  }
0xbd: {  	v41 =	vld [tilespmem:s10+$0x6B0];
	v32 =	vadd.bf16 v32, v37;
	v55 =	vadd.bf16 v53, v40  }
0xbe: {  	v58 =	vld [tilespmem:s10+$0x730]  }
0xbf: {  	v59 =	vld [tilespmem:s10+$0x7B0];
	v32 =	vadd.bf16 v32, v33;
	v57 =	vadd.bf16 v55, v34  }
0xc0: {  	v37 =	vld [tilespmem:s10+$0x5B0]  }
0xc1: {  	v53 =	vld [tilespmem:s10+$0x930];
	v60 =	vmul.bf16 v61, v16;
	v32 =	vadd.bf16 v57, v32  }
0xc2: {  	v61 =	vld [tilespmem:s10+$0x830];
	v62 =	vmul.bf16 v62, v17;
	v43 =	vmul.bf16 v63, v18  }
0xc3: {  	v63 =	vld [tilespmem:s10+$0x8B0];
	v47 =	vmul.bf16 v50, v22;
	v39 =	vmul.bf16 v51, v20;
	v52 =	vunpack.i.l.bf16.f32 v32  }
0xc4: {  	v36 =	vmul.bf16 v36, v23;
	v42 =	vmul.bf16 v54, v19;
	v54 =	vld [tilespmem:s10+$0x9B0];
	v32 =	vunpack.i.u.bf16.f32 v32;
	[tilespmem:s11+$0x8230] =	vst v52  }
0xc5: {  	v56 =	vmul.bf16 v56, v24;
	v41 =	vmul.bf16 v41, v25;
	[tilespmem:s11+$0x8630] =	vst v32  }
0xc6: {  	v34 =	vmul.bf16 v58, v26;
	v35 =	vmul.bf16 v59, v27;
	v57 =	vld [tilespmem:s9+$0x240]  }
0xc7: {  	v55 =	vmul.bf16 v37, v21;
	v33 =	vadd.bf16 v62, v60;
	v43 =	vadd.bf16 v47, v43;
	v58 =	vld [tilespmem:s9+$0x2C0]  }
0xc8: {  	v36 =	vadd.bf16 v36, v39;
	v48 =	vmul.bf16 v53, v30;
	v38 =	vmul.bf16 v61, v28;
	v59 =	vld [tilespmem:s9+$0x340]  }
0xc9: {  	v37 =	vadd.bf16 v41, v56;
	v45 =	vmul.bf16 v63, v29;
	v46 =	vmul.bf16 v54, v31;
	v50 =	vld [tilespmem:s9+$0x3C0]  }
0xca: {  	v34 =	vadd.bf16 v35, v34;
	v32 =	vadd.bf16 v55, v42;
	v51 =	vld [tilespmem:s9+$0x440]  }
0xcb: {  	v35 =	vld [tilespmem:s9+$0x4C0];
	v38 =	vadd.bf16 v45, v38;
	v60 =	vadd.bf16 v46, v48  }
0xcc: {  	v33 =	vadd.bf16 v43, v33;
	v34 =	vadd.bf16 v34, v37;
	v61 =	vld [tilespmem:s9+$0x540]  }
0xcd: {  	v63 =	vld [tilespmem:s9+$0x640];
	v32 =	vadd.bf16 v32, v36;
	v62 =	vadd.bf16 v60, v38  }
0xce: {  	v41 =	vld [tilespmem:s9+$0x6C0]  }
0xcf: {  	v53 =	vld [tilespmem:s9+$0x740];
	v32 =	vadd.bf16 v32, v33;
	v52 =	vadd.bf16 v62, v34  }
0xd0: {  	v54 =	vld [tilespmem:s9+$0x7C0]  }
0xd1: {  	v56 =	vld [tilespmem:s9+$0x840];
	v32 =	vadd.bf16 v52, v32  }
0xd2: {  	v36 =	vld [tilespmem:s9+$0x5C0];
	v55 =	vmul.bf16 v57, v0  }
0xd3: {  	v60 =	vld [tilespmem:s9+$0x940];
	v57 =	vmul.bf16 v58, v1;
	v44 =	vmul.bf16 v59, v2;
	v59 =	vunpack.i.l.bf16.f32 v32  }
0xd4: {  	v58 =	vld [tilespmem:s9+$0x8C0];
	v47 =	vmul.bf16 v50, v3;
	v39 =	vmul.bf16 v51, v4;
	v32 =	vunpack.i.u.bf16.f32 v32;
	[tilespmem:s13+$0x8230] =	vst v59  }
0xd5: {  	v35 =	vmul.bf16 v35, v5;
	v42 =	vmul.bf16 v61, v6;
	v61 =	vld [tilespmem:s9+$0x9C0];
	[tilespmem:s13+$0x8630] =	vst v32  }
0xd6: {  	v63 =	vmul.bf16 v63, v8;
	v41 =	vmul.bf16 v41, v9;
	v52 =	vld [tilespmem:s10+$0x240]  }
0xd7: {  	v34 =	vmul.bf16 v53, v10;
	v37 =	vmul.bf16 v54, v11;
	v53 =	vld [tilespmem:s10+$0x2C0]  }
0xd8: {  	v40 =	vmul.bf16 v56, v12;
	v62 =	vmul.bf16 v36, v7;
	v33 =	vadd.bf16 v57, v55;
	v54 =	vld [tilespmem:s10+$0x340]  }
0xd9: {  	v44 =	vadd.bf16 v47, v44;
	v35 =	vadd.bf16 v35, v39;
	v48 =	vmul.bf16 v60, v15;
	v50 =	vld [tilespmem:s10+$0x3C0]  }
0xda: {  	v36 =	vadd.bf16 v41, v63;
	v45 =	vmul.bf16 v58, v14;
	v46 =	vmul.bf16 v61, v13;
	v51 =	vld [tilespmem:s10+$0x440]  }
0xdb: {  	v34 =	vadd.bf16 v37, v34;
	v32 =	vadd.bf16 v62, v42;
	v37 =	vld [tilespmem:s10+$0x4C0]  }
0xdc: {  	v56 =	vld [tilespmem:s10+$0x540];
	v40 =	vadd.bf16 v45, v40;
	v55 =	vadd.bf16 v46, v48  }
0xdd: {  	v33 =	vadd.bf16 v44, v33;
	v34 =	vadd.bf16 v34, v36;
	v58 =	vld [tilespmem:s10+$0x640]  }
0xde: {  	v41 =	vld [tilespmem:s10+$0x6C0];
	v32 =	vadd.bf16 v32, v35;
	v57 =	vadd.bf16 v55, v40  }
0xdf: {  	v60 =	vld [tilespmem:s10+$0x740]  }
0xe0: {  	v61 =	vld [tilespmem:s10+$0x7C0];
	v32 =	vadd.bf16 v32, v33;
	v59 =	vadd.bf16 v57, v34  }
0xe1: {  	v63 =	vld [tilespmem:s10+$0x840]  }
0xe2: {  	v35 =	vld [tilespmem:s10+$0x5C0];
	v62 =	vmul.bf16 v52, v16;
	v32 =	vadd.bf16 v59, v32  }
0xe3: {  	v55 =	vld [tilespmem:s10+$0x940];
	v52 =	vmul.bf16 v53, v17;
	v43 =	vmul.bf16 v54, v18  }
0xe4: {  	v53 =	vld [tilespmem:s10+$0x8C0];
	v47 =	vmul.bf16 v50, v22;
	v39 =	vmul.bf16 v51, v20;
	v54 =	vunpack.i.l.bf16.f32 v32  }
0xe5: {  	v37 =	vmul.bf16 v37, v23;
	v42 =	vmul.bf16 v56, v19;
	v56 =	vld [tilespmem:s10+$0x9C0];
	v32 =	vunpack.i.u.bf16.f32 v32;
	[tilespmem:s11+$0x8240] =	vst v54  }
0xe6: {  	v58 =	vmul.bf16 v58, v24;
	v41 =	vmul.bf16 v41, v25;
	[tilespmem:s11+$0x8640] =	vst v32  }
0xe7: {  	v34 =	vmul.bf16 v60, v26;
	v36 =	vmul.bf16 v61, v27;
	v59 =	vld [tilespmem:s9+$0x250]  }
0xe8: {  	v38 =	vmul.bf16 v63, v28;
	v57 =	vmul.bf16 v35, v21;
	v33 =	vadd.bf16 v52, v62;
	v60 =	vld [tilespmem:s9+$0x2D0]  }
0xe9: {  	v43 =	vadd.bf16 v47, v43;
	v37 =	vadd.bf16 v37, v39;
	v48 =	vmul.bf16 v55, v30;
	v61 =	vld [tilespmem:s9+$0x350]  }
0xea: {  	v35 =	vadd.bf16 v41, v58;
	v45 =	vmul.bf16 v53, v29;
	v46 =	vmul.bf16 v56, v31;
	v50 =	vld [tilespmem:s9+$0x3D0]  }
0xeb: {  	v34 =	vadd.bf16 v36, v34;
	v32 =	vadd.bf16 v57, v42;
	v51 =	vld [tilespmem:s9+$0x450]  }
0xec: {  	v36 =	vld [tilespmem:s9+$0x4D0];
	v38 =	vadd.bf16 v45, v38;
	v62 =	vadd.bf16 v46, v48  }
0xed: {  	v33 =	vadd.bf16 v43, v33;
	v34 =	vadd.bf16 v34, v35;
	v63 =	vld [tilespmem:s9+$0x550]  }
0xee: {  	v53 =	vld [tilespmem:s9+$0x650];
	v32 =	vadd.bf16 v32, v37;
	v52 =	vadd.bf16 v62, v38  }
0xef: {  	v41 =	vld [tilespmem:s9+$0x6D0]  }
0xf0: {  	v55 =	vld [tilespmem:s9+$0x750];
	v32 =	vadd.bf16 v32, v33;
	v54 =	vadd.bf16 v52, v34  }
0xf1: {  	v56 =	vld [tilespmem:s9+$0x7D0]  }
0xf2: {  	v58 =	vld [tilespmem:s9+$0x850];
	v32 =	vadd.bf16 v54, v32  }
0xf3: {  	v37 =	vld [tilespmem:s9+$0x5D0];
	v57 =	vmul.bf16 v59, v0  }
0xf4: {  	v62 =	vld [tilespmem:s9+$0x950];
	v59 =	vmul.bf16 v60, v1;
	v44 =	vmul.bf16 v61, v2;
	v61 =	vunpack.i.l.bf16.f32 v32  }
0xf5: {  	v60 =	vld [tilespmem:s9+$0x8D0];
	v47 =	vmul.bf16 v50, v3;
	v39 =	vmul.bf16 v51, v4;
	v32 =	vunpack.i.u.bf16.f32 v32;
	[tilespmem:s13+$0x8240] =	vst v61  }
0xf6: {  	v36 =	vmul.bf16 v36, v5;
	v42 =	vmul.bf16 v63, v6;
	v63 =	vld [tilespmem:s9+$0x9D0];
	[tilespmem:s13+$0x8640] =	vst v32  }
0xf7: {  	v53 =	vmul.bf16 v53, v8;
	v41 =	vmul.bf16 v41, v9;
	v54 =	vld [tilespmem:s10+$0x250]  }
0xf8: {  	v34 =	vmul.bf16 v55, v10;
	v35 =	vmul.bf16 v56, v11;
	v55 =	vld [tilespmem:s10+$0x2D0]  }
0xf9: {  	v40 =	vmul.bf16 v58, v12;
	v52 =	vmul.bf16 v37, v7;
	v33 =	vadd.bf16 v59, v57;
	v56 =	vld [tilespmem:s10+$0x350]  }
0xfa: {  	v44 =	vadd.bf16 v47, v44;
	v36 =	vadd.bf16 v36, v39;
	v48 =	vmul.bf16 v62, v15;
	v50 =	vld [tilespmem:s10+$0x3D0]  }
0xfb: {  	v37 =	vadd.bf16 v41, v53;
	v45 =	vmul.bf16 v60, v14;
	v46 =	vmul.bf16 v63, v13;
	v51 =	vld [tilespmem:s10+$0x450]  }
0xfc: {  	v34 =	vadd.bf16 v35, v34;
	v32 =	vadd.bf16 v52, v42;
	v35 =	vld [tilespmem:s10+$0x4D0]  }
0xfd: {  	v58 =	vld [tilespmem:s10+$0x550];
	v40 =	vadd.bf16 v45, v40;
	v57 =	vadd.bf16 v46, v48  }
0xfe: {  	v33 =	vadd.bf16 v44, v33;
	v34 =	vadd.bf16 v34, v37;
	v60 =	vld [tilespmem:s10+$0x650]  }
0xff: {  	v41 =	vld [tilespmem:s10+$0x6D0];
	v32 =	vadd.bf16 v32, v36;
	v59 =	vadd.bf16 v57, v40  }
0x100: {  	v62 =	vld [tilespmem:s10+$0x750]  }
0x101: {  	v63 =	vld [tilespmem:s10+$0x7D0];
	v32 =	vadd.bf16 v32, v33;
	v61 =	vadd.bf16 v59, v34  }
0x102: {  	v53 =	vld [tilespmem:s10+$0x850]  }
0x103: {  	v36 =	vld [tilespmem:s10+$0x5D0];
	v52 =	vmul.bf16 v54, v16;
	v32 =	vadd.bf16 v61, v32  }
0x104: {  	v57 =	vld [tilespmem:s10+$0x950];
	v54 =	vmul.bf16 v55, v17;
	v43 =	vmul.bf16 v56, v18  }
0x105: {  	v55 =	vld [tilespmem:s10+$0x8D0];
	v47 =	vmul.bf16 v50, v22;
	v39 =	vmul.bf16 v51, v20;
	v56 =	vunpack.i.l.bf16.f32 v32  }
0x106: {  	v35 =	vmul.bf16 v35, v23;
	v42 =	vmul.bf16 v58, v19;
	v58 =	vld [tilespmem:s10+$0x9D0];
	v32 =	vunpack.i.u.bf16.f32 v32;
	[tilespmem:s11+$0x8250] =	vst v56  }
0x107: {  	v60 =	vmul.bf16 v60, v24;
	v41 =	vmul.bf16 v41, v25;
	[tilespmem:s11+$0x8650] =	vst v32  }
0x108: {  	v34 =	vmul.bf16 v62, v26;
	v37 =	vmul.bf16 v63, v27;
	v61 =	vld [tilespmem:s9+$0x260]  }
0x109: {  	v38 =	vmul.bf16 v53, v28;
	v59 =	vmul.bf16 v36, v21;
	v33 =	vadd.bf16 v54, v52;
	v62 =	vld [tilespmem:s9+$0x2E0]  }
0x10a: {  	v43 =	vadd.bf16 v47, v43;
	v35 =	vadd.bf16 v35, v39;
	v48 =	vmul.bf16 v57, v30;
	v63 =	vld [tilespmem:s9+$0x360]  }
0x10b: {  	v36 =	vadd.bf16 v41, v60;
	v45 =	vmul.bf16 v55, v29;
	v46 =	vmul.bf16 v58, v31;
	v50 =	vld [tilespmem:s9+$0x3E0]  }
0x10c: {  	v34 =	vadd.bf16 v37, v34;
	v32 =	vadd.bf16 v59, v42;
	v51 =	vld [tilespmem:s9+$0x460]  }
0x10d: {  	v37 =	vld [tilespmem:s9+$0x4E0];
	v38 =	vadd.bf16 v45, v38;
	v53 =	vadd.bf16 v46, v48  }
0x10e: {  	v33 =	vadd.bf16 v43, v33;
	v34 =	vadd.bf16 v34, v36;
	v54 =	vld [tilespmem:s9+$0x560]  }
0x10f: {  	v56 =	vld [tilespmem:s9+$0x660];
	v32 =	vadd.bf16 v32, v35;
	v55 =	vadd.bf16 v53, v38  }
0x110: {  	v41 =	vld [tilespmem:s9+$0x6E0]  }
0x111: {  	v58 =	vld [tilespmem:s9+$0x760];
	v32 =	vadd.bf16 v32, v33;
	v57 =	vadd.bf16 v55, v34  }
0x112: {  	v59 =	vld [tilespmem:s9+$0x7E0]  }
0x113: {  	v35 =	vld [tilespmem:s9+$0x5E0];
	v32 =	vadd.bf16 v57, v32  }
0x114: {  	v53 =	vld [tilespmem:s9+$0x960];
	v60 =	vmul.bf16 v61, v0  }
0x115: {  	v61 =	vld [tilespmem:s9+$0x860];
	v62 =	vmul.bf16 v62, v1;
	v44 =	vmul.bf16 v63, v2;
	v52 =	vunpack.i.l.bf16.f32 v32  }
0x116: {  	v63 =	vld [tilespmem:s9+$0x8E0];
	v47 =	vmul.bf16 v50, v3;
	v39 =	vmul.bf16 v51, v4;
	v32 =	vunpack.i.u.bf16.f32 v32;
	[tilespmem:s13+$0x8250] =	vst v52  }
0x117: {  	v37 =	vmul.bf16 v37, v5;
	v42 =	vmul.bf16 v54, v6;
	v54 =	vld [tilespmem:s9+$0x9E0];
	[tilespmem:s13+$0x8650] =	vst v32  }
0x118: {  	v56 =	vmul.bf16 v56, v8;
	v41 =	vmul.bf16 v41, v9;
	v57 =	vld [tilespmem:s10+$0x260]  }
0x119: {  	v34 =	vmul.bf16 v58, v10;
	v36 =	vmul.bf16 v59, v11;
	v58 =	vld [tilespmem:s10+$0x2E0]  }
0x11a: {  	v55 =	vmul.bf16 v35, v7;
	v33 =	vadd.bf16 v62, v60;
	v44 =	vadd.bf16 v47, v44;
	v59 =	vld [tilespmem:s10+$0x360]  }
0x11b: {  	v37 =	vadd.bf16 v37, v39;
	v48 =	vmul.bf16 v53, v15;
	v40 =	vmul.bf16 v61, v12;
	v50 =	vld [tilespmem:s10+$0x3E0]  }
0x11c: {  	v35 =	vadd.bf16 v41, v56;
	v45 =	vmul.bf16 v63, v14;
	v46 =	vmul.bf16 v54, v13;
	v51 =	vld [tilespmem:s10+$0x460]  }
0x11d: {  	v34 =	vadd.bf16 v36, v34;
	v32 =	vadd.bf16 v55, v42;
	v36 =	vld [tilespmem:s10+$0x4E0]  }
0x11e: {  	v61 =	vld [tilespmem:s10+$0x560];
	v40 =	vadd.bf16 v45, v40;
	v60 =	vadd.bf16 v46, v48  }
0x11f: {  	v33 =	vadd.bf16 v44, v33;
	v34 =	vadd.bf16 v34, v35;
	v63 =	vld [tilespmem:s10+$0x660]  }
0x120: {  	v41 =	vld [tilespmem:s10+$0x6E0];
	v32 =	vadd.bf16 v32, v37;
	v62 =	vadd.bf16 v60, v40  }
0x121: {  	v53 =	vld [tilespmem:s10+$0x760]  }
0x122: {  	v54 =	vld [tilespmem:s10+$0x7E0];
	v32 =	vadd.bf16 v32, v33;
	v52 =	vadd.bf16 v62, v34  }
0x123: {  	v56 =	vld [tilespmem:s10+$0x860]  }
0x124: {  	v37 =	vld [tilespmem:s10+$0x5E0];
	v55 =	vmul.bf16 v57, v16;
	v32 =	vadd.bf16 v52, v32  }
0x125: {  	v60 =	vld [tilespmem:s10+$0x960];
	v57 =	vmul.bf16 v58, v17;
	v43 =	vmul.bf16 v59, v18  }
0x126: {  	v58 =	vld [tilespmem:s10+$0x8E0];
	v47 =	vmul.bf16 v50, v22;
	v39 =	vmul.bf16 v51, v20;
	v59 =	vunpack.i.l.bf16.f32 v32  }
0x127: {  	v36 =	vmul.bf16 v36, v23;
	v42 =	vmul.bf16 v61, v19;
	v61 =	vld [tilespmem:s10+$0x9E0];
	v32 =	vunpack.i.u.bf16.f32 v32;
	[tilespmem:s11+$0x8260] =	vst v59  }
0x128: {  	v63 =	vmul.bf16 v63, v24;
	v41 =	vmul.bf16 v41, v25;
	[tilespmem:s11+$0x8660] =	vst v32  }
0x129: {  	v34 =	vmul.bf16 v53, v26;
	v35 =	vmul.bf16 v54, v27;
	v40 =	vld [tilespmem:s9+$0x270]  }
0x12a: {  	v38 =	vmul.bf16 v56, v28;
	v62 =	vmul.bf16 v37, v21;
	v33 =	vadd.bf16 v57, v55;
	v49 =	vld [tilespmem:s9+$0x2F0]  }
0x12b: {  	v43 =	vadd.bf16 v47, v43;
	v36 =	vadd.bf16 v36, v39;
	v48 =	vmul.bf16 v60, v30;
	v44 =	vld [tilespmem:s9+$0x370]  }
0x12c: {  	v37 =	vadd.bf16 v41, v63;
	v45 =	vmul.bf16 v58, v29;
	v46 =	vmul.bf16 v61, v31;
	v52 =	vld [tilespmem:s9+$0x3F0]  }
0x12d: {  	v34 =	vadd.bf16 v35, v34;
	v32 =	vadd.bf16 v62, v42;
	v39 =	vld [tilespmem:s9+$0x470]  }
0x12e: {  	v35 =	vld [tilespmem:s9+$0x4F0];
	v38 =	vadd.bf16 v45, v38;
	v53 =	vadd.bf16 v46, v48  }
0x12f: {  	v33 =	vadd.bf16 v43, v33;
	v34 =	vadd.bf16 v34, v37;
	v42 =	vld [tilespmem:s9+$0x570]  }
0x130: {  	v55 =	vld [tilespmem:s9+$0x6F0];
	v32 =	vadd.bf16 v32, v36;
	v54 =	vadd.bf16 v53, v38  }
0x131: {  	v57 =	vld [tilespmem:s9+$0x770]  }
0x132: {  	v58 =	vld [tilespmem:s9+$0x7F0];
	v32 =	vadd.bf16 v32, v33;
	v56 =	vadd.bf16 v54, v34  }
0x133: {  	v59 =	vld [tilespmem:s9+$0x870]  }
0x134: {  	v60 =	vld [tilespmem:s9+$0x8F0];
	v32 =	vadd.bf16 v56, v32  }
0x135: {  	v62 =	vld [tilespmem:s9+$0x970]  }
0x136: {  	v63 =	vld [tilespmem:s9+$0x9F0];
	v61 =	vunpack.i.l.bf16.f32 v32  }
0x137: {  	v36 =	vld [tilespmem:s9+$0x5F0];
	v32 =	vunpack.i.u.bf16.f32 v32;
	[tilespmem:s13+$0x8260] =	vst v61  }
0x138: {  	v38 =	vld [tilespmem:s9+$0x670];
	[tilespmem:s13+$0x8660] =	vst v32  }
0x139: {  	v32 =	vld [tilespmem:s10+$0x270]  }
0x13a: {  	v48 =	vld [tilespmem:s10+$0x2F0]  }
0x13b: {  	v0 =	vmul.bf16 v40, v0;
	v1 =	vmul.bf16 v49, v1;
	v51 =	vld [tilespmem:s10+$0x370]  }
0x13c: {  	v2 =	vmul.bf16 v44, v2;
	v3 =	vmul.bf16 v52, v3;
	v52 =	vld [tilespmem:s10+$0x3F0]  }
0x13d: {  	v4 =	vmul.bf16 v39, v4;
	v5 =	vmul.bf16 v35, v5;
	v53 =	vld [tilespmem:s10+$0x470]  }
0x13e: {  	v6 =	vmul.bf16 v42, v6;
	v9 =	vmul.bf16 v55, v9;
	v54 =	vld [tilespmem:s10+$0x4F0]  }
0x13f: {  	v10 =	vmul.bf16 v57, v10;
	v11 =	vmul.bf16 v58, v11;
	v55 =	vld [tilespmem:s10+$0x570]  }
0x140: {  	v12 =	vmul.bf16 v59, v12;
	v14 =	vmul.bf16 v60, v14;
	v56 =	vld [tilespmem:s10+$0x5F0]  }
0x141: {  	v15 =	vmul.bf16 v62, v15;
	v60 =	vmul.bf16 v63, v13;
	v0 =	vadd.bf16 v1, v0;
	v57 =	vld [tilespmem:s10+$0x670]  }
0x142: {  	v7 =	vmul.bf16 v36, v7;
	v2 =	vadd.bf16 v3, v2;
	v58 =	vadd.bf16 v5, v4;
	v59 =	vld [tilespmem:s10+$0x6F0]  }
0x143: {  	v63 =	vadd.bf16 v11, v10;
	v33 =	vadd.bf16 v14, v12;
	v62 =	vld [tilespmem:s10+$0x770]  }
0x144: {  	v5 =	vadd.bf16 v60, v15;
	v8 =	vmul.bf16 v38, v8;
	v6 =	vadd.bf16 v7, v6;
	v37 =	vld [tilespmem:s10+$0x7F0]  }
0x145: {  	v0 =	vadd.bf16 v2, v0;
	v42 =	vld [tilespmem:s10+$0x870];
	v39 =	vmul.bf16 v32, v16;
	v41 =	vmul.bf16 v48, v17  }
0x146: {  	v5 =	vadd.bf16 v5, v33;
	v46 =	vld [tilespmem:s10+$0x8F0];
	v43 =	vmul.bf16 v51, v18;
	v45 =	vmul.bf16 v52, v22  }
0x147: {  	v61 =	vadd.bf16 v9, v8;
	v49 =	vld [tilespmem:s10+$0x970];
	v47 =	vmul.bf16 v53, v20;
	v48 =	vmul.bf16 v54, v23  }
0x148: {  	v3 =	vadd.bf16 v6, v58;
	v50 =	vld [tilespmem:s10+$0x9F0];
	v51 =	vmul.bf16 v55, v19;
	v52 =	vmul.bf16 v56, v21  }
0x149: {  	v7 =	vadd.bf16 v63, v61;
	v1 =	vmul.bf16 v57, v24;
	v4 =	vmul.bf16 v59, v25  }
0x14a: {  	v0 =	vadd.bf16 v3, v0;
	v53 =	vmul.bf16 v62, v26;
	v54 =	vmul.bf16 v37, v27  }
0x14b: {  	v5 =	vadd.bf16 v5, v7;
	v55 =	vmul.bf16 v42, v28;
	v56 =	vmul.bf16 v46, v29  }
0x14c: {  	v57 =	vmul.bf16 v49, v30;
	v12 =	vadd.bf16 v41, v39;
	v2 =	vadd.bf16 v45, v43  }
0x14d: {  	v58 =	vmul.bf16 v50, v31;
	v6 =	vadd.bf16 v48, v47;
	v9 =	vadd.bf16 v52, v51  }
0x14e: {  	v1 =	vadd.bf16 v4, v1;
	v3 =	vadd.bf16 v54, v53  }
0x14f: {  	v59 =	vadd.bf16 v56, v55;
	v60 =	vadd.bf16 v58, v57  }
0x150: {  	v2 =	vadd.bf16 v2, v12;
	v6 =	vadd.bf16 v9, v6  }
0x151: {  	v1 =	vadd.bf16 v3, v1;
	v61 =	vadd.bf16 v60, v59  }
0x152: {  	v0 =	vadd.bf16 v5, v0  }
0x153: {  	v2 =	vadd.bf16 v6, v2;
	v1 =	vadd.bf16 v61, v1  }
0x154: {  	p1 =	slt.u32 s8, $0x6  }
.Ltmp2:
0x155: {  	v62 =	vunpack.i.l.bf16.f32 v0;
	v1 =	vadd.bf16 v1, v2;
	(pc) =	sbr.rel @p1 .LBB2_3-.Ltmp2, $4  }
0x156: {  	v0 =	vunpack.i.u.bf16.f32 v0;
	[tilespmem:s11+$0x8270] =	vst v62  }
0x157: {  	[tilespmem:s11+$0x8670] =	vst v0;
	v63 =	vunpack.i.l.bf16.f32 v1  }
0x158: {  	s11 =	sadd.s32 $0x2, s8;
	v1 =	vunpack.i.u.bf16.f32 v1;
	[tilespmem:s13+$0x8270] =	vst v63  }
0x159: {  	s8 =	smov.u32 s11;
	[tilespmem:s13+$0x8670] =	vst v1  }
0x15a: {  	p1 =	sne.s32 s31, $0x5F  }
.Ltmp3:
0x15b: {  	s8 =	sshll.u32 s31, $0xC;
	(pc) =	sbr.rel @p1 .LBB2_6-.Ltmp3, $4  }
0x15c: {  	s8 =	sadd.s32 s12, s8  }
0x15d: {  	s8 =	sshrl.u32 s8, $0x3  }
0x15e: {  	s8 =	sadd.s32 s6, s8  }
0x15f: {  	[hbm4b:s8+s3] =	stream.linear.scatter [tilespmem:s24], [sflag:$0x7], $0x800, $0x38;
	[tilespmem:$0x9200] =	vst v63  }
.Ltmp4:
0x160: {  	(pc) =	sbr.rel .LBB2_7-.Ltmp4, $4  }
0x161: {  	_ = 	snop  }
0x162: {  	_ =	swait.ge [sflag:s25], $0x4000  }
0x163: {  	[sflag:s25] =	ssyncset.done $0x0  }
0x164: {  	[sflag:s25] =	ssyncadd.s32 $0xFFFFC000  }
.LBB2_6:
0x165: {  	s2 =	sadd.s32 s7, s2  }
0x166: {  	s2 =	sshll.u32 s2, $0x4  }
0x167: {  	s2 =	sadd.s32 $0x20, s2  }
0x168: {  	s8 =	sadd.s32 s4, s2  }
0x169: {  	[tilespmem:s3], [sflag:$0x1] =	stream.linear.gather [hbm4b:s8+s3], $0x80, $0x38;
	[tilespmem:$0x9200] =	vst v63  }
0x16a: {  	s2 =	sadd.s32 s5, s2  }
0x16b: {  	[tilespmem:s15], [sflag:$0x3] =	stream.linear.gather [hbm4b:s2+s3], $0x80, $0x38;
	[tilespmem:$0x9200] =	vst v63  }
0x16c: {  	_ =	swait.ge [sflag:s14], $0x80  }
0x16d: {  	[sflag:s14] =	ssyncset.done $0x0  }
0x16e: {  	[sflag:s14] =	ssyncadd.s32 $0xFFFFFF80  }
0x16f: {  	_ =	swait.ge [sflag:s16], $0x80  }
0x170: {  	[sflag:s16] =	ssyncset.done $0x0  }
.Ltmp5:
0x171: {  	[sflag:s16] =	ssyncadd.s32 $0xFFFFFF80;
	(pc) =	sbr.rel @p0 .LBB2_8-.Ltmp5, $4  }
0x172: {  	[tilespmem:s19], [sflag:$0x5] =	stream.indirect.gather [hbm4b:s1+s17], $0x80, s3, s17, $0xb8;
	[tilespmem:$0x9200] =	vst v63  }
0x173: {  	_ =	swait.ge [sflag:s25], $0x4000  }
0x174: {  	[sflag:s25] =	ssyncset.done $0x0  }
0x175: {  	[sflag:s25] =	ssyncadd.s32 $0xFFFFC000  }
.LBB2_7:
0x176: {  	_ =	swait.ge [sflag:s26], $0x800  }
0x177: {  	[sflag:s26] =	ssyncset.done $0x0  }
0x178: {  	[sflag:s26] =	ssyncadd.s32 $0xFFFFF800  }
.LBB2_8:
0x179: {  	s2 =	simm.s32 $0x0  }
.LBB2_9:
0x17a: {  	s8 =	sshll.u32 s2, $0x4  }
0x17b: {  	s8 =	sand.u32 $0x3FFFFFF0, s8  }
0x17c: {  	v9 =	vld [tilespmem:s8+$0x180];
	_ =	sdelay $0x1  }
0x17d: {  	s9 =	sshll.u32 s2, $0xB  }
0x17e: {  	s8 =	sand.u32 $0x3FFFF800, s9  }
0x17f: {  	v10 =	vld [tilespmem:s8+$0x4200]  }
0x180: {  	v11 =	vld [tilespmem:s8+$0x4280];
	v0 =	vbroadcast v9, $0x0  }
0x181: {  	v12 =	vld [tilespmem:s8+$0x4300];
	v1 =	vbroadcast v9, $0x1;
	v2 =	vbroadcast v9, $0x2  }
0x182: {  	v13 =	vld [tilespmem:s8+$0x4380];
	v3 =	vbroadcast v9, $0x3;
	v4 =	vbroadcast v9, $0x4  }
0x183: {  	s11 =	sor.u32 $0x1, s2;
	v14 =	vld [tilespmem:s8+$0x4400];
	v5 =	vbroadcast v9, $0x5;
	v6 =	vbroadcast v9, $0x6  }
0x184: {  	s9 =	sshll.u32 s11, $0x4;
	v15 =	vld [tilespmem:s8+$0x4480];
	v7 =	vbroadcast v9, $0x7;
	v8 =	vbroadcast v9, $0x8  }
0x185: {  	v16 =	vld [tilespmem:s8+$0x4500];
	s9 =	sand.u32 $0x3FFFFFF0, s9;
	v18 =	vbroadcast v9, $0x9;
	v20 =	vbroadcast v9, $0xA  }
0x186: {  	v53 =	vld [tilespmem:s9+$0x180];
	v21 =	vbroadcast v9, $0xB;
	v23 =	vbroadcast v9, $0xC  }
0x187: {  	v17 =	vld [tilespmem:s8+$0x4580];
	v24 =	vbroadcast v9, $0xD;
	v26 =	vbroadcast v9, $0xE  }
0x188: {  	v19 =	vld [tilespmem:s8+$0x4600];
	v27 =	vbroadcast v9, $0xF;
	v0 =	vpack.i.f32.bf16 v0, v0;
	v1 =	vpack.i.f32.bf16 v1, v1  }
0x189: {  	v22 =	vld [tilespmem:s8+$0x4680];
	v2 =	vpack.i.f32.bf16 v2, v2;
	v3 =	vpack.i.f32.bf16 v3, v3;
	v4 =	vpack.i.f32.bf16 v4, v4  }
0x18a: {  	v25 =	vld [tilespmem:s8+$0x4700];
	v5 =	vpack.i.f32.bf16 v5, v5;
	v6 =	vpack.i.f32.bf16 v6, v6;
	v7 =	vpack.i.f32.bf16 v7, v7  }
0x18b: {  	v28 =	vld [tilespmem:s8+$0x4780];
	v8 =	vpack.i.f32.bf16 v8, v8;
	v56 =	vbroadcast v53, $0x0;
	v59 =	vbroadcast v53, $0x1  }
0x18c: {  	v30 =	vld [tilespmem:s8+$0x4800];
	v9 =	vpack.i.f32.bf16 v18, v18;
	v62 =	vbroadcast v53, $0x2;
	v40 =	vmul.bf16 v10, v0  }
0x18d: {  	v32 =	vld [tilespmem:s8+$0x4880];
	v29 =	vmul.bf16 v11, v1;
	v10 =	vpack.i.f32.bf16 v20, v20;
	v41 =	vmul.bf16 v12, v2  }
0x18e: {  	v34 =	vld [tilespmem:s8+$0x4900];
	v31 =	vmul.bf16 v13, v3;
	v11 =	vpack.i.f32.bf16 v21, v21;
	v42 =	vmul.bf16 v14, v4  }
0x18f: {  	v43 =	vld [tilespmem:s8+$0x4980];
	v33 =	vmul.bf16 v15, v5;
	v12 =	vpack.i.f32.bf16 v23, v23;
	v16 =	vmul.bf16 v16, v6  }
0x190: {  	v17 =	vmul.bf16 v17, v7;
	v14 =	vpack.i.f32.bf16 v24, v24;
	v19 =	vmul.bf16 v19, v8  }
0x191: {  	v22 =	vmul.bf16 v22, v9;
	v15 =	vpack.i.f32.bf16 v26, v26;
	v44 =	vmul.bf16 v25, v10  }
0x192: {  	v13 =	vpack.i.f32.bf16 v27, v27;
	v45 =	vmul.bf16 v28, v11;
	v46 =	vmul.bf16 v30, v12  }
0x193: {  	s10 =	sshll.u32 s11, $0xB;
	v47 =	vmul.bf16 v32, v14;
	v48 =	vmul.bf16 v34, v15;
	v18 =	vadd.bf16 v29, v40  }
0x194: {  	s9 =	sand.u32 $0x3FFFF800, s10;
	v23 =	vmul.bf16 v43, v13;
	v20 =	vadd.bf16 v31, v41;
	v21 =	vadd.bf16 v33, v42  }
0x195: {  	v54 =	vld [tilespmem:s9+$0x4200];
	v43 =	vbroadcast v53, $0xD;
	v16 =	vadd.bf16 v17, v16;
	v49 =	vadd.bf16 v22, v19  }
0x196: {  	v55 =	vld [tilespmem:s9+$0x4280];
	v40 =	vbroadcast v53, $0xB;
	v41 =	vbroadcast v53, $0xC;
	v50 =	vadd.bf16 v45, v44  }
0x197: {  	v57 =	vld [tilespmem:s9+$0x4300];
	v51 =	vadd.bf16 v47, v46;
	v45 =	vbroadcast v53, $0x3;
	v46 =	vbroadcast v53, $0x4  }
0x198: {  	v60 =	vld [tilespmem:s9+$0x4380];
	v23 =	vadd.bf16 v23, v48;
	v47 =	vbroadcast v53, $0x5;
	v48 =	vbroadcast v53, $0x6  }
0x199: {  	v63 =	vld [tilespmem:s9+$0x4400];
	v44 =	vbroadcast v53, $0xE;
	v29 =	vpack.i.f32.bf16 v43, v43;
	v18 =	vadd.bf16 v20, v18  }
0x19a: {  	v35 =	vld [tilespmem:s9+$0x4480];
	v16 =	vadd.bf16 v16, v21;
	v27 =	vpack.i.f32.bf16 v40, v40;
	v28 =	vpack.i.f32.bf16 v41, v41  }
0x19b: {  	v36 =	vld [tilespmem:s9+$0x4500];
	v17 =	vadd.bf16 v50, v49;
	v52 =	vadd.bf16 v23, v51;
	v22 =	vpack.i.f32.bf16 v45, v45  }
0x19c: {  	v37 =	vld [tilespmem:s9+$0x4580];
	v20 =	vpack.i.f32.bf16 v46, v46;
	v49 =	vbroadcast v53, $0x7;
	v23 =	vpack.i.f32.bf16 v47, v47  }
0x19d: {  	v38 =	vld [tilespmem:s9+$0x4600];
	v19 =	vpack.i.f32.bf16 v48, v48;
	v50 =	vbroadcast v53, $0x8;
	v51 =	vbroadcast v53, $0x9  }
0x19e: {  	v39 =	vld [tilespmem:s9+$0x4680];
	v46 =	vbroadcast v53, $0xF;
	v30 =	vpack.i.f32.bf16 v44, v44;
	v16 =	vadd.bf16 v16, v18  }
0x19f: {  	v42 =	vld [tilespmem:s9+$0x4700];
	v18 =	vpack.i.f32.bf16 v62, v62;
	v32 =	vmul.bf16 v60, v22;
	v17 =	vadd.bf16 v52, v17  }
0x1a0: {  	v45 =	vld [tilespmem:s9+$0x4780];
	v34 =	vmul.bf16 v63, v20;
	v21 =	vpack.i.f32.bf16 v49, v49;
	v52 =	vbroadcast v53, $0xA  }
0x1a1: {  	v48 =	vld [tilespmem:s9+$0x4800];
	v24 =	vpack.i.f32.bf16 v50, v50;
	v49 =	vmul.bf16 v57, v18;
	v16 =	vadd.bf16 v17, v16  }
0x1a2: {  	s10 =	sshll.u32 s2, $0x7;
	v25 =	vpack.i.f32.bf16 v51, v51;
	v50 =	vld [tilespmem:s9+$0x4880];
	v37 =	vmul.bf16 v37, v21;
	v38 =	vmul.bf16 v38, v24  }
0x1a3: {  	s10 =	sand.u32 $0x3FFFFF80, s10;
	v57 =	vld [tilespmem:s9+$0x4980];
	v58 =	vunpack.i.u.bf16.f32 v16;
	v61 =	vunpack.i.l.bf16.f32 v16;
	v16 =	vpack.i.f32.bf16 v56, v56  }
0x1a4: {  	v39 =	vmul.bf16 v39, v25;
	v17 =	vpack.i.f32.bf16 v59, v59;
	v47 =	vmul.bf16 v54, v16;
	v54 =	vld [tilespmem:s9+$0x4900];
	[tilespmem:s10+$0x8A00] =	vst v61  }
0x1a5: {  	v26 =	vpack.i.f32.bf16 v52, v52;
	v53 =	vmul.bf16 v55, v17;
	v55 =	vmul.bf16 v35, v23;
	[tilespmem:s10+$0x8E00] =	vst v58  }
0x1a6: {  	v31 =	vpack.i.f32.bf16 v46, v46;
	v42 =	vmul.bf16 v42, v26;
	v45 =	vmul.bf16 v45, v27;
	v58 =	vld [tilespmem:s8+$0x4210]  }
0x1a7: {  	v32 =	vadd.bf16 v32, v49;
	v60 =	vmul.bf16 v48, v28;
	v56 =	vmul.bf16 v36, v19;
	v59 =	vld [tilespmem:s8+$0x4290]  }
0x1a8: {  	v62 =	vmul.bf16 v50, v29;
	v36 =	vmul.bf16 v57, v31;
	v33 =	vadd.bf16 v55, v34;
	v61 =	vld [tilespmem:s8+$0x4310]  }
0x1a9: {  	v50 =	vadd.bf16 v39, v38;
	v51 =	vadd.bf16 v45, v42;
	v49 =	vld [tilespmem:s8+$0x4390];
	v41 =	vmul.bf16 v54, v30  }
0x1aa: {  	v63 =	vadd.bf16 v37, v56;
	v35 =	vld [tilespmem:s8+$0x4410];
	v40 =	vadd.bf16 v53, v47  }
0x1ab: {  	v39 =	vld [tilespmem:s8+$0x4490];
	v52 =	vadd.bf16 v62, v60;
	v36 =	vadd.bf16 v36, v41  }
0x1ac: {  	v55 =	vld [tilespmem:s8+$0x4610];
	v37 =	vadd.bf16 v51, v50;
	v33 =	vadd.bf16 v63, v33  }
0x1ad: {  	v57 =	vld [tilespmem:s8+$0x4710];
	v32 =	vadd.bf16 v32, v40;
	v36 =	vadd.bf16 v36, v52  }
0x1ae: {  	v53 =	vld [tilespmem:s8+$0x4510]  }
0x1af: {  	v40 =	vld [tilespmem:s8+$0x4690];
	v32 =	vadd.bf16 v33, v32;
	v56 =	vadd.bf16 v36, v37  }
0x1b0: {  	v54 =	vld [tilespmem:s8+$0x4590]  }
0x1b1: {  	v33 =	vmul.bf16 v58, v0;
	v58 =	vld [tilespmem:s8+$0x4810];
	v32 =	vadd.bf16 v56, v32  }
0x1b2: {  	s11 =	sshll.u32 s11, $0x7;
	v60 =	vmul.bf16 v61, v2;
	v61 =	vld [tilespmem:s8+$0x4890]  }
0x1b3: {  	s11 =	sand.u32 $0x3FFFFF80, s11;
	v41 =	vmul.bf16 v53, v6;
	v53 =	vld [tilespmem:s8+$0x4990];
	v62 =	vunpack.i.l.bf16.f32 v32  }
0x1b4: {  	v59 =	vmul.bf16 v59, v1;
	v52 =	vld [tilespmem:s8+$0x4910];
	v32 =	vunpack.i.u.bf16.f32 v32;
	[tilespmem:s11+$0x8A00] =	vst v62  }
0x1b5: {  	v63 =	vmul.bf16 v49, v3;
	v35 =	vmul.bf16 v35, v4;
	v37 =	vld [tilespmem:s8+$0x4790];
	[tilespmem:s11+$0x8E00] =	vst v32  }
0x1b6: {  	v39 =	vmul.bf16 v39, v5;
	v55 =	vmul.bf16 v55, v8;
	v56 =	vld [tilespmem:s9+$0x4210]  }
0x1b7: {  	v33 =	vadd.bf16 v59, v33;
	v40 =	vmul.bf16 v40, v9;
	v36 =	vmul.bf16 v57, v10;
	v57 =	vld [tilespmem:s9+$0x4290]  }
0x1b8: {  	v44 =	vadd.bf16 v63, v60;
	v54 =	vmul.bf16 v54, v7;
	v42 =	vmul.bf16 v58, v12;
	v58 =	vld [tilespmem:s9+$0x4310]  }
0x1b9: {  	v35 =	vadd.bf16 v39, v35;
	v45 =	vmul.bf16 v61, v14;
	v46 =	vmul.bf16 v53, v13;
	v50 =	vld [tilespmem:s9+$0x4390]  }
0x1ba: {  	v34 =	vadd.bf16 v40, v55;
	v48 =	vmul.bf16 v52, v15;
	v37 =	vmul.bf16 v37, v11;
	v51 =	vld [tilespmem:s9+$0x4410]  }
0x1bb: {  	v59 =	vadd.bf16 v45, v42;
	v32 =	vadd.bf16 v54, v41;
	v61 =	vld [tilespmem:s9+$0x4510]  }
0x1bc: {  	v60 =	vadd.bf16 v46, v48;
	v63 =	vld [tilespmem:s9+$0x4610];
	v36 =	vadd.bf16 v37, v36  }
0x1bd: {  	v33 =	vadd.bf16 v44, v33;
	v41 =	vld [tilespmem:s9+$0x4690];
	v32 =	vadd.bf16 v32, v35  }
0x1be: {  	v53 =	vld [tilespmem:s9+$0x4710];
	v62 =	vadd.bf16 v60, v59;
	v34 =	vadd.bf16 v36, v34  }
0x1bf: {  	v54 =	vld [tilespmem:s9+$0x4790]  }
0x1c0: {  	v37 =	vld [tilespmem:s9+$0x4490];
	v32 =	vadd.bf16 v32, v33;
	v52 =	vadd.bf16 v62, v34  }
0x1c1: {  	v35 =	vld [tilespmem:s9+$0x4590]  }
0x1c2: {  	v60 =	vld [tilespmem:s9+$0x4910];
	v55 =	vmul.bf16 v56, v16;
	v32 =	vadd.bf16 v52, v32  }
0x1c3: {  	v56 =	vld [tilespmem:s9+$0x4810];
	v57 =	vmul.bf16 v57, v17;
	v43 =	vmul.bf16 v58, v18  }
0x1c4: {  	v58 =	vld [tilespmem:s9+$0x4890];
	v47 =	vmul.bf16 v50, v22;
	v39 =	vmul.bf16 v51, v20;
	v59 =	vunpack.i.l.bf16.f32 v32  }
0x1c5: {  	v42 =	vmul.bf16 v61, v19;
	v61 =	vld [tilespmem:s9+$0x4990];
	v63 =	vmul.bf16 v63, v24;
	v32 =	vunpack.i.u.bf16.f32 v32;
	[tilespmem:s10+$0x8A10] =	vst v59  }
0x1c6: {  	v41 =	vmul.bf16 v41, v25;
	v34 =	vmul.bf16 v53, v26;
	[tilespmem:s10+$0x8E10] =	vst v32  }
0x1c7: {  	v36 =	vmul.bf16 v54, v27;
	v37 =	vmul.bf16 v37, v23;
	v52 =	vld [tilespmem:s8+$0x4220]  }
0x1c8: {  	v62 =	vmul.bf16 v35, v21;
	v48 =	vmul.bf16 v60, v30;
	v33 =	vadd.bf16 v57, v55;
	v53 =	vld [tilespmem:s8+$0x42A0]  }
0x1c9: {  	v43 =	vadd.bf16 v47, v43;
	v35 =	vadd.bf16 v41, v63;
	v38 =	vmul.bf16 v56, v28;
	v54 =	vld [tilespmem:s8+$0x4320]  }
0x1ca: {  	v34 =	vadd.bf16 v36, v34;
	v45 =	vmul.bf16 v58, v29;
	v46 =	vmul.bf16 v61, v31;
	v50 =	vld [tilespmem:s8+$0x43A0]  }
0x1cb: {  	v37 =	vadd.bf16 v37, v39;
	v32 =	vadd.bf16 v62, v42;
	v51 =	vld [tilespmem:s8+$0x4420]  }
0x1cc: {  	v36 =	vld [tilespmem:s8+$0x44A0];
	v38 =	vadd.bf16 v45, v38;
	v55 =	vadd.bf16 v46, v48  }
0x1cd: {  	v33 =	vadd.bf16 v43, v33;
	v34 =	vadd.bf16 v34, v35;
	v56 =	vld [tilespmem:s8+$0x4520]  }
0x1ce: {  	v58 =	vld [tilespmem:s8+$0x4620];
	v32 =	vadd.bf16 v32, v37;
	v57 =	vadd.bf16 v55, v38  }
0x1cf: {  	v41 =	vld [tilespmem:s8+$0x46A0]  }
0x1d0: {  	v60 =	vld [tilespmem:s8+$0x4720];
	v32 =	vadd.bf16 v32, v33;
	v59 =	vadd.bf16 v57, v34  }
0x1d1: {  	v61 =	vld [tilespmem:s8+$0x47A0]  }
0x1d2: {  	v63 =	vld [tilespmem:s8+$0x4820];
	v32 =	vadd.bf16 v59, v32  }
0x1d3: {  	v37 =	vld [tilespmem:s8+$0x45A0];
	v62 =	vmul.bf16 v52, v0  }
0x1d4: {  	v55 =	vld [tilespmem:s8+$0x4920];
	v52 =	vmul.bf16 v53, v1;
	v44 =	vmul.bf16 v54, v2;
	v54 =	vunpack.i.l.bf16.f32 v32  }
0x1d5: {  	v53 =	vld [tilespmem:s8+$0x48A0];
	v47 =	vmul.bf16 v50, v3;
	v39 =	vmul.bf16 v51, v4;
	v32 =	vunpack.i.u.bf16.f32 v32;
	[tilespmem:s11+$0x8A10] =	vst v54  }
0x1d6: {  	v36 =	vmul.bf16 v36, v5;
	v42 =	vmul.bf16 v56, v6;
	v56 =	vld [tilespmem:s8+$0x49A0];
	[tilespmem:s11+$0x8E10] =	vst v32  }
0x1d7: {  	v58 =	vmul.bf16 v58, v8;
	v41 =	vmul.bf16 v41, v9;
	v59 =	vld [tilespmem:s9+$0x4220]  }
0x1d8: {  	v34 =	vmul.bf16 v60, v10;
	v35 =	vmul.bf16 v61, v11;
	v60 =	vld [tilespmem:s9+$0x42A0]  }
0x1d9: {  	v40 =	vmul.bf16 v63, v12;
	v57 =	vmul.bf16 v37, v7;
	v33 =	vadd.bf16 v52, v62;
	v61 =	vld [tilespmem:s9+$0x4320]  }
0x1da: {  	v44 =	vadd.bf16 v47, v44;
	v36 =	vadd.bf16 v36, v39;
	v48 =	vmul.bf16 v55, v15;
	v50 =	vld [tilespmem:s9+$0x43A0]  }
0x1db: {  	v37 =	vadd.bf16 v41, v58;
	v45 =	vmul.bf16 v53, v14;
	v46 =	vmul.bf16 v56, v13;
	v51 =	vld [tilespmem:s9+$0x4420]  }
0x1dc: {  	v34 =	vadd.bf16 v35, v34;
	v32 =	vadd.bf16 v57, v42;
	v35 =	vld [tilespmem:s9+$0x44A0]  }
0x1dd: {  	v63 =	vld [tilespmem:s9+$0x4520];
	v40 =	vadd.bf16 v45, v40;
	v62 =	vadd.bf16 v46, v48  }
0x1de: {  	v33 =	vadd.bf16 v44, v33;
	v34 =	vadd.bf16 v34, v37;
	v53 =	vld [tilespmem:s9+$0x4620]  }
0x1df: {  	v41 =	vld [tilespmem:s9+$0x46A0];
	v32 =	vadd.bf16 v32, v36;
	v52 =	vadd.bf16 v62, v40  }
0x1e0: {  	v55 =	vld [tilespmem:s9+$0x4720]  }
0x1e1: {  	v56 =	vld [tilespmem:s9+$0x47A0];
	v32 =	vadd.bf16 v32, v33;
	v54 =	vadd.bf16 v52, v34  }
0x1e2: {  	v58 =	vld [tilespmem:s9+$0x4820]  }
0x1e3: {  	v36 =	vld [tilespmem:s9+$0x45A0];
	v57 =	vmul.bf16 v59, v16;
	v32 =	vadd.bf16 v54, v32  }
0x1e4: {  	v62 =	vld [tilespmem:s9+$0x4920];
	v59 =	vmul.bf16 v60, v17;
	v43 =	vmul.bf16 v61, v18  }
0x1e5: {  	v60 =	vld [tilespmem:s9+$0x48A0];
	v47 =	vmul.bf16 v50, v22;
	v39 =	vmul.bf16 v51, v20;
	v61 =	vunpack.i.l.bf16.f32 v32  }
0x1e6: {  	v35 =	vmul.bf16 v35, v23;
	v42 =	vmul.bf16 v63, v19;
	v63 =	vld [tilespmem:s9+$0x49A0];
	v32 =	vunpack.i.u.bf16.f32 v32;
	[tilespmem:s10+$0x8A20] =	vst v61  }
0x1e7: {  	v53 =	vmul.bf16 v53, v24;
	v41 =	vmul.bf16 v41, v25;
	[tilespmem:s10+$0x8E20] =	vst v32  }
0x1e8: {  	v34 =	vmul.bf16 v55, v26;
	v37 =	vmul.bf16 v56, v27;
	v54 =	vld [tilespmem:s8+$0x4230]  }
0x1e9: {  	v38 =	vmul.bf16 v58, v28;
	v52 =	vmul.bf16 v36, v21;
	v33 =	vadd.bf16 v59, v57;
	v55 =	vld [tilespmem:s8+$0x42B0]  }
0x1ea: {  	v43 =	vadd.bf16 v47, v43;
	v35 =	vadd.bf16 v35, v39;
	v48 =	vmul.bf16 v62, v30;
	v56 =	vld [tilespmem:s8+$0x4330]  }
0x1eb: {  	v36 =	vadd.bf16 v41, v53;
	v45 =	vmul.bf16 v60, v29;
	v46 =	vmul.bf16 v63, v31;
	v50 =	vld [tilespmem:s8+$0x43B0]  }
0x1ec: {  	v34 =	vadd.bf16 v37, v34;
	v32 =	vadd.bf16 v52, v42;
	v51 =	vld [tilespmem:s8+$0x4430]  }
0x1ed: {  	v37 =	vld [tilespmem:s8+$0x44B0];
	v38 =	vadd.bf16 v45, v38;
	v57 =	vadd.bf16 v46, v48  }
0x1ee: {  	v33 =	vadd.bf16 v43, v33;
	v34 =	vadd.bf16 v34, v36;
	v58 =	vld [tilespmem:s8+$0x4530]  }
0x1ef: {  	v60 =	vld [tilespmem:s8+$0x4630];
	v32 =	vadd.bf16 v32, v35;
	v59 =	vadd.bf16 v57, v38  }
0x1f0: {  	v41 =	vld [tilespmem:s8+$0x46B0]  }
0x1f1: {  	v62 =	vld [tilespmem:s8+$0x4730];
	v32 =	vadd.bf16 v32, v33;
	v61 =	vadd.bf16 v59, v34  }
0x1f2: {  	v63 =	vld [tilespmem:s8+$0x47B0]  }
0x1f3: {  	v53 =	vld [tilespmem:s8+$0x4830];
	v32 =	vadd.bf16 v61, v32  }
0x1f4: {  	v35 =	vld [tilespmem:s8+$0x45B0];
	v52 =	vmul.bf16 v54, v0  }
0x1f5: {  	v57 =	vld [tilespmem:s8+$0x4930];
	v54 =	vmul.bf16 v55, v1;
	v44 =	vmul.bf16 v56, v2;
	v56 =	vunpack.i.l.bf16.f32 v32  }
0x1f6: {  	v55 =	vld [tilespmem:s8+$0x48B0];
	v47 =	vmul.bf16 v50, v3;
	v39 =	vmul.bf16 v51, v4;
	v32 =	vunpack.i.u.bf16.f32 v32;
	[tilespmem:s11+$0x8A20] =	vst v56  }
0x1f7: {  	v37 =	vmul.bf16 v37, v5;
	v42 =	vmul.bf16 v58, v6;
	v58 =	vld [tilespmem:s8+$0x49B0];
	[tilespmem:s11+$0x8E20] =	vst v32  }
0x1f8: {  	v60 =	vmul.bf16 v60, v8;
	v41 =	vmul.bf16 v41, v9;
	v61 =	vld [tilespmem:s9+$0x4230]  }
0x1f9: {  	v34 =	vmul.bf16 v62, v10;
	v36 =	vmul.bf16 v63, v11;
	v62 =	vld [tilespmem:s9+$0x42B0]  }
0x1fa: {  	v40 =	vmul.bf16 v53, v12;
	v59 =	vmul.bf16 v35, v7;
	v33 =	vadd.bf16 v54, v52;
	v63 =	vld [tilespmem:s9+$0x4330]  }
0x1fb: {  	v44 =	vadd.bf16 v47, v44;
	v37 =	vadd.bf16 v37, v39;
	v48 =	vmul.bf16 v57, v15;
	v50 =	vld [tilespmem:s9+$0x43B0]  }
0x1fc: {  	v35 =	vadd.bf16 v41, v60;
	v45 =	vmul.bf16 v55, v14;
	v46 =	vmul.bf16 v58, v13;
	v51 =	vld [tilespmem:s9+$0x4430]  }
0x1fd: {  	v34 =	vadd.bf16 v36, v34;
	v32 =	vadd.bf16 v59, v42;
	v36 =	vld [tilespmem:s9+$0x44B0]  }
0x1fe: {  	v54 =	vld [tilespmem:s9+$0x4530];
	v40 =	vadd.bf16 v45, v40;
	v53 =	vadd.bf16 v46, v48  }
0x1ff: {  	v33 =	vadd.bf16 v44, v33;
	v34 =	vadd.bf16 v34, v35;
	v56 =	vld [tilespmem:s9+$0x4630]  }
0x200: {  	v41 =	vld [tilespmem:s9+$0x46B0];
	v32 =	vadd.bf16 v32, v37;
	v55 =	vadd.bf16 v53, v40  }
0x201: {  	v58 =	vld [tilespmem:s9+$0x4730]  }
0x202: {  	v59 =	vld [tilespmem:s9+$0x47B0];
	v32 =	vadd.bf16 v32, v33;
	v57 =	vadd.bf16 v55, v34  }
0x203: {  	v37 =	vld [tilespmem:s9+$0x45B0]  }
0x204: {  	v53 =	vld [tilespmem:s9+$0x4930];
	v60 =	vmul.bf16 v61, v16;
	v32 =	vadd.bf16 v57, v32  }
0x205: {  	v61 =	vld [tilespmem:s9+$0x4830];
	v62 =	vmul.bf16 v62, v17;
	v43 =	vmul.bf16 v63, v18  }
0x206: {  	v63 =	vld [tilespmem:s9+$0x48B0];
	v47 =	vmul.bf16 v50, v22;
	v39 =	vmul.bf16 v51, v20;
	v52 =	vunpack.i.l.bf16.f32 v32  }
0x207: {  	v36 =	vmul.bf16 v36, v23;
	v42 =	vmul.bf16 v54, v19;
	v54 =	vld [tilespmem:s9+$0x49B0];
	v32 =	vunpack.i.u.bf16.f32 v32;
	[tilespmem:s10+$0x8A30] =	vst v52  }
0x208: {  	v56 =	vmul.bf16 v56, v24;
	v41 =	vmul.bf16 v41, v25;
	[tilespmem:s10+$0x8E30] =	vst v32  }
0x209: {  	v34 =	vmul.bf16 v58, v26;
	v35 =	vmul.bf16 v59, v27;
	v57 =	vld [tilespmem:s8+$0x4240]  }
0x20a: {  	v55 =	vmul.bf16 v37, v21;
	v33 =	vadd.bf16 v62, v60;
	v43 =	vadd.bf16 v47, v43;
	v58 =	vld [tilespmem:s8+$0x42C0]  }
0x20b: {  	v36 =	vadd.bf16 v36, v39;
	v48 =	vmul.bf16 v53, v30;
	v38 =	vmul.bf16 v61, v28;
	v59 =	vld [tilespmem:s8+$0x4340]  }
0x20c: {  	v37 =	vadd.bf16 v41, v56;
	v45 =	vmul.bf16 v63, v29;
	v46 =	vmul.bf16 v54, v31;
	v50 =	vld [tilespmem:s8+$0x43C0]  }
0x20d: {  	v34 =	vadd.bf16 v35, v34;
	v32 =	vadd.bf16 v55, v42;
	v51 =	vld [tilespmem:s8+$0x4440]  }
0x20e: {  	v35 =	vld [tilespmem:s8+$0x44C0];
	v38 =	vadd.bf16 v45, v38;
	v60 =	vadd.bf16 v46, v48  }
0x20f: {  	v33 =	vadd.bf16 v43, v33;
	v34 =	vadd.bf16 v34, v37;
	v61 =	vld [tilespmem:s8+$0x4540]  }
0x210: {  	v63 =	vld [tilespmem:s8+$0x4640];
	v32 =	vadd.bf16 v32, v36;
	v62 =	vadd.bf16 v60, v38  }
0x211: {  	v41 =	vld [tilespmem:s8+$0x46C0]  }
0x212: {  	v53 =	vld [tilespmem:s8+$0x4740];
	v32 =	vadd.bf16 v32, v33;
	v52 =	vadd.bf16 v62, v34  }
0x213: {  	v54 =	vld [tilespmem:s8+$0x47C0]  }
0x214: {  	v56 =	vld [tilespmem:s8+$0x4840];
	v32 =	vadd.bf16 v52, v32  }
0x215: {  	v36 =	vld [tilespmem:s8+$0x45C0];
	v55 =	vmul.bf16 v57, v0  }
0x216: {  	v60 =	vld [tilespmem:s8+$0x4940];
	v57 =	vmul.bf16 v58, v1;
	v44 =	vmul.bf16 v59, v2;
	v59 =	vunpack.i.l.bf16.f32 v32  }
0x217: {  	v58 =	vld [tilespmem:s8+$0x48C0];
	v47 =	vmul.bf16 v50, v3;
	v39 =	vmul.bf16 v51, v4;
	v32 =	vunpack.i.u.bf16.f32 v32;
	[tilespmem:s11+$0x8A30] =	vst v59  }
0x218: {  	v35 =	vmul.bf16 v35, v5;
	v42 =	vmul.bf16 v61, v6;
	v61 =	vld [tilespmem:s8+$0x49C0];
	[tilespmem:s11+$0x8E30] =	vst v32  }
0x219: {  	v63 =	vmul.bf16 v63, v8;
	v41 =	vmul.bf16 v41, v9;
	v52 =	vld [tilespmem:s9+$0x4240]  }
0x21a: {  	v34 =	vmul.bf16 v53, v10;
	v37 =	vmul.bf16 v54, v11;
	v53 =	vld [tilespmem:s9+$0x42C0]  }
0x21b: {  	v40 =	vmul.bf16 v56, v12;
	v62 =	vmul.bf16 v36, v7;
	v33 =	vadd.bf16 v57, v55;
	v54 =	vld [tilespmem:s9+$0x4340]  }
0x21c: {  	v44 =	vadd.bf16 v47, v44;
	v35 =	vadd.bf16 v35, v39;
	v48 =	vmul.bf16 v60, v15;
	v50 =	vld [tilespmem:s9+$0x43C0]  }
0x21d: {  	v36 =	vadd.bf16 v41, v63;
	v45 =	vmul.bf16 v58, v14;
	v46 =	vmul.bf16 v61, v13;
	v51 =	vld [tilespmem:s9+$0x4440]  }
0x21e: {  	v34 =	vadd.bf16 v37, v34;
	v32 =	vadd.bf16 v62, v42;
	v37 =	vld [tilespmem:s9+$0x44C0]  }
0x21f: {  	v56 =	vld [tilespmem:s9+$0x4540];
	v40 =	vadd.bf16 v45, v40;
	v55 =	vadd.bf16 v46, v48  }
0x220: {  	v33 =	vadd.bf16 v44, v33;
	v34 =	vadd.bf16 v34, v36;
	v58 =	vld [tilespmem:s9+$0x4640]  }
0x221: {  	v41 =	vld [tilespmem:s9+$0x46C0];
	v32 =	vadd.bf16 v32, v35;
	v57 =	vadd.bf16 v55, v40  }
0x222: {  	v60 =	vld [tilespmem:s9+$0x4740]  }
0x223: {  	v61 =	vld [tilespmem:s9+$0x47C0];
	v32 =	vadd.bf16 v32, v33;
	v59 =	vadd.bf16 v57, v34  }
0x224: {  	v63 =	vld [tilespmem:s9+$0x4840]  }
0x225: {  	v35 =	vld [tilespmem:s9+$0x45C0];
	v62 =	vmul.bf16 v52, v16;
	v32 =	vadd.bf16 v59, v32  }
0x226: {  	v55 =	vld [tilespmem:s9+$0x4940];
	v52 =	vmul.bf16 v53, v17;
	v43 =	vmul.bf16 v54, v18  }
0x227: {  	v53 =	vld [tilespmem:s9+$0x48C0];
	v47 =	vmul.bf16 v50, v22;
	v39 =	vmul.bf16 v51, v20;
	v54 =	vunpack.i.l.bf16.f32 v32  }
0x228: {  	v37 =	vmul.bf16 v37, v23;
	v42 =	vmul.bf16 v56, v19;
	v56 =	vld [tilespmem:s9+$0x49C0];
	v32 =	vunpack.i.u.bf16.f32 v32;
	[tilespmem:s10+$0x8A40] =	vst v54  }
0x229: {  	v58 =	vmul.bf16 v58, v24;
	v41 =	vmul.bf16 v41, v25;
	[tilespmem:s10+$0x8E40] =	vst v32  }
0x22a: {  	v34 =	vmul.bf16 v60, v26;
	v36 =	vmul.bf16 v61, v27;
	v59 =	vld [tilespmem:s8+$0x4250]  }
0x22b: {  	v38 =	vmul.bf16 v63, v28;
	v57 =	vmul.bf16 v35, v21;
	v33 =	vadd.bf16 v52, v62;
	v60 =	vld [tilespmem:s8+$0x42D0]  }
0x22c: {  	v43 =	vadd.bf16 v47, v43;
	v37 =	vadd.bf16 v37, v39;
	v48 =	vmul.bf16 v55, v30;
	v61 =	vld [tilespmem:s8+$0x4350]  }
0x22d: {  	v35 =	vadd.bf16 v41, v58;
	v45 =	vmul.bf16 v53, v29;
	v46 =	vmul.bf16 v56, v31;
	v50 =	vld [tilespmem:s8+$0x43D0]  }
0x22e: {  	v34 =	vadd.bf16 v36, v34;
	v32 =	vadd.bf16 v57, v42;
	v51 =	vld [tilespmem:s8+$0x4450]  }
0x22f: {  	v36 =	vld [tilespmem:s8+$0x44D0];
	v38 =	vadd.bf16 v45, v38;
	v62 =	vadd.bf16 v46, v48  }
0x230: {  	v33 =	vadd.bf16 v43, v33;
	v34 =	vadd.bf16 v34, v35;
	v63 =	vld [tilespmem:s8+$0x4550]  }
0x231: {  	v53 =	vld [tilespmem:s8+$0x4650];
	v32 =	vadd.bf16 v32, v37;
	v52 =	vadd.bf16 v62, v38  }
0x232: {  	v41 =	vld [tilespmem:s8+$0x46D0]  }
0x233: {  	v55 =	vld [tilespmem:s8+$0x4750];
	v32 =	vadd.bf16 v32, v33;
	v54 =	vadd.bf16 v52, v34  }
0x234: {  	v56 =	vld [tilespmem:s8+$0x47D0]  }
0x235: {  	v58 =	vld [tilespmem:s8+$0x4850];
	v32 =	vadd.bf16 v54, v32  }
0x236: {  	v37 =	vld [tilespmem:s8+$0x45D0];
	v57 =	vmul.bf16 v59, v0  }
0x237: {  	v62 =	vld [tilespmem:s8+$0x4950];
	v59 =	vmul.bf16 v60, v1;
	v44 =	vmul.bf16 v61, v2;
	v61 =	vunpack.i.l.bf16.f32 v32  }
0x238: {  	v60 =	vld [tilespmem:s8+$0x48D0];
	v47 =	vmul.bf16 v50, v3;
	v39 =	vmul.bf16 v51, v4;
	v32 =	vunpack.i.u.bf16.f32 v32;
	[tilespmem:s11+$0x8A40] =	vst v61  }
0x239: {  	v36 =	vmul.bf16 v36, v5;
	v42 =	vmul.bf16 v63, v6;
	v63 =	vld [tilespmem:s8+$0x49D0];
	[tilespmem:s11+$0x8E40] =	vst v32  }
0x23a: {  	v53 =	vmul.bf16 v53, v8;
	v41 =	vmul.bf16 v41, v9;
	v54 =	vld [tilespmem:s9+$0x4250]  }
0x23b: {  	v34 =	vmul.bf16 v55, v10;
	v35 =	vmul.bf16 v56, v11;
	v55 =	vld [tilespmem:s9+$0x42D0]  }
0x23c: {  	v40 =	vmul.bf16 v58, v12;
	v52 =	vmul.bf16 v37, v7;
	v33 =	vadd.bf16 v59, v57;
	v56 =	vld [tilespmem:s9+$0x4350]  }
0x23d: {  	v44 =	vadd.bf16 v47, v44;
	v36 =	vadd.bf16 v36, v39;
	v48 =	vmul.bf16 v62, v15;
	v50 =	vld [tilespmem:s9+$0x43D0]  }
0x23e: {  	v37 =	vadd.bf16 v41, v53;
	v45 =	vmul.bf16 v60, v14;
	v46 =	vmul.bf16 v63, v13;
	v51 =	vld [tilespmem:s9+$0x4450]  }
0x23f: {  	v34 =	vadd.bf16 v35, v34;
	v32 =	vadd.bf16 v52, v42;
	v35 =	vld [tilespmem:s9+$0x44D0]  }
0x240: {  	v58 =	vld [tilespmem:s9+$0x4550];
	v40 =	vadd.bf16 v45, v40;
	v57 =	vadd.bf16 v46, v48  }
0x241: {  	v33 =	vadd.bf16 v44, v33;
	v34 =	vadd.bf16 v34, v37;
	v60 =	vld [tilespmem:s9+$0x4650]  }
0x242: {  	v41 =	vld [tilespmem:s9+$0x46D0];
	v32 =	vadd.bf16 v32, v36;
	v59 =	vadd.bf16 v57, v40  }
0x243: {  	v62 =	vld [tilespmem:s9+$0x4750]  }
0x244: {  	v63 =	vld [tilespmem:s9+$0x47D0];
	v32 =	vadd.bf16 v32, v33;
	v61 =	vadd.bf16 v59, v34  }
0x245: {  	v53 =	vld [tilespmem:s9+$0x4850]  }
0x246: {  	v36 =	vld [tilespmem:s9+$0x45D0];
	v52 =	vmul.bf16 v54, v16;
	v32 =	vadd.bf16 v61, v32  }
0x247: {  	v57 =	vld [tilespmem:s9+$0x4950];
	v54 =	vmul.bf16 v55, v17;
	v43 =	vmul.bf16 v56, v18  }
0x248: {  	v55 =	vld [tilespmem:s9+$0x48D0];
	v47 =	vmul.bf16 v50, v22;
	v39 =	vmul.bf16 v51, v20;
	v56 =	vunpack.i.l.bf16.f32 v32  }
0x249: {  	v35 =	vmul.bf16 v35, v23;
	v42 =	vmul.bf16 v58, v19;
	v58 =	vld [tilespmem:s9+$0x49D0];
	v32 =	vunpack.i.u.bf16.f32 v32;
	[tilespmem:s10+$0x8A50] =	vst v56  }
0x24a: {  	v60 =	vmul.bf16 v60, v24;
	v41 =	vmul.bf16 v41, v25;
	[tilespmem:s10+$0x8E50] =	vst v32  }
0x24b: {  	v34 =	vmul.bf16 v62, v26;
	v37 =	vmul.bf16 v63, v27;
	v61 =	vld [tilespmem:s8+$0x4260]  }
0x24c: {  	v38 =	vmul.bf16 v53, v28;
	v59 =	vmul.bf16 v36, v21;
	v33 =	vadd.bf16 v54, v52;
	v62 =	vld [tilespmem:s8+$0x42E0]  }
0x24d: {  	v43 =	vadd.bf16 v47, v43;
	v35 =	vadd.bf16 v35, v39;
	v48 =	vmul.bf16 v57, v30;
	v63 =	vld [tilespmem:s8+$0x4360]  }
0x24e: {  	v36 =	vadd.bf16 v41, v60;
	v45 =	vmul.bf16 v55, v29;
	v46 =	vmul.bf16 v58, v31;
	v50 =	vld [tilespmem:s8+$0x43E0]  }
0x24f: {  	v34 =	vadd.bf16 v37, v34;
	v32 =	vadd.bf16 v59, v42;
	v51 =	vld [tilespmem:s8+$0x4460]  }
0x250: {  	v37 =	vld [tilespmem:s8+$0x44E0];
	v38 =	vadd.bf16 v45, v38;
	v53 =	vadd.bf16 v46, v48  }
0x251: {  	v33 =	vadd.bf16 v43, v33;
	v34 =	vadd.bf16 v34, v36;
	v54 =	vld [tilespmem:s8+$0x4560]  }
0x252: {  	v56 =	vld [tilespmem:s8+$0x4660];
	v32 =	vadd.bf16 v32, v35;
	v55 =	vadd.bf16 v53, v38  }
0x253: {  	v41 =	vld [tilespmem:s8+$0x46E0]  }
0x254: {  	v58 =	vld [tilespmem:s8+$0x4760];
	v32 =	vadd.bf16 v32, v33;
	v57 =	vadd.bf16 v55, v34  }
0x255: {  	v59 =	vld [tilespmem:s8+$0x47E0]  }
0x256: {  	v35 =	vld [tilespmem:s8+$0x45E0];
	v32 =	vadd.bf16 v57, v32  }
0x257: {  	v53 =	vld [tilespmem:s8+$0x4960];
	v60 =	vmul.bf16 v61, v0  }
0x258: {  	v61 =	vld [tilespmem:s8+$0x4860];
	v62 =	vmul.bf16 v62, v1;
	v44 =	vmul.bf16 v63, v2;
	v52 =	vunpack.i.l.bf16.f32 v32  }
0x259: {  	v63 =	vld [tilespmem:s8+$0x48E0];
	v47 =	vmul.bf16 v50, v3;
	v39 =	vmul.bf16 v51, v4;
	v32 =	vunpack.i.u.bf16.f32 v32;
	[tilespmem:s11+$0x8A50] =	vst v52  }
0x25a: {  	v37 =	vmul.bf16 v37, v5;
	v42 =	vmul.bf16 v54, v6;
	v54 =	vld [tilespmem:s8+$0x49E0];
	[tilespmem:s11+$0x8E50] =	vst v32  }
0x25b: {  	v56 =	vmul.bf16 v56, v8;
	v41 =	vmul.bf16 v41, v9;
	v57 =	vld [tilespmem:s9+$0x4260]  }
0x25c: {  	v34 =	vmul.bf16 v58, v10;
	v36 =	vmul.bf16 v59, v11;
	v58 =	vld [tilespmem:s9+$0x42E0]  }
0x25d: {  	v55 =	vmul.bf16 v35, v7;
	v33 =	vadd.bf16 v62, v60;
	v44 =	vadd.bf16 v47, v44;
	v59 =	vld [tilespmem:s9+$0x4360]  }
0x25e: {  	v37 =	vadd.bf16 v37, v39;
	v48 =	vmul.bf16 v53, v15;
	v40 =	vmul.bf16 v61, v12;
	v50 =	vld [tilespmem:s9+$0x43E0]  }
0x25f: {  	v35 =	vadd.bf16 v41, v56;
	v45 =	vmul.bf16 v63, v14;
	v46 =	vmul.bf16 v54, v13;
	v51 =	vld [tilespmem:s9+$0x4460]  }
0x260: {  	v34 =	vadd.bf16 v36, v34;
	v32 =	vadd.bf16 v55, v42;
	v36 =	vld [tilespmem:s9+$0x44E0]  }
0x261: {  	v61 =	vld [tilespmem:s9+$0x4560];
	v40 =	vadd.bf16 v45, v40;
	v60 =	vadd.bf16 v46, v48  }
0x262: {  	v33 =	vadd.bf16 v44, v33;
	v34 =	vadd.bf16 v34, v35;
	v63 =	vld [tilespmem:s9+$0x4660]  }
0x263: {  	v41 =	vld [tilespmem:s9+$0x46E0];
	v32 =	vadd.bf16 v32, v37;
	v62 =	vadd.bf16 v60, v40  }
0x264: {  	v53 =	vld [tilespmem:s9+$0x4760]  }
0x265: {  	v54 =	vld [tilespmem:s9+$0x47E0];
	v32 =	vadd.bf16 v32, v33;
	v52 =	vadd.bf16 v62, v34  }
0x266: {  	v56 =	vld [tilespmem:s9+$0x4860]  }
0x267: {  	v37 =	vld [tilespmem:s9+$0x45E0];
	v55 =	vmul.bf16 v57, v16;
	v32 =	vadd.bf16 v52, v32  }
0x268: {  	v60 =	vld [tilespmem:s9+$0x4960];
	v57 =	vmul.bf16 v58, v17;
	v43 =	vmul.bf16 v59, v18  }
0x269: {  	v58 =	vld [tilespmem:s9+$0x48E0];
	v47 =	vmul.bf16 v50, v22;
	v39 =	vmul.bf16 v51, v20;
	v59 =	vunpack.i.l.bf16.f32 v32  }
0x26a: {  	v36 =	vmul.bf16 v36, v23;
	v42 =	vmul.bf16 v61, v19;
	v61 =	vld [tilespmem:s9+$0x49E0];
	v32 =	vunpack.i.u.bf16.f32 v32;
	[tilespmem:s10+$0x8A60] =	vst v59  }
0x26b: {  	v63 =	vmul.bf16 v63, v24;
	v41 =	vmul.bf16 v41, v25;
	[tilespmem:s10+$0x8E60] =	vst v32  }
0x26c: {  	v34 =	vmul.bf16 v53, v26;
	v35 =	vmul.bf16 v54, v27;
	v40 =	vld [tilespmem:s8+$0x4270]  }
0x26d: {  	v38 =	vmul.bf16 v56, v28;
	v62 =	vmul.bf16 v37, v21;
	v33 =	vadd.bf16 v57, v55;
	v49 =	vld [tilespmem:s8+$0x42F0]  }
0x26e: {  	v43 =	vadd.bf16 v47, v43;
	v36 =	vadd.bf16 v36, v39;
	v48 =	vmul.bf16 v60, v30;
	v44 =	vld [tilespmem:s8+$0x4370]  }
0x26f: {  	v37 =	vadd.bf16 v41, v63;
	v45 =	vmul.bf16 v58, v29;
	v46 =	vmul.bf16 v61, v31;
	v52 =	vld [tilespmem:s8+$0x43F0]  }
0x270: {  	v34 =	vadd.bf16 v35, v34;
	v32 =	vadd.bf16 v62, v42;
	v39 =	vld [tilespmem:s8+$0x4470]  }
0x271: {  	v35 =	vld [tilespmem:s8+$0x44F0];
	v38 =	vadd.bf16 v45, v38;
	v53 =	vadd.bf16 v46, v48  }
0x272: {  	v33 =	vadd.bf16 v43, v33;
	v34 =	vadd.bf16 v34, v37;
	v42 =	vld [tilespmem:s8+$0x4570]  }
0x273: {  	v55 =	vld [tilespmem:s8+$0x46F0];
	v32 =	vadd.bf16 v32, v36;
	v54 =	vadd.bf16 v53, v38  }
0x274: {  	v57 =	vld [tilespmem:s8+$0x4770]  }
0x275: {  	v58 =	vld [tilespmem:s8+$0x47F0];
	v32 =	vadd.bf16 v32, v33;
	v56 =	vadd.bf16 v54, v34  }
0x276: {  	v59 =	vld [tilespmem:s8+$0x4870]  }
0x277: {  	v60 =	vld [tilespmem:s8+$0x48F0];
	v32 =	vadd.bf16 v56, v32  }
0x278: {  	v62 =	vld [tilespmem:s8+$0x4970]  }
0x279: {  	v63 =	vld [tilespmem:s8+$0x49F0];
	v61 =	vunpack.i.l.bf16.f32 v32  }
0x27a: {  	v36 =	vld [tilespmem:s8+$0x45F0];
	v32 =	vunpack.i.u.bf16.f32 v32;
	[tilespmem:s11+$0x8A60] =	vst v61  }
0x27b: {  	v38 =	vld [tilespmem:s8+$0x4670];
	[tilespmem:s11+$0x8E60] =	vst v32  }
0x27c: {  	v32 =	vld [tilespmem:s9+$0x4270]  }
0x27d: {  	v48 =	vld [tilespmem:s9+$0x42F0]  }
0x27e: {  	v0 =	vmul.bf16 v40, v0;
	v1 =	vmul.bf16 v49, v1;
	v51 =	vld [tilespmem:s9+$0x4370]  }
0x27f: {  	v2 =	vmul.bf16 v44, v2;
	v3 =	vmul.bf16 v52, v3;
	v52 =	vld [tilespmem:s9+$0x43F0]  }
0x280: {  	v4 =	vmul.bf16 v39, v4;
	v5 =	vmul.bf16 v35, v5;
	v53 =	vld [tilespmem:s9+$0x4470]  }
0x281: {  	v6 =	vmul.bf16 v42, v6;
	v9 =	vmul.bf16 v55, v9;
	v54 =	vld [tilespmem:s9+$0x44F0]  }
0x282: {  	v10 =	vmul.bf16 v57, v10;
	v11 =	vmul.bf16 v58, v11;
	v55 =	vld [tilespmem:s9+$0x4570]  }
0x283: {  	v12 =	vmul.bf16 v59, v12;
	v14 =	vmul.bf16 v60, v14;
	v56 =	vld [tilespmem:s9+$0x45F0]  }
0x284: {  	v15 =	vmul.bf16 v62, v15;
	v60 =	vmul.bf16 v63, v13;
	v0 =	vadd.bf16 v1, v0;
	v57 =	vld [tilespmem:s9+$0x4670]  }
0x285: {  	v7 =	vmul.bf16 v36, v7;
	v2 =	vadd.bf16 v3, v2;
	v58 =	vadd.bf16 v5, v4;
	v59 =	vld [tilespmem:s9+$0x46F0]  }
0x286: {  	v63 =	vadd.bf16 v11, v10;
	v33 =	vadd.bf16 v14, v12;
	v62 =	vld [tilespmem:s9+$0x4770]  }
0x287: {  	v5 =	vadd.bf16 v60, v15;
	v8 =	vmul.bf16 v38, v8;
	v6 =	vadd.bf16 v7, v6;
	v37 =	vld [tilespmem:s9+$0x47F0]  }
0x288: {  	v0 =	vadd.bf16 v2, v0;
	v42 =	vld [tilespmem:s9+$0x4870];
	v39 =	vmul.bf16 v32, v16;
	v41 =	vmul.bf16 v48, v17  }
0x289: {  	v5 =	vadd.bf16 v5, v33;
	v46 =	vld [tilespmem:s9+$0x48F0];
	v43 =	vmul.bf16 v51, v18;
	v45 =	vmul.bf16 v52, v22  }
0x28a: {  	v61 =	vadd.bf16 v9, v8;
	v49 =	vld [tilespmem:s9+$0x4970];
	v47 =	vmul.bf16 v53, v20;
	v48 =	vmul.bf16 v54, v23  }
0x28b: {  	v3 =	vadd.bf16 v6, v58;
	v50 =	vld [tilespmem:s9+$0x49F0];
	v51 =	vmul.bf16 v55, v19;
	v52 =	vmul.bf16 v56, v21  }
0x28c: {  	v7 =	vadd.bf16 v63, v61;
	v1 =	vmul.bf16 v57, v24;
	v4 =	vmul.bf16 v59, v25  }
0x28d: {  	v0 =	vadd.bf16 v3, v0;
	v53 =	vmul.bf16 v62, v26;
	v54 =	vmul.bf16 v37, v27  }
0x28e: {  	v5 =	vadd.bf16 v5, v7;
	v55 =	vmul.bf16 v42, v28;
	v56 =	vmul.bf16 v46, v29  }
0x28f: {  	v57 =	vmul.bf16 v49, v30;
	v12 =	vadd.bf16 v41, v39;
	v2 =	vadd.bf16 v45, v43  }
0x290: {  	v58 =	vmul.bf16 v50, v31;
	v6 =	vadd.bf16 v48, v47;
	v9 =	vadd.bf16 v52, v51  }
0x291: {  	v1 =	vadd.bf16 v4, v1;
	v3 =	vadd.bf16 v54, v53  }
0x292: {  	v59 =	vadd.bf16 v56, v55;
	v60 =	vadd.bf16 v58, v57  }
0x293: {  	v2 =	vadd.bf16 v2, v12;
	v6 =	vadd.bf16 v9, v6  }
0x294: {  	v1 =	vadd.bf16 v3, v1;
	v61 =	vadd.bf16 v60, v59  }
0x295: {  	v0 =	vadd.bf16 v5, v0  }
0x296: {  	v2 =	vadd.bf16 v6, v2;
	v1 =	vadd.bf16 v61, v1  }
0x297: {  	p0 =	slt.u32 s2, $0x6  }
.Ltmp6:
0x298: {  	v62 =	vunpack.i.l.bf16.f32 v0;
	v1 =	vadd.bf16 v1, v2;
	(pc) =	sbr.rel @p0 .LBB2_9-.Ltmp6, $4  }
0x299: {  	v0 =	vunpack.i.u.bf16.f32 v0;
	[tilespmem:s10+$0x8A70] =	vst v62  }
0x29a: {  	[tilespmem:s10+$0x8E70] =	vst v0;
	v63 =	vunpack.i.l.bf16.f32 v1  }
0x29b: {  	s13 =	sadd.s32 $0x2, s2;
	v1 =	vunpack.i.u.bf16.f32 v1;
	[tilespmem:s11+$0x8A70] =	vst v63  }
0x29c: {  	s2 =	smov.u32 s13;
	[tilespmem:s11+$0x8E70] =	vst v1  }
0x29d: {  	p0 =	seq.s32 s31, $0x5F  }
.Ltmp7:
0x29e: {  	s0 =	sadd.s32 s7, s0;
	(pc) =	sbr.rel @p0 .LBB2_12-.Ltmp7, $4  }
0x29f: {  	s2 =	sshll.u32 s0, $0x8  }
0x2a0: {  	s2 =	sand.u32 $0x1FFFFF00, s2  }
0x2a1: {  	s2 =	sadd.s32 s6, s2  }
0x2a2: {  	[hbm4b:s2+s3] =	stream.linear.scatter [tilespmem:s28], [sflag:$0x8], $0x800, $0x38;
	[tilespmem:$0x9200] =	vst v63  }
0x2a3: {  	s0 =	sshll.u32 s0, $0x4  }
.Ltmp8:
0x2a4: {  	s0 =	sadd.s32 $0x20, s0;
	(pc) =	sbr.rel .LBB2_2-.Ltmp8, $4  }
0x2a5: {  	s2 =	sadd.s32 s4, s0  }
0x2a6: {  	[tilespmem:s17], [sflag:$0x2] =	stream.linear.gather [hbm4b:s2+s3], $0x80, $0x38;
	[tilespmem:$0x9200] =	vst v63  }
0x2a7: {  	s31 =	sadd.s32 $0x1, s31;
	s0 =	sadd.s32 s5, s0  }
0x2a8: {  	[tilespmem:s18], [sflag:$0x4] =	stream.linear.gather [hbm4b:s0+s3], $0x80, $0x38;
	[tilespmem:$0x9200] =	vst v63  }
.LBB2_13:
0x2a9: {  	_ =	sfence.sel $0x180000  }
0x2aa: {  	[bflag:$0x0] =	sbarrier.arrive $0xFFFF  }
0x2ab: {  	_ =	strace $0x90000047  }
0x2ac: {  	s0 =	stileid.u32;
	[bflag:$0x2] =	sbarrier.arrive $0xFFFF  }
0x2ad: {  	p0 =	sne.s32 s0, $0x0;
	s0 =	rddreg [dreg:$0x2]  }
0x2ae: {  	s0 =	sadd.s32 @!p0 $0x100000, s0  }
0x2af: {  	[sflag:s0] =	ssyncadd.tile.s32 @!p0 $0x1;
	_ =	shalt  }
.Lfunc_end2:
_tile_overlayer_lowered:
.L_overlay_start_2:
0x2b0: {  	(tag) =	ssettag $0x2  }
0x2b1: {  	s0 =	rddreg [dreg:$0x0];
	s2 =	stileid.u32  }
0x2b2: {  	s1 =	rddreg [dreg:$0x1];
	p0 =	sne.s32 s2, $0x0  }
0x2b3: {  	s3 =	rddreg [dreg:$0x2];
	[bflag:$0x3] =	sbarrier.arrive $0xFFFF;
	s2 =	simm.s32 @!p0 $0x1C09  }
0x2b4: {  	[timem:s3], [sflag:s2] =	dma.local @!p0 [hbm:s0], s1  }
0x2b5: {  	s0 =	simm.s32 @!p0 $0x9  }
0x2b6: {  	_ =	swait.ge @!p0 [sflag:s0], s1  }
0x2b7: {  	s1 =	ssub.s32 @!p0 $0x0, s1;
	[sflag:s0] =	ssyncset.done @!p0 $0x0  }
0x2b8: {  	[sflag:s0] =	ssyncadd.s32 @!p0 s1  }
0x2b9: {  	[bflag:$0x3] =	sbarrier.arrive $0xFFFF  }
0x2ba: {  	_ =	shalt  }

// kernel: sparse-core-data-format-call.cloned.1.call-start
scs
called_computation_lowered:
.L_overlay_start_0:
0x0: {  	s2 =	sld [smem:$0x3FD9]  }
0x1: {  	s3 =	sld [smem:$0x3FFE];
	_ =	sdelay $0x1  }
0x2: {  	s1 =	srdreg.scid  }
0x3: {  	s0 =	sand.u32 $0x1, s1  }
0x4: {  	s18 =	sshll.u32 s0, $0xA;
	s2 =	sadd.s32 s3, s2  }
0x5: {  	s2 =	sadd.s32 s2, s18  }
0x6: {  	[smem:$0x3FC6] =	sst s2  }
0x7: {  	_ = 	snop  }
0x8: {  	s2 =	sld [smem:$0x3FD0];
	(tm) =	ssettm $0x1  }
0x9: {  	s19 =	sld [smem:$0x3FFB];
	_ =	sdelay $0x3  }
0xa: {  	_ =	strace s19  }
0xb: {  	s3 =	sld [smem:$0x3FFC];
	_ =	sdelay $0x3  }
0xc: {  	_ =	strace s3  }
0xd: {  	s3 =	sld [smem:$0x3FFD];
	_ =	sdelay $0x3  }
0xe: {  	_ =	strace s3  }
0xf: {  	_ =	strace $0x8FFFFFFF  }
0x10: {  	s20 =	sld [smem:$0x3FDB];
	_ =	sdelay $0x1  }
0x11: {  	s4 =	simm.s32 $_scs_section_size  }
0x12: {  	s5 =	simm.s32 $_size__tile_overlayer_lowered;
	s6 =	simm.s32 $_tile_overlayer_lowered  }
0x13: {  	s23 =	simm.s32 $0x1BFF;
	s22 =	sshll.u32 s6, $0x1;
	s3 =	sadd.s32 s4, s20  }
0x14: {  	s7 =	simm.s32 $0x0;
	s21 =	sshll.u32 s5, $0x1;
	s5 =	sadd.s32 s22, s3  }
0x15: {  	[timem:s7], [sflag:s23] =	dma.local [hbm:s5], s21  }
0x16: {  	_ =	swait.ge [sflag:s23], s21  }
0x17: {  	s4 =	ssub.s32 $0x0, s21;
	[sflag:s23] =	ssyncset.done $0x0  }
0x18: {  	[sflag:s23] =	ssyncadd.s32 s4;
	_ =	sdelay $0x1  }
0x19: {  	s24 =	simm.s32 $0x1B8B  }
0x1a: {  	_ =	swait.ge [sflag:s24], $0x1  }
0x1b: {  	[sflag:s24] =	ssyncset.done $0x0  }
0x1c: {  	s26 =	simm.s32 $0x1B8E;
	s25 =	sld [smem:$0x3FFE];
	[sflag:s24] =	ssyncadd.s32 $0xFFFFFFFF  }
0x1d: {  	s27 =	simm.s32 $execute0_lowered;
	[smem:$0x3FD2] =	sst s26  }
0x1e: {  	s5 =	sshll.u32 s27, $0x1;
	_ =	strace $0x80000049;
	[dreg:$0x1] =	wrdreg $0xFFFFFFFF  }
0x1f: {  	s28 =	simm.s32 $_size_execute0_lowered;
	s3 =	sadd.s32 s3, s5;
	[dreg:$0x0] =	wrdreg $0x0  }
0x20: {  	s5 =	sshll.u32 s28, $0x1;
	[dreg:$0x2] =	wrdreg s3  }
0x21: {  	[dreg:$0x3] =	wrdreg s5  }
0x22: {  	[dreg:$0x4] =	wrdreg $0xC0  }
0x23: {  	_ =	task [dreg:s7], $0x5FFFF  }
0x24: {  	[dreg:$0x1] =	wrdreg $0xFFFFFFFF  }
0x25: {  	[dreg:$0x0] =	wrdreg $0x60  }
0x26: {  	[dreg:$0x2] =	wrdreg s25  }
0x27: {  	[dreg:$0x3] =	wrdreg s2  }
0x28: {  	[dreg:$0x4] =	wrdreg $0x9  }
0x29: {  	_ =	task.clear_ibuf [dreg:s7], $0x5FFFF;
	_ =	strace $0x90000049  }
0x2a: {  	s29 =	simm.s32 $0x9;
	_ =	strace $0x8000004B  }
0x2b: {  	_ =	swait.ge [sflag:s29], $0x1  }
0x2c: {  	[sflag:s29] =	ssyncadd.s32 $0xFFFFFFFF  }
0x2d: {  	_ =	strace $0x9000004B  }
0x2e: {  	_ =	sfence  }
0x2f: {  	s30 =	sld [smem:$0x0];
	_ =	sdelay $0x2  }
0x30: {  	s31 =	sshll.u32 s1, $0xD;
	s1 =	sshrl.u32 s1, $0x2  }
0x31: {  	s3 =	sand.u32 $0x4000, s31;
	s1 =	sadd.s32 s1, s30  }
0x32: {  	s0 =	sor.u32 s3, s0;
	s1 =	sshll.u32 s1, $0x11  }
0x33: {  	s0 =	sor.u32 s1, s0  }
0x34: {  	s0 =	sadd.s32 $0x8F2B, s0  }
0x35: {  	[sflag:s0] =	ssyncadd.remote.s32 $0x1  }
0x36: {  	_ =	sfence.sel $0xFFFF  }
0x37: {  	[dreg:$0x0] =	wrdreg $0xFFFFFFFF;
	(pc) =	sbr.abs _section_cstart, $3  }
0x38: {  	[dreg:$0x1] =	wrdreg $0xFFFFFFFF  }
0x39: {  	_ =	task.clear_ibuf [dreg:s7], $0x2FFFF;
	_ =	strace $0x9FFFFFFF  }
0x3a: {  	(tm) =	ssettm $0x7FFFFFFF  }
0x3b: {  	_ =	shalt  }
tec
execute0_lowered:
.L_overlay_start_1:
0x0: {  	(tag) =	ssettag $0x1  }
0x1: {  	s0 =	srdreg.scid  }
0x2: {  	s1 =	rddreg [dreg:$0x0];
	s6 =	stileid.u32  }
0x3: {  	_ =	strace $0x8000004A;
	s7 =	simm.s32 $0x19;
	s31 =	simm.s32 $0x2  }
0x4: {  	s20 =	simm.s32 $0x0;
	s12 =	simm.s32 $0x800;
	s13 =	simm.s32 $0x0  }
0x5: {  	s19 =	simm.s32 $0x0;
	s21 =	simm.s32 $0x0;
	s0 =	sshll.u32 s0, $0x7  }
0x6: {  	s14 =	simm.s32 $0x0;
	s15 =	simm.s32 $0x0;
	s3 =	sand.u32 $0x80, s0  }
0x7: {  	s18 =	simm.s32 $0x0;
	s4 =	sshrl.u32 s6, $0x3;
	s0 =	ssub.s32 $0x100, s3  }
0x8: {  	s30 =	sshll.u32 s6, $0x7;
	p0 =	seq.s32 s4, $0x0;
	s2 =	sshrl.u32 s0, $0x7  }
.Ltmp0:
0x9: {  	s0 =	sshrl.u32 s0, $0x8;
	s2 =	sand.u32 $0x1, s2;
	(pc) =	sbr.rel .LBB1_1-.Ltmp0, $4  }
0xa: {  	s6 =	simm.s32 $0x1;
	s7 =	simm.s32 @!p0 $0x18;
	s0 =	sadd.s32 s0, s2  }
0xb: {  	s5 =	sadd.s32 $0xA00, s1;
	[sflag:s6] =	ssyncpa.u1 $0x0;
	s7 =	smul.u32 s7, s0  }
0xc: {  	s8 =	sand.u32 $0x380, s30;
	s16 =	smov.u32 s4;
	[sflag:s31] =	ssyncpa.u1 $0x0  }
0xd: {  	s9 =	sshll.u32 s3, $0x3;
	s17 =	smov.u32 s8;
	s10 =	sadd.s32 $0x1, s7  }
.LBB1_9:
0xe: {  	s0 =	sshll.u32 s15, $0x8  }
0xf: {  	s1 =	sshll.u32 s21, $0x3;
	s2 =	sshll.u32 s15, $0x7;
	s0 =	sand.u32 $0xFFFFF800, s0  }
0x10: {  	s24 =	sand.u32 $0x300, s2;
	s0 =	sor.u32 s0, s1  }
0x11: {  	p0 =	sgt.s32 s14, $0x30;
	s0 =	sor.u32 s24, s0  }
0x12: {  	s26 =	smul.u32 $0x7D00, s14;
	s1 =	smov.u32 s14;
	s0 =	sshrl.u32 s0, $0x8  }
0x13: {  	s1 =	simm.s32 @!p0 $0x30;
	s25 =	smulhi.u32 $0x83126F, s0  }
0x14: {  	s27 =	sshll.u32 s15, $0x4;
	s28 =	sshll.u32 s18, $0xE;
	s1 =	sadd.s32 s22, s1  }
0x15: {  	s29 =	rddreg [dreg:$0x1];
	s11 =	sadd.s32 $0xFFFFFFD0, s1;
	s2 =	sshrl.u32 s25, $0x1  }
0x16: {  	s1 =	ssub.s32 $0x31, s1;
	p0 =	sgt.s32 s11, $0x0;
	s2 =	smul.u32 $0x3E8, s2  }
0x17: {  	s31 =	simm.s32 $0x400;
	s11 =	sadd.s32 s29, s26;
	s1 =	simm.s32 @p0 $0x0  }
0x18: {  	s1 =	smul.u32 s1, s23;
	s0 =	ssub.s32 s0, s2;
	s2 =	sand.u32 $0x10, s27  }
0x19: {  	s21 =	sand.u32 $0x4000, s28;
	s0 =	sshll.u32 s0, $0x5;
	s2 =	sadd.s32 s2, s11  }
0x1a: {  	s30 =	sor.u32 $0x8000, s21;
	s1 =	sand.u32 $0x3FFFFF80, s1;
	s0 =	sadd.s32 s0, s2  }
0x1b: {  	[hbm4b:s0+s31] =	stream.strided.scatter [tilespmem:s30], [sflag:$0x2], s1, s12, s31, $0x38;
	[tilespmem:$0x10000] =	vst v63  }
.LBB1_10:
0x1c: {  	p0 =	slt.u32 s18, $0x2  }
0x1d: {  	p1 =	sgt.s32 @!p0 s20, $0x30  }
0x1e: {  	s0 =	smov.u32 s20;
	s2 =	smov.u32 s19;
	p1 =	por !p1, p0  }
0x1f: {  	s1 =	sshra.s32 @!p0 s20, $0x1F;
	s0 =	simm.s32 @p1 $0x30;
	p1 =	sgt.s32 @!p0 s19, $0x368  }
0x20: {  	s11 =	sshra.s32 @!p0 s19, $0x1F;
	s1 =	sand.u32 @!p0 s1, s20;
	p1 =	por !p1, p0  }
0x21: {  	s0 =	ssub.s32 @!p0 s0, s1;
	s1 =	sand.u32 @!p0 s11, s19;
	s2 =	simm.s32 @p1 $0x368  }
0x22: {  	s1 =	ssub.s32 @!p0 s2, s1  }
0x23: {  	s11 =	sadd.s32 @!p0 $0xFFFFFFD0, s0;
	s0 =	ssub.s32 @!p0 $0x31, s0;
	s1 =	sadd.s32 @!p0 $0xFFFFFC98, s1  }
0x24: {  	p1 =	sgt.s32 @!p0 s11, $0x0;
	p2 =	sgt.s32 @!p0 s1, $0x7F;
	s1 =	sshll.u32 @!p0 s1, $0x7  }
0x25: {  	p1 =	por !p1, p0;
	s1 =	ssub.s32 @!p0 $0x4000, s1;
	p2 =	por !p2, p0  }
0x26: {  	s0 =	simm.s32 @!p1 $0x0;
	s1 =	simm.s32 @!p2 $0x0  }
0x27: {  	s0 =	smul.u32 @!p0 s0, s1;
	s1 =	sadd.s32 $0x2, s16  }
0x28: {  	s22 =	smov.u32 s17;
	s11 =	sadd.s32 $0x400, s17;
	p1 =	sgt.s32 s1, $0x30  }
0x29: {  	s22 =	smov.u32 @p1 s11  }
0x2a: {  	s1 =	smov.u32 @p1 s4;
	p1 =	sgt.s32 s22, $0x3E7  }
0x2b: {  	s13 =	sadd.s32 $0x4000, s13;
	s22 =	smov.u32 @p1 s8;
	p1 =	sne.s32 s18, s10  }
.Ltmp1:
0x2c: {  	s21 =	smov.u32 s3;
	s20 =	smov.u32 s14;
	(pc) =	sbr.rel @!p1 .LBB1_11-.Ltmp1, $4  }
0x2d: {  	s14 =	smov.u32 s16;
	s2 =	simm.s32 @!p0 $0x2;
	s0 =	sand.u32 @!p0 $0x3FFFFF80, s0  }
0x2e: {  	s19 =	smov.u32 s15;
	s15 =	smov.u32 s17;
	_ =	swait.ge @!p0 [sflag:s2], s0  }
0x2f: {  	s0 =	ssub.s32 @!p0 $0x0, s0;
	s16 =	smov.u32 s1;
	[sflag:s2] =	ssyncset.done @!p0 $0x0  }
0x30: {  	s18 =	sadd.s32 $0x1, s18;
	[sflag:s2] =	ssyncadd.s32 @!p0 s0;
	s17 =	smov.u32 s22  }
.LBB1_1:
0x31: {  	p0 =	sge.u32 s18, s7;
	s11 =	smov.u32 s17;
	s31 =	sadd.s32 $0xFFFFFFFF, s18  }
0x32: {  	s0 =	sshll.u32 @!p0 s16, $0x8;
	s1 =	sshll.u32 @!p0 s16, $0x7;
	p1 =	sgt.s32 @!p0 s17, $0x368  }
0x33: {  	p2 =	sgt.s32 @!p0 s16, $0x37;
	s2 =	sshra.s32 @!p0 s16, $0x1F;
	s22 =	sshra.s32 @!p0 s17, $0x1F  }
0x34: {  	s0 =	sand.u32 @!p0 $0xFFFFF800, s0;
	s1 =	sand.u32 @!p0 $0x300, s1;
	p1 =	por !p1, p0  }
0x35: {  	p2 =	por !p2, p0;
	s22 =	sand.u32 @!p0 s22, s17;
	s0 =	sor.u32 @!p0 s9, s0  }
0x36: {  	s11 =	simm.s32 @p1 $0x368;
	s0 =	sor.u32 @!p0 s1, s0;
	s1 =	smov.u32 s16  }
0x37: {  	s2 =	sand.u32 @!p0 s2, s16;
	s11 =	ssub.s32 @!p0 s11, s22;
	s1 =	simm.s32 @p2 $0x37  }
0x38: {  	s0 =	sshrl.u32 @!p0 s0, $0x8;
	s11 =	sadd.s32 @!p0 $0xFFFFFC98, s11;
	s1 =	ssub.s32 @!p0 s1, s2  }
0x39: {  	s2 =	smulhi.u32 @!p0 $0x4924925, s0;
	p2 =	sgt.s32 @!p0 s11, $0x7F;
	s22 =	sadd.s32 @!p0 $0xFFFFFFC9, s1  }
0x3a: {  	s11 =	sshll.u32 @!p0 s11, $0x7;
	s1 =	ssub.s32 @!p0 $0x38, s1;
	p1 =	sgt.s32 @!p0 s22, $0x0  }
0x3b: {  	s11 =	ssub.s32 @!p0 $0x4000, s11;
	s2 =	smul.u32 @!p0 $0x38, s2;
	p1 =	por !p1, p0  }
0x3c: {  	s22 =	sxor.u32 @!p0 $0xFFFFFFFF, s18;
	s1 =	simm.s32 @!p1 $0x0;
	p1 =	por !p2, p0  }
0x3d: {  	s0 =	ssub.s32 @!p0 s0, s2;
	s2 =	smul.u32 @!p0 $0x700, s17;
	s11 =	simm.s32 @!p1 $0x0  }
0x3e: {  	s22 =	sshll.u32 @!p0 s22, $0xE;
	s1 =	smul.u32 @!p0 s1, s11;
	s11 =	sshll.u32 @!p0 s16, $0x4  }
0x3f: {  	s22 =	sand.u32 @!p0 $0x4000, s22;
	s2 =	sadd.s32 @!p0 s5, s2;
	s11 =	sand.u32 @!p0 $0x10, s11  }
0x40: {  	s0 =	sshll.u32 @!p0 s0, $0x5;
	s1 =	sand.u32 @!p0 $0x3FFFFF80, s1;
	s2 =	sadd.s32 @!p0 s11, s2  }
0x41: {  	s11 =	simm.s32 @!p0 $0x3800;
	s0 =	sadd.s32 @!p0 s0, s2;
	s2 =	simm.s32 @!p0 $0x80  }
0x42: {  	[tilespmem:s22], [sflag:$0x1] =	stream.strided.gather @!p0 [hbm4b:s0+s2], s1, s11, s2, $0x38;
	[tilespmem:$0x10000] =	vst v63  }
0x43: {  	p0 =	sge.u32 s31, s7  }
.Ltmp2:
0x44: {  	_ = 	snop;
	(pc) =	sbr.rel @p0 .LBB1_10-.Ltmp2, $1  }
0x45: {  	_ =	sdelay $0x3  }
0x46: {  	p0 =	sgt.s32 s15, $0x368;
	s0 =	smov.u32 s15;
	s1 =	sshra.s32 s15, $0x1F  }
0x47: {  	s2 =	ssub.s32 $0x0, s14;
	s0 =	simm.s32 @!p0 $0x368;
	s1 =	sand.u32 s1, s15  }
0x48: {  	s11 =	sshra.s32 s14, $0x1F;
	s23 =	smov.u32 s14;
	s0 =	ssub.s32 s0, s1  }
0x49: {  	p0 =	sgt.s32 s14, $0x37;
	s22 =	sand.u32 s2, s11;
	s0 =	sadd.s32 $0xFFFFFC98, s0  }
0x4a: {  	s23 =	simm.s32 @!p0 $0x37;
	p0 =	sgt.s32 s0, $0x7F;
	s0 =	sshll.u32 s0, $0x7  }
0x4b: {  	s29 =	sadd.s32 s22, s23;
	s23 =	ssub.s32 $0x4000, s0;
	s0 =	sadd.s32 $0x80, s15  }
0x4c: {  	s2 =	sadd.s32 $0x1, s14;
	s23 =	simm.s32 @p0 $0x0;
	p0 =	slt.s32 s0, $0x3E8  }
0x4d: {  	s30 =	sadd.s32 $0xFFFFFFC9, s29;
	s0 =	simm.s32 @!p0 $0x3E8;
	p0 =	slt.s32 s2, $0x31  }
0x4e: {  	s1 =	ssub.s32 $0x38, s29;
	s24 =	ssub.s32 s0, s15;
	s2 =	simm.s32 @!p0 $0x31  }
0x4f: {  	p1 =	sgt.s32 s30, $0x0;
	s25 =	ssub.s32 s2, s14;
	p0 =	slt.s32 s24, $0x1  }
0x50: {  	s1 =	simm.s32 @p1 $0x0;
	p1 =	slt.s32 @!p0 s25, $0x1  }
0x51: {  	s1 =	smul.u32 s1, s23;
	p0 =	por p0, p1  }
.Ltmp3:
0x52: {  	_ = 	snop;
	(pc) =	sbr.rel @p0 .LBB1_9-.Ltmp3, $4  }
0x53: {  	s31 =	sand.u32 $0x3FFFFF80, s1  }
0x54: {  	_ =	swait.ge [sflag:s6], s31  }
0x55: {  	s0 =	ssub.s32 $0x0, s31;
	[sflag:s6] =	ssyncset.done $0x0  }
0x56: {  	[sflag:s6] =	ssyncadd.s32 s0  }
0x57: {  	s0 =	sshll.u32 s13, $0x2  }
0x58: {  	s0 =	sand.u32 $0x10000, s0  }
0x59: {  	s26 =	sshrl.u32 s0, $0x2  }
0x5a: {  	s28 =	simm.s32 $0x0;
	s29 =	simm.s32 $0x0;
	s27 =	sor.u32 $0x8000, s26  }
.LBB1_4:
0x5b: {  	s0 =	sand.u32 $0x3F80, s28  }
0x5c: {  	s31 =	simm.s32 $0x0;
	s11 =	sadd.s32 s0, s27;
	s0 =	simm.s32 $0x0  }
.LBB1_5:
0x5d: {  	s1 =	sand.u32 $0x7, s31  }
0x5e: {  	s1 =	sadd.s32 s1, s29  }
0x5f: {  	s1 =	sshll.u32 s1, $0x9  }
0x60: {  	s1 =	sshra.s32 s1, $0x2  }
0x61: {  	s2 =	simm.s32 $0xFFFFFFF0;
	s30 =	smov.u32 s11;
	s1 =	sadd.s32 s1, s26  }
.LBB1_6:
0x62: {  	s2 =	sadd.s32 $0x10, s2  }
0x63: {  	v0 =	vld [tilespmem:s1+$0x0];
	p0 =	slt.u32 s2, $0x70  }
.Ltmp4:
0x64: {  	_ = 	snop;
	(pc) =	sbr.rel @p0 .LBB1_6-.Ltmp4, $2  }
0x65: {  	_ =	sdelay $0x2  }
0x66: {  	s1 =	sadd.s32 $0x10, s1;
	[tilespmem:s30+$0x0] =	vst v0;
	s30 =	sadd.s32 $0x10, s30  }
0x67: {  	s0 =	sadd.s32 $0x1, s0  }
0x68: {  	p0 =	sne.s32 s0, s25  }
.Ltmp5:
0x69: {  	_ = 	snop;
	(pc) =	sbr.rel @p0 .LBB1_5-.Ltmp5, $2  }
0x6a: {  	_ =	sdelay $0x2  }
0x6b: {  	s11 =	sadd.s32 $0x4000, s11;
	s31 =	sadd.s32 $0x1, s31  }
0x6c: {  	s29 =	sadd.s32 $0x1, s29  }
0x6d: {  	p0 =	sne.s32 s29, s24  }
.Ltmp6:
0x6e: {  	_ = 	snop;
	(pc) =	sbr.rel @p0 .LBB1_4-.Ltmp6, $4  }
.Ltmp7:
0x6f: {  	_ = 	snop;
	(pc) =	sbr.rel @!p0 .LBB1_9-.Ltmp7, $4  }
0x70: {  	_ = 	snop  }
0x71: {  	_ = 	snop  }
0x72: {  	s28 =	sadd.s32 $0x80, s28  }
0x73: {  	_ = 	snop  }
.LBB1_11:
0x74: {  	_ =	sfence.sel $0x180000  }
0x75: {  	s0 =	simm.s32 $0x1;
	[bflag:$0x0] =	sbarrier.arrive $0xFFFF  }
0x76: {  	s30 =	simm.s32 $0x2;
	[sflag:s0] =	ssyncpa.u1 $0x1  }
0x77: {  	[sflag:s30] =	ssyncpa.u1 $0x1  }
0x78: {  	_ =	strace $0x9000004A  }
0x79: {  	s31 =	stileid.u32;
	[bflag:$0x2] =	sbarrier.arrive $0xFFFF  }
0x7a: {  	p0 =	sne.s32 s31, $0x0;
	s0 =	rddreg [dreg:$0x2]  }
0x7b: {  	s0 =	sadd.s32 @!p0 $0x100000, s0  }
0x7c: {  	[sflag:s0] =	ssyncadd.tile.s32 @!p0 $0x1;
	_ =	shalt  }
.Lfunc_end1:
_tile_overlayer_lowered:
.L_overlay_start_2:
0x7d: {  	(tag) =	ssettag $0x2  }
0x7e: {  	s0 =	rddreg [dreg:$0x0];
	s2 =	stileid.u32  }
0x7f: {  	s1 =	rddreg [dreg:$0x1];
	p0 =	sne.s32 s2, $0x0  }
0x80: {  	s3 =	rddreg [dreg:$0x2];
	[bflag:$0x3] =	sbarrier.arrive $0xFFFF;
	s2 =	simm.s32 @!p0 $0x1C01  }
0x81: {  	[timem:s3], [sflag:s2] =	dma.local @!p0 [hbm:s0], s1  }
0x82: {  	s0 =	simm.s32 @!p0 $0x1  }
0x83: {  	_ =	swait.ge @!p0 [sflag:s0], s1  }
0x84: {  	s1 =	ssub.s32 @!p0 $0x0, s1;
	[sflag:s0] =	ssyncset.done @!p0 $0x0  }
0x85: {  	[sflag:s0] =	ssyncadd.s32 @!p0 s1  }
0x86: {  	[bflag:$0x3] =	sbarrier.arrive $0xFFFF  }
0x87: {  	_ =	shalt  }

</sc_bundles>
